<compile_context>
chip_gen: v7x
topology: tpu7x:2x2x1
jax: 0.10.2.dev20260603
libtpu: 0.0.44.dev20260713+nightly
codegen_flags: <defaults>
</compile_context>

<pallas_src>
import jax
import jax.numpy as jnp
from jax import lax
from jax.experimental import pallas as pl
from jax.experimental.pallas import tpu as pltpu
from jax.experimental.pallas import tpu_sc as plsc

N_CLASSES = 1000
N_REGIMES = 50
N_EXCIPIENTS = 200
B = 16384

NC = 2
NS = 16
L = 16
NW = NC * NS
BPW = B // NW

_LOG1P_COEFFS = (
    3.5960209743279847e-07, 0.9999747275494544, -0.49955556043099913,
    0.32988771549753426, -0.23519411941265345, 0.1599719210060835,
    -0.09237501315110101, 0.040762090744950866, -0.012419734085963167,
    0.002283966446104766, -0.000189158643389574)


def _log1p(x):
    acc = jnp.full((L,), _LOG1P_COEFFS[-1], jnp.float32)
    for c in _LOG1P_COEFFS[-2::-1]:
        acc = acc * x + c
    return acc


def _body(p_hbm, r_hbm, e_hbm, conc_hbm, sd_hbm, thr_hbm, ww_hbm,
          res_hbm, gate_hbm, ct_hbm,
          p_v, r_v, e_v, conc_v, thr_v, idx_v,
          sd_v, ww_v, res_v, gate_v, ct_v, sem):
    wid = lax.axis_index("s") * NC + lax.axis_index("c")
    base = wid * BPW

    pltpu.sync_copy(p_hbm.at[pl.ds(base, BPW)], p_v)
    pltpu.sync_copy(r_hbm.at[pl.ds(base, BPW)], r_v)
    pltpu.sync_copy(e_hbm.at[pl.ds(base, BPW)], e_v)
    pltpu.sync_copy(conc_hbm.at[pl.ds(base, BPW)], conc_v)
    pltpu.sync_copy(thr_hbm, thr_v)

    for i in range(BPW // L):
        sl = pl.ds(i * L, L)
        idx_v[sl] = (p_v[sl] * (N_REGIMES * N_EXCIPIENTS)
                     + r_v[sl] * N_EXCIPIENTS + e_v[sl])

    h1 = pltpu.async_copy(sd_hbm.at[idx_v], sd_v, sem)
    h2 = pltpu.async_copy(ww_hbm.at[idx_v], ww_v, sem)
    h1.wait()
    h2.wait()

    for i in range(BPW // L):
        sl = pl.ds(i * L, L)
        thr = plsc.load_gather(thr_v, [e_v[sl]])
        cr = conc_v[sl] / (thr + 1e-6)
        gate = 1.0 / (1.0 + jnp.exp(-10.0 * (cr - 1.0)))
        tanh_cr = 1.0 - 2.0 / (jnp.exp(2.0 * cr) + 1.0)
        lg = _log1p(cr)
        w = lax.bitcast_convert_type(ww_v[sl], jnp.int32)
        w_b = lax.bitcast_convert_type(
            lax.bitwise_and(w, jnp.int32(-65536)), jnp.float32)
        w_a = lax.bitcast_convert_type(
            lax.shift_left(w, jnp.int32(16)), jnp.float32)
        ct = (1.0 - gate) * (tanh_cr * w_b) + gate * (lg * w_a)
        res_v[sl] = sd_v[sl] * ct
        gate_v[sl] = gate
        ct_v[sl] = ct

    pltpu.sync_copy(res_v, res_hbm.at[pl.ds(base, BPW)])
    pltpu.sync_copy(gate_v, gate_hbm.at[pl.ds(base, BPW)])
    pltpu.sync_copy(ct_v, ct_hbm.at[pl.ds(base, BPW)])


@jax.jit
def _run(p_idx, r_idx, e_idx, conc, sd, thr, ww):
    f32 = jnp.float32
    k = pl.kernel(
        _body,
        mesh=plsc.VectorSubcoreMesh(core_axis_name="c", subcore_axis_name="s"),
        out_type=[jax.ShapeDtypeStruct((B,), f32)] * 3,
        scratch_types=(
            [pltpu.VMEM((BPW,), jnp.int32)] * 3
            + [pltpu.VMEM((BPW,), f32)]
            + [pltpu.VMEM((N_EXCIPIENTS,), f32)]
            + [pltpu.VMEM((BPW,), jnp.int32)]
            + [pltpu.VMEM((BPW,), f32)]
            + [pltpu.VMEM((BPW,), f32)]
            + [pltpu.VMEM((BPW,), f32)] * 3
            + [pltpu.SemaphoreType.DMA]
        ),
        compiler_params=pltpu.CompilerParams(needs_layout_passes=False),
    )
    return k(p_idx, r_idx, e_idx, conc, sd, thr, ww)


def kernel(p_idx, r_idx, e_idx, raw_concentration, static_scores, delta,
           thresholds, w_below, w_above):
    i32 = jnp.int32
    one = thresholds[0] * 0.0 + 1.0
    sd = ((static_scores + jnp.clip(delta, -2.0, 2.0)) * one).reshape(-1)
    wb16 = lax.bitcast_convert_type(
        (w_below * one).astype(jnp.bfloat16), jnp.uint16).astype(jnp.uint32)
    wa16 = lax.bitcast_convert_type(
        (w_above * one).astype(jnp.bfloat16), jnp.uint16).astype(jnp.uint32)
    ww = lax.bitcast_convert_type(
        lax.bitwise_or(lax.shift_left(wb16, jnp.uint32(16)), wa16),
        jnp.float32).reshape(-1)
    res, gate, ct = _run(
        p_idx.astype(i32), r_idx.astype(i32), e_idx.astype(i32),
        raw_concentration.reshape(-1).astype(jnp.float32),
        sd, thresholds, ww)
    return (res[:, None], gate[:, None], ct[:, None])

# --- scband reference (transcript-rebuilt; emitter-appended) ---
"""Pipeline reference for scband-learnable-soft-threshold-prior-79929341378788 (READ-ONLY COPY).

The authoritative reference and input builder live on the scoring server;
editing this copy changes nothing except your own understanding.
"""

import jax, jax.numpy as jnp
import numpy as np

N_CLASSES = 1000
N_REGIMES = 50
N_EXCIPIENTS = 200
B = 16384


def setup_inputs(seed: int = 0) -> dict:
    key = jax.random.key(seed)
    ks = jax.random.split(key, 9)
    p_idx = jax.random.randint(ks[0], (B,), 0, N_CLASSES, dtype=jnp.int64 if jax.config.jax_enable_x64 else jnp.int32)
    r_idx = jax.random.randint(ks[1], (B,), 0, N_REGIMES)
    e_idx = jax.random.randint(ks[2], (B,), 0, N_EXCIPIENTS)
    raw_concentration = jax.random.uniform(ks[3], (B, 1), dtype=jnp.float32) * 2.0
    # learned parameters / buffers sized per init_kwargs
    static_scores = jax.random.normal(ks[4], (N_CLASSES, N_REGIMES, N_EXCIPIENTS), dtype=jnp.float32) * 0.1
    delta = jax.random.normal(ks[5], (N_CLASSES, N_REGIMES, N_EXCIPIENTS), dtype=jnp.float32) * 0.1
    thresholds = 1.0 + jax.random.uniform(ks[6], (N_EXCIPIENTS,), dtype=jnp.float32) * 0.5
    w_below = 0.1 + jax.random.normal(ks[7], (N_CLASSES, N_REGIMES, N_EXCIPIENTS), dtype=jnp.float32) * 0.01
    w_above = 0.5 + jax.random.normal(ks[8], (N_CLASSES, N_REGIMES, N_EXCIPIENTS), dtype=jnp.float32) * 0.01
    return {
        'p_idx': p_idx, 'r_idx': r_idx, 'e_idx': e_idx,
        'raw_concentration': raw_concentration,
        'static_scores': static_scores, 'delta': delta,
        'thresholds': thresholds, 'w_below': w_below, 'w_above': w_above,
    }


def reference(p_idx, r_idx, e_idx, raw_concentration, static_scores, delta, thresholds, w_below, w_above):
    base_score = static_scores[p_idx, r_idx, e_idx][:, None]
    d = jnp.clip(delta[p_idx, r_idx, e_idx], -2.0, 2.0)[:, None]
    thresh = thresholds[e_idx][:, None]
    w_b = w_below[p_idx, r_idx, e_idx][:, None]
    w_a = w_above[p_idx, r_idx, e_idx][:, None]
    conc_ratio = raw_concentration / (thresh + 1e-06)
    gate = jax.nn.sigmoid(10.0 * (conc_ratio - 1.0))
    effect_below = jnp.tanh(conc_ratio) * w_b
    effect_above = jnp.log1p(conc_ratio) * w_a
    conc_term = (1.0 - gate) * effect_below + gate * effect_above
    result = (base_score + d) * conc_term
    return (result, gate, conc_term)

if __name__ == "__main__":
    import jax
    _d = setup_inputs()
    print(jax.jit(kernel)(*tuple(_d.values())))

</pallas_src>

<mosaic_0001>
#map = affine_map<(d0, d1) -> (0)>
module attributes {stable_mosaic.version = 14 : i64} {
  func.func @_body(%arg0: i32, %arg1: i32, %arg2: memref<16384xi32, #tpu.memory_space<hbm>>, %arg3: memref<16384xi32, #tpu.memory_space<hbm>>, %arg4: memref<16384xi32, #tpu.memory_space<hbm>>, %arg5: memref<16384xf32, #tpu.memory_space<hbm>>, %arg6: memref<10000000xf32, #tpu.memory_space<hbm>>, %arg7: memref<200xf32, #tpu.memory_space<hbm>>, %arg8: memref<10000000xf32, #tpu.memory_space<hbm>>, %arg9: memref<16384xf32, #tpu.memory_space<hbm>>, %arg10: memref<16384xf32, #tpu.memory_space<hbm>>, %arg11: memref<16384xf32, #tpu.memory_space<hbm>>, %arg12: memref<512xi32, #tpu.memory_space<vmem>>, %arg13: memref<512xi32, #tpu.memory_space<vmem>>, %arg14: memref<512xi32, #tpu.memory_space<vmem>>, %arg15: memref<512xf32, #tpu.memory_space<vmem>>, %arg16: memref<200xf32, #tpu.memory_space<vmem>>, %arg17: memref<512xi32, #tpu.memory_space<vmem>>, %arg18: memref<512xf32, #tpu.memory_space<vmem>>, %arg19: memref<512xf32, #tpu.memory_space<vmem>>, %arg20: memref<512xf32, #tpu.memory_space<vmem>>, %arg21: memref<512xf32, #tpu.memory_space<vmem>>, %arg22: memref<512xf32, #tpu.memory_space<vmem>>, %arg23: memref<!tpu.dma_semaphore, #tpu.memory_space<semaphore_mem>>) attributes {dimension_semantics = [#tpu.dimension_semantics<core_parallel>, #tpu.dimension_semantics<subcore_parallel>], iteration_bounds = array<i64: 2, 16>, scalar_prefetch = 0 : i64, scratch_operands = 12 : i64, tpu.core_type = #tpu.core_type<sc_vector_subcore>, window_params = [{transform_indices = #map}, {transform_indices = #map}, {transform_indices = #map}, {transform_indices = #map}, {transform_indices = #map}, {transform_indices = #map}, {transform_indices = #map}, {transform_indices = #map}, {transform_indices = #map}, {transform_indices = #map}]} {
    %mul3A = arith.constant 2 : i32
    %mul3A_0 = arith.muli %arg1, %mul3A : i32
    %add3A = arith.addi %mul3A_0, %arg0 : i32
    %mul3A_1 = arith.constant 512 : i32
    %mul3A_2 = arith.muli %add3A, %mul3A_1 : i32
    "tpu.region"() ({
      %run_scoped3A = tpu.sem_alloc : memref<!tpu.dma_semaphore, #tpu.memory_space<semaphore_mem>>
      %dma_start3A_3871 = tpu.memref_slice %arg2[%mul3A_2] : memref<16384xi32, #tpu.memory_space<hbm>> -> memref<512xi32, #tpu.memory_space<hbm>>
      %dma_start3A_3872 = tpu.memref_slice %arg2[%mul3A_2] : memref<16384xi32, #tpu.memory_space<hbm>> -> memref<512xi32, #tpu.memory_space<hbm>>
      tpu.enqueue_dma source(%dma_start3A_3872 : memref<512xi32, #tpu.memory_space<hbm>>) target(%arg12 : memref<512xi32, #tpu.memory_space<vmem>>) target_semaphore(%run_scoped3A : memref<!tpu.dma_semaphore, #tpu.memory_space<semaphore_mem>>)
      %dma_wait3A_3873 = tpu.memref_slice %arg2[%mul3A_2] : memref<16384xi32, #tpu.memory_space<hbm>> -> memref<512xi32, #tpu.memory_space<hbm>>
      %dma_wait3A_3874 = tpu.memref_slice %arg2[%mul3A_2] : memref<16384xi32, #tpu.memory_space<hbm>> -> memref<512xi32, #tpu.memory_space<hbm>>
      tpu.wait_dma2 semaphore(%run_scoped3A : memref<!tpu.dma_semaphore, #tpu.memory_space<semaphore_mem>>) src(%dma_wait3A_3874 : memref<512xi32, #tpu.memory_space<hbm>>) dst(%arg12 : memref<512xi32, #tpu.memory_space<vmem>>)
      tpu.yield
    }) : () -> ()
    "tpu.region"() ({
      %run_scoped3A = tpu.sem_alloc : memref<!tpu.dma_semaphore, #tpu.memory_space<semaphore_mem>>
      %dma_start3A_3871 = tpu.memref_slice %arg3[%mul3A_2] : memref<16384xi32, #tpu.memory_space<hbm>> -> memref<512xi32, #tpu.memory_space<hbm>>
      %dma_start3A_3872 = tpu.memref_slice %arg3[%mul3A_2] : memref<16384xi32, #tpu.memory_space<hbm>> -> memref<512xi32, #tpu.memory_space<hbm>>
      tpu.enqueue_dma source(%dma_start3A_3872 : memref<512xi32, #tpu.memory_space<hbm>>) target(%arg13 : memref<512xi32, #tpu.memory_space<vmem>>) target_semaphore(%run_scoped3A : memref<!tpu.dma_semaphore, #tpu.memory_space<semaphore_mem>>)
      %dma_wait3A_3873 = tpu.memref_slice %arg3[%mul3A_2] : memref<16384xi32, #tpu.memory_space<hbm>> -> memref<512xi32, #tpu.memory_space<hbm>>
      %dma_wait3A_3874 = tpu.memref_slice %arg3[%mul3A_2] : memref<16384xi32, #tpu.memory_space<hbm>> -> memref<512xi32, #tpu.memory_space<hbm>>
      tpu.wait_dma2 semaphore(%run_scoped3A : memref<!tpu.dma_semaphore, #tpu.memory_space<semaphore_mem>>) src(%dma_wait3A_3874 : memref<512xi32, #tpu.memory_space<hbm>>) dst(%arg13 : memref<512xi32, #tpu.memory_space<vmem>>)
      tpu.yield
    }) : () -> ()
    "tpu.region"() ({
      %run_scoped3A = tpu.sem_alloc : memref<!tpu.dma_semaphore, #tpu.memory_space<semaphore_mem>>
      %dma_start3A_3871 = tpu.memref_slice %arg4[%mul3A_2] : memref<16384xi32, #tpu.memory_space<hbm>> -> memref<512xi32, #tpu.memory_space<hbm>>
      %dma_start3A_3872 = tpu.memref_slice %arg4[%mul3A_2] : memref<16384xi32, #tpu.memory_space<hbm>> -> memref<512xi32, #tpu.memory_space<hbm>>
      tpu.enqueue_dma source(%dma_start3A_3872 : memref<512xi32, #tpu.memory_space<hbm>>) target(%arg14 : memref<512xi32, #tpu.memory_space<vmem>>) target_semaphore(%run_scoped3A : memref<!tpu.dma_semaphore, #tpu.memory_space<semaphore_mem>>)
      %dma_wait3A_3873 = tpu.memref_slice %arg4[%mul3A_2] : memref<16384xi32, #tpu.memory_space<hbm>> -> memref<512xi32, #tpu.memory_space<hbm>>
      %dma_wait3A_3874 = tpu.memref_slice %arg4[%mul3A_2] : memref<16384xi32, #tpu.memory_space<hbm>> -> memref<512xi32, #tpu.memory_space<hbm>>
      tpu.wait_dma2 semaphore(%run_scoped3A : memref<!tpu.dma_semaphore, #tpu.memory_space<semaphore_mem>>) src(%dma_wait3A_3874 : memref<512xi32, #tpu.memory_space<hbm>>) dst(%arg14 : memref<512xi32, #tpu.memory_space<vmem>>)
      tpu.yield
    }) : () -> ()
    "tpu.region"() ({
      %run_scoped3A = tpu.sem_alloc : memref<!tpu.dma_semaphore, #tpu.memory_space<semaphore_mem>>
      %dma_start3A_3871 = tpu.memref_slice %arg5[%mul3A_2] : memref<16384xf32, #tpu.memory_space<hbm>> -> memref<512xf32, #tpu.memory_space<hbm>>
      %dma_start3A_3872 = tpu.memref_slice %arg5[%mul3A_2] : memref<16384xf32, #tpu.memory_space<hbm>> -> memref<512xf32, #tpu.memory_space<hbm>>
      tpu.enqueue_dma source(%dma_start3A_3872 : memref<512xf32, #tpu.memory_space<hbm>>) target(%arg15 : memref<512xf32, #tpu.memory_space<vmem>>) target_semaphore(%run_scoped3A : memref<!tpu.dma_semaphore, #tpu.memory_space<semaphore_mem>>)
      %dma_wait3A_3873 = tpu.memref_slice %arg5[%mul3A_2] : memref<16384xf32, #tpu.memory_space<hbm>> -> memref<512xf32, #tpu.memory_space<hbm>>
      %dma_wait3A_3874 = tpu.memref_slice %arg5[%mul3A_2] : memref<16384xf32, #tpu.memory_space<hbm>> -> memref<512xf32, #tpu.memory_space<hbm>>
      tpu.wait_dma2 semaphore(%run_scoped3A : memref<!tpu.dma_semaphore, #tpu.memory_space<semaphore_mem>>) src(%dma_wait3A_3874 : memref<512xf32, #tpu.memory_space<hbm>>) dst(%arg15 : memref<512xf32, #tpu.memory_space<vmem>>)
      tpu.yield
    }) : () -> ()
    "tpu.region"() ({
      %run_scoped3A = tpu.sem_alloc : memref<!tpu.dma_semaphore, #tpu.memory_space<semaphore_mem>>
      tpu.enqueue_dma source(%arg7 : memref<200xf32, #tpu.memory_space<hbm>>) target(%arg16 : memref<200xf32, #tpu.memory_space<vmem>>) target_semaphore(%run_scoped3A : memref<!tpu.dma_semaphore, #tpu.memory_space<semaphore_mem>>)
      tpu.wait_dma2 semaphore(%run_scoped3A : memref<!tpu.dma_semaphore, #tpu.memory_space<semaphore_mem>>) src(%arg7 : memref<200xf32, #tpu.memory_space<hbm>>) dst(%arg16 : memref<200xf32, #tpu.memory_space<vmem>>)
      tpu.yield
    }) : () -> ()
    %get3A = arith.constant 0 : index
    %get3A_3 = tpu.vector_load %arg12[%get3A] {strides = array<i32>} : memref<512xi32, #tpu.memory_space<vmem>>, vector<16xi32>,
    %mul3A_4 = arith.constant 10000 : i32
    %mul3A_5 = vector.broadcast %mul3A_4 : i32 to vector<16xi32>
    %mul3A_6 = arith.muli %get3A_3, %mul3A_5 : vector<16xi32>
    %get3A_7 = arith.constant 0 : index
    %get3A_8 = tpu.vector_load %arg13[%get3A_7] {strides = array<i32>} : memref<512xi32, #tpu.memory_space<vmem>>, vector<16xi32>,
    %mul3A_9 = arith.constant 200 : i32
    %mul3A_10 = vector.broadcast %mul3A_9 : i32 to vector<16xi32>
    %mul3A_11 = arith.muli %get3A_8, %mul3A_10 : vector<16xi32>
    %add3A_12 = arith.addi %mul3A_6, %mul3A_11 : vector<16xi32>
    %get3A_13 = arith.constant 0 : index
    %get3A_14 = tpu.vector_load %arg14[%get3A_13] {strides = array<i32>} : memref<512xi32, #tpu.memory_space<vmem>>, vector<16xi32>,
    %add3A_15 = arith.addi %add3A_12, %get3A_14 : vector<16xi32>
    %swap3A = arith.constant 0 : index
    %swap3A_16 = tpu.vector_load %arg17[%swap3A] {strides = array<i32>} : memref<512xi32, #tpu.memory_space<vmem>>, vector<16xi32>,
    tpu.vector_store %arg17[%swap3A], %add3A_15 {strides = array<i32>} : memref<512xi32, #tpu.memory_space<vmem>>, vector<16xi32>,
    %get3A_17 = arith.constant 16 : index
    %get3A_18 = tpu.vector_load %arg12[%get3A_17] {strides = array<i32>} : memref<512xi32, #tpu.memory_space<vmem>>, vector<16xi32>,
    %mul3A_19 = arith.constant 10000 : i32
    %mul3A_20 = vector.broadcast %mul3A_19 : i32 to vector<16xi32>
    %mul3A_21 = arith.muli %get3A_18, %mul3A_20 : vector<16xi32>
    %get3A_22 = arith.constant 16 : index
    %get3A_23 = tpu.vector_load %arg13[%get3A_22] {strides = array<i32>} : memref<512xi32, #tpu.memory_space<vmem>>, vector<16xi32>,
    %mul3A_24 = arith.constant 200 : i32
    %mul3A_25 = vector.broadcast %mul3A_24 : i32 to vector<16xi32>
    %mul3A_26 = arith.muli %get3A_23, %mul3A_25 : vector<16xi32>
    %add3A_27 = arith.addi %mul3A_21, %mul3A_26 : vector<16xi32>
    %get3A_28 = arith.constant 16 : index
    %get3A_29 = tpu.vector_load %arg14[%get3A_28] {strides = array<i32>} : memref<512xi32, #tpu.memory_space<vmem>>, vector<16xi32>,
    %add3A_30 = arith.addi %add3A_27, %get3A_29 : vector<16xi32>
    %swap3A_31 = arith.constant 16 : index
    %swap3A_32 = tpu.vector_load %arg17[%swap3A_31] {strides = array<i32>} : memref<512xi32, #tpu.memory_space<vmem>>, vector<16xi32>,
    tpu.vector_store %arg17[%swap3A_31], %add3A_30 {strides = array<i32>} : memref<512xi32, #tpu.memory_space<vmem>>, vector<16xi32>,
    %get3A_33 = arith.constant 32 : index
    %get3A_34 = tpu.vector_load %arg12[%get3A_33] {strides = array<i32>} : memref<512xi32, #tpu.memory_space<vmem>>, vector<16xi32>,
    %mul3A_35 = arith.constant 10000 : i32
    %mul3A_36 = vector.broadcast %mul3A_35 : i32 to vector<16xi32>
    %mul3A_37 = arith.muli %get3A_34, %mul3A_36 : vector<16xi32>
    %get3A_38 = arith.constant 32 : index
    %get3A_39 = tpu.vector_load %arg13[%get3A_38] {strides = array<i32>} : memref<512xi32, #tpu.memory_space<vmem>>, vector<16xi32>,
    %mul3A_40 = arith.constant 200 : i32
    %mul3A_41 = vector.broadcast %mul3A_40 : i32 to vector<16xi32>
    %mul3A_42 = arith.muli %get3A_39, %mul3A_41 : vector<16xi32>
    %add3A_43 = arith.addi %mul3A_37, %mul3A_42 : vector<16xi32>
    %get3A_44 = arith.constant 32 : index
    %get3A_45 = tpu.vector_load %arg14[%get3A_44] {strides = array<i32>} : memref<512xi32, #tpu.memory_space<vmem>>, vector<16xi32>,
    %add3A_46 = arith.addi %add3A_43, %get3A_45 : vector<16xi32>
    %swap3A_47 = arith.constant 32 : index
    %swap3A_48 = tpu.vector_load %arg17[%swap3A_47] {strides = array<i32>} : memref<512xi32, #tpu.memory_space<vmem>>, vector<16xi32>,
    tpu.vector_store %arg17[%swap3A_47], %add3A_46 {strides = array<i32>} : memref<512xi32, #tpu.memory_space<vmem>>, vector<16xi32>,
    %get3A_49 = arith.constant 48 : index
    %get3A_50 = tpu.vector_load %arg12[%get3A_49] {strides = array<i32>} : memref<512xi32, #tpu.memory_space<vmem>>, vector<16xi32>,
    %mul3A_51 = arith.constant 10000 : i32
    %mul3A_52 = vector.broadcast %mul3A_51 : i32 to vector<16xi32>
    %mul3A_53 = arith.muli %get3A_50, %mul3A_52 : vector<16xi32>
    %get3A_54 = arith.constant 48 : index
    %get3A_55 = tpu.vector_load %arg13[%get3A_54] {strides = array<i32>} : memref<512xi32, #tpu.memory_space<vmem>>, vector<16xi32>,
    %mul3A_56 = arith.constant 200 : i32
    %mul3A_57 = vector.broadcast %mul3A_56 : i32 to vector<16xi32>
    %mul3A_58 = arith.muli %get3A_55, %mul3A_57 : vector<16xi32>
    %add3A_59 = arith.addi %mul3A_53, %mul3A_58 : vector<16xi32>
    %get3A_60 = arith.constant 48 : index
    %get3A_61 = tpu.vector_load %arg14[%get3A_60] {strides = array<i32>} : memref<512xi32, #tpu.memory_space<vmem>>, vector<16xi32>,
    %add3A_62 = arith.addi %add3A_59, %get3A_61 : vector<16xi32>
    %swap3A_63 = arith.constant 48 : index
    %swap3A_64 = tpu.vector_load %arg17[%swap3A_63] {strides = array<i32>} : memref<512xi32, #tpu.memory_space<vmem>>, vector<16xi32>,
    tpu.vector_store %arg17[%swap3A_63], %add3A_62 {strides = array<i32>} : memref<512xi32, #tpu.memory_space<vmem>>, vector<16xi32>,
    %get3A_65 = arith.constant 64 : index
    %get3A_66 = tpu.vector_load %arg12[%get3A_65] {strides = array<i32>} : memref<512xi32, #tpu.memory_space<vmem>>, vector<16xi32>,
    %mul3A_67 = arith.constant 10000 : i32
    %mul3A_68 = vector.broadcast %mul3A_67 : i32 to vector<16xi32>
    %mul3A_69 = arith.muli %get3A_66, %mul3A_68 : vector<16xi32>
    %get3A_70 = arith.constant 64 : index
    %get3A_71 = tpu.vector_load %arg13[%get3A_70] {strides = array<i32>} : memref<512xi32, #tpu.memory_space<vmem>>, vector<16xi32>,
    %mul3A_72 = arith.constant 200 : i32
    %mul3A_73 = vector.broadcast %mul3A_72 : i32 to vector<16xi32>
    %mul3A_74 = arith.muli %get3A_71, %mul3A_73 : vector<16xi32>
    %add3A_75 = arith.addi %mul3A_69, %mul3A_74 : vector<16xi32>
    %get3A_76 = arith.constant 64 : index
    %get3A_77 = tpu.vector_load %arg14[%get3A_76] {strides = array<i32>} : memref<512xi32, #tpu.memory_space<vmem>>, vector<16xi32>,
    %add3A_78 = arith.addi %add3A_75, %get3A_77 : vector<16xi32>
    %swap3A_79 = arith.constant 64 : index
    %swap3A_80 = tpu.vector_load %arg17[%swap3A_79] {strides = array<i32>} : memref<512xi32, #tpu.memory_space<vmem>>, vector<16xi32>,
    tpu.vector_store %arg17[%swap3A_79], %add3A_78 {strides = array<i32>} : memref<512xi32, #tpu.memory_space<vmem>>, vector<16xi32>,
    %get3A_81 = arith.constant 80 : index
    %get3A_82 = tpu.vector_load %arg12[%get3A_81] {strides = array<i32>} : memref<512xi32, #tpu.memory_space<vmem>>, vector<16xi32>,
    %mul3A_83 = arith.constant 10000 : i32
    %mul3A_84 = vector.broadcast %mul3A_83 : i32 to vector<16xi32>
    %mul3A_85 = arith.muli %get3A_82, %mul3A_84 : vector<16xi32>
    %get3A_86 = arith.constant 80 : index
    %get3A_87 = tpu.vector_load %arg13[%get3A_86] {strides = array<i32>} : memref<512xi32, #tpu.memory_space<vmem>>, vector<16xi32>,
    %mul3A_88 = arith.constant 200 : i32
    %mul3A_89 = vector.broadcast %mul3A_88 : i32 to vector<16xi32>
    %mul3A_90 = arith.muli %get3A_87, %mul3A_89 : vector<16xi32>
    %add3A_91 = arith.addi %mul3A_85, %mul3A_90 : vector<16xi32>
    %get3A_92 = arith.constant 80 : index
    %get3A_93 = tpu.vector_load %arg14[%get3A_92] {strides = array<i32>} : memref<512xi32, #tpu.memory_space<vmem>>, vector<16xi32>,
    %add3A_94 = arith.addi %add3A_91, %get3A_93 : vector<16xi32>
    %swap3A_95 = arith.constant 80 : index
    %swap3A_96 = tpu.vector_load %arg17[%swap3A_95] {strides = array<i32>} : memref<512xi32, #tpu.memory_space<vmem>>, vector<16xi32>,
    tpu.vector_store %arg17[%swap3A_95], %add3A_94 {strides = array<i32>} : memref<512xi32, #tpu.memory_space<vmem>>, vector<16xi32>,
    %get3A_97 = arith.constant 96 : index
    %get3A_98 = tpu.vector_load %arg12[%get3A_97] {strides = array<i32>} : memref<512xi32, #tpu.memory_space<vmem>>, vector<16xi32>,
    %mul3A_99 = arith.constant 10000 : i32
    %mul3A_100 = vector.broadcast %mul3A_99 : i32 to vector<16xi32>
    %mul3A_101 = arith.muli %get3A_98, %mul3A_100 : vector<16xi32>
    %get3A_102 = arith.constant 96 : index
    %get3A_103 = tpu.vector_load %arg13[%get3A_102] {strides = array<i32>} : memref<512xi32, #tpu.memory_space<vmem>>, vector<16xi32>,
    %mul3A_104 = arith.constant 200 : i32
    %mul3A_105 = vector.broadcast %mul3A_104 : i32 to vector<16xi32>
    %mul3A_106 = arith.muli %get3A_103, %mul3A_105 : vector<16xi32>
    %add3A_107 = arith.addi %mul3A_101, %mul3A_106 : vector<16xi32>
    %get3A_108 = arith.constant 96 : index
    %get3A_109 = tpu.vector_load %arg14[%get3A_108] {strides = array<i32>} : memref<512xi32, #tpu.memory_space<vmem>>, vector<16xi32>,
    %add3A_110 = arith.addi %add3A_107, %get3A_109 : vector<16xi32>
    %swap3A_111 = arith.constant 96 : index
    %swap3A_112 = tpu.vector_load %arg17[%swap3A_111] {strides = array<i32>} : memref<512xi32, #tpu.memory_space<vmem>>, vector<16xi32>,
    tpu.vector_store %arg17[%swap3A_111], %add3A_110 {strides = array<i32>} : memref<512xi32, #tpu.memory_space<vmem>>, vector<16xi32>,
    %get3A_113 = arith.constant 112 : index
    %get3A_114 = tpu.vector_load %arg12[%get3A_113] {strides = array<i32>} : memref<512xi32, #tpu.memory_space<vmem>>, vector<16xi32>,
    %mul3A_115 = arith.constant 10000 : i32
    %mul3A_116 = vector.broadcast %mul3A_115 : i32 to vector<16xi32>
    %mul3A_117 = arith.muli %get3A_114, %mul3A_116 : vector<16xi32>
    %get3A_118 = arith.constant 112 : index
    %get3A_119 = tpu.vector_load %arg13[%get3A_118] {strides = array<i32>} : memref<512xi32, #tpu.memory_space<vmem>>, vector<16xi32>,
    %mul3A_120 = arith.constant 200 : i32
    %mul3A_121 = vector.broadcast %mul3A_120 : i32 to vector<16xi32>
    %mul3A_122 = arith.muli %get3A_119, %mul3A_121 : vector<16xi32>
    %add3A_123 = arith.addi %mul3A_117, %mul3A_122 : vector<16xi32>
    %get3A_124 = arith.constant 112 : index
    %get3A_125 = tpu.vector_load %arg14[%get3A_124] {strides = array<i32>} : memref<512xi32, #tpu.memory_space<vmem>>, vector<16xi32>,
    %add3A_126 = arith.addi %add3A_123, %get3A_125 : vector<16xi32>
    %swap3A_127 = arith.constant 112 : index
    %swap3A_128 = tpu.vector_load %arg17[%swap3A_127] {strides = array<i32>} : memref<512xi32, #tpu.memory_space<vmem>>, vector<16xi32>,
    tpu.vector_store %arg17[%swap3A_127], %add3A_126 {strides = array<i32>} : memref<512xi32, #tpu.memory_space<vmem>>, vector<16xi32>,
    %get3A_129 = arith.constant 128 : index
    %get3A_130 = tpu.vector_load %arg12[%get3A_129] {strides = array<i32>} : memref<512xi32, #tpu.memory_space<vmem>>, vector<16xi32>,
    %mul3A_131 = arith.constant 10000 : i32
    %mul3A_132 = vector.broadcast %mul3A_131 : i32 to vector<16xi32>
    %mul3A_133 = arith.muli %get3A_130, %mul3A_132 : vector<16xi32>
    %get3A_134 = arith.constant 128 : index
    %get3A_135 = tpu.vector_load %arg13[%get3A_134] {strides = array<i32>} : memref<512xi32, #tpu.memory_space<vmem>>, vector<16xi32>,
    %mul3A_136 = arith.constant 200 : i32
    %mul3A_137 = vector.broadcast %mul3A_136 : i32 to vector<16xi32>
    %mul3A_138 = arith.muli %get3A_135, %mul3A_137 : vector<16xi32>
    %add3A_139 = arith.addi %mul3A_133, %mul3A_138 : vector<16xi32>
    %get3A_140 = arith.constant 128 : index
    %get3A_141 = tpu.vector_load %arg14[%get3A_140] {strides = array<i32>} : memref<512xi32, #tpu.memory_space<vmem>>, vector<16xi32>,
    %add3A_142 = arith.addi %add3A_139, %get3A_141 : vector<16xi32>
    %swap3A_143 = arith.constant 128 : index
    %swap3A_144 = tpu.vector_load %arg17[%swap3A_143] {strides = array<i32>} : memref<512xi32, #tpu.memory_space<vmem>>, vector<16xi32>,
    tpu.vector_store %arg17[%swap3A_143], %add3A_142 {strides = array<i32>} : memref<512xi32, #tpu.memory_space<vmem>>, vector<16xi32>,
    %get3A_145 = arith.constant 144 : index
    %get3A_146 = tpu.vector_load %arg12[%get3A_145] {strides = array<i32>} : memref<512xi32, #tpu.memory_space<vmem>>, vector<16xi32>,
    %mul3A_147 = arith.constant 10000 : i32
    %mul3A_148 = vector.broadcast %mul3A_147 : i32 to vector<16xi32>
    %mul3A_149 = arith.muli %get3A_146, %mul3A_148 : vector<16xi32>
    %get3A_150 = arith.constant 144 : index
    %get3A_151 = tpu.vector_load %arg13[%get3A_150] {strides = array<i32>} : memref<512xi32, #tpu.memory_space<vmem>>, vector<16xi32>,
    %mul3A_152 = arith.constant 200 : i32
    %mul3A_153 = vector.broadcast %mul3A_152 : i32 to vector<16xi32>
    %mul3A_154 = arith.muli %get3A_151, %mul3A_153 : vector<16xi32>
    %add3A_155 = arith.addi %mul3A_149, %mul3A_154 : vector<16xi32>
    %get3A_156 = arith.constant 144 : index
    %get3A_157 = tpu.vector_load %arg14[%get3A_156] {strides = array<i32>} : memref<512xi32, #tpu.memory_space<vmem>>, vector<16xi32>,
    %add3A_158 = arith.addi %add3A_155, %get3A_157 : vector<16xi32>
    %swap3A_159 = arith.constant 144 : index
    %swap3A_160 = tpu.vector_load %arg17[%swap3A_159] {strides = array<i32>} : memref<512xi32, #tpu.memory_space<vmem>>, vector<16xi32>,
    tpu.vector_store %arg17[%swap3A_159], %add3A_158 {strides = array<i32>} : memref<512xi32, #tpu.memory_space<vmem>>, vector<16xi32>,
    %get3A_161 = arith.constant 160 : index
    %get3A_162 = tpu.vector_load %arg12[%get3A_161] {strides = array<i32>} : memref<512xi32, #tpu.memory_space<vmem>>, vector<16xi32>,
    %mul3A_163 = arith.constant 10000 : i32
    %mul3A_164 = vector.broadcast %mul3A_163 : i32 to vector<16xi32>
    %mul3A_165 = arith.muli %get3A_162, %mul3A_164 : vector<16xi32>
    %get3A_166 = arith.constant 160 : index
    %get3A_167 = tpu.vector_load %arg13[%get3A_166] {strides = array<i32>} : memref<512xi32, #tpu.memory_space<vmem>>, vector<16xi32>,
    %mul3A_168 = arith.constant 200 : i32
    %mul3A_169 = vector.broadcast %mul3A_168 : i32 to vector<16xi32>
    %mul3A_170 = arith.muli %get3A_167, %mul3A_169 : vector<16xi32>
    %add3A_171 = arith.addi %mul3A_165, %mul3A_170 : vector<16xi32>
    %get3A_172 = arith.constant 160 : index
    %get3A_173 = tpu.vector_load %arg14[%get3A_172] {strides = array<i32>} : memref<512xi32, #tpu.memory_space<vmem>>, vector<16xi32>,
    %add3A_174 = arith.addi %add3A_171, %get3A_173 : vector<16xi32>
    %swap3A_175 = arith.constant 160 : index
    %swap3A_176 = tpu.vector_load %arg17[%swap3A_175] {strides = array<i32>} : memref<512xi32, #tpu.memory_space<vmem>>, vector<16xi32>,
    tpu.vector_store %arg17[%swap3A_175], %add3A_174 {strides = array<i32>} : memref<512xi32, #tpu.memory_space<vmem>>, vector<16xi32>,
    %get3A_177 = arith.constant 176 : index
    %get3A_178 = tpu.vector_load %arg12[%get3A_177] {strides = array<i32>} : memref<512xi32, #tpu.memory_space<vmem>>, vector<16xi32>,
    %mul3A_179 = arith.constant 10000 : i32
    %mul3A_180 = vector.broadcast %mul3A_179 : i32 to vector<16xi32>
    %mul3A_181 = arith.muli %get3A_178, %mul3A_180 : vector<16xi32>
    %get3A_182 = arith.constant 176 : index
    %get3A_183 = tpu.vector_load %arg13[%get3A_182] {strides = array<i32>} : memref<512xi32, #tpu.memory_space<vmem>>, vector<16xi32>,
    %mul3A_184 = arith.constant 200 : i32
    %mul3A_185 = vector.broadcast %mul3A_184 : i32 to vector<16xi32>
    %mul3A_186 = arith.muli %get3A_183, %mul3A_185 : vector<16xi32>
    %add3A_187 = arith.addi %mul3A_181, %mul3A_186 : vector<16xi32>
    %get3A_188 = arith.constant 176 : index
    %get3A_189 = tpu.vector_load %arg14[%get3A_188] {strides = array<i32>} : memref<512xi32, #tpu.memory_space<vmem>>, vector<16xi32>,
    %add3A_190 = arith.addi %add3A_187, %get3A_189 : vector<16xi32>
    %swap3A_191 = arith.constant 176 : index
    %swap3A_192 = tpu.vector_load %arg17[%swap3A_191] {strides = array<i32>} : memref<512xi32, #tpu.memory_space<vmem>>, vector<16xi32>,
    tpu.vector_store %arg17[%swap3A_191], %add3A_190 {strides = array<i32>} : memref<512xi32, #tpu.memory_space<vmem>>, vector<16xi32>,
    %get3A_193 = arith.constant 192 : index
    %get3A_194 = tpu.vector_load %arg12[%get3A_193] {strides = array<i32>} : memref<512xi32, #tpu.memory_space<vmem>>, vector<16xi32>,
    %mul3A_195 = arith.constant 10000 : i32
    %mul3A_196 = vector.broadcast %mul3A_195 : i32 to vector<16xi32>
    %mul3A_197 = arith.muli %get3A_194, %mul3A_196 : vector<16xi32>
    %get3A_198 = arith.constant 192 : index
    %get3A_199 = tpu.vector_load %arg13[%get3A_198] {strides = array<i32>} : memref<512xi32, #tpu.memory_space<vmem>>, vector<16xi32>,
    %mul3A_200 = arith.constant 200 : i32
    %mul3A_201 = vector.broadcast %mul3A_200 : i32 to vector<16xi32>
    %mul3A_202 = arith.muli %get3A_199, %mul3A_201 : vector<16xi32>
    %add3A_203 = arith.addi %mul3A_197, %mul3A_202 : vector<16xi32>
    %get3A_204 = arith.constant 192 : index
    %get3A_205 = tpu.vector_load %arg14[%get3A_204] {strides = array<i32>} : memref<512xi32, #tpu.memory_space<vmem>>, vector<16xi32>,
    %add3A_206 = arith.addi %add3A_203, %get3A_205 : vector<16xi32>
    %swap3A_207 = arith.constant 192 : index
    %swap3A_208 = tpu.vector_load %arg17[%swap3A_207] {strides = array<i32>} : memref<512xi32, #tpu.memory_space<vmem>>, vector<16xi32>,
    tpu.vector_store %arg17[%swap3A_207], %add3A_206 {strides = array<i32>} : memref<512xi32, #tpu.memory_space<vmem>>, vector<16xi32>,
    %get3A_209 = arith.constant 208 : index
    %get3A_210 = tpu.vector_load %arg12[%get3A_209] {strides = array<i32>} : memref<512xi32, #tpu.memory_space<vmem>>, vector<16xi32>,
    %mul3A_211 = arith.constant 10000 : i32
    %mul3A_212 = vector.broadcast %mul3A_211 : i32 to vector<16xi32>
    %mul3A_213 = arith.muli %get3A_210, %mul3A_212 : vector<16xi32>
    %get3A_214 = arith.constant 208 : index
    %get3A_215 = tpu.vector_load %arg13[%get3A_214] {strides = array<i32>} : memref<512xi32, #tpu.memory_space<vmem>>, vector<16xi32>,
    %mul3A_216 = arith.constant 200 : i32
    %mul3A_217 = vector.broadcast %mul3A_216 : i32 to vector<16xi32>
    %mul3A_218 = arith.muli %get3A_215, %mul3A_217 : vector<16xi32>
    %add3A_219 = arith.addi %mul3A_213, %mul3A_218 : vector<16xi32>
    %get3A_220 = arith.constant 208 : index
    %get3A_221 = tpu.vector_load %arg14[%get3A_220] {strides = array<i32>} : memref<512xi32, #tpu.memory_space<vmem>>, vector<16xi32>,
    %add3A_222 = arith.addi %add3A_219, %get3A_221 : vector<16xi32>
    %swap3A_223 = arith.constant 208 : index
    %swap3A_224 = tpu.vector_load %arg17[%swap3A_223] {strides = array<i32>} : memref<512xi32, #tpu.memory_space<vmem>>, vector<16xi32>,
    tpu.vector_store %arg17[%swap3A_223], %add3A_222 {strides = array<i32>} : memref<512xi32, #tpu.memory_space<vmem>>, vector<16xi32>,
    %get3A_225 = arith.constant 224 : index
    %get3A_226 = tpu.vector_load %arg12[%get3A_225] {strides = array<i32>} : memref<512xi32, #tpu.memory_space<vmem>>, vector<16xi32>,
    %mul3A_227 = arith.constant 10000 : i32
    %mul3A_228 = vector.broadcast %mul3A_227 : i32 to vector<16xi32>
    %mul3A_229 = arith.muli %get3A_226, %mul3A_228 : vector<16xi32>
    %get3A_230 = arith.constant 224 : index
    %get3A_231 = tpu.vector_load %arg13[%get3A_230] {strides = array<i32>} : memref<512xi32, #tpu.memory_space<vmem>>, vector<16xi32>,
    %mul3A_232 = arith.constant 200 : i32
    %mul3A_233 = vector.broadcast %mul3A_232 : i32 to vector<16xi32>
    %mul3A_234 = arith.muli %get3A_231, %mul3A_233 : vector<16xi32>
    %add3A_235 = arith.addi %mul3A_229, %mul3A_234 : vector<16xi32>
    %get3A_236 = arith.constant 224 : index
    %get3A_237 = tpu.vector_load %arg14[%get3A_236] {strides = array<i32>} : memref<512xi32, #tpu.memory_space<vmem>>, vector<16xi32>,
    %add3A_238 = arith.addi %add3A_235, %get3A_237 : vector<16xi32>
    %swap3A_239 = arith.constant 224 : index
    %swap3A_240 = tpu.vector_load %arg17[%swap3A_239] {strides = array<i32>} : memref<512xi32, #tpu.memory_space<vmem>>, vector<16xi32>,
    tpu.vector_store %arg17[%swap3A_239], %add3A_238 {strides = array<i32>} : memref<512xi32, #tpu.memory_space<vmem>>, vector<16xi32>,
    %get3A_241 = arith.constant 240 : index
    %get3A_242 = tpu.vector_load %arg12[%get3A_241] {strides = array<i32>} : memref<512xi32, #tpu.memory_space<vmem>>, vector<16xi32>,
    %mul3A_243 = arith.constant 10000 : i32
    %mul3A_244 = vector.broadcast %mul3A_243 : i32 to vector<16xi32>
    %mul3A_245 = arith.muli %get3A_242, %mul3A_244 : vector<16xi32>
    %get3A_246 = arith.constant 240 : index
    %get3A_247 = tpu.vector_load %arg13[%get3A_246] {strides = array<i32>} : memref<512xi32, #tpu.memory_space<vmem>>, vector<16xi32>,
    %mul3A_248 = arith.constant 200 : i32
    %mul3A_249 = vector.broadcast %mul3A_248 : i32 to vector<16xi32>
    %mul3A_250 = arith.muli %get3A_247, %mul3A_249 : vector<16xi32>
    %add3A_251 = arith.addi %mul3A_245, %mul3A_250 : vector<16xi32>
    %get3A_252 = arith.constant 240 : index
    %get3A_253 = tpu.vector_load %arg14[%get3A_252] {strides = array<i32>} : memref<512xi32, #tpu.memory_space<vmem>>, vector<16xi32>,
    %add3A_254 = arith.addi %add3A_251, %get3A_253 : vector<16xi32>
    %swap3A_255 = arith.constant 240 : index
    %swap3A_256 = tpu.vector_load %arg17[%swap3A_255] {strides = array<i32>} : memref<512xi32, #tpu.memory_space<vmem>>, vector<16xi32>,
    tpu.vector_store %arg17[%swap3A_255], %add3A_254 {strides = array<i32>} : memref<512xi32, #tpu.memory_space<vmem>>, vector<16xi32>,
    %get3A_257 = arith.constant 256 : index
    %get3A_258 = tpu.vector_load %arg12[%get3A_257] {strides = array<i32>} : memref<512xi32, #tpu.memory_space<vmem>>, vector<16xi32>,
    %mul3A_259 = arith.constant 10000 : i32
    %mul3A_260 = vector.broadcast %mul3A_259 : i32 to vector<16xi32>
    %mul3A_261 = arith.muli %get3A_258, %mul3A_260 : vector<16xi32>
    %get3A_262 = arith.constant 256 : index
    %get3A_263 = tpu.vector_load %arg13[%get3A_262] {strides = array<i32>} : memref<512xi32, #tpu.memory_space<vmem>>, vector<16xi32>,
    %mul3A_264 = arith.constant 200 : i32
    %mul3A_265 = vector.broadcast %mul3A_264 : i32 to vector<16xi32>
    %mul3A_266 = arith.muli %get3A_263, %mul3A_265 : vector<16xi32>
    %add3A_267 = arith.addi %mul3A_261, %mul3A_266 : vector<16xi32>
    %get3A_268 = arith.constant 256 : index
    %get3A_269 = tpu.vector_load %arg14[%get3A_268] {strides = array<i32>} : memref<512xi32, #tpu.memory_space<vmem>>, vector<16xi32>,
    %add3A_270 = arith.addi %add3A_267, %get3A_269 : vector<16xi32>
    %swap3A_271 = arith.constant 256 : index
    %swap3A_272 = tpu.vector_load %arg17[%swap3A_271] {strides = array<i32>} : memref<512xi32, #tpu.memory_space<vmem>>, vector<16xi32>,
    tpu.vector_store %arg17[%swap3A_271], %add3A_270 {strides = array<i32>} : memref<512xi32, #tpu.memory_space<vmem>>, vector<16xi32>,
    %get3A_273 = arith.constant 272 : index
    %get3A_274 = tpu.vector_load %arg12[%get3A_273] {strides = array<i32>} : memref<512xi32, #tpu.memory_space<vmem>>, vector<16xi32>,
    %mul3A_275 = arith.constant 10000 : i32
    %mul3A_276 = vector.broadcast %mul3A_275 : i32 to vector<16xi32>
    %mul3A_277 = arith.muli %get3A_274, %mul3A_276 : vector<16xi32>
    %get3A_278 = arith.constant 272 : index
    %get3A_279 = tpu.vector_load %arg13[%get3A_278] {strides = array<i32>} : memref<512xi32, #tpu.memory_space<vmem>>, vector<16xi32>,
    %mul3A_280 = arith.constant 200 : i32
    %mul3A_281 = vector.broadcast %mul3A_280 : i32 to vector<16xi32>
    %mul3A_282 = arith.muli %get3A_279, %mul3A_281 : vector<16xi32>
    %add3A_283 = arith.addi %mul3A_277, %mul3A_282 : vector<16xi32>
    %get3A_284 = arith.constant 272 : index
    %get3A_285 = tpu.vector_load %arg14[%get3A_284] {strides = array<i32>} : memref<512xi32, #tpu.memory_space<vmem>>, vector<16xi32>,
    %add3A_286 = arith.addi %add3A_283, %get3A_285 : vector<16xi32>
    %swap3A_287 = arith.constant 272 : index
    %swap3A_288 = tpu.vector_load %arg17[%swap3A_287] {strides = array<i32>} : memref<512xi32, #tpu.memory_space<vmem>>, vector<16xi32>,
    tpu.vector_store %arg17[%swap3A_287], %add3A_286 {strides = array<i32>} : memref<512xi32, #tpu.memory_space<vmem>>, vector<16xi32>,
    %get3A_289 = arith.constant 288 : index
    %get3A_290 = tpu.vector_load %arg12[%get3A_289] {strides = array<i32>} : memref<512xi32, #tpu.memory_space<vmem>>, vector<16xi32>,
    %mul3A_291 = arith.constant 10000 : i32
    %mul3A_292 = vector.broadcast %mul3A_291 : i32 to vector<16xi32>
    %mul3A_293 = arith.muli %get3A_290, %mul3A_292 : vector<16xi32>
    %get3A_294 = arith.constant 288 : index
    %get3A_295 = tpu.vector_load %arg13[%get3A_294] {strides = array<i32>} : memref<512xi32, #tpu.memory_space<vmem>>, vector<16xi32>,
    %mul3A_296 = arith.constant 200 : i32
    %mul3A_297 = vector.broadcast %mul3A_296 : i32 to vector<16xi32>
    %mul3A_298 = arith.muli %get3A_295, %mul3A_297 : vector<16xi32>
    %add3A_299 = arith.addi %mul3A_293, %mul3A_298 : vector<16xi32>
    %get3A_300 = arith.constant 288 : index
    %get3A_301 = tpu.vector_load %arg14[%get3A_300] {strides = array<i32>} : memref<512xi32, #tpu.memory_space<vmem>>, vector<16xi32>,
    %add3A_302 = arith.addi %add3A_299, %get3A_301 : vector<16xi32>
    %swap3A_303 = arith.constant 288 : index
    %swap3A_304 = tpu.vector_load %arg17[%swap3A_303] {strides = array<i32>} : memref<512xi32, #tpu.memory_space<vmem>>, vector<16xi32>,
    tpu.vector_store %arg17[%swap3A_303], %add3A_302 {strides = array<i32>} : memref<512xi32, #tpu.memory_space<vmem>>, vector<16xi32>,
    %get3A_305 = arith.constant 304 : index
    %get3A_306 = tpu.vector_load %arg12[%get3A_305] {strides = array<i32>} : memref<512xi32, #tpu.memory_space<vmem>>, vector<16xi32>,
    %mul3A_307 = arith.constant 10000 : i32
    %mul3A_308 = vector.broadcast %mul3A_307 : i32 to vector<16xi32>
    %mul3A_309 = arith.muli %get3A_306, %mul3A_308 : vector<16xi32>
    %get3A_310 = arith.constant 304 : index
    %get3A_311 = tpu.vector_load %arg13[%get3A_310] {strides = array<i32>} : memref<512xi32, #tpu.memory_space<vmem>>, vector<16xi32>,
    %mul3A_312 = arith.constant 200 : i32
    %mul3A_313 = vector.broadcast %mul3A_312 : i32 to vector<16xi32>
    %mul3A_314 = arith.muli %get3A_311, %mul3A_313 : vector<16xi32>
    %add3A_315 = arith.addi %mul3A_309, %mul3A_314 : vector<16xi32>
    %get3A_316 = arith.constant 304 : index
    %get3A_317 = tpu.vector_load %arg14[%get3A_316] {strides = array<i32>} : memref<512xi32, #tpu.memory_space<vmem>>, vector<16xi32>,
    %add3A_318 = arith.addi %add3A_315, %get3A_317 : vector<16xi32>
    %swap3A_319 = arith.constant 304 : index
    %swap3A_320 = tpu.vector_load %arg17[%swap3A_319] {strides = array<i32>} : memref<512xi32, #tpu.memory_space<vmem>>, vector<16xi32>,
    tpu.vector_store %arg17[%swap3A_319], %add3A_318 {strides = array<i32>} : memref<512xi32, #tpu.memory_space<vmem>>, vector<16xi32>,
    %get3A_321 = arith.constant 320 : index
    %get3A_322 = tpu.vector_load %arg12[%get3A_321] {strides = array<i32>} : memref<512xi32, #tpu.memory_space<vmem>>, vector<16xi32>,
    %mul3A_323 = arith.constant 10000 : i32
    %mul3A_324 = vector.broadcast %mul3A_323 : i32 to vector<16xi32>
    %mul3A_325 = arith.muli %get3A_322, %mul3A_324 : vector<16xi32>
    %get3A_326 = arith.constant 320 : index
    %get3A_327 = tpu.vector_load %arg13[%get3A_326] {strides = array<i32>} : memref<512xi32, #tpu.memory_space<vmem>>, vector<16xi32>,
    %mul3A_328 = arith.constant 200 : i32
    %mul3A_329 = vector.broadcast %mul3A_328 : i32 to vector<16xi32>
    %mul3A_330 = arith.muli %get3A_327, %mul3A_329 : vector<16xi32>
    %add3A_331 = arith.addi %mul3A_325, %mul3A_330 : vector<16xi32>
    %get3A_332 = arith.constant 320 : index
    %get3A_333 = tpu.vector_load %arg14[%get3A_332] {strides = array<i32>} : memref<512xi32, #tpu.memory_space<vmem>>, vector<16xi32>,
    %add3A_334 = arith.addi %add3A_331, %get3A_333 : vector<16xi32>
    %swap3A_335 = arith.constant 320 : index
    %swap3A_336 = tpu.vector_load %arg17[%swap3A_335] {strides = array<i32>} : memref<512xi32, #tpu.memory_space<vmem>>, vector<16xi32>,
    tpu.vector_store %arg17[%swap3A_335], %add3A_334 {strides = array<i32>} : memref<512xi32, #tpu.memory_space<vmem>>, vector<16xi32>,
    %get3A_337 = arith.constant 336 : index
    %get3A_338 = tpu.vector_load %arg12[%get3A_337] {strides = array<i32>} : memref<512xi32, #tpu.memory_space<vmem>>, vector<16xi32>,
    %mul3A_339 = arith.constant 10000 : i32
    %mul3A_340 = vector.broadcast %mul3A_339 : i32 to vector<16xi32>
    %mul3A_341 = arith.muli %get3A_338, %mul3A_340 : vector<16xi32>
    %get3A_342 = arith.constant 336 : index
    %get3A_343 = tpu.vector_load %arg13[%get3A_342] {strides = array<i32>} : memref<512xi32, #tpu.memory_space<vmem>>, vector<16xi32>,
    %mul3A_344 = arith.constant 200 : i32
    %mul3A_345 = vector.broadcast %mul3A_344 : i32 to vector<16xi32>
    %mul3A_346 = arith.muli %get3A_343, %mul3A_345 : vector<16xi32>
    %add3A_347 = arith.addi %mul3A_341, %mul3A_346 : vector<16xi32>
    %get3A_348 = arith.constant 336 : index
    %get3A_349 = tpu.vector_load %arg14[%get3A_348] {strides = array<i32>} : memref<512xi32, #tpu.memory_space<vmem>>, vector<16xi32>,
    %add3A_350 = arith.addi %add3A_347, %get3A_349 : vector<16xi32>
    %swap3A_351 = arith.constant 336 : index
    %swap3A_352 = tpu.vector_load %arg17[%swap3A_351] {strides = array<i32>} : memref<512xi32, #tpu.memory_space<vmem>>, vector<16xi32>,
    tpu.vector_store %arg17[%swap3A_351], %add3A_350 {strides = array<i32>} : memref<512xi32, #tpu.memory_space<vmem>>, vector<16xi32>,
    %get3A_353 = arith.constant 352 : index
    %get3A_354 = tpu.vector_load %arg12[%get3A_353] {strides = array<i32>} : memref<512xi32, #tpu.memory_space<vmem>>, vector<16xi32>,
    %mul3A_355 = arith.constant 10000 : i32
    %mul3A_356 = vector.broadcast %mul3A_355 : i32 to vector<16xi32>
    %mul3A_357 = arith.muli %get3A_354, %mul3A_356 : vector<16xi32>
    %get3A_358 = arith.constant 352 : index
    %get3A_359 = tpu.vector_load %arg13[%get3A_358] {strides = array<i32>} : memref<512xi32, #tpu.memory_space<vmem>>, vector<16xi32>,
    %mul3A_360 = arith.constant 200 : i32
    %mul3A_361 = vector.broadcast %mul3A_360 : i32 to vector<16xi32>
    %mul3A_362 = arith.muli %get3A_359, %mul3A_361 : vector<16xi32>
    %add3A_363 = arith.addi %mul3A_357, %mul3A_362 : vector<16xi32>
    %get3A_364 = arith.constant 352 : index
    %get3A_365 = tpu.vector_load %arg14[%get3A_364] {strides = array<i32>} : memref<512xi32, #tpu.memory_space<vmem>>, vector<16xi32>,
    %add3A_366 = arith.addi %add3A_363, %get3A_365 : vector<16xi32>
    %swap3A_367 = arith.constant 352 : index
    %swap3A_368 = tpu.vector_load %arg17[%swap3A_367] {strides = array<i32>} : memref<512xi32, #tpu.memory_space<vmem>>, vector<16xi32>,
    tpu.vector_store %arg17[%swap3A_367], %add3A_366 {strides = array<i32>} : memref<512xi32, #tpu.memory_space<vmem>>, vector<16xi32>,
    %get3A_369 = arith.constant 368 : index
    %get3A_370 = tpu.vector_load %arg12[%get3A_369] {strides = array<i32>} : memref<512xi32, #tpu.memory_space<vmem>>, vector<16xi32>,
    %mul3A_371 = arith.constant 10000 : i32
    %mul3A_372 = vector.broadcast %mul3A_371 : i32 to vector<16xi32>
    %mul3A_373 = arith.muli %get3A_370, %mul3A_372 : vector<16xi32>
    %get3A_374 = arith.constant 368 : index
    %get3A_375 = tpu.vector_load %arg13[%get3A_374] {strides = array<i32>} : memref<512xi32, #tpu.memory_space<vmem>>, vector<16xi32>,
    %mul3A_376 = arith.constant 200 : i32
    %mul3A_377 = vector.broadcast %mul3A_376 : i32 to vector<16xi32>
    %mul3A_378 = arith.muli %get3A_375, %mul3A_377 : vector<16xi32>
    %add3A_379 = arith.addi %mul3A_373, %mul3A_378 : vector<16xi32>
    %get3A_380 = arith.constant 368 : index
    %get3A_381 = tpu.vector_load %arg14[%get3A_380] {strides = array<i32>} : memref<512xi32, #tpu.memory_space<vmem>>, vector<16xi32>,
    %add3A_382 = arith.addi %add3A_379, %get3A_381 : vector<16xi32>
    %swap3A_383 = arith.constant 368 : index
    %swap3A_384 = tpu.vector_load %arg17[%swap3A_383] {strides = array<i32>} : memref<512xi32, #tpu.memory_space<vmem>>, vector<16xi32>,
    tpu.vector_store %arg17[%swap3A_383], %add3A_382 {strides = array<i32>} : memref<512xi32, #tpu.memory_space<vmem>>, vector<16xi32>,
    %get3A_385 = arith.constant 384 : index
    %get3A_386 = tpu.vector_load %arg12[%get3A_385] {strides = array<i32>} : memref<512xi32, #tpu.memory_space<vmem>>, vector<16xi32>,
    %mul3A_387 = arith.constant 10000 : i32
    %mul3A_388 = vector.broadcast %mul3A_387 : i32 to vector<16xi32>
    %mul3A_389 = arith.muli %get3A_386, %mul3A_388 : vector<16xi32>
    %get3A_390 = arith.constant 384 : index
    %get3A_391 = tpu.vector_load %arg13[%get3A_390] {strides = array<i32>} : memref<512xi32, #tpu.memory_space<vmem>>, vector<16xi32>,
    %mul3A_392 = arith.constant 200 : i32
    %mul3A_393 = vector.broadcast %mul3A_392 : i32 to vector<16xi32>
    %mul3A_394 = arith.muli %get3A_391, %mul3A_393 : vector<16xi32>
    %add3A_395 = arith.addi %mul3A_389, %mul3A_394 : vector<16xi32>
    %get3A_396 = arith.constant 384 : index
    %get3A_397 = tpu.vector_load %arg14[%get3A_396] {strides = array<i32>} : memref<512xi32, #tpu.memory_space<vmem>>, vector<16xi32>,
    %add3A_398 = arith.addi %add3A_395, %get3A_397 : vector<16xi32>
    %swap3A_399 = arith.constant 384 : index
    %swap3A_400 = tpu.vector_load %arg17[%swap3A_399] {strides = array<i32>} : memref<512xi32, #tpu.memory_space<vmem>>, vector<16xi32>,
    tpu.vector_store %arg17[%swap3A_399], %add3A_398 {strides = array<i32>} : memref<512xi32, #tpu.memory_space<vmem>>, vector<16xi32>,
    %get3A_401 = arith.constant 400 : index
    %get3A_402 = tpu.vector_load %arg12[%get3A_401] {strides = array<i32>} : memref<512xi32, #tpu.memory_space<vmem>>, vector<16xi32>,
    %mul3A_403 = arith.constant 10000 : i32
    %mul3A_404 = vector.broadcast %mul3A_403 : i32 to vector<16xi32>
    %mul3A_405 = arith.muli %get3A_402, %mul3A_404 : vector<16xi32>
    %get3A_406 = arith.constant 400 : index
    %get3A_407 = tpu.vector_load %arg13[%get3A_406] {strides = array<i32>} : memref<512xi32, #tpu.memory_space<vmem>>, vector<16xi32>,
    %mul3A_408 = arith.constant 200 : i32
    %mul3A_409 = vector.broadcast %mul3A_408 : i32 to vector<16xi32>
    %mul3A_410 = arith.muli %get3A_407, %mul3A_409 : vector<16xi32>
    %add3A_411 = arith.addi %mul3A_405, %mul3A_410 : vector<16xi32>
    %get3A_412 = arith.constant 400 : index
    %get3A_413 = tpu.vector_load %arg14[%get3A_412] {strides = array<i32>} : memref<512xi32, #tpu.memory_space<vmem>>, vector<16xi32>,
    %add3A_414 = arith.addi %add3A_411, %get3A_413 : vector<16xi32>
    %swap3A_415 = arith.constant 400 : index
    %swap3A_416 = tpu.vector_load %arg17[%swap3A_415] {strides = array<i32>} : memref<512xi32, #tpu.memory_space<vmem>>, vector<16xi32>,
    tpu.vector_store %arg17[%swap3A_415], %add3A_414 {strides = array<i32>} : memref<512xi32, #tpu.memory_space<vmem>>, vector<16xi32>,
    %get3A_417 = arith.constant 416 : index
    %get3A_418 = tpu.vector_load %arg12[%get3A_417] {strides = array<i32>} : memref<512xi32, #tpu.memory_space<vmem>>, vector<16xi32>,
    %mul3A_419 = arith.constant 10000 : i32
    %mul3A_420 = vector.broadcast %mul3A_419 : i32 to vector<16xi32>
    %mul3A_421 = arith.muli %get3A_418, %mul3A_420 : vector<16xi32>
    %get3A_422 = arith.constant 416 : index
    %get3A_423 = tpu.vector_load %arg13[%get3A_422] {strides = array<i32>} : memref<512xi32, #tpu.memory_space<vmem>>, vector<16xi32>,
    %mul3A_424 = arith.constant 200 : i32
    %mul3A_425 = vector.broadcast %mul3A_424 : i32 to vector<16xi32>
    %mul3A_426 = arith.muli %get3A_423, %mul3A_425 : vector<16xi32>
    %add3A_427 = arith.addi %mul3A_421, %mul3A_426 : vector<16xi32>
    %get3A_428 = arith.constant 416 : index
    %get3A_429 = tpu.vector_load %arg14[%get3A_428] {strides = array<i32>} : memref<512xi32, #tpu.memory_space<vmem>>, vector<16xi32>,
    %add3A_430 = arith.addi %add3A_427, %get3A_429 : vector<16xi32>
    %swap3A_431 = arith.constant 416 : index
    %swap3A_432 = tpu.vector_load %arg17[%swap3A_431] {strides = array<i32>} : memref<512xi32, #tpu.memory_space<vmem>>, vector<16xi32>,
    tpu.vector_store %arg17[%swap3A_431], %add3A_430 {strides = array<i32>} : memref<512xi32, #tpu.memory_space<vmem>>, vector<16xi32>,
    %get3A_433 = arith.constant 432 : index
    %get3A_434 = tpu.vector_load %arg12[%get3A_433] {strides = array<i32>} : memref<512xi32, #tpu.memory_space<vmem>>, vector<16xi32>,
    %mul3A_435 = arith.constant 10000 : i32
    %mul3A_436 = vector.broadcast %mul3A_435 : i32 to vector<16xi32>
    %mul3A_437 = arith.muli %get3A_434, %mul3A_436 : vector<16xi32>
    %get3A_438 = arith.constant 432 : index
    %get3A_439 = tpu.vector_load %arg13[%get3A_438] {strides = array<i32>} : memref<512xi32, #tpu.memory_space<vmem>>, vector<16xi32>,
    %mul3A_440 = arith.constant 200 : i32
    %mul3A_441 = vector.broadcast %mul3A_440 : i32 to vector<16xi32>
    %mul3A_442 = arith.muli %get3A_439, %mul3A_441 : vector<16xi32>
    %add3A_443 = arith.addi %mul3A_437, %mul3A_442 : vector<16xi32>
    %get3A_444 = arith.constant 432 : index
    %get3A_445 = tpu.vector_load %arg14[%get3A_444] {strides = array<i32>} : memref<512xi32, #tpu.memory_space<vmem>>, vector<16xi32>,
    %add3A_446 = arith.addi %add3A_443, %get3A_445 : vector<16xi32>
    %swap3A_447 = arith.constant 432 : index
    %swap3A_448 = tpu.vector_load %arg17[%swap3A_447] {strides = array<i32>} : memref<512xi32, #tpu.memory_space<vmem>>, vector<16xi32>,
    tpu.vector_store %arg17[%swap3A_447], %add3A_446 {strides = array<i32>} : memref<512xi32, #tpu.memory_space<vmem>>, vector<16xi32>,
    %get3A_449 = arith.constant 448 : index
    %get3A_450 = tpu.vector_load %arg12[%get3A_449] {strides = array<i32>} : memref<512xi32, #tpu.memory_space<vmem>>, vector<16xi32>,
    %mul3A_451 = arith.constant 10000 : i32
    %mul3A_452 = vector.broadcast %mul3A_451 : i32 to vector<16xi32>
    %mul3A_453 = arith.muli %get3A_450, %mul3A_452 : vector<16xi32>
    %get3A_454 = arith.constant 448 : index
    %get3A_455 = tpu.vector_load %arg13[%get3A_454] {strides = array<i32>} : memref<512xi32, #tpu.memory_space<vmem>>, vector<16xi32>,
    %mul3A_456 = arith.constant 200 : i32
    %mul3A_457 = vector.broadcast %mul3A_456 : i32 to vector<16xi32>
    %mul3A_458 = arith.muli %get3A_455, %mul3A_457 : vector<16xi32>
    %add3A_459 = arith.addi %mul3A_453, %mul3A_458 : vector<16xi32>
    %get3A_460 = arith.constant 448 : index
    %get3A_461 = tpu.vector_load %arg14[%get3A_460] {strides = array<i32>} : memref<512xi32, #tpu.memory_space<vmem>>, vector<16xi32>,
    %add3A_462 = arith.addi %add3A_459, %get3A_461 : vector<16xi32>
    %swap3A_463 = arith.constant 448 : index
    %swap3A_464 = tpu.vector_load %arg17[%swap3A_463] {strides = array<i32>} : memref<512xi32, #tpu.memory_space<vmem>>, vector<16xi32>,
    tpu.vector_store %arg17[%swap3A_463], %add3A_462 {strides = array<i32>} : memref<512xi32, #tpu.memory_space<vmem>>, vector<16xi32>,
    %get3A_465 = arith.constant 464 : index
    %get3A_466 = tpu.vector_load %arg12[%get3A_465] {strides = array<i32>} : memref<512xi32, #tpu.memory_space<vmem>>, vector<16xi32>,
    %mul3A_467 = arith.constant 10000 : i32
    %mul3A_468 = vector.broadcast %mul3A_467 : i32 to vector<16xi32>
    %mul3A_469 = arith.muli %get3A_466, %mul3A_468 : vector<16xi32>
    %get3A_470 = arith.constant 464 : index
    %get3A_471 = tpu.vector_load %arg13[%get3A_470] {strides = array<i32>} : memref<512xi32, #tpu.memory_space<vmem>>, vector<16xi32>,
    %mul3A_472 = arith.constant 200 : i32
    %mul3A_473 = vector.broadcast %mul3A_472 : i32 to vector<16xi32>
    %mul3A_474 = arith.muli %get3A_471, %mul3A_473 : vector<16xi32>
    %add3A_475 = arith.addi %mul3A_469, %mul3A_474 : vector<16xi32>
    %get3A_476 = arith.constant 464 : index
    %get3A_477 = tpu.vector_load %arg14[%get3A_476] {strides = array<i32>} : memref<512xi32, #tpu.memory_space<vmem>>, vector<16xi32>,
    %add3A_478 = arith.addi %add3A_475, %get3A_477 : vector<16xi32>
    %swap3A_479 = arith.constant 464 : index
    %swap3A_480 = tpu.vector_load %arg17[%swap3A_479] {strides = array<i32>} : memref<512xi32, #tpu.memory_space<vmem>>, vector<16xi32>,
    tpu.vector_store %arg17[%swap3A_479], %add3A_478 {strides = array<i32>} : memref<512xi32, #tpu.memory_space<vmem>>, vector<16xi32>,
    %get3A_481 = arith.constant 480 : index
    %get3A_482 = tpu.vector_load %arg12[%get3A_481] {strides = array<i32>} : memref<512xi32, #tpu.memory_space<vmem>>, vector<16xi32>,
    %mul3A_483 = arith.constant 10000 : i32
    %mul3A_484 = vector.broadcast %mul3A_483 : i32 to vector<16xi32>
    %mul3A_485 = arith.muli %get3A_482, %mul3A_484 : vector<16xi32>
    %get3A_486 = arith.constant 480 : index
    %get3A_487 = tpu.vector_load %arg13[%get3A_486] {strides = array<i32>} : memref<512xi32, #tpu.memory_space<vmem>>, vector<16xi32>,
    %mul3A_488 = arith.constant 200 : i32
    %mul3A_489 = vector.broadcast %mul3A_488 : i32 to vector<16xi32>
    %mul3A_490 = arith.muli %get3A_487, %mul3A_489 : vector<16xi32>
    %add3A_491 = arith.addi %mul3A_485, %mul3A_490 : vector<16xi32>
    %get3A_492 = arith.constant 480 : index
    %get3A_493 = tpu.vector_load %arg14[%get3A_492] {strides = array<i32>} : memref<512xi32, #tpu.memory_space<vmem>>, vector<16xi32>,
    %add3A_494 = arith.addi %add3A_491, %get3A_493 : vector<16xi32>
    %swap3A_495 = arith.constant 480 : index
    %swap3A_496 = tpu.vector_load %arg17[%swap3A_495] {strides = array<i32>} : memref<512xi32, #tpu.memory_space<vmem>>, vector<16xi32>,
    tpu.vector_store %arg17[%swap3A_495], %add3A_494 {strides = array<i32>} : memref<512xi32, #tpu.memory_space<vmem>>, vector<16xi32>,
    %get3A_497 = arith.constant 496 : index
    %get3A_498 = tpu.vector_load %arg12[%get3A_497] {strides = array<i32>} : memref<512xi32, #tpu.memory_space<vmem>>, vector<16xi32>,
    %mul3A_499 = arith.constant 10000 : i32
    %mul3A_500 = vector.broadcast %mul3A_499 : i32 to vector<16xi32>
    %mul3A_501 = arith.muli %get3A_498, %mul3A_500 : vector<16xi32>
    %get3A_502 = arith.constant 496 : index
    %get3A_503 = tpu.vector_load %arg13[%get3A_502] {strides = array<i32>} : memref<512xi32, #tpu.memory_space<vmem>>, vector<16xi32>,
    %mul3A_504 = arith.constant 200 : i32
    %mul3A_505 = vector.broadcast %mul3A_504 : i32 to vector<16xi32>
    %mul3A_506 = arith.muli %get3A_503, %mul3A_505 : vector<16xi32>
    %add3A_507 = arith.addi %mul3A_501, %mul3A_506 : vector<16xi32>
    %get3A_508 = arith.constant 496 : index
    %get3A_509 = tpu.vector_load %arg14[%get3A_508] {strides = array<i32>} : memref<512xi32, #tpu.memory_space<vmem>>, vector<16xi32>,
    %add3A_510 = arith.addi %add3A_507, %get3A_509 : vector<16xi32>
    %swap3A_511 = arith.constant 496 : index
    %swap3A_512 = tpu.vector_load %arg17[%swap3A_511] {strides = array<i32>} : memref<512xi32, #tpu.memory_space<vmem>>, vector<16xi32>,
    tpu.vector_store %arg17[%swap3A_511], %add3A_510 {strides = array<i32>} : memref<512xi32, #tpu.memory_space<vmem>>, vector<16xi32>,
    %dma_start3A = arith.constant 0 : i32
    %dma_start3A_513 = tpu.memref_slice %arg6[%dma_start3A] : memref<10000000xf32, #tpu.memory_space<hbm>> -> memref<10000000xf32, #tpu.memory_space<hbm>>
    tpu.enqueue_indirect_dma source(%dma_start3A_513 : memref<10000000xf32, #tpu.memory_space<hbm>>) target(%arg18 : memref<512xf32, #tpu.memory_space<vmem>>) offsets(%arg17 : memref<512xi32, #tpu.memory_space<vmem>>) semaphore(%arg23 : memref<!tpu.dma_semaphore, #tpu.memory_space<semaphore_mem>>)
    %dma_start3A_514 = arith.constant 0 : i32
    %dma_start3A_515 = tpu.memref_slice %arg8[%dma_start3A_514] : memref<10000000xf32, #tpu.memory_space<hbm>> -> memref<10000000xf32, #tpu.memory_space<hbm>>
    tpu.enqueue_indirect_dma source(%dma_start3A_515 : memref<10000000xf32, #tpu.memory_space<hbm>>) target(%arg19 : memref<512xf32, #tpu.memory_space<vmem>>) offsets(%arg17 : memref<512xi32, #tpu.memory_space<vmem>>) semaphore(%arg23 : memref<!tpu.dma_semaphore, #tpu.memory_space<semaphore_mem>>)
    %dma_wait3A = arith.constant 0 : i32
    %dma_wait3A_516 = tpu.memref_slice %arg6[%dma_wait3A] : memref<10000000xf32, #tpu.memory_space<hbm>> -> memref<10000000xf32, #tpu.memory_space<hbm>>
    tpu.wait_indirect_dma semaphore(%arg23 : memref<!tpu.dma_semaphore, #tpu.memory_space<semaphore_mem>>) src(%dma_wait3A_516 : memref<10000000xf32, #tpu.memory_space<hbm>>) dst(%arg18 : memref<512xf32, #tpu.memory_space<vmem>>)
    %dma_wait3A_517 = arith.constant 0 : i32
    %dma_wait3A_518 = tpu.memref_slice %arg8[%dma_wait3A_517] : memref<10000000xf32, #tpu.memory_space<hbm>> -> memref<10000000xf32, #tpu.memory_space<hbm>>
    tpu.wait_indirect_dma semaphore(%arg23 : memref<!tpu.dma_semaphore, #tpu.memory_space<semaphore_mem>>) src(%dma_wait3A_518 : memref<10000000xf32, #tpu.memory_space<hbm>>) dst(%arg19 : memref<512xf32, #tpu.memory_space<vmem>>)
    %get3A_519 = arith.constant 0 : index
    %get3A_520 = tpu.vector_load %arg14[%get3A_519] {strides = array<i32>} : memref<512xi32, #tpu.memory_space<vmem>>, vector<16xi32>,
    %gather3A = tpu.vector_load_idx %arg16[%get3A_520] : memref<200xf32, #tpu.memory_space<vmem>>[vector<16xi32>], vector<16xf32>,
    %get3A_521 = arith.constant 0 : index
    %get3A_522 = tpu.vector_load %arg15[%get3A_521] {strides = array<i32>} : memref<512xf32, #tpu.memory_space<vmem>>, vector<16xf32>,
    %add3A_523 = arith.constant 9.99999997E-7 : f32
    %add3A_524 = vector.broadcast %add3A_523 : f32 to vector<16xf32>
    %add3A_525 = arith.addf %gather3A, %add3A_524 : vector<16xf32>
    %div3A = arith.divf %get3A_522, %add3A_525 : vector<16xf32>
    %sub3A = arith.constant 1.000000e+00 : f32
    %sub3A_526 = vector.broadcast %sub3A : f32 to vector<16xf32>
    %sub3A_527 = arith.subf %div3A, %sub3A_526 : vector<16xf32>
    %mul3A_528 = arith.constant -1.000000e+01 : f32
    %mul3A_529 = vector.broadcast %mul3A_528 : f32 to vector<16xf32>
    %mul3A_530 = arith.mulf %mul3A_529, %sub3A_527 : vector<16xf32>
    %exp3A = math.exp %mul3A_530 : vector<16xf32>
    %add3A_531 = arith.constant 1.000000e+00 : f32
    %add3A_532 = vector.broadcast %add3A_531 : f32 to vector<16xf32>
    %add3A_533 = arith.addf %add3A_532, %exp3A : vector<16xf32>
    %div3A_534 = arith.constant 1.000000e+00 : f32
    %div3A_535 = vector.broadcast %div3A_534 : f32 to vector<16xf32>
    %div3A_536 = arith.divf %div3A_535, %add3A_533 : vector<16xf32>
    %mul3A_537 = arith.constant 2.000000e+00 : f32
    %mul3A_538 = vector.broadcast %mul3A_537 : f32 to vector<16xf32>
    %mul3A_539 = arith.mulf %mul3A_538, %div3A : vector<16xf32>
    %exp3A_540 = math.exp %mul3A_539 : vector<16xf32>
    %add3A_541 = arith.constant 1.000000e+00 : f32
    %add3A_542 = vector.broadcast %add3A_541 : f32 to vector<16xf32>
    %add3A_543 = arith.addf %exp3A_540, %add3A_542 : vector<16xf32>
    %div3A_544 = arith.constant 2.000000e+00 : f32
    %div3A_545 = vector.broadcast %div3A_544 : f32 to vector<16xf32>
    %div3A_546 = arith.divf %div3A_545, %add3A_543 : vector<16xf32>
    %sub3A_547 = arith.constant 1.000000e+00 : f32
    %sub3A_548 = vector.broadcast %sub3A_547 : f32 to vector<16xf32>
    %sub3A_549 = arith.subf %sub3A_548, %div3A_546 : vector<16xf32>
    %broadcast_in_dim3A = arith.constant -1.89158643E-4 : f32
    %broadcast_in_dim3A_550 = vector.broadcast %broadcast_in_dim3A : f32 to vector<16xf32>
    %mul3A_551 = arith.mulf %broadcast_in_dim3A_550, %div3A : vector<16xf32>
    %add3A_552 = arith.constant 0.0022839664 : f32
    %add3A_553 = vector.broadcast %add3A_552 : f32 to vector<16xf32>
    %add3A_554 = arith.addf %mul3A_551, %add3A_553 : vector<16xf32>
    %mul3A_555 = arith.mulf %add3A_554, %div3A : vector<16xf32>
    %add3A_556 = arith.constant -0.0124197342 : f32
    %add3A_557 = vector.broadcast %add3A_556 : f32 to vector<16xf32>
    %add3A_558 = arith.addf %mul3A_555, %add3A_557 : vector<16xf32>
    %mul3A_559 = arith.mulf %add3A_558, %div3A : vector<16xf32>
    %add3A_560 = arith.constant 0.0407620892 : f32
    %add3A_561 = vector.broadcast %add3A_560 : f32 to vector<16xf32>
    %add3A_562 = arith.addf %mul3A_559, %add3A_561 : vector<16xf32>
    %mul3A_563 = arith.mulf %add3A_562, %div3A : vector<16xf32>
    %add3A_564 = arith.constant -0.0923750102 : f32
    %add3A_565 = vector.broadcast %add3A_564 : f32 to vector<16xf32>
    %add3A_566 = arith.addf %mul3A_563, %add3A_565 : vector<16xf32>
    %mul3A_567 = arith.mulf %add3A_566, %div3A : vector<16xf32>
    %add3A_568 = arith.constant 0.159971923 : f32
    %add3A_569 = vector.broadcast %add3A_568 : f32 to vector<16xf32>
    %add3A_570 = arith.addf %mul3A_567, %add3A_569 : vector<16xf32>
    %mul3A_571 = arith.mulf %add3A_570, %div3A : vector<16xf32>
    %add3A_572 = arith.constant -0.235194117 : f32
    %add3A_573 = vector.broadcast %add3A_572 : f32 to vector<16xf32>
    %add3A_574 = arith.addf %mul3A_571, %add3A_573 : vector<16xf32>
    %mul3A_575 = arith.mulf %add3A_574, %div3A : vector<16xf32>
    %add3A_576 = arith.constant 0.329887718 : f32
    %add3A_577 = vector.broadcast %add3A_576 : f32 to vector<16xf32>
    %add3A_578 = arith.addf %mul3A_575, %add3A_577 : vector<16xf32>
    %mul3A_579 = arith.mulf %add3A_578, %div3A : vector<16xf32>
    %add3A_580 = arith.constant -0.499555558 : f32
    %add3A_581 = vector.broadcast %add3A_580 : f32 to vector<16xf32>
    %add3A_582 = arith.addf %mul3A_579, %add3A_581 : vector<16xf32>
    %mul3A_583 = arith.mulf %add3A_582, %div3A : vector<16xf32>
    %add3A_584 = arith.constant 0.999974727 : f32
    %add3A_585 = vector.broadcast %add3A_584 : f32 to vector<16xf32>
    %add3A_586 = arith.addf %mul3A_583, %add3A_585 : vector<16xf32>
    %mul3A_587 = arith.mulf %add3A_586, %div3A : vector<16xf32>
    %add3A_588 = arith.constant 3.59602097E-7 : f32
    %add3A_589 = vector.broadcast %add3A_588 : f32 to vector<16xf32>
    %add3A_590 = arith.addf %mul3A_587, %add3A_589 : vector<16xf32>
    %get3A_591 = arith.constant 0 : index
    %get3A_592 = tpu.vector_load %arg19[%get3A_591] {strides = array<i32>} : memref<512xf32, #tpu.memory_space<vmem>>, vector<16xf32>,
    %bitcast_convert_type3A = tpu.bitcast %get3A_592 : vector<16xf32> -> vector<16xi32>
    %and3A = arith.constant -65536 : i32
    %and3A_593 = vector.broadcast %and3A : i32 to vector<16xi32>
    %and3A_594 = arith.andi %bitcast_convert_type3A, %and3A_593 : vector<16xi32>
    %bitcast_convert_type3A_595 = tpu.bitcast %and3A_594 : vector<16xi32> -> vector<16xf32>
    %shift_left3A = arith.constant 16 : i32
    %shift_left3A_596 = vector.broadcast %shift_left3A : i32 to vector<16xi32>
    %shift_left3A_597 = arith.shli %bitcast_convert_type3A, %shift_left3A_596 : vector<16xi32>
    %bitcast_convert_type3A_598 = tpu.bitcast %shift_left3A_597 : vector<16xi32> -> vector<16xf32>
    %sub3A_599 = arith.constant 1.000000e+00 : f32
    %sub3A_600 = vector.broadcast %sub3A_599 : f32 to vector<16xf32>
    %sub3A_601 = arith.subf %sub3A_600, %div3A_536 : vector<16xf32>
    %mul3A_602 = arith.mulf %sub3A_549, %bitcast_convert_type3A_595 : vector<16xf32>
    %mul3A_603 = arith.mulf %sub3A_601, %mul3A_602 : vector<16xf32>
    %mul3A_604 = arith.mulf %add3A_590, %bitcast_convert_type3A_598 : vector<16xf32>
    %mul3A_605 = arith.mulf %div3A_536, %mul3A_604 : vector<16xf32>
    %add3A_606 = arith.addf %mul3A_603, %mul3A_605 : vector<16xf32>
    %get3A_607 = arith.constant 0 : index
    %get3A_608 = tpu.vector_load %arg18[%get3A_607] {strides = array<i32>} : memref<512xf32, #tpu.memory_space<vmem>>, vector<16xf32>,
    %mul3A_609 = arith.mulf %get3A_608, %add3A_606 : vector<16xf32>
    %swap3A_610 = arith.constant 0 : index
    %swap3A_611 = tpu.vector_load %arg20[%swap3A_610] {strides = array<i32>} : memref<512xf32, #tpu.memory_space<vmem>>, vector<16xf32>,
    tpu.vector_store %arg20[%swap3A_610], %mul3A_609 {strides = array<i32>} : memref<512xf32, #tpu.memory_space<vmem>>, vector<16xf32>,
    %swap3A_612 = arith.constant 0 : index
    %swap3A_613 = tpu.vector_load %arg21[%swap3A_612] {strides = array<i32>} : memref<512xf32, #tpu.memory_space<vmem>>, vector<16xf32>,
    tpu.vector_store %arg21[%swap3A_612], %div3A_536 {strides = array<i32>} : memref<512xf32, #tpu.memory_space<vmem>>, vector<16xf32>,
    %swap3A_614 = arith.constant 0 : index
    %swap3A_615 = tpu.vector_load %arg22[%swap3A_614] {strides = array<i32>} : memref<512xf32, #tpu.memory_space<vmem>>, vector<16xf32>,
    tpu.vector_store %arg22[%swap3A_614], %add3A_606 {strides = array<i32>} : memref<512xf32, #tpu.memory_space<vmem>>, vector<16xf32>,
    %get3A_616 = arith.constant 16 : index
    %get3A_617 = tpu.vector_load %arg14[%get3A_616] {strides = array<i32>} : memref<512xi32, #tpu.memory_space<vmem>>, vector<16xi32>,
    %gather3A_618 = tpu.vector_load_idx %arg16[%get3A_617] : memref<200xf32, #tpu.memory_space<vmem>>[vector<16xi32>], vector<16xf32>,
    %get3A_619 = arith.constant 16 : index
    %get3A_620 = tpu.vector_load %arg15[%get3A_619] {strides = array<i32>} : memref<512xf32, #tpu.memory_space<vmem>>, vector<16xf32>,
    %add3A_621 = arith.constant 9.99999997E-7 : f32
    %add3A_622 = vector.broadcast %add3A_621 : f32 to vector<16xf32>
    %add3A_623 = arith.addf %gather3A_618, %add3A_622 : vector<16xf32>
    %div3A_624 = arith.divf %get3A_620, %add3A_623 : vector<16xf32>
    %sub3A_625 = arith.constant 1.000000e+00 : f32
    %sub3A_626 = vector.broadcast %sub3A_625 : f32 to vector<16xf32>
    %sub3A_627 = arith.subf %div3A_624, %sub3A_626 : vector<16xf32>
    %mul3A_628 = arith.constant -1.000000e+01 : f32
    %mul3A_629 = vector.broadcast %mul3A_628 : f32 to vector<16xf32>
    %mul3A_630 = arith.mulf %mul3A_629, %sub3A_627 : vector<16xf32>
    %exp3A_631 = math.exp %mul3A_630 : vector<16xf32>
    %add3A_632 = arith.constant 1.000000e+00 : f32
    %add3A_633 = vector.broadcast %add3A_632 : f32 to vector<16xf32>
    %add3A_634 = arith.addf %add3A_633, %exp3A_631 : vector<16xf32>
    %div3A_635 = arith.constant 1.000000e+00 : f32
    %div3A_636 = vector.broadcast %div3A_635 : f32 to vector<16xf32>
    %div3A_637 = arith.divf %div3A_636, %add3A_634 : vector<16xf32>
    %mul3A_638 = arith.constant 2.000000e+00 : f32
    %mul3A_639 = vector.broadcast %mul3A_638 : f32 to vector<16xf32>
    %mul3A_640 = arith.mulf %mul3A_639, %div3A_624 : vector<16xf32>
    %exp3A_641 = math.exp %mul3A_640 : vector<16xf32>
    %add3A_642 = arith.constant 1.000000e+00 : f32
    %add3A_643 = vector.broadcast %add3A_642 : f32 to vector<16xf32>
    %add3A_644 = arith.addf %exp3A_641, %add3A_643 : vector<16xf32>
    %div3A_645 = arith.constant 2.000000e+00 : f32
    %div3A_646 = vector.broadcast %div3A_645 : f32 to vector<16xf32>
    %div3A_647 = arith.divf %div3A_646, %add3A_644 : vector<16xf32>
    %sub3A_648 = arith.constant 1.000000e+00 : f32
    %sub3A_649 = vector.broadcast %sub3A_648 : f32 to vector<16xf32>
    %sub3A_650 = arith.subf %sub3A_649, %div3A_647 : vector<16xf32>
    %broadcast_in_dim3A_651 = arith.constant -1.89158643E-4 : f32
    %broadcast_in_dim3A_652 = vector.broadcast %broadcast_in_dim3A_651 : f32 to vector<16xf32>
    %mul3A_653 = arith.mulf %broadcast_in_dim3A_652, %div3A_624 : vector<16xf32>
    %add3A_654 = arith.constant 0.0022839664 : f32
    %add3A_655 = vector.broadcast %add3A_654 : f32 to vector<16xf32>
    %add3A_656 = arith.addf %mul3A_653, %add3A_655 : vector<16xf32>
    %mul3A_657 = arith.mulf %add3A_656, %div3A_624 : vector<16xf32>
    %add3A_658 = arith.constant -0.0124197342 : f32
    %add3A_659 = vector.broadcast %add3A_658 : f32 to vector<16xf32>
    %add3A_660 = arith.addf %mul3A_657, %add3A_659 : vector<16xf32>
    %mul3A_661 = arith.mulf %add3A_660, %div3A_624 : vector<16xf32>
    %add3A_662 = arith.constant 0.0407620892 : f32
    %add3A_663 = vector.broadcast %add3A_662 : f32 to vector<16xf32>
    %add3A_664 = arith.addf %mul3A_661, %add3A_663 : vector<16xf32>
    %mul3A_665 = arith.mulf %add3A_664, %div3A_624 : vector<16xf32>
    %add3A_666 = arith.constant -0.0923750102 : f32
    %add3A_667 = vector.broadcast %add3A_666 : f32 to vector<16xf32>
    %add3A_668 = arith.addf %mul3A_665, %add3A_667 : vector<16xf32>
    %mul3A_669 = arith.mulf %add3A_668, %div3A_624 : vector<16xf32>
    %add3A_670 = arith.constant 0.159971923 : f32
    %add3A_671 = vector.broadcast %add3A_670 : f32 to vector<16xf32>
    %add3A_672 = arith.addf %mul3A_669, %add3A_671 : vector<16xf32>
    %mul3A_673 = arith.mulf %add3A_672, %div3A_624 : vector<16xf32>
    %add3A_674 = arith.constant -0.235194117 : f32
    %add3A_675 = vector.broadcast %add3A_674 : f32 to vector<16xf32>
    %add3A_676 = arith.addf %mul3A_673, %add3A_675 : vector<16xf32>
    %mul3A_677 = arith.mulf %add3A_676, %div3A_624 : vector<16xf32>
    %add3A_678 = arith.constant 0.329887718 : f32
    %add3A_679 = vector.broadcast %add3A_678 : f32 to vector<16xf32>
    %add3A_680 = arith.addf %mul3A_677, %add3A_679 : vector<16xf32>
    %mul3A_681 = arith.mulf %add3A_680, %div3A_624 : vector<16xf32>
    %add3A_682 = arith.constant -0.499555558 : f32
    %add3A_683 = vector.broadcast %add3A_682 : f32 to vector<16xf32>
    %add3A_684 = arith.addf %mul3A_681, %add3A_683 : vector<16xf32>
    %mul3A_685 = arith.mulf %add3A_684, %div3A_624 : vector<16xf32>
    %add3A_686 = arith.constant 0.999974727 : f32
    %add3A_687 = vector.broadcast %add3A_686 : f32 to vector<16xf32>
    %add3A_688 = arith.addf %mul3A_685, %add3A_687 : vector<16xf32>
    %mul3A_689 = arith.mulf %add3A_688, %div3A_624 : vector<16xf32>
    %add3A_690 = arith.constant 3.59602097E-7 : f32
    %add3A_691 = vector.broadcast %add3A_690 : f32 to vector<16xf32>
    %add3A_692 = arith.addf %mul3A_689, %add3A_691 : vector<16xf32>
    %get3A_693 = arith.constant 16 : index
    %get3A_694 = tpu.vector_load %arg19[%get3A_693] {strides = array<i32>} : memref<512xf32, #tpu.memory_space<vmem>>, vector<16xf32>,
    %bitcast_convert_type3A_695 = tpu.bitcast %get3A_694 : vector<16xf32> -> vector<16xi32>
    %and3A_696 = arith.constant -65536 : i32
    %and3A_697 = vector.broadcast %and3A_696 : i32 to vector<16xi32>
    %and3A_698 = arith.andi %bitcast_convert_type3A_695, %and3A_697 : vector<16xi32>
    %bitcast_convert_type3A_699 = tpu.bitcast %and3A_698 : vector<16xi32> -> vector<16xf32>
    %shift_left3A_700 = arith.constant 16 : i32
    %shift_left3A_701 = vector.broadcast %shift_left3A_700 : i32 to vector<16xi32>
    %shift_left3A_702 = arith.shli %bitcast_convert_type3A_695, %shift_left3A_701 : vector<16xi32>
    %bitcast_convert_type3A_703 = tpu.bitcast %shift_left3A_702 : vector<16xi32> -> vector<16xf32>
    %sub3A_704 = arith.constant 1.000000e+00 : f32
    %sub3A_705 = vector.broadcast %sub3A_704 : f32 to vector<16xf32>
    %sub3A_706 = arith.subf %sub3A_705, %div3A_637 : vector<16xf32>
    %mul3A_707 = arith.mulf %sub3A_650, %bitcast_convert_type3A_699 : vector<16xf32>
    %mul3A_708 = arith.mulf %sub3A_706, %mul3A_707 : vector<16xf32>
    %mul3A_709 = arith.mulf %add3A_692, %bitcast_convert_type3A_703 : vector<16xf32>
    %mul3A_710 = arith.mulf %div3A_637, %mul3A_709 : vector<16xf32>
    %add3A_711 = arith.addf %mul3A_708, %mul3A_710 : vector<16xf32>
    %get3A_712 = arith.constant 16 : index
    %get3A_713 = tpu.vector_load %arg18[%get3A_712] {strides = array<i32>} : memref<512xf32, #tpu.memory_space<vmem>>, vector<16xf32>,
    %mul3A_714 = arith.mulf %get3A_713, %add3A_711 : vector<16xf32>
    %swap3A_715 = arith.constant 16 : index
    %swap3A_716 = tpu.vector_load %arg20[%swap3A_715] {strides = array<i32>} : memref<512xf32, #tpu.memory_space<vmem>>, vector<16xf32>,
    tpu.vector_store %arg20[%swap3A_715], %mul3A_714 {strides = array<i32>} : memref<512xf32, #tpu.memory_space<vmem>>, vector<16xf32>,
    %swap3A_717 = arith.constant 16 : index
    %swap3A_718 = tpu.vector_load %arg21[%swap3A_717] {strides = array<i32>} : memref<512xf32, #tpu.memory_space<vmem>>, vector<16xf32>,
    tpu.vector_store %arg21[%swap3A_717], %div3A_637 {strides = array<i32>} : memref<512xf32, #tpu.memory_space<vmem>>, vector<16xf32>,
    %swap3A_719 = arith.constant 16 : index
    %swap3A_720 = tpu.vector_load %arg22[%swap3A_719] {strides = array<i32>} : memref<512xf32, #tpu.memory_space<vmem>>, vector<16xf32>,
    tpu.vector_store %arg22[%swap3A_719], %add3A_711 {strides = array<i32>} : memref<512xf32, #tpu.memory_space<vmem>>, vector<16xf32>,
    %get3A_721 = arith.constant 32 : index
    %get3A_722 = tpu.vector_load %arg14[%get3A_721] {strides = array<i32>} : memref<512xi32, #tpu.memory_space<vmem>>, vector<16xi32>,
    %gather3A_723 = tpu.vector_load_idx %arg16[%get3A_722] : memref<200xf32, #tpu.memory_space<vmem>>[vector<16xi32>], vector<16xf32>,
    %get3A_724 = arith.constant 32 : index
    %get3A_725 = tpu.vector_load %arg15[%get3A_724] {strides = array<i32>} : memref<512xf32, #tpu.memory_space<vmem>>, vector<16xf32>,
    %add3A_726 = arith.constant 9.99999997E-7 : f32
    %add3A_727 = vector.broadcast %add3A_726 : f32 to vector<16xf32>
    %add3A_728 = arith.addf %gather3A_723, %add3A_727 : vector<16xf32>
    %div3A_729 = arith.divf %get3A_725, %add3A_728 : vector<16xf32>
    %sub3A_730 = arith.constant 1.000000e+00 : f32
    %sub3A_731 = vector.broadcast %sub3A_730 : f32 to vector<16xf32>
    %sub3A_732 = arith.subf %div3A_729, %sub3A_731 : vector<16xf32>
    %mul3A_733 = arith.constant -1.000000e+01 : f32
    %mul3A_734 = vector.broadcast %mul3A_733 : f32 to vector<16xf32>
    %mul3A_735 = arith.mulf %mul3A_734, %sub3A_732 : vector<16xf32>
    %exp3A_736 = math.exp %mul3A_735 : vector<16xf32>
    %add3A_737 = arith.constant 1.000000e+00 : f32
    %add3A_738 = vector.broadcast %add3A_737 : f32 to vector<16xf32>
    %add3A_739 = arith.addf %add3A_738, %exp3A_736 : vector<16xf32>
    %div3A_740 = arith.constant 1.000000e+00 : f32
    %div3A_741 = vector.broadcast %div3A_740 : f32 to vector<16xf32>
    %div3A_742 = arith.divf %div3A_741, %add3A_739 : vector<16xf32>
    %mul3A_743 = arith.constant 2.000000e+00 : f32
    %mul3A_744 = vector.broadcast %mul3A_743 : f32 to vector<16xf32>
    %mul3A_745 = arith.mulf %mul3A_744, %div3A_729 : vector<16xf32>
    %exp3A_746 = math.exp %mul3A_745 : vector<16xf32>
    %add3A_747 = arith.constant 1.000000e+00 : f32
    %add3A_748 = vector.broadcast %add3A_747 : f32 to vector<16xf32>
    %add3A_749 = arith.addf %exp3A_746, %add3A_748 : vector<16xf32>
    %div3A_750 = arith.constant 2.000000e+00 : f32
    %div3A_751 = vector.broadcast %div3A_750 : f32 to vector<16xf32>
    %div3A_752 = arith.divf %div3A_751, %add3A_749 : vector<16xf32>
    %sub3A_753 = arith.constant 1.000000e+00 : f32
    %sub3A_754 = vector.broadcast %sub3A_753 : f32 to vector<16xf32>
    %sub3A_755 = arith.subf %sub3A_754, %div3A_752 : vector<16xf32>
    %broadcast_in_dim3A_756 = arith.constant -1.89158643E-4 : f32
    %broadcast_in_dim3A_757 = vector.broadcast %broadcast_in_dim3A_756 : f32 to vector<16xf32>
    %mul3A_758 = arith.mulf %broadcast_in_dim3A_757, %div3A_729 : vector<16xf32>
    %add3A_759 = arith.constant 0.0022839664 : f32
    %add3A_760 = vector.broadcast %add3A_759 : f32 to vector<16xf32>
    %add3A_761 = arith.addf %mul3A_758, %add3A_760 : vector<16xf32>
    %mul3A_762 = arith.mulf %add3A_761, %div3A_729 : vector<16xf32>
    %add3A_763 = arith.constant -0.0124197342 : f32
    %add3A_764 = vector.broadcast %add3A_763 : f32 to vector<16xf32>
    %add3A_765 = arith.addf %mul3A_762, %add3A_764 : vector<16xf32>
    %mul3A_766 = arith.mulf %add3A_765, %div3A_729 : vector<16xf32>
    %add3A_767 = arith.constant 0.0407620892 : f32
    %add3A_768 = vector.broadcast %add3A_767 : f32 to vector<16xf32>
    %add3A_769 = arith.addf %mul3A_766, %add3A_768 : vector<16xf32>
    %mul3A_770 = arith.mulf %add3A_769, %div3A_729 : vector<16xf32>
    %add3A_771 = arith.constant -0.0923750102 : f32
    %add3A_772 = vector.broadcast %add3A_771 : f32 to vector<16xf32>
    %add3A_773 = arith.addf %mul3A_770, %add3A_772 : vector<16xf32>
    %mul3A_774 = arith.mulf %add3A_773, %div3A_729 : vector<16xf32>
    %add3A_775 = arith.constant 0.159971923 : f32
    %add3A_776 = vector.broadcast %add3A_775 : f32 to vector<16xf32>
    %add3A_777 = arith.addf %mul3A_774, %add3A_776 : vector<16xf32>
    %mul3A_778 = arith.mulf %add3A_777, %div3A_729 : vector<16xf32>
    %add3A_779 = arith.constant -0.235194117 : f32
    %add3A_780 = vector.broadcast %add3A_779 : f32 to vector<16xf32>
    %add3A_781 = arith.addf %mul3A_778, %add3A_780 : vector<16xf32>
    %mul3A_782 = arith.mulf %add3A_781, %div3A_729 : vector<16xf32>
    %add3A_783 = arith.constant 0.329887718 : f32
    %add3A_784 = vector.broadcast %add3A_783 : f32 to vector<16xf32>
    %add3A_785 = arith.addf %mul3A_782, %add3A_784 : vector<16xf32>
    %mul3A_786 = arith.mulf %add3A_785, %div3A_729 : vector<16xf32>
    %add3A_787 = arith.constant -0.499555558 : f32
    %add3A_788 = vector.broadcast %add3A_787 : f32 to vector<16xf32>
    %add3A_789 = arith.addf %mul3A_786, %add3A_788 : vector<16xf32>
    %mul3A_790 = arith.mulf %add3A_789, %div3A_729 : vector<16xf32>
    %add3A_791 = arith.constant 0.999974727 : f32
    %add3A_792 = vector.broadcast %add3A_791 : f32 to vector<16xf32>
    %add3A_793 = arith.addf %mul3A_790, %add3A_792 : vector<16xf32>
    %mul3A_794 = arith.mulf %add3A_793, %div3A_729 : vector<16xf32>
    %add3A_795 = arith.constant 3.59602097E-7 : f32
    %add3A_796 = vector.broadcast %add3A_795 : f32 to vector<16xf32>
    %add3A_797 = arith.addf %mul3A_794, %add3A_796 : vector<16xf32>
    %get3A_798 = arith.constant 32 : index
    %get3A_799 = tpu.vector_load %arg19[%get3A_798] {strides = array<i32>} : memref<512xf32, #tpu.memory_space<vmem>>, vector<16xf32>,
    %bitcast_convert_type3A_800 = tpu.bitcast %get3A_799 : vector<16xf32> -> vector<16xi32>
    %and3A_801 = arith.constant -65536 : i32
    %and3A_802 = vector.broadcast %and3A_801 : i32 to vector<16xi32>
    %and3A_803 = arith.andi %bitcast_convert_type3A_800, %and3A_802 : vector<16xi32>
    %bitcast_convert_type3A_804 = tpu.bitcast %and3A_803 : vector<16xi32> -> vector<16xf32>
    %shift_left3A_805 = arith.constant 16 : i32
    %shift_left3A_806 = vector.broadcast %shift_left3A_805 : i32 to vector<16xi32>
    %shift_left3A_807 = arith.shli %bitcast_convert_type3A_800, %shift_left3A_806 : vector<16xi32>
    %bitcast_convert_type3A_808 = tpu.bitcast %shift_left3A_807 : vector<16xi32> -> vector<16xf32>
    %sub3A_809 = arith.constant 1.000000e+00 : f32
    %sub3A_810 = vector.broadcast %sub3A_809 : f32 to vector<16xf32>
    %sub3A_811 = arith.subf %sub3A_810, %div3A_742 : vector<16xf32>
    %mul3A_812 = arith.mulf %sub3A_755, %bitcast_convert_type3A_804 : vector<16xf32>
    %mul3A_813 = arith.mulf %sub3A_811, %mul3A_812 : vector<16xf32>
    %mul3A_814 = arith.mulf %add3A_797, %bitcast_convert_type3A_808 : vector<16xf32>
    %mul3A_815 = arith.mulf %div3A_742, %mul3A_814 : vector<16xf32>
    %add3A_816 = arith.addf %mul3A_813, %mul3A_815 : vector<16xf32>
    %get3A_817 = arith.constant 32 : index
    %get3A_818 = tpu.vector_load %arg18[%get3A_817] {strides = array<i32>} : memref<512xf32, #tpu.memory_space<vmem>>, vector<16xf32>,
    %mul3A_819 = arith.mulf %get3A_818, %add3A_816 : vector<16xf32>
    %swap3A_820 = arith.constant 32 : index
    %swap3A_821 = tpu.vector_load %arg20[%swap3A_820] {strides = array<i32>} : memref<512xf32, #tpu.memory_space<vmem>>, vector<16xf32>,
    tpu.vector_store %arg20[%swap3A_820], %mul3A_819 {strides = array<i32>} : memref<512xf32, #tpu.memory_space<vmem>>, vector<16xf32>,
    %swap3A_822 = arith.constant 32 : index
    %swap3A_823 = tpu.vector_load %arg21[%swap3A_822] {strides = array<i32>} : memref<512xf32, #tpu.memory_space<vmem>>, vector<16xf32>,
    tpu.vector_store %arg21[%swap3A_822], %div3A_742 {strides = array<i32>} : memref<512xf32, #tpu.memory_space<vmem>>, vector<16xf32>,
    %swap3A_824 = arith.constant 32 : index
    %swap3A_825 = tpu.vector_load %arg22[%swap3A_824] {strides = array<i32>} : memref<512xf32, #tpu.memory_space<vmem>>, vector<16xf32>,
    tpu.vector_store %arg22[%swap3A_824], %add3A_816 {strides = array<i32>} : memref<512xf32, #tpu.memory_space<vmem>>, vector<16xf32>,
    %get3A_826 = arith.constant 48 : index
    %get3A_827 = tpu.vector_load %arg14[%get3A_826] {strides = array<i32>} : memref<512xi32, #tpu.memory_space<vmem>>, vector<16xi32>,
    %gather3A_828 = tpu.vector_load_idx %arg16[%get3A_827] : memref<200xf32, #tpu.memory_space<vmem>>[vector<16xi32>], vector<16xf32>,
    %get3A_829 = arith.constant 48 : index
    %get3A_830 = tpu.vector_load %arg15[%get3A_829] {strides = array<i32>} : memref<512xf32, #tpu.memory_space<vmem>>, vector<16xf32>,
    %add3A_831 = arith.constant 9.99999997E-7 : f32
    %add3A_832 = vector.broadcast %add3A_831 : f32 to vector<16xf32>
    %add3A_833 = arith.addf %gather3A_828, %add3A_832 : vector<16xf32>
    %div3A_834 = arith.divf %get3A_830, %add3A_833 : vector<16xf32>
    %sub3A_835 = arith.constant 1.000000e+00 : f32
    %sub3A_836 = vector.broadcast %sub3A_835 : f32 to vector<16xf32>
    %sub3A_837 = arith.subf %div3A_834, %sub3A_836 : vector<16xf32>
    %mul3A_838 = arith.constant -1.000000e+01 : f32
    %mul3A_839 = vector.broadcast %mul3A_838 : f32 to vector<16xf32>
    %mul3A_840 = arith.mulf %mul3A_839, %sub3A_837 : vector<16xf32>
    %exp3A_841 = math.exp %mul3A_840 : vector<16xf32>
    %add3A_842 = arith.constant 1.000000e+00 : f32
    %add3A_843 = vector.broadcast %add3A_842 : f32 to vector<16xf32>
    %add3A_844 = arith.addf %add3A_843, %exp3A_841 : vector<16xf32>
    %div3A_845 = arith.constant 1.000000e+00 : f32
    %div3A_846 = vector.broadcast %div3A_845 : f32 to vector<16xf32>
    %div3A_847 = arith.divf %div3A_846, %add3A_844 : vector<16xf32>
    %mul3A_848 = arith.constant 2.000000e+00 : f32
    %mul3A_849 = vector.broadcast %mul3A_848 : f32 to vector<16xf32>
    %mul3A_850 = arith.mulf %mul3A_849, %div3A_834 : vector<16xf32>
    %exp3A_851 = math.exp %mul3A_850 : vector<16xf32>
    %add3A_852 = arith.constant 1.000000e+00 : f32
    %add3A_853 = vector.broadcast %add3A_852 : f32 to vector<16xf32>
    %add3A_854 = arith.addf %exp3A_851, %add3A_853 : vector<16xf32>
    %div3A_855 = arith.constant 2.000000e+00 : f32
    %div3A_856 = vector.broadcast %div3A_855 : f32 to vector<16xf32>
    %div3A_857 = arith.divf %div3A_856, %add3A_854 : vector<16xf32>
    %sub3A_858 = arith.constant 1.000000e+00 : f32
    %sub3A_859 = vector.broadcast %sub3A_858 : f32 to vector<16xf32>
    %sub3A_860 = arith.subf %sub3A_859, %div3A_857 : vector<16xf32>
    %broadcast_in_dim3A_861 = arith.constant -1.89158643E-4 : f32
    %broadcast_in_dim3A_862 = vector.broadcast %broadcast_in_dim3A_861 : f32 to vector<16xf32>
    %mul3A_863 = arith.mulf %broadcast_in_dim3A_862, %div3A_834 : vector<16xf32>
    %add3A_864 = arith.constant 0.0022839664 : f32
    %add3A_865 = vector.broadcast %add3A_864 : f32 to vector<16xf32>
    %add3A_866 = arith.addf %mul3A_863, %add3A_865 : vector<16xf32>
    %mul3A_867 = arith.mulf %add3A_866, %div3A_834 : vector<16xf32>
    %add3A_868 = arith.constant -0.0124197342 : f32
    %add3A_869 = vector.broadcast %add3A_868 : f32 to vector<16xf32>
    %add3A_870 = arith.addf %mul3A_867, %add3A_869 : vector<16xf32>
    %mul3A_871 = arith.mulf %add3A_870, %div3A_834 : vector<16xf32>
    %add3A_872 = arith.constant 0.0407620892 : f32
    %add3A_873 = vector.broadcast %add3A_872 : f32 to vector<16xf32>
    %add3A_874 = arith.addf %mul3A_871, %add3A_873 : vector<16xf32>
    %mul3A_875 = arith.mulf %add3A_874, %div3A_834 : vector<16xf32>
    %add3A_876 = arith.constant -0.0923750102 : f32
    %add3A_877 = vector.broadcast %add3A_876 : f32 to vector<16xf32>
    %add3A_878 = arith.addf %mul3A_875, %add3A_877 : vector<16xf32>
    %mul3A_879 = arith.mulf %add3A_878, %div3A_834 : vector<16xf32>
    %add3A_880 = arith.constant 0.159971923 : f32
    %add3A_881 = vector.broadcast %add3A_880 : f32 to vector<16xf32>
    %add3A_882 = arith.addf %mul3A_879, %add3A_881 : vector<16xf32>
    %mul3A_883 = arith.mulf %add3A_882, %div3A_834 : vector<16xf32>
    %add3A_884 = arith.constant -0.235194117 : f32
    %add3A_885 = vector.broadcast %add3A_884 : f32 to vector<16xf32>
    %add3A_886 = arith.addf %mul3A_883, %add3A_885 : vector<16xf32>
    %mul3A_887 = arith.mulf %add3A_886, %div3A_834 : vector<16xf32>
    %add3A_888 = arith.constant 0.329887718 : f32
    %add3A_889 = vector.broadcast %add3A_888 : f32 to vector<16xf32>
    %add3A_890 = arith.addf %mul3A_887, %add3A_889 : vector<16xf32>
    %mul3A_891 = arith.mulf %add3A_890, %div3A_834 : vector<16xf32>
    %add3A_892 = arith.constant -0.499555558 : f32
    %add3A_893 = vector.broadcast %add3A_892 : f32 to vector<16xf32>
    %add3A_894 = arith.addf %mul3A_891, %add3A_893 : vector<16xf32>
    %mul3A_895 = arith.mulf %add3A_894, %div3A_834 : vector<16xf32>
    %add3A_896 = arith.constant 0.999974727 : f32
    %add3A_897 = vector.broadcast %add3A_896 : f32 to vector<16xf32>
    %add3A_898 = arith.addf %mul3A_895, %add3A_897 : vector<16xf32>
    %mul3A_899 = arith.mulf %add3A_898, %div3A_834 : vector<16xf32>
    %add3A_900 = arith.constant 3.59602097E-7 : f32
    %add3A_901 = vector.broadcast %add3A_900 : f32 to vector<16xf32>
    %add3A_902 = arith.addf %mul3A_899, %add3A_901 : vector<16xf32>
    %get3A_903 = arith.constant 48 : index
    %get3A_904 = tpu.vector_load %arg19[%get3A_903] {strides = array<i32>} : memref<512xf32, #tpu.memory_space<vmem>>, vector<16xf32>,
    %bitcast_convert_type3A_905 = tpu.bitcast %get3A_904 : vector<16xf32> -> vector<16xi32>
    %and3A_906 = arith.constant -65536 : i32
    %and3A_907 = vector.broadcast %and3A_906 : i32 to vector<16xi32>
    %and3A_908 = arith.andi %bitcast_convert_type3A_905, %and3A_907 : vector<16xi32>
    %bitcast_convert_type3A_909 = tpu.bitcast %and3A_908 : vector<16xi32> -> vector<16xf32>
    %shift_left3A_910 = arith.constant 16 : i32
    %shift_left3A_911 = vector.broadcast %shift_left3A_910 : i32 to vector<16xi32>
    %shift_left3A_912 = arith.shli %bitcast_convert_type3A_905, %shift_left3A_911 : vector<16xi32>
    %bitcast_convert_type3A_913 = tpu.bitcast %shift_left3A_912 : vector<16xi32> -> vector<16xf32>
    %sub3A_914 = arith.constant 1.000000e+00 : f32
    %sub3A_915 = vector.broadcast %sub3A_914 : f32 to vector<16xf32>
    %sub3A_916 = arith.subf %sub3A_915, %div3A_847 : vector<16xf32>
    %mul3A_917 = arith.mulf %sub3A_860, %bitcast_convert_type3A_909 : vector<16xf32>
    %mul3A_918 = arith.mulf %sub3A_916, %mul3A_917 : vector<16xf32>
    %mul3A_919 = arith.mulf %add3A_902, %bitcast_convert_type3A_913 : vector<16xf32>
    %mul3A_920 = arith.mulf %div3A_847, %mul3A_919 : vector<16xf32>
    %add3A_921 = arith.addf %mul3A_918, %mul3A_920 : vector<16xf32>
    %get3A_922 = arith.constant 48 : index
    %get3A_923 = tpu.vector_load %arg18[%get3A_922] {strides = array<i32>} : memref<512xf32, #tpu.memory_space<vmem>>, vector<16xf32>,
    %mul3A_924 = arith.mulf %get3A_923, %add3A_921 : vector<16xf32>
    %swap3A_925 = arith.constant 48 : index
    %swap3A_926 = tpu.vector_load %arg20[%swap3A_925] {strides = array<i32>} : memref<512xf32, #tpu.memory_space<vmem>>, vector<16xf32>,
    tpu.vector_store %arg20[%swap3A_925], %mul3A_924 {strides = array<i32>} : memref<512xf32, #tpu.memory_space<vmem>>, vector<16xf32>,
    %swap3A_927 = arith.constant 48 : index
    %swap3A_928 = tpu.vector_load %arg21[%swap3A_927] {strides = array<i32>} : memref<512xf32, #tpu.memory_space<vmem>>, vector<16xf32>,
    tpu.vector_store %arg21[%swap3A_927], %div3A_847 {strides = array<i32>} : memref<512xf32, #tpu.memory_space<vmem>>, vector<16xf32>,
    %swap3A_929 = arith.constant 48 : index
    %swap3A_930 = tpu.vector_load %arg22[%swap3A_929] {strides = array<i32>} : memref<512xf32, #tpu.memory_space<vmem>>, vector<16xf32>,
    tpu.vector_store %arg22[%swap3A_929], %add3A_921 {strides = array<i32>} : memref<512xf32, #tpu.memory_space<vmem>>, vector<16xf32>,
    %get3A_931 = arith.constant 64 : index
    %get3A_932 = tpu.vector_load %arg14[%get3A_931] {strides = array<i32>} : memref<512xi32, #tpu.memory_space<vmem>>, vector<16xi32>,
    %gather3A_933 = tpu.vector_load_idx %arg16[%get3A_932] : memref<200xf32, #tpu.memory_space<vmem>>[vector<16xi32>], vector<16xf32>,
    %get3A_934 = arith.constant 64 : index
    %get3A_935 = tpu.vector_load %arg15[%get3A_934] {strides = array<i32>} : memref<512xf32, #tpu.memory_space<vmem>>, vector<16xf32>,
    %add3A_936 = arith.constant 9.99999997E-7 : f32
    %add3A_937 = vector.broadcast %add3A_936 : f32 to vector<16xf32>
    %add3A_938 = arith.addf %gather3A_933, %add3A_937 : vector<16xf32>
    %div3A_939 = arith.divf %get3A_935, %add3A_938 : vector<16xf32>
    %sub3A_940 = arith.constant 1.000000e+00 : f32
    %sub3A_941 = vector.broadcast %sub3A_940 : f32 to vector<16xf32>
    %sub3A_942 = arith.subf %div3A_939, %sub3A_941 : vector<16xf32>
    %mul3A_943 = arith.constant -1.000000e+01 : f32
    %mul3A_944 = vector.broadcast %mul3A_943 : f32 to vector<16xf32>
    %mul3A_945 = arith.mulf %mul3A_944, %sub3A_942 : vector<16xf32>
    %exp3A_946 = math.exp %mul3A_945 : vector<16xf32>
    %add3A_947 = arith.constant 1.000000e+00 : f32
    %add3A_948 = vector.broadcast %add3A_947 : f32 to vector<16xf32>
    %add3A_949 = arith.addf %add3A_948, %exp3A_946 : vector<16xf32>
    %div3A_950 = arith.constant 1.000000e+00 : f32
    %div3A_951 = vector.broadcast %div3A_950 : f32 to vector<16xf32>
    %div3A_952 = arith.divf %div3A_951, %add3A_949 : vector<16xf32>
    %mul3A_953 = arith.constant 2.000000e+00 : f32
    %mul3A_954 = vector.broadcast %mul3A_953 : f32 to vector<16xf32>
    %mul3A_955 = arith.mulf %mul3A_954, %div3A_939 : vector<16xf32>
    %exp3A_956 = math.exp %mul3A_955 : vector<16xf32>
    %add3A_957 = arith.constant 1.000000e+00 : f32
    %add3A_958 = vector.broadcast %add3A_957 : f32 to vector<16xf32>
    %add3A_959 = arith.addf %exp3A_956, %add3A_958 : vector<16xf32>
    %div3A_960 = arith.constant 2.000000e+00 : f32
    %div3A_961 = vector.broadcast %div3A_960 : f32 to vector<16xf32>
    %div3A_962 = arith.divf %div3A_961, %add3A_959 : vector<16xf32>
    %sub3A_963 = arith.constant 1.000000e+00 : f32
    %sub3A_964 = vector.broadcast %sub3A_963 : f32 to vector<16xf32>
    %sub3A_965 = arith.subf %sub3A_964, %div3A_962 : vector<16xf32>
    %broadcast_in_dim3A_966 = arith.constant -1.89158643E-4 : f32
    %broadcast_in_dim3A_967 = vector.broadcast %broadcast_in_dim3A_966 : f32 to vector<16xf32>
    %mul3A_968 = arith.mulf %broadcast_in_dim3A_967, %div3A_939 : vector<16xf32>
    %add3A_969 = arith.constant 0.0022839664 : f32
    %add3A_970 = vector.broadcast %add3A_969 : f32 to vector<16xf32>
    %add3A_971 = arith.addf %mul3A_968, %add3A_970 : vector<16xf32>
    %mul3A_972 = arith.mulf %add3A_971, %div3A_939 : vector<16xf32>
    %add3A_973 = arith.constant -0.0124197342 : f32
    %add3A_974 = vector.broadcast %add3A_973 : f32 to vector<16xf32>
    %add3A_975 = arith.addf %mul3A_972, %add3A_974 : vector<16xf32>
    %mul3A_976 = arith.mulf %add3A_975, %div3A_939 : vector<16xf32>
    %add3A_977 = arith.constant 0.0407620892 : f32
    %add3A_978 = vector.broadcast %add3A_977 : f32 to vector<16xf32>
    %add3A_979 = arith.addf %mul3A_976, %add3A_978 : vector<16xf32>
    %mul3A_980 = arith.mulf %add3A_979, %div3A_939 : vector<16xf32>
    %add3A_981 = arith.constant -0.0923750102 : f32
    %add3A_982 = vector.broadcast %add3A_981 : f32 to vector<16xf32>
    %add3A_983 = arith.addf %mul3A_980, %add3A_982 : vector<16xf32>
    %mul3A_984 = arith.mulf %add3A_983, %div3A_939 : vector<16xf32>
    %add3A_985 = arith.constant 0.159971923 : f32
    %add3A_986 = vector.broadcast %add3A_985 : f32 to vector<16xf32>
    %add3A_987 = arith.addf %mul3A_984, %add3A_986 : vector<16xf32>
    %mul3A_988 = arith.mulf %add3A_987, %div3A_939 : vector<16xf32>
    %add3A_989 = arith.constant -0.235194117 : f32
    %add3A_990 = vector.broadcast %add3A_989 : f32 to vector<16xf32>
    %add3A_991 = arith.addf %mul3A_988, %add3A_990 : vector<16xf32>
    %mul3A_992 = arith.mulf %add3A_991, %div3A_939 : vector<16xf32>
    %add3A_993 = arith.constant 0.329887718 : f32
    %add3A_994 = vector.broadcast %add3A_993 : f32 to vector<16xf32>
    %add3A_995 = arith.addf %mul3A_992, %add3A_994 : vector<16xf32>
    %mul3A_996 = arith.mulf %add3A_995, %div3A_939 : vector<16xf32>
    %add3A_997 = arith.constant -0.499555558 : f32
    %add3A_998 = vector.broadcast %add3A_997 : f32 to vector<16xf32>
    %add3A_999 = arith.addf %mul3A_996, %add3A_998 : vector<16xf32>
    %mul3A_1000 = arith.mulf %add3A_999, %div3A_939 : vector<16xf32>
    %add3A_1001 = arith.constant 0.999974727 : f32
    %add3A_1002 = vector.broadcast %add3A_1001 : f32 to vector<16xf32>
    %add3A_1003 = arith.addf %mul3A_1000, %add3A_1002 : vector<16xf32>
    %mul3A_1004 = arith.mulf %add3A_1003, %div3A_939 : vector<16xf32>
    %add3A_1005 = arith.constant 3.59602097E-7 : f32
    %add3A_1006 = vector.broadcast %add3A_1005 : f32 to vector<16xf32>
    %add3A_1007 = arith.addf %mul3A_1004, %add3A_1006 : vector<16xf32>
    %get3A_1008 = arith.constant 64 : index
    %get3A_1009 = tpu.vector_load %arg19[%get3A_1008] {strides = array<i32>} : memref<512xf32, #tpu.memory_space<vmem>>, vector<16xf32>,
    %bitcast_convert_type3A_1010 = tpu.bitcast %get3A_1009 : vector<16xf32> -> vector<16xi32>
    %and3A_1011 = arith.constant -65536 : i32
    %and3A_1012 = vector.broadcast %and3A_1011 : i32 to vector<16xi32>
    %and3A_1013 = arith.andi %bitcast_convert_type3A_1010, %and3A_1012 : vector<16xi32>
    %bitcast_convert_type3A_1014 = tpu.bitcast %and3A_1013 : vector<16xi32> -> vector<16xf32>
    %shift_left3A_1015 = arith.constant 16 : i32
    %shift_left3A_1016 = vector.broadcast %shift_left3A_1015 : i32 to vector<16xi32>
    %shift_left3A_1017 = arith.shli %bitcast_convert_type3A_1010, %shift_left3A_1016 : vector<16xi32>
    %bitcast_convert_type3A_1018 = tpu.bitcast %shift_left3A_1017 : vector<16xi32> -> vector<16xf32>
    %sub3A_1019 = arith.constant 1.000000e+00 : f32
    %sub3A_1020 = vector.broadcast %sub3A_1019 : f32 to vector<16xf32>
    %sub3A_1021 = arith.subf %sub3A_1020, %div3A_952 : vector<16xf32>
    %mul3A_1022 = arith.mulf %sub3A_965, %bitcast_convert_type3A_1014 : vector<16xf32>
    %mul3A_1023 = arith.mulf %sub3A_1021, %mul3A_1022 : vector<16xf32>
    %mul3A_1024 = arith.mulf %add3A_1007, %bitcast_convert_type3A_1018 : vector<16xf32>
    %mul3A_1025 = arith.mulf %div3A_952, %mul3A_1024 : vector<16xf32>
    %add3A_1026 = arith.addf %mul3A_1023, %mul3A_1025 : vector<16xf32>
    %get3A_1027 = arith.constant 64 : index
    %get3A_1028 = tpu.vector_load %arg18[%get3A_1027] {strides = array<i32>} : memref<512xf32, #tpu.memory_space<vmem>>, vector<16xf32>,
    %mul3A_1029 = arith.mulf %get3A_1028, %add3A_1026 : vector<16xf32>
    %swap3A_1030 = arith.constant 64 : index
    %swap3A_1031 = tpu.vector_load %arg20[%swap3A_1030] {strides = array<i32>} : memref<512xf32, #tpu.memory_space<vmem>>, vector<16xf32>,
    tpu.vector_store %arg20[%swap3A_1030], %mul3A_1029 {strides = array<i32>} : memref<512xf32, #tpu.memory_space<vmem>>, vector<16xf32>,
    %swap3A_1032 = arith.constant 64 : index
    %swap3A_1033 = tpu.vector_load %arg21[%swap3A_1032] {strides = array<i32>} : memref<512xf32, #tpu.memory_space<vmem>>, vector<16xf32>,
    tpu.vector_store %arg21[%swap3A_1032], %div3A_952 {strides = array<i32>} : memref<512xf32, #tpu.memory_space<vmem>>, vector<16xf32>,
    %swap3A_1034 = arith.constant 64 : index
    %swap3A_1035 = tpu.vector_load %arg22[%swap3A_1034] {strides = array<i32>} : memref<512xf32, #tpu.memory_space<vmem>>, vector<16xf32>,
    tpu.vector_store %arg22[%swap3A_1034], %add3A_1026 {strides = array<i32>} : memref<512xf32, #tpu.memory_space<vmem>>, vector<16xf32>,
    %get3A_1036 = arith.constant 80 : index
    %get3A_1037 = tpu.vector_load %arg14[%get3A_1036] {strides = array<i32>} : memref<512xi32, #tpu.memory_space<vmem>>, vector<16xi32>,
    %gather3A_1038 = tpu.vector_load_idx %arg16[%get3A_1037] : memref<200xf32, #tpu.memory_space<vmem>>[vector<16xi32>], vector<16xf32>,
    %get3A_1039 = arith.constant 80 : index
    %get3A_1040 = tpu.vector_load %arg15[%get3A_1039] {strides = array<i32>} : memref<512xf32, #tpu.memory_space<vmem>>, vector<16xf32>,
    %add3A_1041 = arith.constant 9.99999997E-7 : f32
    %add3A_1042 = vector.broadcast %add3A_1041 : f32 to vector<16xf32>
    %add3A_1043 = arith.addf %gather3A_1038, %add3A_1042 : vector<16xf32>
    %div3A_1044 = arith.divf %get3A_1040, %add3A_1043 : vector<16xf32>
    %sub3A_1045 = arith.constant 1.000000e+00 : f32
    %sub3A_1046 = vector.broadcast %sub3A_1045 : f32 to vector<16xf32>
    %sub3A_1047 = arith.subf %div3A_1044, %sub3A_1046 : vector<16xf32>
    %mul3A_1048 = arith.constant -1.000000e+01 : f32
    %mul3A_1049 = vector.broadcast %mul3A_1048 : f32 to vector<16xf32>
    %mul3A_1050 = arith.mulf %mul3A_1049, %sub3A_1047 : vector<16xf32>
    %exp3A_1051 = math.exp %mul3A_1050 : vector<16xf32>
    %add3A_1052 = arith.constant 1.000000e+00 : f32
    %add3A_1053 = vector.broadcast %add3A_1052 : f32 to vector<16xf32>
    %add3A_1054 = arith.addf %add3A_1053, %exp3A_1051 : vector<16xf32>
    %div3A_1055 = arith.constant 1.000000e+00 : f32
    %div3A_1056 = vector.broadcast %div3A_1055 : f32 to vector<16xf32>
    %div3A_1057 = arith.divf %div3A_1056, %add3A_1054 : vector<16xf32>
    %mul3A_1058 = arith.constant 2.000000e+00 : f32
    %mul3A_1059 = vector.broadcast %mul3A_1058 : f32 to vector<16xf32>
    %mul3A_1060 = arith.mulf %mul3A_1059, %div3A_1044 : vector<16xf32>
    %exp3A_1061 = math.exp %mul3A_1060 : vector<16xf32>
    %add3A_1062 = arith.constant 1.000000e+00 : f32
    %add3A_1063 = vector.broadcast %add3A_1062 : f32 to vector<16xf32>
    %add3A_1064 = arith.addf %exp3A_1061, %add3A_1063 : vector<16xf32>
    %div3A_1065 = arith.constant 2.000000e+00 : f32
    %div3A_1066 = vector.broadcast %div3A_1065 : f32 to vector<16xf32>
    %div3A_1067 = arith.divf %div3A_1066, %add3A_1064 : vector<16xf32>
    %sub3A_1068 = arith.constant 1.000000e+00 : f32
    %sub3A_1069 = vector.broadcast %sub3A_1068 : f32 to vector<16xf32>
    %sub3A_1070 = arith.subf %sub3A_1069, %div3A_1067 : vector<16xf32>
    %broadcast_in_dim3A_1071 = arith.constant -1.89158643E-4 : f32
    %broadcast_in_dim3A_1072 = vector.broadcast %broadcast_in_dim3A_1071 : f32 to vector<16xf32>
    %mul3A_1073 = arith.mulf %broadcast_in_dim3A_1072, %div3A_1044 : vector<16xf32>
    %add3A_1074 = arith.constant 0.0022839664 : f32
    %add3A_1075 = vector.broadcast %add3A_1074 : f32 to vector<16xf32>
    %add3A_1076 = arith.addf %mul3A_1073, %add3A_1075 : vector<16xf32>
    %mul3A_1077 = arith.mulf %add3A_1076, %div3A_1044 : vector<16xf32>
    %add3A_1078 = arith.constant -0.0124197342 : f32
    %add3A_1079 = vector.broadcast %add3A_1078 : f32 to vector<16xf32>
    %add3A_1080 = arith.addf %mul3A_1077, %add3A_1079 : vector<16xf32>
    %mul3A_1081 = arith.mulf %add3A_1080, %div3A_1044 : vector<16xf32>
    %add3A_1082 = arith.constant 0.0407620892 : f32
    %add3A_1083 = vector.broadcast %add3A_1082 : f32 to vector<16xf32>
    %add3A_1084 = arith.addf %mul3A_1081, %add3A_1083 : vector<16xf32>
    %mul3A_1085 = arith.mulf %add3A_1084, %div3A_1044 : vector<16xf32>
    %add3A_1086 = arith.constant -0.0923750102 : f32
    %add3A_1087 = vector.broadcast %add3A_1086 : f32 to vector<16xf32>
    %add3A_1088 = arith.addf %mul3A_1085, %add3A_1087 : vector<16xf32>
    %mul3A_1089 = arith.mulf %add3A_1088, %div3A_1044 : vector<16xf32>
    %add3A_1090 = arith.constant 0.159971923 : f32
    %add3A_1091 = vector.broadcast %add3A_1090 : f32 to vector<16xf32>
    %add3A_1092 = arith.addf %mul3A_1089, %add3A_1091 : vector<16xf32>
    %mul3A_1093 = arith.mulf %add3A_1092, %div3A_1044 : vector<16xf32>
    %add3A_1094 = arith.constant -0.235194117 : f32
    %add3A_1095 = vector.broadcast %add3A_1094 : f32 to vector<16xf32>
    %add3A_1096 = arith.addf %mul3A_1093, %add3A_1095 : vector<16xf32>
    %mul3A_1097 = arith.mulf %add3A_1096, %div3A_1044 : vector<16xf32>
    %add3A_1098 = arith.constant 0.329887718 : f32
    %add3A_1099 = vector.broadcast %add3A_1098 : f32 to vector<16xf32>
    %add3A_1100 = arith.addf %mul3A_1097, %add3A_1099 : vector<16xf32>
    %mul3A_1101 = arith.mulf %add3A_1100, %div3A_1044 : vector<16xf32>
    %add3A_1102 = arith.constant -0.499555558 : f32
    %add3A_1103 = vector.broadcast %add3A_1102 : f32 to vector<16xf32>
    %add3A_1104 = arith.addf %mul3A_1101, %add3A_1103 : vector<16xf32>
    %mul3A_1105 = arith.mulf %add3A_1104, %div3A_1044 : vector<16xf32>
    %add3A_1106 = arith.constant 0.999974727 : f32
    %add3A_1107 = vector.broadcast %add3A_1106 : f32 to vector<16xf32>
    %add3A_1108 = arith.addf %mul3A_1105, %add3A_1107 : vector<16xf32>
    %mul3A_1109 = arith.mulf %add3A_1108, %div3A_1044 : vector<16xf32>
    %add3A_1110 = arith.constant 3.59602097E-7 : f32
    %add3A_1111 = vector.broadcast %add3A_1110 : f32 to vector<16xf32>
    %add3A_1112 = arith.addf %mul3A_1109, %add3A_1111 : vector<16xf32>
    %get3A_1113 = arith.constant 80 : index
    %get3A_1114 = tpu.vector_load %arg19[%get3A_1113] {strides = array<i32>} : memref<512xf32, #tpu.memory_space<vmem>>, vector<16xf32>,
    %bitcast_convert_type3A_1115 = tpu.bitcast %get3A_1114 : vector<16xf32> -> vector<16xi32>
    %and3A_1116 = arith.constant -65536 : i32
    %and3A_1117 = vector.broadcast %and3A_1116 : i32 to vector<16xi32>
    %and3A_1118 = arith.andi %bitcast_convert_type3A_1115, %and3A_1117 : vector<16xi32>
    %bitcast_convert_type3A_1119 = tpu.bitcast %and3A_1118 : vector<16xi32> -> vector<16xf32>
    %shift_left3A_1120 = arith.constant 16 : i32
    %shift_left3A_1121 = vector.broadcast %shift_left3A_1120 : i32 to vector<16xi32>
    %shift_left3A_1122 = arith.shli %bitcast_convert_type3A_1115, %shift_left3A_1121 : vector<16xi32>
    %bitcast_convert_type3A_1123 = tpu.bitcast %shift_left3A_1122 : vector<16xi32> -> vector<16xf32>
    %sub3A_1124 = arith.constant 1.000000e+00 : f32
    %sub3A_1125 = vector.broadcast %sub3A_1124 : f32 to vector<16xf32>
    %sub3A_1126 = arith.subf %sub3A_1125, %div3A_1057 : vector<16xf32>
    %mul3A_1127 = arith.mulf %sub3A_1070, %bitcast_convert_type3A_1119 : vector<16xf32>
    %mul3A_1128 = arith.mulf %sub3A_1126, %mul3A_1127 : vector<16xf32>
    %mul3A_1129 = arith.mulf %add3A_1112, %bitcast_convert_type3A_1123 : vector<16xf32>
    %mul3A_1130 = arith.mulf %div3A_1057, %mul3A_1129 : vector<16xf32>
    %add3A_1131 = arith.addf %mul3A_1128, %mul3A_1130 : vector<16xf32>
    %get3A_1132 = arith.constant 80 : index
    %get3A_1133 = tpu.vector_load %arg18[%get3A_1132] {strides = array<i32>} : memref<512xf32, #tpu.memory_space<vmem>>, vector<16xf32>,
    %mul3A_1134 = arith.mulf %get3A_1133, %add3A_1131 : vector<16xf32>
    %swap3A_1135 = arith.constant 80 : index
    %swap3A_1136 = tpu.vector_load %arg20[%swap3A_1135] {strides = array<i32>} : memref<512xf32, #tpu.memory_space<vmem>>, vector<16xf32>,
    tpu.vector_store %arg20[%swap3A_1135], %mul3A_1134 {strides = array<i32>} : memref<512xf32, #tpu.memory_space<vmem>>, vector<16xf32>,
    %swap3A_1137 = arith.constant 80 : index
    %swap3A_1138 = tpu.vector_load %arg21[%swap3A_1137] {strides = array<i32>} : memref<512xf32, #tpu.memory_space<vmem>>, vector<16xf32>,
    tpu.vector_store %arg21[%swap3A_1137], %div3A_1057 {strides = array<i32>} : memref<512xf32, #tpu.memory_space<vmem>>, vector<16xf32>,
    %swap3A_1139 = arith.constant 80 : index
    %swap3A_1140 = tpu.vector_load %arg22[%swap3A_1139] {strides = array<i32>} : memref<512xf32, #tpu.memory_space<vmem>>, vector<16xf32>,
    tpu.vector_store %arg22[%swap3A_1139], %add3A_1131 {strides = array<i32>} : memref<512xf32, #tpu.memory_space<vmem>>, vector<16xf32>,
    %get3A_1141 = arith.constant 96 : index
    %get3A_1142 = tpu.vector_load %arg14[%get3A_1141] {strides = array<i32>} : memref<512xi32, #tpu.memory_space<vmem>>, vector<16xi32>,
    %gather3A_1143 = tpu.vector_load_idx %arg16[%get3A_1142] : memref<200xf32, #tpu.memory_space<vmem>>[vector<16xi32>], vector<16xf32>,
    %get3A_1144 = arith.constant 96 : index
    %get3A_1145 = tpu.vector_load %arg15[%get3A_1144] {strides = array<i32>} : memref<512xf32, #tpu.memory_space<vmem>>, vector<16xf32>,
    %add3A_1146 = arith.constant 9.99999997E-7 : f32
    %add3A_1147 = vector.broadcast %add3A_1146 : f32 to vector<16xf32>
    %add3A_1148 = arith.addf %gather3A_1143, %add3A_1147 : vector<16xf32>
    %div3A_1149 = arith.divf %get3A_1145, %add3A_1148 : vector<16xf32>
    %sub3A_1150 = arith.constant 1.000000e+00 : f32
    %sub3A_1151 = vector.broadcast %sub3A_1150 : f32 to vector<16xf32>
    %sub3A_1152 = arith.subf %div3A_1149, %sub3A_1151 : vector<16xf32>
    %mul3A_1153 = arith.constant -1.000000e+01 : f32
    %mul3A_1154 = vector.broadcast %mul3A_1153 : f32 to vector<16xf32>
    %mul3A_1155 = arith.mulf %mul3A_1154, %sub3A_1152 : vector<16xf32>
    %exp3A_1156 = math.exp %mul3A_1155 : vector<16xf32>
    %add3A_1157 = arith.constant 1.000000e+00 : f32
    %add3A_1158 = vector.broadcast %add3A_1157 : f32 to vector<16xf32>
    %add3A_1159 = arith.addf %add3A_1158, %exp3A_1156 : vector<16xf32>
    %div3A_1160 = arith.constant 1.000000e+00 : f32
    %div3A_1161 = vector.broadcast %div3A_1160 : f32 to vector<16xf32>
    %div3A_1162 = arith.divf %div3A_1161, %add3A_1159 : vector<16xf32>
    %mul3A_1163 = arith.constant 2.000000e+00 : f32
    %mul3A_1164 = vector.broadcast %mul3A_1163 : f32 to vector<16xf32>
    %mul3A_1165 = arith.mulf %mul3A_1164, %div3A_1149 : vector<16xf32>
    %exp3A_1166 = math.exp %mul3A_1165 : vector<16xf32>
    %add3A_1167 = arith.constant 1.000000e+00 : f32
    %add3A_1168 = vector.broadcast %add3A_1167 : f32 to vector<16xf32>
    %add3A_1169 = arith.addf %exp3A_1166, %add3A_1168 : vector<16xf32>
    %div3A_1170 = arith.constant 2.000000e+00 : f32
    %div3A_1171 = vector.broadcast %div3A_1170 : f32 to vector<16xf32>
    %div3A_1172 = arith.divf %div3A_1171, %add3A_1169 : vector<16xf32>
    %sub3A_1173 = arith.constant 1.000000e+00 : f32
    %sub3A_1174 = vector.broadcast %sub3A_1173 : f32 to vector<16xf32>
    %sub3A_1175 = arith.subf %sub3A_1174, %div3A_1172 : vector<16xf32>
    %broadcast_in_dim3A_1176 = arith.constant -1.89158643E-4 : f32
    %broadcast_in_dim3A_1177 = vector.broadcast %broadcast_in_dim3A_1176 : f32 to vector<16xf32>
    %mul3A_1178 = arith.mulf %broadcast_in_dim3A_1177, %div3A_1149 : vector<16xf32>
    %add3A_1179 = arith.constant 0.0022839664 : f32
    %add3A_1180 = vector.broadcast %add3A_1179 : f32 to vector<16xf32>
    %add3A_1181 = arith.addf %mul3A_1178, %add3A_1180 : vector<16xf32>
    %mul3A_1182 = arith.mulf %add3A_1181, %div3A_1149 : vector<16xf32>
    %add3A_1183 = arith.constant -0.0124197342 : f32
    %add3A_1184 = vector.broadcast %add3A_1183 : f32 to vector<16xf32>
    %add3A_1185 = arith.addf %mul3A_1182, %add3A_1184 : vector<16xf32>
    %mul3A_1186 = arith.mulf %add3A_1185, %div3A_1149 : vector<16xf32>
    %add3A_1187 = arith.constant 0.0407620892 : f32
    %add3A_1188 = vector.broadcast %add3A_1187 : f32 to vector<16xf32>
    %add3A_1189 = arith.addf %mul3A_1186, %add3A_1188 : vector<16xf32>
    %mul3A_1190 = arith.mulf %add3A_1189, %div3A_1149 : vector<16xf32>
    %add3A_1191 = arith.constant -0.0923750102 : f32
    %add3A_1192 = vector.broadcast %add3A_1191 : f32 to vector<16xf32>
    %add3A_1193 = arith.addf %mul3A_1190, %add3A_1192 : vector<16xf32>
    %mul3A_1194 = arith.mulf %add3A_1193, %div3A_1149 : vector<16xf32>
    %add3A_1195 = arith.constant 0.159971923 : f32
    %add3A_1196 = vector.broadcast %add3A_1195 : f32 to vector<16xf32>
    %add3A_1197 = arith.addf %mul3A_1194, %add3A_1196 : vector<16xf32>
    %mul3A_1198 = arith.mulf %add3A_1197, %div3A_1149 : vector<16xf32>
    %add3A_1199 = arith.constant -0.235194117 : f32
    %add3A_1200 = vector.broadcast %add3A_1199 : f32 to vector<16xf32>
    %add3A_1201 = arith.addf %mul3A_1198, %add3A_1200 : vector<16xf32>
    %mul3A_1202 = arith.mulf %add3A_1201, %div3A_1149 : vector<16xf32>
    %add3A_1203 = arith.constant 0.329887718 : f32
    %add3A_1204 = vector.broadcast %add3A_1203 : f32 to vector<16xf32>
    %add3A_1205 = arith.addf %mul3A_1202, %add3A_1204 : vector<16xf32>
    %mul3A_1206 = arith.mulf %add3A_1205, %div3A_1149 : vector<16xf32>
    %add3A_1207 = arith.constant -0.499555558 : f32
    %add3A_1208 = vector.broadcast %add3A_1207 : f32 to vector<16xf32>
    %add3A_1209 = arith.addf %mul3A_1206, %add3A_1208 : vector<16xf32>
    %mul3A_1210 = arith.mulf %add3A_1209, %div3A_1149 : vector<16xf32>
    %add3A_1211 = arith.constant 0.999974727 : f32
    %add3A_1212 = vector.broadcast %add3A_1211 : f32 to vector<16xf32>
    %add3A_1213 = arith.addf %mul3A_1210, %add3A_1212 : vector<16xf32>
    %mul3A_1214 = arith.mulf %add3A_1213, %div3A_1149 : vector<16xf32>
    %add3A_1215 = arith.constant 3.59602097E-7 : f32
    %add3A_1216 = vector.broadcast %add3A_1215 : f32 to vector<16xf32>
    %add3A_1217 = arith.addf %mul3A_1214, %add3A_1216 : vector<16xf32>
    %get3A_1218 = arith.constant 96 : index
    %get3A_1219 = tpu.vector_load %arg19[%get3A_1218] {strides = array<i32>} : memref<512xf32, #tpu.memory_space<vmem>>, vector<16xf32>,
    %bitcast_convert_type3A_1220 = tpu.bitcast %get3A_1219 : vector<16xf32> -> vector<16xi32>
    %and3A_1221 = arith.constant -65536 : i32
    %and3A_1222 = vector.broadcast %and3A_1221 : i32 to vector<16xi32>
    %and3A_1223 = arith.andi %bitcast_convert_type3A_1220, %and3A_1222 : vector<16xi32>
    %bitcast_convert_type3A_1224 = tpu.bitcast %and3A_1223 : vector<16xi32> -> vector<16xf32>
    %shift_left3A_1225 = arith.constant 16 : i32
    %shift_left3A_1226 = vector.broadcast %shift_left3A_1225 : i32 to vector<16xi32>
    %shift_left3A_1227 = arith.shli %bitcast_convert_type3A_1220, %shift_left3A_1226 : vector<16xi32>
    %bitcast_convert_type3A_1228 = tpu.bitcast %shift_left3A_1227 : vector<16xi32> -> vector<16xf32>
    %sub3A_1229 = arith.constant 1.000000e+00 : f32
    %sub3A_1230 = vector.broadcast %sub3A_1229 : f32 to vector<16xf32>
    %sub3A_1231 = arith.subf %sub3A_1230, %div3A_1162 : vector<16xf32>
    %mul3A_1232 = arith.mulf %sub3A_1175, %bitcast_convert_type3A_1224 : vector<16xf32>
    %mul3A_1233 = arith.mulf %sub3A_1231, %mul3A_1232 : vector<16xf32>
    %mul3A_1234 = arith.mulf %add3A_1217, %bitcast_convert_type3A_1228 : vector<16xf32>
    %mul3A_1235 = arith.mulf %div3A_1162, %mul3A_1234 : vector<16xf32>
    %add3A_1236 = arith.addf %mul3A_1233, %mul3A_1235 : vector<16xf32>
    %get3A_1237 = arith.constant 96 : index
    %get3A_1238 = tpu.vector_load %arg18[%get3A_1237] {strides = array<i32>} : memref<512xf32, #tpu.memory_space<vmem>>, vector<16xf32>,
    %mul3A_1239 = arith.mulf %get3A_1238, %add3A_1236 : vector<16xf32>
    %swap3A_1240 = arith.constant 96 : index
    %swap3A_1241 = tpu.vector_load %arg20[%swap3A_1240] {strides = array<i32>} : memref<512xf32, #tpu.memory_space<vmem>>, vector<16xf32>,
    tpu.vector_store %arg20[%swap3A_1240], %mul3A_1239 {strides = array<i32>} : memref<512xf32, #tpu.memory_space<vmem>>, vector<16xf32>,
    %swap3A_1242 = arith.constant 96 : index
    %swap3A_1243 = tpu.vector_load %arg21[%swap3A_1242] {strides = array<i32>} : memref<512xf32, #tpu.memory_space<vmem>>, vector<16xf32>,
    tpu.vector_store %arg21[%swap3A_1242], %div3A_1162 {strides = array<i32>} : memref<512xf32, #tpu.memory_space<vmem>>, vector<16xf32>,
    %swap3A_1244 = arith.constant 96 : index
    %swap3A_1245 = tpu.vector_load %arg22[%swap3A_1244] {strides = array<i32>} : memref<512xf32, #tpu.memory_space<vmem>>, vector<16xf32>,
    tpu.vector_store %arg22[%swap3A_1244], %add3A_1236 {strides = array<i32>} : memref<512xf32, #tpu.memory_space<vmem>>, vector<16xf32>,
    %get3A_1246 = arith.constant 112 : index
    %get3A_1247 = tpu.vector_load %arg14[%get3A_1246] {strides = array<i32>} : memref<512xi32, #tpu.memory_space<vmem>>, vector<16xi32>,
    %gather3A_1248 = tpu.vector_load_idx %arg16[%get3A_1247] : memref<200xf32, #tpu.memory_space<vmem>>[vector<16xi32>], vector<16xf32>,
    %get3A_1249 = arith.constant 112 : index
    %get3A_1250 = tpu.vector_load %arg15[%get3A_1249] {strides = array<i32>} : memref<512xf32, #tpu.memory_space<vmem>>, vector<16xf32>,
    %add3A_1251 = arith.constant 9.99999997E-7 : f32
    %add3A_1252 = vector.broadcast %add3A_1251 : f32 to vector<16xf32>
    %add3A_1253 = arith.addf %gather3A_1248, %add3A_1252 : vector<16xf32>
    %div3A_1254 = arith.divf %get3A_1250, %add3A_1253 : vector<16xf32>
    %sub3A_1255 = arith.constant 1.000000e+00 : f32
    %sub3A_1256 = vector.broadcast %sub3A_1255 : f32 to vector<16xf32>
    %sub3A_1257 = arith.subf %div3A_1254, %sub3A_1256 : vector<16xf32>
    %mul3A_1258 = arith.constant -1.000000e+01 : f32
    %mul3A_1259 = vector.broadcast %mul3A_1258 : f32 to vector<16xf32>
    %mul3A_1260 = arith.mulf %mul3A_1259, %sub3A_1257 : vector<16xf32>
    %exp3A_1261 = math.exp %mul3A_1260 : vector<16xf32>
    %add3A_1262 = arith.constant 1.000000e+00 : f32
    %add3A_1263 = vector.broadcast %add3A_1262 : f32 to vector<16xf32>
    %add3A_1264 = arith.addf %add3A_1263, %exp3A_1261 : vector<16xf32>
    %div3A_1265 = arith.constant 1.000000e+00 : f32
    %div3A_1266 = vector.broadcast %div3A_1265 : f32 to vector<16xf32>
    %div3A_1267 = arith.divf %div3A_1266, %add3A_1264 : vector<16xf32>
    %mul3A_1268 = arith.constant 2.000000e+00 : f32
    %mul3A_1269 = vector.broadcast %mul3A_1268 : f32 to vector<16xf32>
    %mul3A_1270 = arith.mulf %mul3A_1269, %div3A_1254 : vector<16xf32>
    %exp3A_1271 = math.exp %mul3A_1270 : vector<16xf32>
    %add3A_1272 = arith.constant 1.000000e+00 : f32
    %add3A_1273 = vector.broadcast %add3A_1272 : f32 to vector<16xf32>
    %add3A_1274 = arith.addf %exp3A_1271, %add3A_1273 : vector<16xf32>
    %div3A_1275 = arith.constant 2.000000e+00 : f32
    %div3A_1276 = vector.broadcast %div3A_1275 : f32 to vector<16xf32>
    %div3A_1277 = arith.divf %div3A_1276, %add3A_1274 : vector<16xf32>
    %sub3A_1278 = arith.constant 1.000000e+00 : f32
    %sub3A_1279 = vector.broadcast %sub3A_1278 : f32 to vector<16xf32>
    %sub3A_1280 = arith.subf %sub3A_1279, %div3A_1277 : vector<16xf32>
    %broadcast_in_dim3A_1281 = arith.constant -1.89158643E-4 : f32
    %broadcast_in_dim3A_1282 = vector.broadcast %broadcast_in_dim3A_1281 : f32 to vector<16xf32>
    %mul3A_1283 = arith.mulf %broadcast_in_dim3A_1282, %div3A_1254 : vector<16xf32>
    %add3A_1284 = arith.constant 0.0022839664 : f32
    %add3A_1285 = vector.broadcast %add3A_1284 : f32 to vector<16xf32>
    %add3A_1286 = arith.addf %mul3A_1283, %add3A_1285 : vector<16xf32>
    %mul3A_1287 = arith.mulf %add3A_1286, %div3A_1254 : vector<16xf32>
    %add3A_1288 = arith.constant -0.0124197342 : f32
    %add3A_1289 = vector.broadcast %add3A_1288 : f32 to vector<16xf32>
    %add3A_1290 = arith.addf %mul3A_1287, %add3A_1289 : vector<16xf32>
    %mul3A_1291 = arith.mulf %add3A_1290, %div3A_1254 : vector<16xf32>
    %add3A_1292 = arith.constant 0.0407620892 : f32
    %add3A_1293 = vector.broadcast %add3A_1292 : f32 to vector<16xf32>
    %add3A_1294 = arith.addf %mul3A_1291, %add3A_1293 : vector<16xf32>
    %mul3A_1295 = arith.mulf %add3A_1294, %div3A_1254 : vector<16xf32>
    %add3A_1296 = arith.constant -0.0923750102 : f32
    %add3A_1297 = vector.broadcast %add3A_1296 : f32 to vector<16xf32>
    %add3A_1298 = arith.addf %mul3A_1295, %add3A_1297 : vector<16xf32>
    %mul3A_1299 = arith.mulf %add3A_1298, %div3A_1254 : vector<16xf32>
    %add3A_1300 = arith.constant 0.159971923 : f32
    %add3A_1301 = vector.broadcast %add3A_1300 : f32 to vector<16xf32>
    %add3A_1302 = arith.addf %mul3A_1299, %add3A_1301 : vector<16xf32>
    %mul3A_1303 = arith.mulf %add3A_1302, %div3A_1254 : vector<16xf32>
    %add3A_1304 = arith.constant -0.235194117 : f32
    %add3A_1305 = vector.broadcast %add3A_1304 : f32 to vector<16xf32>
    %add3A_1306 = arith.addf %mul3A_1303, %add3A_1305 : vector<16xf32>
    %mul3A_1307 = arith.mulf %add3A_1306, %div3A_1254 : vector<16xf32>
    %add3A_1308 = arith.constant 0.329887718 : f32
    %add3A_1309 = vector.broadcast %add3A_1308 : f32 to vector<16xf32>
    %add3A_1310 = arith.addf %mul3A_1307, %add3A_1309 : vector<16xf32>
    %mul3A_1311 = arith.mulf %add3A_1310, %div3A_1254 : vector<16xf32>
    %add3A_1312 = arith.constant -0.499555558 : f32
    %add3A_1313 = vector.broadcast %add3A_1312 : f32 to vector<16xf32>
    %add3A_1314 = arith.addf %mul3A_1311, %add3A_1313 : vector<16xf32>
    %mul3A_1315 = arith.mulf %add3A_1314, %div3A_1254 : vector<16xf32>
    %add3A_1316 = arith.constant 0.999974727 : f32
    %add3A_1317 = vector.broadcast %add3A_1316 : f32 to vector<16xf32>
    %add3A_1318 = arith.addf %mul3A_1315, %add3A_1317 : vector<16xf32>
    %mul3A_1319 = arith.mulf %add3A_1318, %div3A_1254 : vector<16xf32>
    %add3A_1320 = arith.constant 3.59602097E-7 : f32
    %add3A_1321 = vector.broadcast %add3A_1320 : f32 to vector<16xf32>
    %add3A_1322 = arith.addf %mul3A_1319, %add3A_1321 : vector<16xf32>
    %get3A_1323 = arith.constant 112 : index
    %get3A_1324 = tpu.vector_load %arg19[%get3A_1323] {strides = array<i32>} : memref<512xf32, #tpu.memory_space<vmem>>, vector<16xf32>,
    %bitcast_convert_type3A_1325 = tpu.bitcast %get3A_1324 : vector<16xf32> -> vector<16xi32>
    %and3A_1326 = arith.constant -65536 : i32
    %and3A_1327 = vector.broadcast %and3A_1326 : i32 to vector<16xi32>
    %and3A_1328 = arith.andi %bitcast_convert_type3A_1325, %and3A_1327 : vector<16xi32>
    %bitcast_convert_type3A_1329 = tpu.bitcast %and3A_1328 : vector<16xi32> -> vector<16xf32>
    %shift_left3A_1330 = arith.constant 16 : i32
    %shift_left3A_1331 = vector.broadcast %shift_left3A_1330 : i32 to vector<16xi32>
    %shift_left3A_1332 = arith.shli %bitcast_convert_type3A_1325, %shift_left3A_1331 : vector<16xi32>
    %bitcast_convert_type3A_1333 = tpu.bitcast %shift_left3A_1332 : vector<16xi32> -> vector<16xf32>
    %sub3A_1334 = arith.constant 1.000000e+00 : f32
    %sub3A_1335 = vector.broadcast %sub3A_1334 : f32 to vector<16xf32>
    %sub3A_1336 = arith.subf %sub3A_1335, %div3A_1267 : vector<16xf32>
    %mul3A_1337 = arith.mulf %sub3A_1280, %bitcast_convert_type3A_1329 : vector<16xf32>
    %mul3A_1338 = arith.mulf %sub3A_1336, %mul3A_1337 : vector<16xf32>
    %mul3A_1339 = arith.mulf %add3A_1322, %bitcast_convert_type3A_1333 : vector<16xf32>
    %mul3A_1340 = arith.mulf %div3A_1267, %mul3A_1339 : vector<16xf32>
    %add3A_1341 = arith.addf %mul3A_1338, %mul3A_1340 : vector<16xf32>
    %get3A_1342 = arith.constant 112 : index
    %get3A_1343 = tpu.vector_load %arg18[%get3A_1342] {strides = array<i32>} : memref<512xf32, #tpu.memory_space<vmem>>, vector<16xf32>,
    %mul3A_1344 = arith.mulf %get3A_1343, %add3A_1341 : vector<16xf32>
    %swap3A_1345 = arith.constant 112 : index
    %swap3A_1346 = tpu.vector_load %arg20[%swap3A_1345] {strides = array<i32>} : memref<512xf32, #tpu.memory_space<vmem>>, vector<16xf32>,
    tpu.vector_store %arg20[%swap3A_1345], %mul3A_1344 {strides = array<i32>} : memref<512xf32, #tpu.memory_space<vmem>>, vector<16xf32>,
    %swap3A_1347 = arith.constant 112 : index
    %swap3A_1348 = tpu.vector_load %arg21[%swap3A_1347] {strides = array<i32>} : memref<512xf32, #tpu.memory_space<vmem>>, vector<16xf32>,
    tpu.vector_store %arg21[%swap3A_1347], %div3A_1267 {strides = array<i32>} : memref<512xf32, #tpu.memory_space<vmem>>, vector<16xf32>,
    %swap3A_1349 = arith.constant 112 : index
    %swap3A_1350 = tpu.vector_load %arg22[%swap3A_1349] {strides = array<i32>} : memref<512xf32, #tpu.memory_space<vmem>>, vector<16xf32>,
    tpu.vector_store %arg22[%swap3A_1349], %add3A_1341 {strides = array<i32>} : memref<512xf32, #tpu.memory_space<vmem>>, vector<16xf32>,
    %get3A_1351 = arith.constant 128 : index
    %get3A_1352 = tpu.vector_load %arg14[%get3A_1351] {strides = array<i32>} : memref<512xi32, #tpu.memory_space<vmem>>, vector<16xi32>,
    %gather3A_1353 = tpu.vector_load_idx %arg16[%get3A_1352] : memref<200xf32, #tpu.memory_space<vmem>>[vector<16xi32>], vector<16xf32>,
    %get3A_1354 = arith.constant 128 : index
    %get3A_1355 = tpu.vector_load %arg15[%get3A_1354] {strides = array<i32>} : memref<512xf32, #tpu.memory_space<vmem>>, vector<16xf32>,
    %add3A_1356 = arith.constant 9.99999997E-7 : f32
    %add3A_1357 = vector.broadcast %add3A_1356 : f32 to vector<16xf32>
    %add3A_1358 = arith.addf %gather3A_1353, %add3A_1357 : vector<16xf32>
    %div3A_1359 = arith.divf %get3A_1355, %add3A_1358 : vector<16xf32>
    %sub3A_1360 = arith.constant 1.000000e+00 : f32
    %sub3A_1361 = vector.broadcast %sub3A_1360 : f32 to vector<16xf32>
    %sub3A_1362 = arith.subf %div3A_1359, %sub3A_1361 : vector<16xf32>
    %mul3A_1363 = arith.constant -1.000000e+01 : f32
    %mul3A_1364 = vector.broadcast %mul3A_1363 : f32 to vector<16xf32>
    %mul3A_1365 = arith.mulf %mul3A_1364, %sub3A_1362 : vector<16xf32>
    %exp3A_1366 = math.exp %mul3A_1365 : vector<16xf32>
    %add3A_1367 = arith.constant 1.000000e+00 : f32
    %add3A_1368 = vector.broadcast %add3A_1367 : f32 to vector<16xf32>
    %add3A_1369 = arith.addf %add3A_1368, %exp3A_1366 : vector<16xf32>
    %div3A_1370 = arith.constant 1.000000e+00 : f32
    %div3A_1371 = vector.broadcast %div3A_1370 : f32 to vector<16xf32>
    %div3A_1372 = arith.divf %div3A_1371, %add3A_1369 : vector<16xf32>
    %mul3A_1373 = arith.constant 2.000000e+00 : f32
    %mul3A_1374 = vector.broadcast %mul3A_1373 : f32 to vector<16xf32>
    %mul3A_1375 = arith.mulf %mul3A_1374, %div3A_1359 : vector<16xf32>
    %exp3A_1376 = math.exp %mul3A_1375 : vector<16xf32>
    %add3A_1377 = arith.constant 1.000000e+00 : f32
    %add3A_1378 = vector.broadcast %add3A_1377 : f32 to vector<16xf32>
    %add3A_1379 = arith.addf %exp3A_1376, %add3A_1378 : vector<16xf32>
    %div3A_1380 = arith.constant 2.000000e+00 : f32
    %div3A_1381 = vector.broadcast %div3A_1380 : f32 to vector<16xf32>
    %div3A_1382 = arith.divf %div3A_1381, %add3A_1379 : vector<16xf32>
    %sub3A_1383 = arith.constant 1.000000e+00 : f32
    %sub3A_1384 = vector.broadcast %sub3A_1383 : f32 to vector<16xf32>
    %sub3A_1385 = arith.subf %sub3A_1384, %div3A_1382 : vector<16xf32>
    %broadcast_in_dim3A_1386 = arith.constant -1.89158643E-4 : f32
    %broadcast_in_dim3A_1387 = vector.broadcast %broadcast_in_dim3A_1386 : f32 to vector<16xf32>
    %mul3A_1388 = arith.mulf %broadcast_in_dim3A_1387, %div3A_1359 : vector<16xf32>
    %add3A_1389 = arith.constant 0.0022839664 : f32
    %add3A_1390 = vector.broadcast %add3A_1389 : f32 to vector<16xf32>
    %add3A_1391 = arith.addf %mul3A_1388, %add3A_1390 : vector<16xf32>
    %mul3A_1392 = arith.mulf %add3A_1391, %div3A_1359 : vector<16xf32>
    %add3A_1393 = arith.constant -0.0124197342 : f32
    %add3A_1394 = vector.broadcast %add3A_1393 : f32 to vector<16xf32>
    %add3A_1395 = arith.addf %mul3A_1392, %add3A_1394 : vector<16xf32>
    %mul3A_1396 = arith.mulf %add3A_1395, %div3A_1359 : vector<16xf32>
    %add3A_1397 = arith.constant 0.0407620892 : f32
    %add3A_1398 = vector.broadcast %add3A_1397 : f32 to vector<16xf32>
    %add3A_1399 = arith.addf %mul3A_1396, %add3A_1398 : vector<16xf32>
    %mul3A_1400 = arith.mulf %add3A_1399, %div3A_1359 : vector<16xf32>
    %add3A_1401 = arith.constant -0.0923750102 : f32
    %add3A_1402 = vector.broadcast %add3A_1401 : f32 to vector<16xf32>
    %add3A_1403 = arith.addf %mul3A_1400, %add3A_1402 : vector<16xf32>
    %mul3A_1404 = arith.mulf %add3A_1403, %div3A_1359 : vector<16xf32>
    %add3A_1405 = arith.constant 0.159971923 : f32
    %add3A_1406 = vector.broadcast %add3A_1405 : f32 to vector<16xf32>
    %add3A_1407 = arith.addf %mul3A_1404, %add3A_1406 : vector<16xf32>
    %mul3A_1408 = arith.mulf %add3A_1407, %div3A_1359 : vector<16xf32>
    %add3A_1409 = arith.constant -0.235194117 : f32
    %add3A_1410 = vector.broadcast %add3A_1409 : f32 to vector<16xf32>
    %add3A_1411 = arith.addf %mul3A_1408, %add3A_1410 : vector<16xf32>
    %mul3A_1412 = arith.mulf %add3A_1411, %div3A_1359 : vector<16xf32>
    %add3A_1413 = arith.constant 0.329887718 : f32
    %add3A_1414 = vector.broadcast %add3A_1413 : f32 to vector<16xf32>
    %add3A_1415 = arith.addf %mul3A_1412, %add3A_1414 : vector<16xf32>
    %mul3A_1416 = arith.mulf %add3A_1415, %div3A_1359 : vector<16xf32>
    %add3A_1417 = arith.constant -0.499555558 : f32
    %add3A_1418 = vector.broadcast %add3A_1417 : f32 to vector<16xf32>
    %add3A_1419 = arith.addf %mul3A_1416, %add3A_1418 : vector<16xf32>
    %mul3A_1420 = arith.mulf %add3A_1419, %div3A_1359 : vector<16xf32>
    %add3A_1421 = arith.constant 0.999974727 : f32
    %add3A_1422 = vector.broadcast %add3A_1421 : f32 to vector<16xf32>
    %add3A_1423 = arith.addf %mul3A_1420, %add3A_1422 : vector<16xf32>
    %mul3A_1424 = arith.mulf %add3A_1423, %div3A_1359 : vector<16xf32>
    %add3A_1425 = arith.constant 3.59602097E-7 : f32
    %add3A_1426 = vector.broadcast %add3A_1425 : f32 to vector<16xf32>
    %add3A_1427 = arith.addf %mul3A_1424, %add3A_1426 : vector<16xf32>
    %get3A_1428 = arith.constant 128 : index
    %get3A_1429 = tpu.vector_load %arg19[%get3A_1428] {strides = array<i32>} : memref<512xf32, #tpu.memory_space<vmem>>, vector<16xf32>,
    %bitcast_convert_type3A_1430 = tpu.bitcast %get3A_1429 : vector<16xf32> -> vector<16xi32>
    %and3A_1431 = arith.constant -65536 : i32
    %and3A_1432 = vector.broadcast %and3A_1431 : i32 to vector<16xi32>
    %and3A_1433 = arith.andi %bitcast_convert_type3A_1430, %and3A_1432 : vector<16xi32>
    %bitcast_convert_type3A_1434 = tpu.bitcast %and3A_1433 : vector<16xi32> -> vector<16xf32>
    %shift_left3A_1435 = arith.constant 16 : i32
    %shift_left3A_1436 = vector.broadcast %shift_left3A_1435 : i32 to vector<16xi32>
    %shift_left3A_1437 = arith.shli %bitcast_convert_type3A_1430, %shift_left3A_1436 : vector<16xi32>
    %bitcast_convert_type3A_1438 = tpu.bitcast %shift_left3A_1437 : vector<16xi32> -> vector<16xf32>
    %sub3A_1439 = arith.constant 1.000000e+00 : f32
    %sub3A_1440 = vector.broadcast %sub3A_1439 : f32 to vector<16xf32>
    %sub3A_1441 = arith.subf %sub3A_1440, %div3A_1372 : vector<16xf32>
    %mul3A_1442 = arith.mulf %sub3A_1385, %bitcast_convert_type3A_1434 : vector<16xf32>
    %mul3A_1443 = arith.mulf %sub3A_1441, %mul3A_1442 : vector<16xf32>
    %mul3A_1444 = arith.mulf %add3A_1427, %bitcast_convert_type3A_1438 : vector<16xf32>
    %mul3A_1445 = arith.mulf %div3A_1372, %mul3A_1444 : vector<16xf32>
    %add3A_1446 = arith.addf %mul3A_1443, %mul3A_1445 : vector<16xf32>
    %get3A_1447 = arith.constant 128 : index
    %get3A_1448 = tpu.vector_load %arg18[%get3A_1447] {strides = array<i32>} : memref<512xf32, #tpu.memory_space<vmem>>, vector<16xf32>,
    %mul3A_1449 = arith.mulf %get3A_1448, %add3A_1446 : vector<16xf32>
    %swap3A_1450 = arith.constant 128 : index
    %swap3A_1451 = tpu.vector_load %arg20[%swap3A_1450] {strides = array<i32>} : memref<512xf32, #tpu.memory_space<vmem>>, vector<16xf32>,
    tpu.vector_store %arg20[%swap3A_1450], %mul3A_1449 {strides = array<i32>} : memref<512xf32, #tpu.memory_space<vmem>>, vector<16xf32>,
    %swap3A_1452 = arith.constant 128 : index
    %swap3A_1453 = tpu.vector_load %arg21[%swap3A_1452] {strides = array<i32>} : memref<512xf32, #tpu.memory_space<vmem>>, vector<16xf32>,
    tpu.vector_store %arg21[%swap3A_1452], %div3A_1372 {strides = array<i32>} : memref<512xf32, #tpu.memory_space<vmem>>, vector<16xf32>,
    %swap3A_1454 = arith.constant 128 : index
    %swap3A_1455 = tpu.vector_load %arg22[%swap3A_1454] {strides = array<i32>} : memref<512xf32, #tpu.memory_space<vmem>>, vector<16xf32>,
    tpu.vector_store %arg22[%swap3A_1454], %add3A_1446 {strides = array<i32>} : memref<512xf32, #tpu.memory_space<vmem>>, vector<16xf32>,
    %get3A_1456 = arith.constant 144 : index
    %get3A_1457 = tpu.vector_load %arg14[%get3A_1456] {strides = array<i32>} : memref<512xi32, #tpu.memory_space<vmem>>, vector<16xi32>,
    %gather3A_1458 = tpu.vector_load_idx %arg16[%get3A_1457] : memref<200xf32, #tpu.memory_space<vmem>>[vector<16xi32>], vector<16xf32>,
    %get3A_1459 = arith.constant 144 : index
    %get3A_1460 = tpu.vector_load %arg15[%get3A_1459] {strides = array<i32>} : memref<512xf32, #tpu.memory_space<vmem>>, vector<16xf32>,
    %add3A_1461 = arith.constant 9.99999997E-7 : f32
    %add3A_1462 = vector.broadcast %add3A_1461 : f32 to vector<16xf32>
    %add3A_1463 = arith.addf %gather3A_1458, %add3A_1462 : vector<16xf32>
    %div3A_1464 = arith.divf %get3A_1460, %add3A_1463 : vector<16xf32>
    %sub3A_1465 = arith.constant 1.000000e+00 : f32
    %sub3A_1466 = vector.broadcast %sub3A_1465 : f32 to vector<16xf32>
    %sub3A_1467 = arith.subf %div3A_1464, %sub3A_1466 : vector<16xf32>
    %mul3A_1468 = arith.constant -1.000000e+01 : f32
    %mul3A_1469 = vector.broadcast %mul3A_1468 : f32 to vector<16xf32>
    %mul3A_1470 = arith.mulf %mul3A_1469, %sub3A_1467 : vector<16xf32>
    %exp3A_1471 = math.exp %mul3A_1470 : vector<16xf32>
    %add3A_1472 = arith.constant 1.000000e+00 : f32
    %add3A_1473 = vector.broadcast %add3A_1472 : f32 to vector<16xf32>
    %add3A_1474 = arith.addf %add3A_1473, %exp3A_1471 : vector<16xf32>
    %div3A_1475 = arith.constant 1.000000e+00 : f32
    %div3A_1476 = vector.broadcast %div3A_1475 : f32 to vector<16xf32>
    %div3A_1477 = arith.divf %div3A_1476, %add3A_1474 : vector<16xf32>
    %mul3A_1478 = arith.constant 2.000000e+00 : f32
    %mul3A_1479 = vector.broadcast %mul3A_1478 : f32 to vector<16xf32>
    %mul3A_1480 = arith.mulf %mul3A_1479, %div3A_1464 : vector<16xf32>
    %exp3A_1481 = math.exp %mul3A_1480 : vector<16xf32>
    %add3A_1482 = arith.constant 1.000000e+00 : f32
    %add3A_1483 = vector.broadcast %add3A_1482 : f32 to vector<16xf32>
    %add3A_1484 = arith.addf %exp3A_1481, %add3A_1483 : vector<16xf32>
    %div3A_1485 = arith.constant 2.000000e+00 : f32
    %div3A_1486 = vector.broadcast %div3A_1485 : f32 to vector<16xf32>
    %div3A_1487 = arith.divf %div3A_1486, %add3A_1484 : vector<16xf32>
    %sub3A_1488 = arith.constant 1.000000e+00 : f32
    %sub3A_1489 = vector.broadcast %sub3A_1488 : f32 to vector<16xf32>
    %sub3A_1490 = arith.subf %sub3A_1489, %div3A_1487 : vector<16xf32>
    %broadcast_in_dim3A_1491 = arith.constant -1.89158643E-4 : f32
    %broadcast_in_dim3A_1492 = vector.broadcast %broadcast_in_dim3A_1491 : f32 to vector<16xf32>
    %mul3A_1493 = arith.mulf %broadcast_in_dim3A_1492, %div3A_1464 : vector<16xf32>
    %add3A_1494 = arith.constant 0.0022839664 : f32
    %add3A_1495 = vector.broadcast %add3A_1494 : f32 to vector<16xf32>
    %add3A_1496 = arith.addf %mul3A_1493, %add3A_1495 : vector<16xf32>
    %mul3A_1497 = arith.mulf %add3A_1496, %div3A_1464 : vector<16xf32>
    %add3A_1498 = arith.constant -0.0124197342 : f32
    %add3A_1499 = vector.broadcast %add3A_1498 : f32 to vector<16xf32>
    %add3A_1500 = arith.addf %mul3A_1497, %add3A_1499 : vector<16xf32>
    %mul3A_1501 = arith.mulf %add3A_1500, %div3A_1464 : vector<16xf32>
    %add3A_1502 = arith.constant 0.0407620892 : f32
    %add3A_1503 = vector.broadcast %add3A_1502 : f32 to vector<16xf32>
    %add3A_1504 = arith.addf %mul3A_1501, %add3A_1503 : vector<16xf32>
    %mul3A_1505 = arith.mulf %add3A_1504, %div3A_1464 : vector<16xf32>
    %add3A_1506 = arith.constant -0.0923750102 : f32
    %add3A_1507 = vector.broadcast %add3A_1506 : f32 to vector<16xf32>
    %add3A_1508 = arith.addf %mul3A_1505, %add3A_1507 : vector<16xf32>
    %mul3A_1509 = arith.mulf %add3A_1508, %div3A_1464 : vector<16xf32>
    %add3A_1510 = arith.constant 0.159971923 : f32
    %add3A_1511 = vector.broadcast %add3A_1510 : f32 to vector<16xf32>
    %add3A_1512 = arith.addf %mul3A_1509, %add3A_1511 : vector<16xf32>
    %mul3A_1513 = arith.mulf %add3A_1512, %div3A_1464 : vector<16xf32>
    %add3A_1514 = arith.constant -0.235194117 : f32
    %add3A_1515 = vector.broadcast %add3A_1514 : f32 to vector<16xf32>
    %add3A_1516 = arith.addf %mul3A_1513, %add3A_1515 : vector<16xf32>
    %mul3A_1517 = arith.mulf %add3A_1516, %div3A_1464 : vector<16xf32>
    %add3A_1518 = arith.constant 0.329887718 : f32
    %add3A_1519 = vector.broadcast %add3A_1518 : f32 to vector<16xf32>
    %add3A_1520 = arith.addf %mul3A_1517, %add3A_1519 : vector<16xf32>
    %mul3A_1521 = arith.mulf %add3A_1520, %div3A_1464 : vector<16xf32>
    %add3A_1522 = arith.constant -0.499555558 : f32
    %add3A_1523 = vector.broadcast %add3A_1522 : f32 to vector<16xf32>
    %add3A_1524 = arith.addf %mul3A_1521, %add3A_1523 : vector<16xf32>
    %mul3A_1525 = arith.mulf %add3A_1524, %div3A_1464 : vector<16xf32>
    %add3A_1526 = arith.constant 0.999974727 : f32
    %add3A_1527 = vector.broadcast %add3A_1526 : f32 to vector<16xf32>
    %add3A_1528 = arith.addf %mul3A_1525, %add3A_1527 : vector<16xf32>
    %mul3A_1529 = arith.mulf %add3A_1528, %div3A_1464 : vector<16xf32>
    %add3A_1530 = arith.constant 3.59602097E-7 : f32
    %add3A_1531 = vector.broadcast %add3A_1530 : f32 to vector<16xf32>
    %add3A_1532 = arith.addf %mul3A_1529, %add3A_1531 : vector<16xf32>
    %get3A_1533 = arith.constant 144 : index
    %get3A_1534 = tpu.vector_load %arg19[%get3A_1533] {strides = array<i32>} : memref<512xf32, #tpu.memory_space<vmem>>, vector<16xf32>,
    %bitcast_convert_type3A_1535 = tpu.bitcast %get3A_1534 : vector<16xf32> -> vector<16xi32>
    %and3A_1536 = arith.constant -65536 : i32
    %and3A_1537 = vector.broadcast %and3A_1536 : i32 to vector<16xi32>
    %and3A_1538 = arith.andi %bitcast_convert_type3A_1535, %and3A_1537 : vector<16xi32>
    %bitcast_convert_type3A_1539 = tpu.bitcast %and3A_1538 : vector<16xi32> -> vector<16xf32>
    %shift_left3A_1540 = arith.constant 16 : i32
    %shift_left3A_1541 = vector.broadcast %shift_left3A_1540 : i32 to vector<16xi32>
    %shift_left3A_1542 = arith.shli %bitcast_convert_type3A_1535, %shift_left3A_1541 : vector<16xi32>
    %bitcast_convert_type3A_1543 = tpu.bitcast %shift_left3A_1542 : vector<16xi32> -> vector<16xf32>
    %sub3A_1544 = arith.constant 1.000000e+00 : f32
    %sub3A_1545 = vector.broadcast %sub3A_1544 : f32 to vector<16xf32>
    %sub3A_1546 = arith.subf %sub3A_1545, %div3A_1477 : vector<16xf32>
    %mul3A_1547 = arith.mulf %sub3A_1490, %bitcast_convert_type3A_1539 : vector<16xf32>
    %mul3A_1548 = arith.mulf %sub3A_1546, %mul3A_1547 : vector<16xf32>
    %mul3A_1549 = arith.mulf %add3A_1532, %bitcast_convert_type3A_1543 : vector<16xf32>
    %mul3A_1550 = arith.mulf %div3A_1477, %mul3A_1549 : vector<16xf32>
    %add3A_1551 = arith.addf %mul3A_1548, %mul3A_1550 : vector<16xf32>
    %get3A_1552 = arith.constant 144 : index
    %get3A_1553 = tpu.vector_load %arg18[%get3A_1552] {strides = array<i32>} : memref<512xf32, #tpu.memory_space<vmem>>, vector<16xf32>,
    %mul3A_1554 = arith.mulf %get3A_1553, %add3A_1551 : vector<16xf32>
    %swap3A_1555 = arith.constant 144 : index
    %swap3A_1556 = tpu.vector_load %arg20[%swap3A_1555] {strides = array<i32>} : memref<512xf32, #tpu.memory_space<vmem>>, vector<16xf32>,
    tpu.vector_store %arg20[%swap3A_1555], %mul3A_1554 {strides = array<i32>} : memref<512xf32, #tpu.memory_space<vmem>>, vector<16xf32>,
    %swap3A_1557 = arith.constant 144 : index
    %swap3A_1558 = tpu.vector_load %arg21[%swap3A_1557] {strides = array<i32>} : memref<512xf32, #tpu.memory_space<vmem>>, vector<16xf32>,
    tpu.vector_store %arg21[%swap3A_1557], %div3A_1477 {strides = array<i32>} : memref<512xf32, #tpu.memory_space<vmem>>, vector<16xf32>,
    %swap3A_1559 = arith.constant 144 : index
    %swap3A_1560 = tpu.vector_load %arg22[%swap3A_1559] {strides = array<i32>} : memref<512xf32, #tpu.memory_space<vmem>>, vector<16xf32>,
    tpu.vector_store %arg22[%swap3A_1559], %add3A_1551 {strides = array<i32>} : memref<512xf32, #tpu.memory_space<vmem>>, vector<16xf32>,
    %get3A_1561 = arith.constant 160 : index
    %get3A_1562 = tpu.vector_load %arg14[%get3A_1561] {strides = array<i32>} : memref<512xi32, #tpu.memory_space<vmem>>, vector<16xi32>,
    %gather3A_1563 = tpu.vector_load_idx %arg16[%get3A_1562] : memref<200xf32, #tpu.memory_space<vmem>>[vector<16xi32>], vector<16xf32>,
    %get3A_1564 = arith.constant 160 : index
    %get3A_1565 = tpu.vector_load %arg15[%get3A_1564] {strides = array<i32>} : memref<512xf32, #tpu.memory_space<vmem>>, vector<16xf32>,
    %add3A_1566 = arith.constant 9.99999997E-7 : f32
    %add3A_1567 = vector.broadcast %add3A_1566 : f32 to vector<16xf32>
    %add3A_1568 = arith.addf %gather3A_1563, %add3A_1567 : vector<16xf32>
    %div3A_1569 = arith.divf %get3A_1565, %add3A_1568 : vector<16xf32>
    %sub3A_1570 = arith.constant 1.000000e+00 : f32
    %sub3A_1571 = vector.broadcast %sub3A_1570 : f32 to vector<16xf32>
    %sub3A_1572 = arith.subf %div3A_1569, %sub3A_1571 : vector<16xf32>
    %mul3A_1573 = arith.constant -1.000000e+01 : f32
    %mul3A_1574 = vector.broadcast %mul3A_1573 : f32 to vector<16xf32>
    %mul3A_1575 = arith.mulf %mul3A_1574, %sub3A_1572 : vector<16xf32>
    %exp3A_1576 = math.exp %mul3A_1575 : vector<16xf32>
    %add3A_1577 = arith.constant 1.000000e+00 : f32
    %add3A_1578 = vector.broadcast %add3A_1577 : f32 to vector<16xf32>
    %add3A_1579 = arith.addf %add3A_1578, %exp3A_1576 : vector<16xf32>
    %div3A_1580 = arith.constant 1.000000e+00 : f32
    %div3A_1581 = vector.broadcast %div3A_1580 : f32 to vector<16xf32>
    %div3A_1582 = arith.divf %div3A_1581, %add3A_1579 : vector<16xf32>
    %mul3A_1583 = arith.constant 2.000000e+00 : f32
    %mul3A_1584 = vector.broadcast %mul3A_1583 : f32 to vector<16xf32>
    %mul3A_1585 = arith.mulf %mul3A_1584, %div3A_1569 : vector<16xf32>
    %exp3A_1586 = math.exp %mul3A_1585 : vector<16xf32>
    %add3A_1587 = arith.constant 1.000000e+00 : f32
    %add3A_1588 = vector.broadcast %add3A_1587 : f32 to vector<16xf32>
    %add3A_1589 = arith.addf %exp3A_1586, %add3A_1588 : vector<16xf32>
    %div3A_1590 = arith.constant 2.000000e+00 : f32
    %div3A_1591 = vector.broadcast %div3A_1590 : f32 to vector<16xf32>
    %div3A_1592 = arith.divf %div3A_1591, %add3A_1589 : vector<16xf32>
    %sub3A_1593 = arith.constant 1.000000e+00 : f32
    %sub3A_1594 = vector.broadcast %sub3A_1593 : f32 to vector<16xf32>
    %sub3A_1595 = arith.subf %sub3A_1594, %div3A_1592 : vector<16xf32>
    %broadcast_in_dim3A_1596 = arith.constant -1.89158643E-4 : f32
    %broadcast_in_dim3A_1597 = vector.broadcast %broadcast_in_dim3A_1596 : f32 to vector<16xf32>
    %mul3A_1598 = arith.mulf %broadcast_in_dim3A_1597, %div3A_1569 : vector<16xf32>
    %add3A_1599 = arith.constant 0.0022839664 : f32
    %add3A_1600 = vector.broadcast %add3A_1599 : f32 to vector<16xf32>
    %add3A_1601 = arith.addf %mul3A_1598, %add3A_1600 : vector<16xf32>
    %mul3A_1602 = arith.mulf %add3A_1601, %div3A_1569 : vector<16xf32>
    %add3A_1603 = arith.constant -0.0124197342 : f32
    %add3A_1604 = vector.broadcast %add3A_1603 : f32 to vector<16xf32>
    %add3A_1605 = arith.addf %mul3A_1602, %add3A_1604 : vector<16xf32>
    %mul3A_1606 = arith.mulf %add3A_1605, %div3A_1569 : vector<16xf32>
    %add3A_1607 = arith.constant 0.0407620892 : f32
    %add3A_1608 = vector.broadcast %add3A_1607 : f32 to vector<16xf32>
    %add3A_1609 = arith.addf %mul3A_1606, %add3A_1608 : vector<16xf32>
    %mul3A_1610 = arith.mulf %add3A_1609, %div3A_1569 : vector<16xf32>
    %add3A_1611 = arith.constant -0.0923750102 : f32
    %add3A_1612 = vector.broadcast %add3A_1611 : f32 to vector<16xf32>
    %add3A_1613 = arith.addf %mul3A_1610, %add3A_1612 : vector<16xf32>
    %mul3A_1614 = arith.mulf %add3A_1613, %div3A_1569 : vector<16xf32>
    %add3A_1615 = arith.constant 0.159971923 : f32
    %add3A_1616 = vector.broadcast %add3A_1615 : f32 to vector<16xf32>
    %add3A_1617 = arith.addf %mul3A_1614, %add3A_1616 : vector<16xf32>
    %mul3A_1618 = arith.mulf %add3A_1617, %div3A_1569 : vector<16xf32>
    %add3A_1619 = arith.constant -0.235194117 : f32
    %add3A_1620 = vector.broadcast %add3A_1619 : f32 to vector<16xf32>
    %add3A_1621 = arith.addf %mul3A_1618, %add3A_1620 : vector<16xf32>
    %mul3A_1622 = arith.mulf %add3A_1621, %div3A_1569 : vector<16xf32>
    %add3A_1623 = arith.constant 0.329887718 : f32
    %add3A_1624 = vector.broadcast %add3A_1623 : f32 to vector<16xf32>
    %add3A_1625 = arith.addf %mul3A_1622, %add3A_1624 : vector<16xf32>
    %mul3A_1626 = arith.mulf %add3A_1625, %div3A_1569 : vector<16xf32>
    %add3A_1627 = arith.constant -0.499555558 : f32
    %add3A_1628 = vector.broadcast %add3A_1627 : f32 to vector<16xf32>
    %add3A_1629 = arith.addf %mul3A_1626, %add3A_1628 : vector<16xf32>
    %mul3A_1630 = arith.mulf %add3A_1629, %div3A_1569 : vector<16xf32>
    %add3A_1631 = arith.constant 0.999974727 : f32
    %add3A_1632 = vector.broadcast %add3A_1631 : f32 to vector<16xf32>
    %add3A_1633 = arith.addf %mul3A_1630, %add3A_1632 : vector<16xf32>
    %mul3A_1634 = arith.mulf %add3A_1633, %div3A_1569 : vector<16xf32>
    %add3A_1635 = arith.constant 3.59602097E-7 : f32
    %add3A_1636 = vector.broadcast %add3A_1635 : f32 to vector<16xf32>
    %add3A_1637 = arith.addf %mul3A_1634, %add3A_1636 : vector<16xf32>
    %get3A_1638 = arith.constant 160 : index
    %get3A_1639 = tpu.vector_load %arg19[%get3A_1638] {strides = array<i32>} : memref<512xf32, #tpu.memory_space<vmem>>, vector<16xf32>,
    %bitcast_convert_type3A_1640 = tpu.bitcast %get3A_1639 : vector<16xf32> -> vector<16xi32>
    %and3A_1641 = arith.constant -65536 : i32
    %and3A_1642 = vector.broadcast %and3A_1641 : i32 to vector<16xi32>
    %and3A_1643 = arith.andi %bitcast_convert_type3A_1640, %and3A_1642 : vector<16xi32>
    %bitcast_convert_type3A_1644 = tpu.bitcast %and3A_1643 : vector<16xi32> -> vector<16xf32>
    %shift_left3A_1645 = arith.constant 16 : i32
    %shift_left3A_1646 = vector.broadcast %shift_left3A_1645 : i32 to vector<16xi32>
    %shift_left3A_1647 = arith.shli %bitcast_convert_type3A_1640, %shift_left3A_1646 : vector<16xi32>
    %bitcast_convert_type3A_1648 = tpu.bitcast %shift_left3A_1647 : vector<16xi32> -> vector<16xf32>
    %sub3A_1649 = arith.constant 1.000000e+00 : f32
    %sub3A_1650 = vector.broadcast %sub3A_1649 : f32 to vector<16xf32>
    %sub3A_1651 = arith.subf %sub3A_1650, %div3A_1582 : vector<16xf32>
    %mul3A_1652 = arith.mulf %sub3A_1595, %bitcast_convert_type3A_1644 : vector<16xf32>
    %mul3A_1653 = arith.mulf %sub3A_1651, %mul3A_1652 : vector<16xf32>
    %mul3A_1654 = arith.mulf %add3A_1637, %bitcast_convert_type3A_1648 : vector<16xf32>
    %mul3A_1655 = arith.mulf %div3A_1582, %mul3A_1654 : vector<16xf32>
    %add3A_1656 = arith.addf %mul3A_1653, %mul3A_1655 : vector<16xf32>
    %get3A_1657 = arith.constant 160 : index
    %get3A_1658 = tpu.vector_load %arg18[%get3A_1657] {strides = array<i32>} : memref<512xf32, #tpu.memory_space<vmem>>, vector<16xf32>,
    %mul3A_1659 = arith.mulf %get3A_1658, %add3A_1656 : vector<16xf32>
    %swap3A_1660 = arith.constant 160 : index
    %swap3A_1661 = tpu.vector_load %arg20[%swap3A_1660] {strides = array<i32>} : memref<512xf32, #tpu.memory_space<vmem>>, vector<16xf32>,
    tpu.vector_store %arg20[%swap3A_1660], %mul3A_1659 {strides = array<i32>} : memref<512xf32, #tpu.memory_space<vmem>>, vector<16xf32>,
    %swap3A_1662 = arith.constant 160 : index
    %swap3A_1663 = tpu.vector_load %arg21[%swap3A_1662] {strides = array<i32>} : memref<512xf32, #tpu.memory_space<vmem>>, vector<16xf32>,
    tpu.vector_store %arg21[%swap3A_1662], %div3A_1582 {strides = array<i32>} : memref<512xf32, #tpu.memory_space<vmem>>, vector<16xf32>,
    %swap3A_1664 = arith.constant 160 : index
    %swap3A_1665 = tpu.vector_load %arg22[%swap3A_1664] {strides = array<i32>} : memref<512xf32, #tpu.memory_space<vmem>>, vector<16xf32>,
    tpu.vector_store %arg22[%swap3A_1664], %add3A_1656 {strides = array<i32>} : memref<512xf32, #tpu.memory_space<vmem>>, vector<16xf32>,
    %get3A_1666 = arith.constant 176 : index
    %get3A_1667 = tpu.vector_load %arg14[%get3A_1666] {strides = array<i32>} : memref<512xi32, #tpu.memory_space<vmem>>, vector<16xi32>,
    %gather3A_1668 = tpu.vector_load_idx %arg16[%get3A_1667] : memref<200xf32, #tpu.memory_space<vmem>>[vector<16xi32>], vector<16xf32>,
    %get3A_1669 = arith.constant 176 : index
    %get3A_1670 = tpu.vector_load %arg15[%get3A_1669] {strides = array<i32>} : memref<512xf32, #tpu.memory_space<vmem>>, vector<16xf32>,
    %add3A_1671 = arith.constant 9.99999997E-7 : f32
    %add3A_1672 = vector.broadcast %add3A_1671 : f32 to vector<16xf32>
    %add3A_1673 = arith.addf %gather3A_1668, %add3A_1672 : vector<16xf32>
    %div3A_1674 = arith.divf %get3A_1670, %add3A_1673 : vector<16xf32>
    %sub3A_1675 = arith.constant 1.000000e+00 : f32
    %sub3A_1676 = vector.broadcast %sub3A_1675 : f32 to vector<16xf32>
    %sub3A_1677 = arith.subf %div3A_1674, %sub3A_1676 : vector<16xf32>
    %mul3A_1678 = arith.constant -1.000000e+01 : f32
    %mul3A_1679 = vector.broadcast %mul3A_1678 : f32 to vector<16xf32>
    %mul3A_1680 = arith.mulf %mul3A_1679, %sub3A_1677 : vector<16xf32>
    %exp3A_1681 = math.exp %mul3A_1680 : vector<16xf32>
    %add3A_1682 = arith.constant 1.000000e+00 : f32
    %add3A_1683 = vector.broadcast %add3A_1682 : f32 to vector<16xf32>
    %add3A_1684 = arith.addf %add3A_1683, %exp3A_1681 : vector<16xf32>
    %div3A_1685 = arith.constant 1.000000e+00 : f32
    %div3A_1686 = vector.broadcast %div3A_1685 : f32 to vector<16xf32>
    %div3A_1687 = arith.divf %div3A_1686, %add3A_1684 : vector<16xf32>
    %mul3A_1688 = arith.constant 2.000000e+00 : f32
    %mul3A_1689 = vector.broadcast %mul3A_1688 : f32 to vector<16xf32>
    %mul3A_1690 = arith.mulf %mul3A_1689, %div3A_1674 : vector<16xf32>
    %exp3A_1691 = math.exp %mul3A_1690 : vector<16xf32>
    %add3A_1692 = arith.constant 1.000000e+00 : f32
    %add3A_1693 = vector.broadcast %add3A_1692 : f32 to vector<16xf32>
    %add3A_1694 = arith.addf %exp3A_1691, %add3A_1693 : vector<16xf32>
    %div3A_1695 = arith.constant 2.000000e+00 : f32
    %div3A_1696 = vector.broadcast %div3A_1695 : f32 to vector<16xf32>
    %div3A_1697 = arith.divf %div3A_1696, %add3A_1694 : vector<16xf32>
    %sub3A_1698 = arith.constant 1.000000e+00 : f32
    %sub3A_1699 = vector.broadcast %sub3A_1698 : f32 to vector<16xf32>
    %sub3A_1700 = arith.subf %sub3A_1699, %div3A_1697 : vector<16xf32>
    %broadcast_in_dim3A_1701 = arith.constant -1.89158643E-4 : f32
    %broadcast_in_dim3A_1702 = vector.broadcast %broadcast_in_dim3A_1701 : f32 to vector<16xf32>
    %mul3A_1703 = arith.mulf %broadcast_in_dim3A_1702, %div3A_1674 : vector<16xf32>
    %add3A_1704 = arith.constant 0.0022839664 : f32
    %add3A_1705 = vector.broadcast %add3A_1704 : f32 to vector<16xf32>
    %add3A_1706 = arith.addf %mul3A_1703, %add3A_1705 : vector<16xf32>
    %mul3A_1707 = arith.mulf %add3A_1706, %div3A_1674 : vector<16xf32>
    %add3A_1708 = arith.constant -0.0124197342 : f32
    %add3A_1709 = vector.broadcast %add3A_1708 : f32 to vector<16xf32>
    %add3A_1710 = arith.addf %mul3A_1707, %add3A_1709 : vector<16xf32>
    %mul3A_1711 = arith.mulf %add3A_1710, %div3A_1674 : vector<16xf32>
    %add3A_1712 = arith.constant 0.0407620892 : f32
    %add3A_1713 = vector.broadcast %add3A_1712 : f32 to vector<16xf32>
    %add3A_1714 = arith.addf %mul3A_1711, %add3A_1713 : vector<16xf32>
    %mul3A_1715 = arith.mulf %add3A_1714, %div3A_1674 : vector<16xf32>
    %add3A_1716 = arith.constant -0.0923750102 : f32
    %add3A_1717 = vector.broadcast %add3A_1716 : f32 to vector<16xf32>
    %add3A_1718 = arith.addf %mul3A_1715, %add3A_1717 : vector<16xf32>
    %mul3A_1719 = arith.mulf %add3A_1718, %div3A_1674 : vector<16xf32>
    %add3A_1720 = arith.constant 0.159971923 : f32
    %add3A_1721 = vector.broadcast %add3A_1720 : f32 to vector<16xf32>
    %add3A_1722 = arith.addf %mul3A_1719, %add3A_1721 : vector<16xf32>
    %mul3A_1723 = arith.mulf %add3A_1722, %div3A_1674 : vector<16xf32>
    %add3A_1724 = arith.constant -0.235194117 : f32
    %add3A_1725 = vector.broadcast %add3A_1724 : f32 to vector<16xf32>
    %add3A_1726 = arith.addf %mul3A_1723, %add3A_1725 : vector<16xf32>
    %mul3A_1727 = arith.mulf %add3A_1726, %div3A_1674 : vector<16xf32>
    %add3A_1728 = arith.constant 0.329887718 : f32
    %add3A_1729 = vector.broadcast %add3A_1728 : f32 to vector<16xf32>
    %add3A_1730 = arith.addf %mul3A_1727, %add3A_1729 : vector<16xf32>
    %mul3A_1731 = arith.mulf %add3A_1730, %div3A_1674 : vector<16xf32>
    %add3A_1732 = arith.constant -0.499555558 : f32
    %add3A_1733 = vector.broadcast %add3A_1732 : f32 to vector<16xf32>
    %add3A_1734 = arith.addf %mul3A_1731, %add3A_1733 : vector<16xf32>
    %mul3A_1735 = arith.mulf %add3A_1734, %div3A_1674 : vector<16xf32>
    %add3A_1736 = arith.constant 0.999974727 : f32
    %add3A_1737 = vector.broadcast %add3A_1736 : f32 to vector<16xf32>
    %add3A_1738 = arith.addf %mul3A_1735, %add3A_1737 : vector<16xf32>
    %mul3A_1739 = arith.mulf %add3A_1738, %div3A_1674 : vector<16xf32>
    %add3A_1740 = arith.constant 3.59602097E-7 : f32
    %add3A_1741 = vector.broadcast %add3A_1740 : f32 to vector<16xf32>
    %add3A_1742 = arith.addf %mul3A_1739, %add3A_1741 : vector<16xf32>
    %get3A_1743 = arith.constant 176 : index
    %get3A_1744 = tpu.vector_load %arg19[%get3A_1743] {strides = array<i32>} : memref<512xf32, #tpu.memory_space<vmem>>, vector<16xf32>,
    %bitcast_convert_type3A_1745 = tpu.bitcast %get3A_1744 : vector<16xf32> -> vector<16xi32>
    %and3A_1746 = arith.constant -65536 : i32
    %and3A_1747 = vector.broadcast %and3A_1746 : i32 to vector<16xi32>
    %and3A_1748 = arith.andi %bitcast_convert_type3A_1745, %and3A_1747 : vector<16xi32>
    %bitcast_convert_type3A_1749 = tpu.bitcast %and3A_1748 : vector<16xi32> -> vector<16xf32>
    %shift_left3A_1750 = arith.constant 16 : i32
    %shift_left3A_1751 = vector.broadcast %shift_left3A_1750 : i32 to vector<16xi32>
    %shift_left3A_1752 = arith.shli %bitcast_convert_type3A_1745, %shift_left3A_1751 : vector<16xi32>
    %bitcast_convert_type3A_1753 = tpu.bitcast %shift_left3A_1752 : vector<16xi32> -> vector<16xf32>
    %sub3A_1754 = arith.constant 1.000000e+00 : f32
    %sub3A_1755 = vector.broadcast %sub3A_1754 : f32 to vector<16xf32>
    %sub3A_1756 = arith.subf %sub3A_1755, %div3A_1687 : vector<16xf32>
    %mul3A_1757 = arith.mulf %sub3A_1700, %bitcast_convert_type3A_1749 : vector<16xf32>
    %mul3A_1758 = arith.mulf %sub3A_1756, %mul3A_1757 : vector<16xf32>
    %mul3A_1759 = arith.mulf %add3A_1742, %bitcast_convert_type3A_1753 : vector<16xf32>
    %mul3A_1760 = arith.mulf %div3A_1687, %mul3A_1759 : vector<16xf32>
    %add3A_1761 = arith.addf %mul3A_1758, %mul3A_1760 : vector<16xf32>
    %get3A_1762 = arith.constant 176 : index
    %get3A_1763 = tpu.vector_load %arg18[%get3A_1762] {strides = array<i32>} : memref<512xf32, #tpu.memory_space<vmem>>, vector<16xf32>,
    %mul3A_1764 = arith.mulf %get3A_1763, %add3A_1761 : vector<16xf32>
    %swap3A_1765 = arith.constant 176 : index
    %swap3A_1766 = tpu.vector_load %arg20[%swap3A_1765] {strides = array<i32>} : memref<512xf32, #tpu.memory_space<vmem>>, vector<16xf32>,
    tpu.vector_store %arg20[%swap3A_1765], %mul3A_1764 {strides = array<i32>} : memref<512xf32, #tpu.memory_space<vmem>>, vector<16xf32>,
    %swap3A_1767 = arith.constant 176 : index
    %swap3A_1768 = tpu.vector_load %arg21[%swap3A_1767] {strides = array<i32>} : memref<512xf32, #tpu.memory_space<vmem>>, vector<16xf32>,
    tpu.vector_store %arg21[%swap3A_1767], %div3A_1687 {strides = array<i32>} : memref<512xf32, #tpu.memory_space<vmem>>, vector<16xf32>,
    %swap3A_1769 = arith.constant 176 : index
    %swap3A_1770 = tpu.vector_load %arg22[%swap3A_1769] {strides = array<i32>} : memref<512xf32, #tpu.memory_space<vmem>>, vector<16xf32>,
    tpu.vector_store %arg22[%swap3A_1769], %add3A_1761 {strides = array<i32>} : memref<512xf32, #tpu.memory_space<vmem>>, vector<16xf32>,
    %get3A_1771 = arith.constant 192 : index
    %get3A_1772 = tpu.vector_load %arg14[%get3A_1771] {strides = array<i32>} : memref<512xi32, #tpu.memory_space<vmem>>, vector<16xi32>,
    %gather3A_1773 = tpu.vector_load_idx %arg16[%get3A_1772] : memref<200xf32, #tpu.memory_space<vmem>>[vector<16xi32>], vector<16xf32>,
    %get3A_1774 = arith.constant 192 : index
    %get3A_1775 = tpu.vector_load %arg15[%get3A_1774] {strides = array<i32>} : memref<512xf32, #tpu.memory_space<vmem>>, vector<16xf32>,
    %add3A_1776 = arith.constant 9.99999997E-7 : f32
    %add3A_1777 = vector.broadcast %add3A_1776 : f32 to vector<16xf32>
    %add3A_1778 = arith.addf %gather3A_1773, %add3A_1777 : vector<16xf32>
    %div3A_1779 = arith.divf %get3A_1775, %add3A_1778 : vector<16xf32>
    %sub3A_1780 = arith.constant 1.000000e+00 : f32
    %sub3A_1781 = vector.broadcast %sub3A_1780 : f32 to vector<16xf32>
    %sub3A_1782 = arith.subf %div3A_1779, %sub3A_1781 : vector<16xf32>
    %mul3A_1783 = arith.constant -1.000000e+01 : f32
    %mul3A_1784 = vector.broadcast %mul3A_1783 : f32 to vector<16xf32>
    %mul3A_1785 = arith.mulf %mul3A_1784, %sub3A_1782 : vector<16xf32>
    %exp3A_1786 = math.exp %mul3A_1785 : vector<16xf32>
    %add3A_1787 = arith.constant 1.000000e+00 : f32
    %add3A_1788 = vector.broadcast %add3A_1787 : f32 to vector<16xf32>
    %add3A_1789 = arith.addf %add3A_1788, %exp3A_1786 : vector<16xf32>
    %div3A_1790 = arith.constant 1.000000e+00 : f32
    %div3A_1791 = vector.broadcast %div3A_1790 : f32 to vector<16xf32>
    %div3A_1792 = arith.divf %div3A_1791, %add3A_1789 : vector<16xf32>
    %mul3A_1793 = arith.constant 2.000000e+00 : f32
    %mul3A_1794 = vector.broadcast %mul3A_1793 : f32 to vector<16xf32>
    %mul3A_1795 = arith.mulf %mul3A_1794, %div3A_1779 : vector<16xf32>
    %exp3A_1796 = math.exp %mul3A_1795 : vector<16xf32>
    %add3A_1797 = arith.constant 1.000000e+00 : f32
    %add3A_1798 = vector.broadcast %add3A_1797 : f32 to vector<16xf32>
    %add3A_1799 = arith.addf %exp3A_1796, %add3A_1798 : vector<16xf32>
    %div3A_1800 = arith.constant 2.000000e+00 : f32
    %div3A_1801 = vector.broadcast %div3A_1800 : f32 to vector<16xf32>
    %div3A_1802 = arith.divf %div3A_1801, %add3A_1799 : vector<16xf32>
    %sub3A_1803 = arith.constant 1.000000e+00 : f32
    %sub3A_1804 = vector.broadcast %sub3A_1803 : f32 to vector<16xf32>
    %sub3A_1805 = arith.subf %sub3A_1804, %div3A_1802 : vector<16xf32>
    %broadcast_in_dim3A_1806 = arith.constant -1.89158643E-4 : f32
    %broadcast_in_dim3A_1807 = vector.broadcast %broadcast_in_dim3A_1806 : f32 to vector<16xf32>
    %mul3A_1808 = arith.mulf %broadcast_in_dim3A_1807, %div3A_1779 : vector<16xf32>
    %add3A_1809 = arith.constant 0.0022839664 : f32
    %add3A_1810 = vector.broadcast %add3A_1809 : f32 to vector<16xf32>
    %add3A_1811 = arith.addf %mul3A_1808, %add3A_1810 : vector<16xf32>
    %mul3A_1812 = arith.mulf %add3A_1811, %div3A_1779 : vector<16xf32>
    %add3A_1813 = arith.constant -0.0124197342 : f32
    %add3A_1814 = vector.broadcast %add3A_1813 : f32 to vector<16xf32>
    %add3A_1815 = arith.addf %mul3A_1812, %add3A_1814 : vector<16xf32>
    %mul3A_1816 = arith.mulf %add3A_1815, %div3A_1779 : vector<16xf32>
    %add3A_1817 = arith.constant 0.0407620892 : f32
    %add3A_1818 = vector.broadcast %add3A_1817 : f32 to vector<16xf32>
    %add3A_1819 = arith.addf %mul3A_1816, %add3A_1818 : vector<16xf32>
    %mul3A_1820 = arith.mulf %add3A_1819, %div3A_1779 : vector<16xf32>
    %add3A_1821 = arith.constant -0.0923750102 : f32
    %add3A_1822 = vector.broadcast %add3A_1821 : f32 to vector<16xf32>
    %add3A_1823 = arith.addf %mul3A_1820, %add3A_1822 : vector<16xf32>
    %mul3A_1824 = arith.mulf %add3A_1823, %div3A_1779 : vector<16xf32>
    %add3A_1825 = arith.constant 0.159971923 : f32
    %add3A_1826 = vector.broadcast %add3A_1825 : f32 to vector<16xf32>
    %add3A_1827 = arith.addf %mul3A_1824, %add3A_1826 : vector<16xf32>
    %mul3A_1828 = arith.mulf %add3A_1827, %div3A_1779 : vector<16xf32>
    %add3A_1829 = arith.constant -0.235194117 : f32
    %add3A_1830 = vector.broadcast %add3A_1829 : f32 to vector<16xf32>
    %add3A_1831 = arith.addf %mul3A_1828, %add3A_1830 : vector<16xf32>
    %mul3A_1832 = arith.mulf %add3A_1831, %div3A_1779 : vector<16xf32>
    %add3A_1833 = arith.constant 0.329887718 : f32
    %add3A_1834 = vector.broadcast %add3A_1833 : f32 to vector<16xf32>
    %add3A_1835 = arith.addf %mul3A_1832, %add3A_1834 : vector<16xf32>
    %mul3A_1836 = arith.mulf %add3A_1835, %div3A_1779 : vector<16xf32>
    %add3A_1837 = arith.constant -0.499555558 : f32
    %add3A_1838 = vector.broadcast %add3A_1837 : f32 to vector<16xf32>
    %add3A_1839 = arith.addf %mul3A_1836, %add3A_1838 : vector<16xf32>
    %mul3A_1840 = arith.mulf %add3A_1839, %div3A_1779 : vector<16xf32>
    %add3A_1841 = arith.constant 0.999974727 : f32
    %add3A_1842 = vector.broadcast %add3A_1841 : f32 to vector<16xf32>
    %add3A_1843 = arith.addf %mul3A_1840, %add3A_1842 : vector<16xf32>
    %mul3A_1844 = arith.mulf %add3A_1843, %div3A_1779 : vector<16xf32>
    %add3A_1845 = arith.constant 3.59602097E-7 : f32
    %add3A_1846 = vector.broadcast %add3A_1845 : f32 to vector<16xf32>
    %add3A_1847 = arith.addf %mul3A_1844, %add3A_1846 : vector<16xf32>
    %get3A_1848 = arith.constant 192 : index
    %get3A_1849 = tpu.vector_load %arg19[%get3A_1848] {strides = array<i32>} : memref<512xf32, #tpu.memory_space<vmem>>, vector<16xf32>,
    %bitcast_convert_type3A_1850 = tpu.bitcast %get3A_1849 : vector<16xf32> -> vector<16xi32>
    %and3A_1851 = arith.constant -65536 : i32
    %and3A_1852 = vector.broadcast %and3A_1851 : i32 to vector<16xi32>
    %and3A_1853 = arith.andi %bitcast_convert_type3A_1850, %and3A_1852 : vector<16xi32>
    %bitcast_convert_type3A_1854 = tpu.bitcast %and3A_1853 : vector<16xi32> -> vector<16xf32>
    %shift_left3A_1855 = arith.constant 16 : i32
    %shift_left3A_1856 = vector.broadcast %shift_left3A_1855 : i32 to vector<16xi32>
    %shift_left3A_1857 = arith.shli %bitcast_convert_type3A_1850, %shift_left3A_1856 : vector<16xi32>
    %bitcast_convert_type3A_1858 = tpu.bitcast %shift_left3A_1857 : vector<16xi32> -> vector<16xf32>
    %sub3A_1859 = arith.constant 1.000000e+00 : f32
    %sub3A_1860 = vector.broadcast %sub3A_1859 : f32 to vector<16xf32>
    %sub3A_1861 = arith.subf %sub3A_1860, %div3A_1792 : vector<16xf32>
    %mul3A_1862 = arith.mulf %sub3A_1805, %bitcast_convert_type3A_1854 : vector<16xf32>
    %mul3A_1863 = arith.mulf %sub3A_1861, %mul3A_1862 : vector<16xf32>
    %mul3A_1864 = arith.mulf %add3A_1847, %bitcast_convert_type3A_1858 : vector<16xf32>
    %mul3A_1865 = arith.mulf %div3A_1792, %mul3A_1864 : vector<16xf32>
    %add3A_1866 = arith.addf %mul3A_1863, %mul3A_1865 : vector<16xf32>
    %get3A_1867 = arith.constant 192 : index
    %get3A_1868 = tpu.vector_load %arg18[%get3A_1867] {strides = array<i32>} : memref<512xf32, #tpu.memory_space<vmem>>, vector<16xf32>,
    %mul3A_1869 = arith.mulf %get3A_1868, %add3A_1866 : vector<16xf32>
    %swap3A_1870 = arith.constant 192 : index
    %swap3A_1871 = tpu.vector_load %arg20[%swap3A_1870] {strides = array<i32>} : memref<512xf32, #tpu.memory_space<vmem>>, vector<16xf32>,
    tpu.vector_store %arg20[%swap3A_1870], %mul3A_1869 {strides = array<i32>} : memref<512xf32, #tpu.memory_space<vmem>>, vector<16xf32>,
    %swap3A_1872 = arith.constant 192 : index
    %swap3A_1873 = tpu.vector_load %arg21[%swap3A_1872] {strides = array<i32>} : memref<512xf32, #tpu.memory_space<vmem>>, vector<16xf32>,
    tpu.vector_store %arg21[%swap3A_1872], %div3A_1792 {strides = array<i32>} : memref<512xf32, #tpu.memory_space<vmem>>, vector<16xf32>,
    %swap3A_1874 = arith.constant 192 : index
    %swap3A_1875 = tpu.vector_load %arg22[%swap3A_1874] {strides = array<i32>} : memref<512xf32, #tpu.memory_space<vmem>>, vector<16xf32>,
    tpu.vector_store %arg22[%swap3A_1874], %add3A_1866 {strides = array<i32>} : memref<512xf32, #tpu.memory_space<vmem>>, vector<16xf32>,
    %get3A_1876 = arith.constant 208 : index
    %get3A_1877 = tpu.vector_load %arg14[%get3A_1876] {strides = array<i32>} : memref<512xi32, #tpu.memory_space<vmem>>, vector<16xi32>,
    %gather3A_1878 = tpu.vector_load_idx %arg16[%get3A_1877] : memref<200xf32, #tpu.memory_space<vmem>>[vector<16xi32>], vector<16xf32>,
    %get3A_1879 = arith.constant 208 : index
    %get3A_1880 = tpu.vector_load %arg15[%get3A_1879] {strides = array<i32>} : memref<512xf32, #tpu.memory_space<vmem>>, vector<16xf32>,
    %add3A_1881 = arith.constant 9.99999997E-7 : f32
    %add3A_1882 = vector.broadcast %add3A_1881 : f32 to vector<16xf32>
    %add3A_1883 = arith.addf %gather3A_1878, %add3A_1882 : vector<16xf32>
    %div3A_1884 = arith.divf %get3A_1880, %add3A_1883 : vector<16xf32>
    %sub3A_1885 = arith.constant 1.000000e+00 : f32
    %sub3A_1886 = vector.broadcast %sub3A_1885 : f32 to vector<16xf32>
    %sub3A_1887 = arith.subf %div3A_1884, %sub3A_1886 : vector<16xf32>
    %mul3A_1888 = arith.constant -1.000000e+01 : f32
    %mul3A_1889 = vector.broadcast %mul3A_1888 : f32 to vector<16xf32>
    %mul3A_1890 = arith.mulf %mul3A_1889, %sub3A_1887 : vector<16xf32>
    %exp3A_1891 = math.exp %mul3A_1890 : vector<16xf32>
    %add3A_1892 = arith.constant 1.000000e+00 : f32
    %add3A_1893 = vector.broadcast %add3A_1892 : f32 to vector<16xf32>
    %add3A_1894 = arith.addf %add3A_1893, %exp3A_1891 : vector<16xf32>
    %div3A_1895 = arith.constant 1.000000e+00 : f32
    %div3A_1896 = vector.broadcast %div3A_1895 : f32 to vector<16xf32>
    %div3A_1897 = arith.divf %div3A_1896, %add3A_1894 : vector<16xf32>
    %mul3A_1898 = arith.constant 2.000000e+00 : f32
    %mul3A_1899 = vector.broadcast %mul3A_1898 : f32 to vector<16xf32>
    %mul3A_1900 = arith.mulf %mul3A_1899, %div3A_1884 : vector<16xf32>
    %exp3A_1901 = math.exp %mul3A_1900 : vector<16xf32>
    %add3A_1902 = arith.constant 1.000000e+00 : f32
    %add3A_1903 = vector.broadcast %add3A_1902 : f32 to vector<16xf32>
    %add3A_1904 = arith.addf %exp3A_1901, %add3A_1903 : vector<16xf32>
    %div3A_1905 = arith.constant 2.000000e+00 : f32
    %div3A_1906 = vector.broadcast %div3A_1905 : f32 to vector<16xf32>
    %div3A_1907 = arith.divf %div3A_1906, %add3A_1904 : vector<16xf32>
    %sub3A_1908 = arith.constant 1.000000e+00 : f32
    %sub3A_1909 = vector.broadcast %sub3A_1908 : f32 to vector<16xf32>
    %sub3A_1910 = arith.subf %sub3A_1909, %div3A_1907 : vector<16xf32>
    %broadcast_in_dim3A_1911 = arith.constant -1.89158643E-4 : f32
    %broadcast_in_dim3A_1912 = vector.broadcast %broadcast_in_dim3A_1911 : f32 to vector<16xf32>
    %mul3A_1913 = arith.mulf %broadcast_in_dim3A_1912, %div3A_1884 : vector<16xf32>
    %add3A_1914 = arith.constant 0.0022839664 : f32
    %add3A_1915 = vector.broadcast %add3A_1914 : f32 to vector<16xf32>
    %add3A_1916 = arith.addf %mul3A_1913, %add3A_1915 : vector<16xf32>
    %mul3A_1917 = arith.mulf %add3A_1916, %div3A_1884 : vector<16xf32>
    %add3A_1918 = arith.constant -0.0124197342 : f32
    %add3A_1919 = vector.broadcast %add3A_1918 : f32 to vector<16xf32>
    %add3A_1920 = arith.addf %mul3A_1917, %add3A_1919 : vector<16xf32>
    %mul3A_1921 = arith.mulf %add3A_1920, %div3A_1884 : vector<16xf32>
    %add3A_1922 = arith.constant 0.0407620892 : f32
    %add3A_1923 = vector.broadcast %add3A_1922 : f32 to vector<16xf32>
    %add3A_1924 = arith.addf %mul3A_1921, %add3A_1923 : vector<16xf32>
    %mul3A_1925 = arith.mulf %add3A_1924, %div3A_1884 : vector<16xf32>
    %add3A_1926 = arith.constant -0.0923750102 : f32
    %add3A_1927 = vector.broadcast %add3A_1926 : f32 to vector<16xf32>
    %add3A_1928 = arith.addf %mul3A_1925, %add3A_1927 : vector<16xf32>
    %mul3A_1929 = arith.mulf %add3A_1928, %div3A_1884 : vector<16xf32>
    %add3A_1930 = arith.constant 0.159971923 : f32
    %add3A_1931 = vector.broadcast %add3A_1930 : f32 to vector<16xf32>
    %add3A_1932 = arith.addf %mul3A_1929, %add3A_1931 : vector<16xf32>
    %mul3A_1933 = arith.mulf %add3A_1932, %div3A_1884 : vector<16xf32>
    %add3A_1934 = arith.constant -0.235194117 : f32
    %add3A_1935 = vector.broadcast %add3A_1934 : f32 to vector<16xf32>
    %add3A_1936 = arith.addf %mul3A_1933, %add3A_1935 : vector<16xf32>
    %mul3A_1937 = arith.mulf %add3A_1936, %div3A_1884 : vector<16xf32>
    %add3A_1938 = arith.constant 0.329887718 : f32
    %add3A_1939 = vector.broadcast %add3A_1938 : f32 to vector<16xf32>
    %add3A_1940 = arith.addf %mul3A_1937, %add3A_1939 : vector<16xf32>
    %mul3A_1941 = arith.mulf %add3A_1940, %div3A_1884 : vector<16xf32>
    %add3A_1942 = arith.constant -0.499555558 : f32
    %add3A_1943 = vector.broadcast %add3A_1942 : f32 to vector<16xf32>
    %add3A_1944 = arith.addf %mul3A_1941, %add3A_1943 : vector<16xf32>
    %mul3A_1945 = arith.mulf %add3A_1944, %div3A_1884 : vector<16xf32>
    %add3A_1946 = arith.constant 0.999974727 : f32
    %add3A_1947 = vector.broadcast %add3A_1946 : f32 to vector<16xf32>
    %add3A_1948 = arith.addf %mul3A_1945, %add3A_1947 : vector<16xf32>
    %mul3A_1949 = arith.mulf %add3A_1948, %div3A_1884 : vector<16xf32>
    %add3A_1950 = arith.constant 3.59602097E-7 : f32
    %add3A_1951 = vector.broadcast %add3A_1950 : f32 to vector<16xf32>
    %add3A_1952 = arith.addf %mul3A_1949, %add3A_1951 : vector<16xf32>
    %get3A_1953 = arith.constant 208 : index
    %get3A_1954 = tpu.vector_load %arg19[%get3A_1953] {strides = array<i32>} : memref<512xf32, #tpu.memory_space<vmem>>, vector<16xf32>,
    %bitcast_convert_type3A_1955 = tpu.bitcast %get3A_1954 : vector<16xf32> -> vector<16xi32>
    %and3A_1956 = arith.constant -65536 : i32
    %and3A_1957 = vector.broadcast %and3A_1956 : i32 to vector<16xi32>
    %and3A_1958 = arith.andi %bitcast_convert_type3A_1955, %and3A_1957 : vector<16xi32>
    %bitcast_convert_type3A_1959 = tpu.bitcast %and3A_1958 : vector<16xi32> -> vector<16xf32>
    %shift_left3A_1960 = arith.constant 16 : i32
    %shift_left3A_1961 = vector.broadcast %shift_left3A_1960 : i32 to vector<16xi32>
    %shift_left3A_1962 = arith.shli %bitcast_convert_type3A_1955, %shift_left3A_1961 : vector<16xi32>
    %bitcast_convert_type3A_1963 = tpu.bitcast %shift_left3A_1962 : vector<16xi32> -> vector<16xf32>
    %sub3A_1964 = arith.constant 1.000000e+00 : f32
    %sub3A_1965 = vector.broadcast %sub3A_1964 : f32 to vector<16xf32>
    %sub3A_1966 = arith.subf %sub3A_1965, %div3A_1897 : vector<16xf32>
    %mul3A_1967 = arith.mulf %sub3A_1910, %bitcast_convert_type3A_1959 : vector<16xf32>
    %mul3A_1968 = arith.mulf %sub3A_1966, %mul3A_1967 : vector<16xf32>
    %mul3A_1969 = arith.mulf %add3A_1952, %bitcast_convert_type3A_1963 : vector<16xf32>
    %mul3A_1970 = arith.mulf %div3A_1897, %mul3A_1969 : vector<16xf32>
    %add3A_1971 = arith.addf %mul3A_1968, %mul3A_1970 : vector<16xf32>
    %get3A_1972 = arith.constant 208 : index
    %get3A_1973 = tpu.vector_load %arg18[%get3A_1972] {strides = array<i32>} : memref<512xf32, #tpu.memory_space<vmem>>, vector<16xf32>,
    %mul3A_1974 = arith.mulf %get3A_1973, %add3A_1971 : vector<16xf32>
    %swap3A_1975 = arith.constant 208 : index
    %swap3A_1976 = tpu.vector_load %arg20[%swap3A_1975] {strides = array<i32>} : memref<512xf32, #tpu.memory_space<vmem>>, vector<16xf32>,
    tpu.vector_store %arg20[%swap3A_1975], %mul3A_1974 {strides = array<i32>} : memref<512xf32, #tpu.memory_space<vmem>>, vector<16xf32>,
    %swap3A_1977 = arith.constant 208 : index
    %swap3A_1978 = tpu.vector_load %arg21[%swap3A_1977] {strides = array<i32>} : memref<512xf32, #tpu.memory_space<vmem>>, vector<16xf32>,
    tpu.vector_store %arg21[%swap3A_1977], %div3A_1897 {strides = array<i32>} : memref<512xf32, #tpu.memory_space<vmem>>, vector<16xf32>,
    %swap3A_1979 = arith.constant 208 : index
    %swap3A_1980 = tpu.vector_load %arg22[%swap3A_1979] {strides = array<i32>} : memref<512xf32, #tpu.memory_space<vmem>>, vector<16xf32>,
    tpu.vector_store %arg22[%swap3A_1979], %add3A_1971 {strides = array<i32>} : memref<512xf32, #tpu.memory_space<vmem>>, vector<16xf32>,
    %get3A_1981 = arith.constant 224 : index
    %get3A_1982 = tpu.vector_load %arg14[%get3A_1981] {strides = array<i32>} : memref<512xi32, #tpu.memory_space<vmem>>, vector<16xi32>,
    %gather3A_1983 = tpu.vector_load_idx %arg16[%get3A_1982] : memref<200xf32, #tpu.memory_space<vmem>>[vector<16xi32>], vector<16xf32>,
    %get3A_1984 = arith.constant 224 : index
    %get3A_1985 = tpu.vector_load %arg15[%get3A_1984] {strides = array<i32>} : memref<512xf32, #tpu.memory_space<vmem>>, vector<16xf32>,
    %add3A_1986 = arith.constant 9.99999997E-7 : f32
    %add3A_1987 = vector.broadcast %add3A_1986 : f32 to vector<16xf32>
    %add3A_1988 = arith.addf %gather3A_1983, %add3A_1987 : vector<16xf32>
    %div3A_1989 = arith.divf %get3A_1985, %add3A_1988 : vector<16xf32>
    %sub3A_1990 = arith.constant 1.000000e+00 : f32
    %sub3A_1991 = vector.broadcast %sub3A_1990 : f32 to vector<16xf32>
    %sub3A_1992 = arith.subf %div3A_1989, %sub3A_1991 : vector<16xf32>
    %mul3A_1993 = arith.constant -1.000000e+01 : f32
    %mul3A_1994 = vector.broadcast %mul3A_1993 : f32 to vector<16xf32>
    %mul3A_1995 = arith.mulf %mul3A_1994, %sub3A_1992 : vector<16xf32>
    %exp3A_1996 = math.exp %mul3A_1995 : vector<16xf32>
    %add3A_1997 = arith.constant 1.000000e+00 : f32
    %add3A_1998 = vector.broadcast %add3A_1997 : f32 to vector<16xf32>
    %add3A_1999 = arith.addf %add3A_1998, %exp3A_1996 : vector<16xf32>
    %div3A_2000 = arith.constant 1.000000e+00 : f32
    %div3A_2001 = vector.broadcast %div3A_2000 : f32 to vector<16xf32>
    %div3A_2002 = arith.divf %div3A_2001, %add3A_1999 : vector<16xf32>
    %mul3A_2003 = arith.constant 2.000000e+00 : f32
    %mul3A_2004 = vector.broadcast %mul3A_2003 : f32 to vector<16xf32>
    %mul3A_2005 = arith.mulf %mul3A_2004, %div3A_1989 : vector<16xf32>
    %exp3A_2006 = math.exp %mul3A_2005 : vector<16xf32>
    %add3A_2007 = arith.constant 1.000000e+00 : f32
    %add3A_2008 = vector.broadcast %add3A_2007 : f32 to vector<16xf32>
    %add3A_2009 = arith.addf %exp3A_2006, %add3A_2008 : vector<16xf32>
    %div3A_2010 = arith.constant 2.000000e+00 : f32
    %div3A_2011 = vector.broadcast %div3A_2010 : f32 to vector<16xf32>
    %div3A_2012 = arith.divf %div3A_2011, %add3A_2009 : vector<16xf32>
    %sub3A_2013 = arith.constant 1.000000e+00 : f32
    %sub3A_2014 = vector.broadcast %sub3A_2013 : f32 to vector<16xf32>
    %sub3A_2015 = arith.subf %sub3A_2014, %div3A_2012 : vector<16xf32>
    %broadcast_in_dim3A_2016 = arith.constant -1.89158643E-4 : f32
    %broadcast_in_dim3A_2017 = vector.broadcast %broadcast_in_dim3A_2016 : f32 to vector<16xf32>
    %mul3A_2018 = arith.mulf %broadcast_in_dim3A_2017, %div3A_1989 : vector<16xf32>
    %add3A_2019 = arith.constant 0.0022839664 : f32
    %add3A_2020 = vector.broadcast %add3A_2019 : f32 to vector<16xf32>
    %add3A_2021 = arith.addf %mul3A_2018, %add3A_2020 : vector<16xf32>
    %mul3A_2022 = arith.mulf %add3A_2021, %div3A_1989 : vector<16xf32>
    %add3A_2023 = arith.constant -0.0124197342 : f32
    %add3A_2024 = vector.broadcast %add3A_2023 : f32 to vector<16xf32>
    %add3A_2025 = arith.addf %mul3A_2022, %add3A_2024 : vector<16xf32>
    %mul3A_2026 = arith.mulf %add3A_2025, %div3A_1989 : vector<16xf32>
    %add3A_2027 = arith.constant 0.0407620892 : f32
    %add3A_2028 = vector.broadcast %add3A_2027 : f32 to vector<16xf32>
    %add3A_2029 = arith.addf %mul3A_2026, %add3A_2028 : vector<16xf32>
    %mul3A_2030 = arith.mulf %add3A_2029, %div3A_1989 : vector<16xf32>
    %add3A_2031 = arith.constant -0.0923750102 : f32
    %add3A_2032 = vector.broadcast %add3A_2031 : f32 to vector<16xf32>
    %add3A_2033 = arith.addf %mul3A_2030, %add3A_2032 : vector<16xf32>
    %mul3A_2034 = arith.mulf %add3A_2033, %div3A_1989 : vector<16xf32>
    %add3A_2035 = arith.constant 0.159971923 : f32
    %add3A_2036 = vector.broadcast %add3A_2035 : f32 to vector<16xf32>
    %add3A_2037 = arith.addf %mul3A_2034, %add3A_2036 : vector<16xf32>
    %mul3A_2038 = arith.mulf %add3A_2037, %div3A_1989 : vector<16xf32>
    %add3A_2039 = arith.constant -0.235194117 : f32
    %add3A_2040 = vector.broadcast %add3A_2039 : f32 to vector<16xf32>
    %add3A_2041 = arith.addf %mul3A_2038, %add3A_2040 : vector<16xf32>
    %mul3A_2042 = arith.mulf %add3A_2041, %div3A_1989 : vector<16xf32>
    %add3A_2043 = arith.constant 0.329887718 : f32
    %add3A_2044 = vector.broadcast %add3A_2043 : f32 to vector<16xf32>
    %add3A_2045 = arith.addf %mul3A_2042, %add3A_2044 : vector<16xf32>
    %mul3A_2046 = arith.mulf %add3A_2045, %div3A_1989 : vector<16xf32>
    %add3A_2047 = arith.constant -0.499555558 : f32
    %add3A_2048 = vector.broadcast %add3A_2047 : f32 to vector<16xf32>
    %add3A_2049 = arith.addf %mul3A_2046, %add3A_2048 : vector<16xf32>
    %mul3A_2050 = arith.mulf %add3A_2049, %div3A_1989 : vector<16xf32>
    %add3A_2051 = arith.constant 0.999974727 : f32
    %add3A_2052 = vector.broadcast %add3A_2051 : f32 to vector<16xf32>
    %add3A_2053 = arith.addf %mul3A_2050, %add3A_2052 : vector<16xf32>
    %mul3A_2054 = arith.mulf %add3A_2053, %div3A_1989 : vector<16xf32>
    %add3A_2055 = arith.constant 3.59602097E-7 : f32
    %add3A_2056 = vector.broadcast %add3A_2055 : f32 to vector<16xf32>
    %add3A_2057 = arith.addf %mul3A_2054, %add3A_2056 : vector<16xf32>
    %get3A_2058 = arith.constant 224 : index
    %get3A_2059 = tpu.vector_load %arg19[%get3A_2058] {strides = array<i32>} : memref<512xf32, #tpu.memory_space<vmem>>, vector<16xf32>,
    %bitcast_convert_type3A_2060 = tpu.bitcast %get3A_2059 : vector<16xf32> -> vector<16xi32>
    %and3A_2061 = arith.constant -65536 : i32
    %and3A_2062 = vector.broadcast %and3A_2061 : i32 to vector<16xi32>
    %and3A_2063 = arith.andi %bitcast_convert_type3A_2060, %and3A_2062 : vector<16xi32>
    %bitcast_convert_type3A_2064 = tpu.bitcast %and3A_2063 : vector<16xi32> -> vector<16xf32>
    %shift_left3A_2065 = arith.constant 16 : i32
    %shift_left3A_2066 = vector.broadcast %shift_left3A_2065 : i32 to vector<16xi32>
    %shift_left3A_2067 = arith.shli %bitcast_convert_type3A_2060, %shift_left3A_2066 : vector<16xi32>
    %bitcast_convert_type3A_2068 = tpu.bitcast %shift_left3A_2067 : vector<16xi32> -> vector<16xf32>
    %sub3A_2069 = arith.constant 1.000000e+00 : f32
    %sub3A_2070 = vector.broadcast %sub3A_2069 : f32 to vector<16xf32>
    %sub3A_2071 = arith.subf %sub3A_2070, %div3A_2002 : vector<16xf32>
    %mul3A_2072 = arith.mulf %sub3A_2015, %bitcast_convert_type3A_2064 : vector<16xf32>
    %mul3A_2073 = arith.mulf %sub3A_2071, %mul3A_2072 : vector<16xf32>
    %mul3A_2074 = arith.mulf %add3A_2057, %bitcast_convert_type3A_2068 : vector<16xf32>
    %mul3A_2075 = arith.mulf %div3A_2002, %mul3A_2074 : vector<16xf32>
    %add3A_2076 = arith.addf %mul3A_2073, %mul3A_2075 : vector<16xf32>
    %get3A_2077 = arith.constant 224 : index
    %get3A_2078 = tpu.vector_load %arg18[%get3A_2077] {strides = array<i32>} : memref<512xf32, #tpu.memory_space<vmem>>, vector<16xf32>,
    %mul3A_2079 = arith.mulf %get3A_2078, %add3A_2076 : vector<16xf32>
    %swap3A_2080 = arith.constant 224 : index
    %swap3A_2081 = tpu.vector_load %arg20[%swap3A_2080] {strides = array<i32>} : memref<512xf32, #tpu.memory_space<vmem>>, vector<16xf32>,
    tpu.vector_store %arg20[%swap3A_2080], %mul3A_2079 {strides = array<i32>} : memref<512xf32, #tpu.memory_space<vmem>>, vector<16xf32>,
    %swap3A_2082 = arith.constant 224 : index
    %swap3A_2083 = tpu.vector_load %arg21[%swap3A_2082] {strides = array<i32>} : memref<512xf32, #tpu.memory_space<vmem>>, vector<16xf32>,
    tpu.vector_store %arg21[%swap3A_2082], %div3A_2002 {strides = array<i32>} : memref<512xf32, #tpu.memory_space<vmem>>, vector<16xf32>,
    %swap3A_2084 = arith.constant 224 : index
    %swap3A_2085 = tpu.vector_load %arg22[%swap3A_2084] {strides = array<i32>} : memref<512xf32, #tpu.memory_space<vmem>>, vector<16xf32>,
    tpu.vector_store %arg22[%swap3A_2084], %add3A_2076 {strides = array<i32>} : memref<512xf32, #tpu.memory_space<vmem>>, vector<16xf32>,
    %get3A_2086 = arith.constant 240 : index
    %get3A_2087 = tpu.vector_load %arg14[%get3A_2086] {strides = array<i32>} : memref<512xi32, #tpu.memory_space<vmem>>, vector<16xi32>,
    %gather3A_2088 = tpu.vector_load_idx %arg16[%get3A_2087] : memref<200xf32, #tpu.memory_space<vmem>>[vector<16xi32>], vector<16xf32>,
    %get3A_2089 = arith.constant 240 : index
    %get3A_2090 = tpu.vector_load %arg15[%get3A_2089] {strides = array<i32>} : memref<512xf32, #tpu.memory_space<vmem>>, vector<16xf32>,
    %add3A_2091 = arith.constant 9.99999997E-7 : f32
    %add3A_2092 = vector.broadcast %add3A_2091 : f32 to vector<16xf32>
    %add3A_2093 = arith.addf %gather3A_2088, %add3A_2092 : vector<16xf32>
    %div3A_2094 = arith.divf %get3A_2090, %add3A_2093 : vector<16xf32>
    %sub3A_2095 = arith.constant 1.000000e+00 : f32
    %sub3A_2096 = vector.broadcast %sub3A_2095 : f32 to vector<16xf32>
    %sub3A_2097 = arith.subf %div3A_2094, %sub3A_2096 : vector<16xf32>
    %mul3A_2098 = arith.constant -1.000000e+01 : f32
    %mul3A_2099 = vector.broadcast %mul3A_2098 : f32 to vector<16xf32>
    %mul3A_2100 = arith.mulf %mul3A_2099, %sub3A_2097 : vector<16xf32>
    %exp3A_2101 = math.exp %mul3A_2100 : vector<16xf32>
    %add3A_2102 = arith.constant 1.000000e+00 : f32
    %add3A_2103 = vector.broadcast %add3A_2102 : f32 to vector<16xf32>
    %add3A_2104 = arith.addf %add3A_2103, %exp3A_2101 : vector<16xf32>
    %div3A_2105 = arith.constant 1.000000e+00 : f32
    %div3A_2106 = vector.broadcast %div3A_2105 : f32 to vector<16xf32>
    %div3A_2107 = arith.divf %div3A_2106, %add3A_2104 : vector<16xf32>
    %mul3A_2108 = arith.constant 2.000000e+00 : f32
    %mul3A_2109 = vector.broadcast %mul3A_2108 : f32 to vector<16xf32>
    %mul3A_2110 = arith.mulf %mul3A_2109, %div3A_2094 : vector<16xf32>
    %exp3A_2111 = math.exp %mul3A_2110 : vector<16xf32>
    %add3A_2112 = arith.constant 1.000000e+00 : f32
    %add3A_2113 = vector.broadcast %add3A_2112 : f32 to vector<16xf32>
    %add3A_2114 = arith.addf %exp3A_2111, %add3A_2113 : vector<16xf32>
    %div3A_2115 = arith.constant 2.000000e+00 : f32
    %div3A_2116 = vector.broadcast %div3A_2115 : f32 to vector<16xf32>
    %div3A_2117 = arith.divf %div3A_2116, %add3A_2114 : vector<16xf32>
    %sub3A_2118 = arith.constant 1.000000e+00 : f32
    %sub3A_2119 = vector.broadcast %sub3A_2118 : f32 to vector<16xf32>
    %sub3A_2120 = arith.subf %sub3A_2119, %div3A_2117 : vector<16xf32>
    %broadcast_in_dim3A_2121 = arith.constant -1.89158643E-4 : f32
    %broadcast_in_dim3A_2122 = vector.broadcast %broadcast_in_dim3A_2121 : f32 to vector<16xf32>
    %mul3A_2123 = arith.mulf %broadcast_in_dim3A_2122, %div3A_2094 : vector<16xf32>
    %add3A_2124 = arith.constant 0.0022839664 : f32
    %add3A_2125 = vector.broadcast %add3A_2124 : f32 to vector<16xf32>
    %add3A_2126 = arith.addf %mul3A_2123, %add3A_2125 : vector<16xf32>
    %mul3A_2127 = arith.mulf %add3A_2126, %div3A_2094 : vector<16xf32>
    %add3A_2128 = arith.constant -0.0124197342 : f32
    %add3A_2129 = vector.broadcast %add3A_2128 : f32 to vector<16xf32>
    %add3A_2130 = arith.addf %mul3A_2127, %add3A_2129 : vector<16xf32>
    %mul3A_2131 = arith.mulf %add3A_2130, %div3A_2094 : vector<16xf32>
    %add3A_2132 = arith.constant 0.0407620892 : f32
    %add3A_2133 = vector.broadcast %add3A_2132 : f32 to vector<16xf32>
    %add3A_2134 = arith.addf %mul3A_2131, %add3A_2133 : vector<16xf32>
    %mul3A_2135 = arith.mulf %add3A_2134, %div3A_2094 : vector<16xf32>
    %add3A_2136 = arith.constant -0.0923750102 : f32
    %add3A_2137 = vector.broadcast %add3A_2136 : f32 to vector<16xf32>
    %add3A_2138 = arith.addf %mul3A_2135, %add3A_2137 : vector<16xf32>
    %mul3A_2139 = arith.mulf %add3A_2138, %div3A_2094 : vector<16xf32>
    %add3A_2140 = arith.constant 0.159971923 : f32
    %add3A_2141 = vector.broadcast %add3A_2140 : f32 to vector<16xf32>
    %add3A_2142 = arith.addf %mul3A_2139, %add3A_2141 : vector<16xf32>
    %mul3A_2143 = arith.mulf %add3A_2142, %div3A_2094 : vector<16xf32>
    %add3A_2144 = arith.constant -0.235194117 : f32
    %add3A_2145 = vector.broadcast %add3A_2144 : f32 to vector<16xf32>
    %add3A_2146 = arith.addf %mul3A_2143, %add3A_2145 : vector<16xf32>
    %mul3A_2147 = arith.mulf %add3A_2146, %div3A_2094 : vector<16xf32>
    %add3A_2148 = arith.constant 0.329887718 : f32
    %add3A_2149 = vector.broadcast %add3A_2148 : f32 to vector<16xf32>
    %add3A_2150 = arith.addf %mul3A_2147, %add3A_2149 : vector<16xf32>
    %mul3A_2151 = arith.mulf %add3A_2150, %div3A_2094 : vector<16xf32>
    %add3A_2152 = arith.constant -0.499555558 : f32
    %add3A_2153 = vector.broadcast %add3A_2152 : f32 to vector<16xf32>
    %add3A_2154 = arith.addf %mul3A_2151, %add3A_2153 : vector<16xf32>
    %mul3A_2155 = arith.mulf %add3A_2154, %div3A_2094 : vector<16xf32>
    %add3A_2156 = arith.constant 0.999974727 : f32
    %add3A_2157 = vector.broadcast %add3A_2156 : f32 to vector<16xf32>
    %add3A_2158 = arith.addf %mul3A_2155, %add3A_2157 : vector<16xf32>
    %mul3A_2159 = arith.mulf %add3A_2158, %div3A_2094 : vector<16xf32>
    %add3A_2160 = arith.constant 3.59602097E-7 : f32
    %add3A_2161 = vector.broadcast %add3A_2160 : f32 to vector<16xf32>
    %add3A_2162 = arith.addf %mul3A_2159, %add3A_2161 : vector<16xf32>
    %get3A_2163 = arith.constant 240 : index
    %get3A_2164 = tpu.vector_load %arg19[%get3A_2163] {strides = array<i32>} : memref<512xf32, #tpu.memory_space<vmem>>, vector<16xf32>,
    %bitcast_convert_type3A_2165 = tpu.bitcast %get3A_2164 : vector<16xf32> -> vector<16xi32>
    %and3A_2166 = arith.constant -65536 : i32
    %and3A_2167 = vector.broadcast %and3A_2166 : i32 to vector<16xi32>
    %and3A_2168 = arith.andi %bitcast_convert_type3A_2165, %and3A_2167 : vector<16xi32>
    %bitcast_convert_type3A_2169 = tpu.bitcast %and3A_2168 : vector<16xi32> -> vector<16xf32>
    %shift_left3A_2170 = arith.constant 16 : i32
    %shift_left3A_2171 = vector.broadcast %shift_left3A_2170 : i32 to vector<16xi32>
    %shift_left3A_2172 = arith.shli %bitcast_convert_type3A_2165, %shift_left3A_2171 : vector<16xi32>
    %bitcast_convert_type3A_2173 = tpu.bitcast %shift_left3A_2172 : vector<16xi32> -> vector<16xf32>
    %sub3A_2174 = arith.constant 1.000000e+00 : f32
    %sub3A_2175 = vector.broadcast %sub3A_2174 : f32 to vector<16xf32>
    %sub3A_2176 = arith.subf %sub3A_2175, %div3A_2107 : vector<16xf32>
    %mul3A_2177 = arith.mulf %sub3A_2120, %bitcast_convert_type3A_2169 : vector<16xf32>
    %mul3A_2178 = arith.mulf %sub3A_2176, %mul3A_2177 : vector<16xf32>
    %mul3A_2179 = arith.mulf %add3A_2162, %bitcast_convert_type3A_2173 : vector<16xf32>
    %mul3A_2180 = arith.mulf %div3A_2107, %mul3A_2179 : vector<16xf32>
    %add3A_2181 = arith.addf %mul3A_2178, %mul3A_2180 : vector<16xf32>
    %get3A_2182 = arith.constant 240 : index
    %get3A_2183 = tpu.vector_load %arg18[%get3A_2182] {strides = array<i32>} : memref<512xf32, #tpu.memory_space<vmem>>, vector<16xf32>,
    %mul3A_2184 = arith.mulf %get3A_2183, %add3A_2181 : vector<16xf32>
    %swap3A_2185 = arith.constant 240 : index
    %swap3A_2186 = tpu.vector_load %arg20[%swap3A_2185] {strides = array<i32>} : memref<512xf32, #tpu.memory_space<vmem>>, vector<16xf32>,
    tpu.vector_store %arg20[%swap3A_2185], %mul3A_2184 {strides = array<i32>} : memref<512xf32, #tpu.memory_space<vmem>>, vector<16xf32>,
    %swap3A_2187 = arith.constant 240 : index
    %swap3A_2188 = tpu.vector_load %arg21[%swap3A_2187] {strides = array<i32>} : memref<512xf32, #tpu.memory_space<vmem>>, vector<16xf32>,
    tpu.vector_store %arg21[%swap3A_2187], %div3A_2107 {strides = array<i32>} : memref<512xf32, #tpu.memory_space<vmem>>, vector<16xf32>,
    %swap3A_2189 = arith.constant 240 : index
    %swap3A_2190 = tpu.vector_load %arg22[%swap3A_2189] {strides = array<i32>} : memref<512xf32, #tpu.memory_space<vmem>>, vector<16xf32>,
    tpu.vector_store %arg22[%swap3A_2189], %add3A_2181 {strides = array<i32>} : memref<512xf32, #tpu.memory_space<vmem>>, vector<16xf32>,
    %get3A_2191 = arith.constant 256 : index
    %get3A_2192 = tpu.vector_load %arg14[%get3A_2191] {strides = array<i32>} : memref<512xi32, #tpu.memory_space<vmem>>, vector<16xi32>,
    %gather3A_2193 = tpu.vector_load_idx %arg16[%get3A_2192] : memref<200xf32, #tpu.memory_space<vmem>>[vector<16xi32>], vector<16xf32>,
    %get3A_2194 = arith.constant 256 : index
    %get3A_2195 = tpu.vector_load %arg15[%get3A_2194] {strides = array<i32>} : memref<512xf32, #tpu.memory_space<vmem>>, vector<16xf32>,
    %add3A_2196 = arith.constant 9.99999997E-7 : f32
    %add3A_2197 = vector.broadcast %add3A_2196 : f32 to vector<16xf32>
    %add3A_2198 = arith.addf %gather3A_2193, %add3A_2197 : vector<16xf32>
    %div3A_2199 = arith.divf %get3A_2195, %add3A_2198 : vector<16xf32>
    %sub3A_2200 = arith.constant 1.000000e+00 : f32
    %sub3A_2201 = vector.broadcast %sub3A_2200 : f32 to vector<16xf32>
    %sub3A_2202 = arith.subf %div3A_2199, %sub3A_2201 : vector<16xf32>
    %mul3A_2203 = arith.constant -1.000000e+01 : f32
    %mul3A_2204 = vector.broadcast %mul3A_2203 : f32 to vector<16xf32>
    %mul3A_2205 = arith.mulf %mul3A_2204, %sub3A_2202 : vector<16xf32>
    %exp3A_2206 = math.exp %mul3A_2205 : vector<16xf32>
    %add3A_2207 = arith.constant 1.000000e+00 : f32
    %add3A_2208 = vector.broadcast %add3A_2207 : f32 to vector<16xf32>
    %add3A_2209 = arith.addf %add3A_2208, %exp3A_2206 : vector<16xf32>
    %div3A_2210 = arith.constant 1.000000e+00 : f32
    %div3A_2211 = vector.broadcast %div3A_2210 : f32 to vector<16xf32>
    %div3A_2212 = arith.divf %div3A_2211, %add3A_2209 : vector<16xf32>
    %mul3A_2213 = arith.constant 2.000000e+00 : f32
    %mul3A_2214 = vector.broadcast %mul3A_2213 : f32 to vector<16xf32>
    %mul3A_2215 = arith.mulf %mul3A_2214, %div3A_2199 : vector<16xf32>
    %exp3A_2216 = math.exp %mul3A_2215 : vector<16xf32>
    %add3A_2217 = arith.constant 1.000000e+00 : f32
    %add3A_2218 = vector.broadcast %add3A_2217 : f32 to vector<16xf32>
    %add3A_2219 = arith.addf %exp3A_2216, %add3A_2218 : vector<16xf32>
    %div3A_2220 = arith.constant 2.000000e+00 : f32
    %div3A_2221 = vector.broadcast %div3A_2220 : f32 to vector<16xf32>
    %div3A_2222 = arith.divf %div3A_2221, %add3A_2219 : vector<16xf32>
    %sub3A_2223 = arith.constant 1.000000e+00 : f32
    %sub3A_2224 = vector.broadcast %sub3A_2223 : f32 to vector<16xf32>
    %sub3A_2225 = arith.subf %sub3A_2224, %div3A_2222 : vector<16xf32>
    %broadcast_in_dim3A_2226 = arith.constant -1.89158643E-4 : f32
    %broadcast_in_dim3A_2227 = vector.broadcast %broadcast_in_dim3A_2226 : f32 to vector<16xf32>
    %mul3A_2228 = arith.mulf %broadcast_in_dim3A_2227, %div3A_2199 : vector<16xf32>
    %add3A_2229 = arith.constant 0.0022839664 : f32
    %add3A_2230 = vector.broadcast %add3A_2229 : f32 to vector<16xf32>
    %add3A_2231 = arith.addf %mul3A_2228, %add3A_2230 : vector<16xf32>
    %mul3A_2232 = arith.mulf %add3A_2231, %div3A_2199 : vector<16xf32>
    %add3A_2233 = arith.constant -0.0124197342 : f32
    %add3A_2234 = vector.broadcast %add3A_2233 : f32 to vector<16xf32>
    %add3A_2235 = arith.addf %mul3A_2232, %add3A_2234 : vector<16xf32>
    %mul3A_2236 = arith.mulf %add3A_2235, %div3A_2199 : vector<16xf32>
    %add3A_2237 = arith.constant 0.0407620892 : f32
    %add3A_2238 = vector.broadcast %add3A_2237 : f32 to vector<16xf32>
    %add3A_2239 = arith.addf %mul3A_2236, %add3A_2238 : vector<16xf32>
    %mul3A_2240 = arith.mulf %add3A_2239, %div3A_2199 : vector<16xf32>
    %add3A_2241 = arith.constant -0.0923750102 : f32
    %add3A_2242 = vector.broadcast %add3A_2241 : f32 to vector<16xf32>
    %add3A_2243 = arith.addf %mul3A_2240, %add3A_2242 : vector<16xf32>
    %mul3A_2244 = arith.mulf %add3A_2243, %div3A_2199 : vector<16xf32>
    %add3A_2245 = arith.constant 0.159971923 : f32
    %add3A_2246 = vector.broadcast %add3A_2245 : f32 to vector<16xf32>
    %add3A_2247 = arith.addf %mul3A_2244, %add3A_2246 : vector<16xf32>
    %mul3A_2248 = arith.mulf %add3A_2247, %div3A_2199 : vector<16xf32>
    %add3A_2249 = arith.constant -0.235194117 : f32
    %add3A_2250 = vector.broadcast %add3A_2249 : f32 to vector<16xf32>
    %add3A_2251 = arith.addf %mul3A_2248, %add3A_2250 : vector<16xf32>
    %mul3A_2252 = arith.mulf %add3A_2251, %div3A_2199 : vector<16xf32>
    %add3A_2253 = arith.constant 0.329887718 : f32
    %add3A_2254 = vector.broadcast %add3A_2253 : f32 to vector<16xf32>
    %add3A_2255 = arith.addf %mul3A_2252, %add3A_2254 : vector<16xf32>
    %mul3A_2256 = arith.mulf %add3A_2255, %div3A_2199 : vector<16xf32>
    %add3A_2257 = arith.constant -0.499555558 : f32
    %add3A_2258 = vector.broadcast %add3A_2257 : f32 to vector<16xf32>
    %add3A_2259 = arith.addf %mul3A_2256, %add3A_2258 : vector<16xf32>
    %mul3A_2260 = arith.mulf %add3A_2259, %div3A_2199 : vector<16xf32>
    %add3A_2261 = arith.constant 0.999974727 : f32
    %add3A_2262 = vector.broadcast %add3A_2261 : f32 to vector<16xf32>
    %add3A_2263 = arith.addf %mul3A_2260, %add3A_2262 : vector<16xf32>
    %mul3A_2264 = arith.mulf %add3A_2263, %div3A_2199 : vector<16xf32>
    %add3A_2265 = arith.constant 3.59602097E-7 : f32
    %add3A_2266 = vector.broadcast %add3A_2265 : f32 to vector<16xf32>
    %add3A_2267 = arith.addf %mul3A_2264, %add3A_2266 : vector<16xf32>
    %get3A_2268 = arith.constant 256 : index
    %get3A_2269 = tpu.vector_load %arg19[%get3A_2268] {strides = array<i32>} : memref<512xf32, #tpu.memory_space<vmem>>, vector<16xf32>,
    %bitcast_convert_type3A_2270 = tpu.bitcast %get3A_2269 : vector<16xf32> -> vector<16xi32>
    %and3A_2271 = arith.constant -65536 : i32
    %and3A_2272 = vector.broadcast %and3A_2271 : i32 to vector<16xi32>
    %and3A_2273 = arith.andi %bitcast_convert_type3A_2270, %and3A_2272 : vector<16xi32>
    %bitcast_convert_type3A_2274 = tpu.bitcast %and3A_2273 : vector<16xi32> -> vector<16xf32>
    %shift_left3A_2275 = arith.constant 16 : i32
    %shift_left3A_2276 = vector.broadcast %shift_left3A_2275 : i32 to vector<16xi32>
    %shift_left3A_2277 = arith.shli %bitcast_convert_type3A_2270, %shift_left3A_2276 : vector<16xi32>
    %bitcast_convert_type3A_2278 = tpu.bitcast %shift_left3A_2277 : vector<16xi32> -> vector<16xf32>
    %sub3A_2279 = arith.constant 1.000000e+00 : f32
    %sub3A_2280 = vector.broadcast %sub3A_2279 : f32 to vector<16xf32>
    %sub3A_2281 = arith.subf %sub3A_2280, %div3A_2212 : vector<16xf32>
    %mul3A_2282 = arith.mulf %sub3A_2225, %bitcast_convert_type3A_2274 : vector<16xf32>
    %mul3A_2283 = arith.mulf %sub3A_2281, %mul3A_2282 : vector<16xf32>
    %mul3A_2284 = arith.mulf %add3A_2267, %bitcast_convert_type3A_2278 : vector<16xf32>
    %mul3A_2285 = arith.mulf %div3A_2212, %mul3A_2284 : vector<16xf32>
    %add3A_2286 = arith.addf %mul3A_2283, %mul3A_2285 : vector<16xf32>
    %get3A_2287 = arith.constant 256 : index
    %get3A_2288 = tpu.vector_load %arg18[%get3A_2287] {strides = array<i32>} : memref<512xf32, #tpu.memory_space<vmem>>, vector<16xf32>,
    %mul3A_2289 = arith.mulf %get3A_2288, %add3A_2286 : vector<16xf32>
    %swap3A_2290 = arith.constant 256 : index
    %swap3A_2291 = tpu.vector_load %arg20[%swap3A_2290] {strides = array<i32>} : memref<512xf32, #tpu.memory_space<vmem>>, vector<16xf32>,
    tpu.vector_store %arg20[%swap3A_2290], %mul3A_2289 {strides = array<i32>} : memref<512xf32, #tpu.memory_space<vmem>>, vector<16xf32>,
    %swap3A_2292 = arith.constant 256 : index
    %swap3A_2293 = tpu.vector_load %arg21[%swap3A_2292] {strides = array<i32>} : memref<512xf32, #tpu.memory_space<vmem>>, vector<16xf32>,
    tpu.vector_store %arg21[%swap3A_2292], %div3A_2212 {strides = array<i32>} : memref<512xf32, #tpu.memory_space<vmem>>, vector<16xf32>,
    %swap3A_2294 = arith.constant 256 : index
    %swap3A_2295 = tpu.vector_load %arg22[%swap3A_2294] {strides = array<i32>} : memref<512xf32, #tpu.memory_space<vmem>>, vector<16xf32>,
    tpu.vector_store %arg22[%swap3A_2294], %add3A_2286 {strides = array<i32>} : memref<512xf32, #tpu.memory_space<vmem>>, vector<16xf32>,
    %get3A_2296 = arith.constant 272 : index
    %get3A_2297 = tpu.vector_load %arg14[%get3A_2296] {strides = array<i32>} : memref<512xi32, #tpu.memory_space<vmem>>, vector<16xi32>,
    %gather3A_2298 = tpu.vector_load_idx %arg16[%get3A_2297] : memref<200xf32, #tpu.memory_space<vmem>>[vector<16xi32>], vector<16xf32>,
    %get3A_2299 = arith.constant 272 : index
    %get3A_2300 = tpu.vector_load %arg15[%get3A_2299] {strides = array<i32>} : memref<512xf32, #tpu.memory_space<vmem>>, vector<16xf32>,
    %add3A_2301 = arith.constant 9.99999997E-7 : f32
    %add3A_2302 = vector.broadcast %add3A_2301 : f32 to vector<16xf32>
    %add3A_2303 = arith.addf %gather3A_2298, %add3A_2302 : vector<16xf32>
    %div3A_2304 = arith.divf %get3A_2300, %add3A_2303 : vector<16xf32>
    %sub3A_2305 = arith.constant 1.000000e+00 : f32
    %sub3A_2306 = vector.broadcast %sub3A_2305 : f32 to vector<16xf32>
    %sub3A_2307 = arith.subf %div3A_2304, %sub3A_2306 : vector<16xf32>
    %mul3A_2308 = arith.constant -1.000000e+01 : f32
    %mul3A_2309 = vector.broadcast %mul3A_2308 : f32 to vector<16xf32>
    %mul3A_2310 = arith.mulf %mul3A_2309, %sub3A_2307 : vector<16xf32>
    %exp3A_2311 = math.exp %mul3A_2310 : vector<16xf32>
    %add3A_2312 = arith.constant 1.000000e+00 : f32
    %add3A_2313 = vector.broadcast %add3A_2312 : f32 to vector<16xf32>
    %add3A_2314 = arith.addf %add3A_2313, %exp3A_2311 : vector<16xf32>
    %div3A_2315 = arith.constant 1.000000e+00 : f32
    %div3A_2316 = vector.broadcast %div3A_2315 : f32 to vector<16xf32>
    %div3A_2317 = arith.divf %div3A_2316, %add3A_2314 : vector<16xf32>
    %mul3A_2318 = arith.constant 2.000000e+00 : f32
    %mul3A_2319 = vector.broadcast %mul3A_2318 : f32 to vector<16xf32>
    %mul3A_2320 = arith.mulf %mul3A_2319, %div3A_2304 : vector<16xf32>
    %exp3A_2321 = math.exp %mul3A_2320 : vector<16xf32>
    %add3A_2322 = arith.constant 1.000000e+00 : f32
    %add3A_2323 = vector.broadcast %add3A_2322 : f32 to vector<16xf32>
    %add3A_2324 = arith.addf %exp3A_2321, %add3A_2323 : vector<16xf32>
    %div3A_2325 = arith.constant 2.000000e+00 : f32
    %div3A_2326 = vector.broadcast %div3A_2325 : f32 to vector<16xf32>
    %div3A_2327 = arith.divf %div3A_2326, %add3A_2324 : vector<16xf32>
    %sub3A_2328 = arith.constant 1.000000e+00 : f32
    %sub3A_2329 = vector.broadcast %sub3A_2328 : f32 to vector<16xf32>
    %sub3A_2330 = arith.subf %sub3A_2329, %div3A_2327 : vector<16xf32>
    %broadcast_in_dim3A_2331 = arith.constant -1.89158643E-4 : f32
    %broadcast_in_dim3A_2332 = vector.broadcast %broadcast_in_dim3A_2331 : f32 to vector<16xf32>
    %mul3A_2333 = arith.mulf %broadcast_in_dim3A_2332, %div3A_2304 : vector<16xf32>
    %add3A_2334 = arith.constant 0.0022839664 : f32
    %add3A_2335 = vector.broadcast %add3A_2334 : f32 to vector<16xf32>
    %add3A_2336 = arith.addf %mul3A_2333, %add3A_2335 : vector<16xf32>
    %mul3A_2337 = arith.mulf %add3A_2336, %div3A_2304 : vector<16xf32>
    %add3A_2338 = arith.constant -0.0124197342 : f32
    %add3A_2339 = vector.broadcast %add3A_2338 : f32 to vector<16xf32>
    %add3A_2340 = arith.addf %mul3A_2337, %add3A_2339 : vector<16xf32>
    %mul3A_2341 = arith.mulf %add3A_2340, %div3A_2304 : vector<16xf32>
    %add3A_2342 = arith.constant 0.0407620892 : f32
    %add3A_2343 = vector.broadcast %add3A_2342 : f32 to vector<16xf32>
    %add3A_2344 = arith.addf %mul3A_2341, %add3A_2343 : vector<16xf32>
    %mul3A_2345 = arith.mulf %add3A_2344, %div3A_2304 : vector<16xf32>
    %add3A_2346 = arith.constant -0.0923750102 : f32
    %add3A_2347 = vector.broadcast %add3A_2346 : f32 to vector<16xf32>
    %add3A_2348 = arith.addf %mul3A_2345, %add3A_2347 : vector<16xf32>
    %mul3A_2349 = arith.mulf %add3A_2348, %div3A_2304 : vector<16xf32>
    %add3A_2350 = arith.constant 0.159971923 : f32
    %add3A_2351 = vector.broadcast %add3A_2350 : f32 to vector<16xf32>
    %add3A_2352 = arith.addf %mul3A_2349, %add3A_2351 : vector<16xf32>
    %mul3A_2353 = arith.mulf %add3A_2352, %div3A_2304 : vector<16xf32>
    %add3A_2354 = arith.constant -0.235194117 : f32
    %add3A_2355 = vector.broadcast %add3A_2354 : f32 to vector<16xf32>
    %add3A_2356 = arith.addf %mul3A_2353, %add3A_2355 : vector<16xf32>
    %mul3A_2357 = arith.mulf %add3A_2356, %div3A_2304 : vector<16xf32>
    %add3A_2358 = arith.constant 0.329887718 : f32
    %add3A_2359 = vector.broadcast %add3A_2358 : f32 to vector<16xf32>
    %add3A_2360 = arith.addf %mul3A_2357, %add3A_2359 : vector<16xf32>
    %mul3A_2361 = arith.mulf %add3A_2360, %div3A_2304 : vector<16xf32>
    %add3A_2362 = arith.constant -0.499555558 : f32
    %add3A_2363 = vector.broadcast %add3A_2362 : f32 to vector<16xf32>
    %add3A_2364 = arith.addf %mul3A_2361, %add3A_2363 : vector<16xf32>
    %mul3A_2365 = arith.mulf %add3A_2364, %div3A_2304 : vector<16xf32>
    %add3A_2366 = arith.constant 0.999974727 : f32
    %add3A_2367 = vector.broadcast %add3A_2366 : f32 to vector<16xf32>
    %add3A_2368 = arith.addf %mul3A_2365, %add3A_2367 : vector<16xf32>
    %mul3A_2369 = arith.mulf %add3A_2368, %div3A_2304 : vector<16xf32>
    %add3A_2370 = arith.constant 3.59602097E-7 : f32
    %add3A_2371 = vector.broadcast %add3A_2370 : f32 to vector<16xf32>
    %add3A_2372 = arith.addf %mul3A_2369, %add3A_2371 : vector<16xf32>
    %get3A_2373 = arith.constant 272 : index
    %get3A_2374 = tpu.vector_load %arg19[%get3A_2373] {strides = array<i32>} : memref<512xf32, #tpu.memory_space<vmem>>, vector<16xf32>,
    %bitcast_convert_type3A_2375 = tpu.bitcast %get3A_2374 : vector<16xf32> -> vector<16xi32>
    %and3A_2376 = arith.constant -65536 : i32
    %and3A_2377 = vector.broadcast %and3A_2376 : i32 to vector<16xi32>
    %and3A_2378 = arith.andi %bitcast_convert_type3A_2375, %and3A_2377 : vector<16xi32>
    %bitcast_convert_type3A_2379 = tpu.bitcast %and3A_2378 : vector<16xi32> -> vector<16xf32>
    %shift_left3A_2380 = arith.constant 16 : i32
    %shift_left3A_2381 = vector.broadcast %shift_left3A_2380 : i32 to vector<16xi32>
    %shift_left3A_2382 = arith.shli %bitcast_convert_type3A_2375, %shift_left3A_2381 : vector<16xi32>
    %bitcast_convert_type3A_2383 = tpu.bitcast %shift_left3A_2382 : vector<16xi32> -> vector<16xf32>
    %sub3A_2384 = arith.constant 1.000000e+00 : f32
    %sub3A_2385 = vector.broadcast %sub3A_2384 : f32 to vector<16xf32>
    %sub3A_2386 = arith.subf %sub3A_2385, %div3A_2317 : vector<16xf32>
    %mul3A_2387 = arith.mulf %sub3A_2330, %bitcast_convert_type3A_2379 : vector<16xf32>
    %mul3A_2388 = arith.mulf %sub3A_2386, %mul3A_2387 : vector<16xf32>
    %mul3A_2389 = arith.mulf %add3A_2372, %bitcast_convert_type3A_2383 : vector<16xf32>
    %mul3A_2390 = arith.mulf %div3A_2317, %mul3A_2389 : vector<16xf32>
    %add3A_2391 = arith.addf %mul3A_2388, %mul3A_2390 : vector<16xf32>
    %get3A_2392 = arith.constant 272 : index
    %get3A_2393 = tpu.vector_load %arg18[%get3A_2392] {strides = array<i32>} : memref<512xf32, #tpu.memory_space<vmem>>, vector<16xf32>,
    %mul3A_2394 = arith.mulf %get3A_2393, %add3A_2391 : vector<16xf32>
    %swap3A_2395 = arith.constant 272 : index
    %swap3A_2396 = tpu.vector_load %arg20[%swap3A_2395] {strides = array<i32>} : memref<512xf32, #tpu.memory_space<vmem>>, vector<16xf32>,
    tpu.vector_store %arg20[%swap3A_2395], %mul3A_2394 {strides = array<i32>} : memref<512xf32, #tpu.memory_space<vmem>>, vector<16xf32>,
    %swap3A_2397 = arith.constant 272 : index
    %swap3A_2398 = tpu.vector_load %arg21[%swap3A_2397] {strides = array<i32>} : memref<512xf32, #tpu.memory_space<vmem>>, vector<16xf32>,
    tpu.vector_store %arg21[%swap3A_2397], %div3A_2317 {strides = array<i32>} : memref<512xf32, #tpu.memory_space<vmem>>, vector<16xf32>,
    %swap3A_2399 = arith.constant 272 : index
    %swap3A_2400 = tpu.vector_load %arg22[%swap3A_2399] {strides = array<i32>} : memref<512xf32, #tpu.memory_space<vmem>>, vector<16xf32>,
    tpu.vector_store %arg22[%swap3A_2399], %add3A_2391 {strides = array<i32>} : memref<512xf32, #tpu.memory_space<vmem>>, vector<16xf32>,
    %get3A_2401 = arith.constant 288 : index
    %get3A_2402 = tpu.vector_load %arg14[%get3A_2401] {strides = array<i32>} : memref<512xi32, #tpu.memory_space<vmem>>, vector<16xi32>,
    %gather3A_2403 = tpu.vector_load_idx %arg16[%get3A_2402] : memref<200xf32, #tpu.memory_space<vmem>>[vector<16xi32>], vector<16xf32>,
    %get3A_2404 = arith.constant 288 : index
    %get3A_2405 = tpu.vector_load %arg15[%get3A_2404] {strides = array<i32>} : memref<512xf32, #tpu.memory_space<vmem>>, vector<16xf32>,
    %add3A_2406 = arith.constant 9.99999997E-7 : f32
    %add3A_2407 = vector.broadcast %add3A_2406 : f32 to vector<16xf32>
    %add3A_2408 = arith.addf %gather3A_2403, %add3A_2407 : vector<16xf32>
    %div3A_2409 = arith.divf %get3A_2405, %add3A_2408 : vector<16xf32>
    %sub3A_2410 = arith.constant 1.000000e+00 : f32
    %sub3A_2411 = vector.broadcast %sub3A_2410 : f32 to vector<16xf32>
    %sub3A_2412 = arith.subf %div3A_2409, %sub3A_2411 : vector<16xf32>
    %mul3A_2413 = arith.constant -1.000000e+01 : f32
    %mul3A_2414 = vector.broadcast %mul3A_2413 : f32 to vector<16xf32>
    %mul3A_2415 = arith.mulf %mul3A_2414, %sub3A_2412 : vector<16xf32>
    %exp3A_2416 = math.exp %mul3A_2415 : vector<16xf32>
    %add3A_2417 = arith.constant 1.000000e+00 : f32
    %add3A_2418 = vector.broadcast %add3A_2417 : f32 to vector<16xf32>
    %add3A_2419 = arith.addf %add3A_2418, %exp3A_2416 : vector<16xf32>
    %div3A_2420 = arith.constant 1.000000e+00 : f32
    %div3A_2421 = vector.broadcast %div3A_2420 : f32 to vector<16xf32>
    %div3A_2422 = arith.divf %div3A_2421, %add3A_2419 : vector<16xf32>
    %mul3A_2423 = arith.constant 2.000000e+00 : f32
    %mul3A_2424 = vector.broadcast %mul3A_2423 : f32 to vector<16xf32>
    %mul3A_2425 = arith.mulf %mul3A_2424, %div3A_2409 : vector<16xf32>
    %exp3A_2426 = math.exp %mul3A_2425 : vector<16xf32>
    %add3A_2427 = arith.constant 1.000000e+00 : f32
    %add3A_2428 = vector.broadcast %add3A_2427 : f32 to vector<16xf32>
    %add3A_2429 = arith.addf %exp3A_2426, %add3A_2428 : vector<16xf32>
    %div3A_2430 = arith.constant 2.000000e+00 : f32
    %div3A_2431 = vector.broadcast %div3A_2430 : f32 to vector<16xf32>
    %div3A_2432 = arith.divf %div3A_2431, %add3A_2429 : vector<16xf32>
    %sub3A_2433 = arith.constant 1.000000e+00 : f32
    %sub3A_2434 = vector.broadcast %sub3A_2433 : f32 to vector<16xf32>
    %sub3A_2435 = arith.subf %sub3A_2434, %div3A_2432 : vector<16xf32>
    %broadcast_in_dim3A_2436 = arith.constant -1.89158643E-4 : f32
    %broadcast_in_dim3A_2437 = vector.broadcast %broadcast_in_dim3A_2436 : f32 to vector<16xf32>
    %mul3A_2438 = arith.mulf %broadcast_in_dim3A_2437, %div3A_2409 : vector<16xf32>
    %add3A_2439 = arith.constant 0.0022839664 : f32
    %add3A_2440 = vector.broadcast %add3A_2439 : f32 to vector<16xf32>
    %add3A_2441 = arith.addf %mul3A_2438, %add3A_2440 : vector<16xf32>
    %mul3A_2442 = arith.mulf %add3A_2441, %div3A_2409 : vector<16xf32>
    %add3A_2443 = arith.constant -0.0124197342 : f32
    %add3A_2444 = vector.broadcast %add3A_2443 : f32 to vector<16xf32>
    %add3A_2445 = arith.addf %mul3A_2442, %add3A_2444 : vector<16xf32>
    %mul3A_2446 = arith.mulf %add3A_2445, %div3A_2409 : vector<16xf32>
    %add3A_2447 = arith.constant 0.0407620892 : f32
    %add3A_2448 = vector.broadcast %add3A_2447 : f32 to vector<16xf32>
    %add3A_2449 = arith.addf %mul3A_2446, %add3A_2448 : vector<16xf32>
    %mul3A_2450 = arith.mulf %add3A_2449, %div3A_2409 : vector<16xf32>
    %add3A_2451 = arith.constant -0.0923750102 : f32
    %add3A_2452 = vector.broadcast %add3A_2451 : f32 to vector<16xf32>
    %add3A_2453 = arith.addf %mul3A_2450, %add3A_2452 : vector<16xf32>
    %mul3A_2454 = arith.mulf %add3A_2453, %div3A_2409 : vector<16xf32>
    %add3A_2455 = arith.constant 0.159971923 : f32
    %add3A_2456 = vector.broadcast %add3A_2455 : f32 to vector<16xf32>
    %add3A_2457 = arith.addf %mul3A_2454, %add3A_2456 : vector<16xf32>
    %mul3A_2458 = arith.mulf %add3A_2457, %div3A_2409 : vector<16xf32>
    %add3A_2459 = arith.constant -0.235194117 : f32
    %add3A_2460 = vector.broadcast %add3A_2459 : f32 to vector<16xf32>
    %add3A_2461 = arith.addf %mul3A_2458, %add3A_2460 : vector<16xf32>
    %mul3A_2462 = arith.mulf %add3A_2461, %div3A_2409 : vector<16xf32>
    %add3A_2463 = arith.constant 0.329887718 : f32
    %add3A_2464 = vector.broadcast %add3A_2463 : f32 to vector<16xf32>
    %add3A_2465 = arith.addf %mul3A_2462, %add3A_2464 : vector<16xf32>
    %mul3A_2466 = arith.mulf %add3A_2465, %div3A_2409 : vector<16xf32>
    %add3A_2467 = arith.constant -0.499555558 : f32
    %add3A_2468 = vector.broadcast %add3A_2467 : f32 to vector<16xf32>
    %add3A_2469 = arith.addf %mul3A_2466, %add3A_2468 : vector<16xf32>
    %mul3A_2470 = arith.mulf %add3A_2469, %div3A_2409 : vector<16xf32>
    %add3A_2471 = arith.constant 0.999974727 : f32
    %add3A_2472 = vector.broadcast %add3A_2471 : f32 to vector<16xf32>
    %add3A_2473 = arith.addf %mul3A_2470, %add3A_2472 : vector<16xf32>
    %mul3A_2474 = arith.mulf %add3A_2473, %div3A_2409 : vector<16xf32>
    %add3A_2475 = arith.constant 3.59602097E-7 : f32
    %add3A_2476 = vector.broadcast %add3A_2475 : f32 to vector<16xf32>
    %add3A_2477 = arith.addf %mul3A_2474, %add3A_2476 : vector<16xf32>
    %get3A_2478 = arith.constant 288 : index
    %get3A_2479 = tpu.vector_load %arg19[%get3A_2478] {strides = array<i32>} : memref<512xf32, #tpu.memory_space<vmem>>, vector<16xf32>,
    %bitcast_convert_type3A_2480 = tpu.bitcast %get3A_2479 : vector<16xf32> -> vector<16xi32>
    %and3A_2481 = arith.constant -65536 : i32
    %and3A_2482 = vector.broadcast %and3A_2481 : i32 to vector<16xi32>
    %and3A_2483 = arith.andi %bitcast_convert_type3A_2480, %and3A_2482 : vector<16xi32>
    %bitcast_convert_type3A_2484 = tpu.bitcast %and3A_2483 : vector<16xi32> -> vector<16xf32>
    %shift_left3A_2485 = arith.constant 16 : i32
    %shift_left3A_2486 = vector.broadcast %shift_left3A_2485 : i32 to vector<16xi32>
    %shift_left3A_2487 = arith.shli %bitcast_convert_type3A_2480, %shift_left3A_2486 : vector<16xi32>
    %bitcast_convert_type3A_2488 = tpu.bitcast %shift_left3A_2487 : vector<16xi32> -> vector<16xf32>
    %sub3A_2489 = arith.constant 1.000000e+00 : f32
    %sub3A_2490 = vector.broadcast %sub3A_2489 : f32 to vector<16xf32>
    %sub3A_2491 = arith.subf %sub3A_2490, %div3A_2422 : vector<16xf32>
    %mul3A_2492 = arith.mulf %sub3A_2435, %bitcast_convert_type3A_2484 : vector<16xf32>
    %mul3A_2493 = arith.mulf %sub3A_2491, %mul3A_2492 : vector<16xf32>
    %mul3A_2494 = arith.mulf %add3A_2477, %bitcast_convert_type3A_2488 : vector<16xf32>
    %mul3A_2495 = arith.mulf %div3A_2422, %mul3A_2494 : vector<16xf32>
    %add3A_2496 = arith.addf %mul3A_2493, %mul3A_2495 : vector<16xf32>
    %get3A_2497 = arith.constant 288 : index
    %get3A_2498 = tpu.vector_load %arg18[%get3A_2497] {strides = array<i32>} : memref<512xf32, #tpu.memory_space<vmem>>, vector<16xf32>,
    %mul3A_2499 = arith.mulf %get3A_2498, %add3A_2496 : vector<16xf32>
    %swap3A_2500 = arith.constant 288 : index
    %swap3A_2501 = tpu.vector_load %arg20[%swap3A_2500] {strides = array<i32>} : memref<512xf32, #tpu.memory_space<vmem>>, vector<16xf32>,
    tpu.vector_store %arg20[%swap3A_2500], %mul3A_2499 {strides = array<i32>} : memref<512xf32, #tpu.memory_space<vmem>>, vector<16xf32>,
    %swap3A_2502 = arith.constant 288 : index
    %swap3A_2503 = tpu.vector_load %arg21[%swap3A_2502] {strides = array<i32>} : memref<512xf32, #tpu.memory_space<vmem>>, vector<16xf32>,
    tpu.vector_store %arg21[%swap3A_2502], %div3A_2422 {strides = array<i32>} : memref<512xf32, #tpu.memory_space<vmem>>, vector<16xf32>,
    %swap3A_2504 = arith.constant 288 : index
    %swap3A_2505 = tpu.vector_load %arg22[%swap3A_2504] {strides = array<i32>} : memref<512xf32, #tpu.memory_space<vmem>>, vector<16xf32>,
    tpu.vector_store %arg22[%swap3A_2504], %add3A_2496 {strides = array<i32>} : memref<512xf32, #tpu.memory_space<vmem>>, vector<16xf32>,
    %get3A_2506 = arith.constant 304 : index
    %get3A_2507 = tpu.vector_load %arg14[%get3A_2506] {strides = array<i32>} : memref<512xi32, #tpu.memory_space<vmem>>, vector<16xi32>,
    %gather3A_2508 = tpu.vector_load_idx %arg16[%get3A_2507] : memref<200xf32, #tpu.memory_space<vmem>>[vector<16xi32>], vector<16xf32>,
    %get3A_2509 = arith.constant 304 : index
    %get3A_2510 = tpu.vector_load %arg15[%get3A_2509] {strides = array<i32>} : memref<512xf32, #tpu.memory_space<vmem>>, vector<16xf32>,
    %add3A_2511 = arith.constant 9.99999997E-7 : f32
    %add3A_2512 = vector.broadcast %add3A_2511 : f32 to vector<16xf32>
    %add3A_2513 = arith.addf %gather3A_2508, %add3A_2512 : vector<16xf32>
    %div3A_2514 = arith.divf %get3A_2510, %add3A_2513 : vector<16xf32>
    %sub3A_2515 = arith.constant 1.000000e+00 : f32
    %sub3A_2516 = vector.broadcast %sub3A_2515 : f32 to vector<16xf32>
    %sub3A_2517 = arith.subf %div3A_2514, %sub3A_2516 : vector<16xf32>
    %mul3A_2518 = arith.constant -1.000000e+01 : f32
    %mul3A_2519 = vector.broadcast %mul3A_2518 : f32 to vector<16xf32>
    %mul3A_2520 = arith.mulf %mul3A_2519, %sub3A_2517 : vector<16xf32>
    %exp3A_2521 = math.exp %mul3A_2520 : vector<16xf32>
    %add3A_2522 = arith.constant 1.000000e+00 : f32
    %add3A_2523 = vector.broadcast %add3A_2522 : f32 to vector<16xf32>
    %add3A_2524 = arith.addf %add3A_2523, %exp3A_2521 : vector<16xf32>
    %div3A_2525 = arith.constant 1.000000e+00 : f32
    %div3A_2526 = vector.broadcast %div3A_2525 : f32 to vector<16xf32>
    %div3A_2527 = arith.divf %div3A_2526, %add3A_2524 : vector<16xf32>
    %mul3A_2528 = arith.constant 2.000000e+00 : f32
    %mul3A_2529 = vector.broadcast %mul3A_2528 : f32 to vector<16xf32>
    %mul3A_2530 = arith.mulf %mul3A_2529, %div3A_2514 : vector<16xf32>
    %exp3A_2531 = math.exp %mul3A_2530 : vector<16xf32>
    %add3A_2532 = arith.constant 1.000000e+00 : f32
    %add3A_2533 = vector.broadcast %add3A_2532 : f32 to vector<16xf32>
    %add3A_2534 = arith.addf %exp3A_2531, %add3A_2533 : vector<16xf32>
    %div3A_2535 = arith.constant 2.000000e+00 : f32
    %div3A_2536 = vector.broadcast %div3A_2535 : f32 to vector<16xf32>
    %div3A_2537 = arith.divf %div3A_2536, %add3A_2534 : vector<16xf32>
    %sub3A_2538 = arith.constant 1.000000e+00 : f32
    %sub3A_2539 = vector.broadcast %sub3A_2538 : f32 to vector<16xf32>
    %sub3A_2540 = arith.subf %sub3A_2539, %div3A_2537 : vector<16xf32>
    %broadcast_in_dim3A_2541 = arith.constant -1.89158643E-4 : f32
    %broadcast_in_dim3A_2542 = vector.broadcast %broadcast_in_dim3A_2541 : f32 to vector<16xf32>
    %mul3A_2543 = arith.mulf %broadcast_in_dim3A_2542, %div3A_2514 : vector<16xf32>
    %add3A_2544 = arith.constant 0.0022839664 : f32
    %add3A_2545 = vector.broadcast %add3A_2544 : f32 to vector<16xf32>
    %add3A_2546 = arith.addf %mul3A_2543, %add3A_2545 : vector<16xf32>
    %mul3A_2547 = arith.mulf %add3A_2546, %div3A_2514 : vector<16xf32>
    %add3A_2548 = arith.constant -0.0124197342 : f32
    %add3A_2549 = vector.broadcast %add3A_2548 : f32 to vector<16xf32>
    %add3A_2550 = arith.addf %mul3A_2547, %add3A_2549 : vector<16xf32>
    %mul3A_2551 = arith.mulf %add3A_2550, %div3A_2514 : vector<16xf32>
    %add3A_2552 = arith.constant 0.0407620892 : f32
    %add3A_2553 = vector.broadcast %add3A_2552 : f32 to vector<16xf32>
    %add3A_2554 = arith.addf %mul3A_2551, %add3A_2553 : vector<16xf32>
    %mul3A_2555 = arith.mulf %add3A_2554, %div3A_2514 : vector<16xf32>
    %add3A_2556 = arith.constant -0.0923750102 : f32
    %add3A_2557 = vector.broadcast %add3A_2556 : f32 to vector<16xf32>
    %add3A_2558 = arith.addf %mul3A_2555, %add3A_2557 : vector<16xf32>
    %mul3A_2559 = arith.mulf %add3A_2558, %div3A_2514 : vector<16xf32>
    %add3A_2560 = arith.constant 0.159971923 : f32
    %add3A_2561 = vector.broadcast %add3A_2560 : f32 to vector<16xf32>
    %add3A_2562 = arith.addf %mul3A_2559, %add3A_2561 : vector<16xf32>
    %mul3A_2563 = arith.mulf %add3A_2562, %div3A_2514 : vector<16xf32>
    %add3A_2564 = arith.constant -0.235194117 : f32
    %add3A_2565 = vector.broadcast %add3A_2564 : f32 to vector<16xf32>
    %add3A_2566 = arith.addf %mul3A_2563, %add3A_2565 : vector<16xf32>
    %mul3A_2567 = arith.mulf %add3A_2566, %div3A_2514 : vector<16xf32>
    %add3A_2568 = arith.constant 0.329887718 : f32
    %add3A_2569 = vector.broadcast %add3A_2568 : f32 to vector<16xf32>
    %add3A_2570 = arith.addf %mul3A_2567, %add3A_2569 : vector<16xf32>
    %mul3A_2571 = arith.mulf %add3A_2570, %div3A_2514 : vector<16xf32>
    %add3A_2572 = arith.constant -0.499555558 : f32
    %add3A_2573 = vector.broadcast %add3A_2572 : f32 to vector<16xf32>
    %add3A_2574 = arith.addf %mul3A_2571, %add3A_2573 : vector<16xf32>
    %mul3A_2575 = arith.mulf %add3A_2574, %div3A_2514 : vector<16xf32>
    %add3A_2576 = arith.constant 0.999974727 : f32
    %add3A_2577 = vector.broadcast %add3A_2576 : f32 to vector<16xf32>
    %add3A_2578 = arith.addf %mul3A_2575, %add3A_2577 : vector<16xf32>
    %mul3A_2579 = arith.mulf %add3A_2578, %div3A_2514 : vector<16xf32>
    %add3A_2580 = arith.constant 3.59602097E-7 : f32
    %add3A_2581 = vector.broadcast %add3A_2580 : f32 to vector<16xf32>
    %add3A_2582 = arith.addf %mul3A_2579, %add3A_2581 : vector<16xf32>
    %get3A_2583 = arith.constant 304 : index
    %get3A_2584 = tpu.vector_load %arg19[%get3A_2583] {strides = array<i32>} : memref<512xf32, #tpu.memory_space<vmem>>, vector<16xf32>,
    %bitcast_convert_type3A_2585 = tpu.bitcast %get3A_2584 : vector<16xf32> -> vector<16xi32>
    %and3A_2586 = arith.constant -65536 : i32
    %and3A_2587 = vector.broadcast %and3A_2586 : i32 to vector<16xi32>
    %and3A_2588 = arith.andi %bitcast_convert_type3A_2585, %and3A_2587 : vector<16xi32>
    %bitcast_convert_type3A_2589 = tpu.bitcast %and3A_2588 : vector<16xi32> -> vector<16xf32>
    %shift_left3A_2590 = arith.constant 16 : i32
    %shift_left3A_2591 = vector.broadcast %shift_left3A_2590 : i32 to vector<16xi32>
    %shift_left3A_2592 = arith.shli %bitcast_convert_type3A_2585, %shift_left3A_2591 : vector<16xi32>
    %bitcast_convert_type3A_2593 = tpu.bitcast %shift_left3A_2592 : vector<16xi32> -> vector<16xf32>
    %sub3A_2594 = arith.constant 1.000000e+00 : f32
    %sub3A_2595 = vector.broadcast %sub3A_2594 : f32 to vector<16xf32>
    %sub3A_2596 = arith.subf %sub3A_2595, %div3A_2527 : vector<16xf32>
    %mul3A_2597 = arith.mulf %sub3A_2540, %bitcast_convert_type3A_2589 : vector<16xf32>
    %mul3A_2598 = arith.mulf %sub3A_2596, %mul3A_2597 : vector<16xf32>
    %mul3A_2599 = arith.mulf %add3A_2582, %bitcast_convert_type3A_2593 : vector<16xf32>
    %mul3A_2600 = arith.mulf %div3A_2527, %mul3A_2599 : vector<16xf32>
    %add3A_2601 = arith.addf %mul3A_2598, %mul3A_2600 : vector<16xf32>
    %get3A_2602 = arith.constant 304 : index
    %get3A_2603 = tpu.vector_load %arg18[%get3A_2602] {strides = array<i32>} : memref<512xf32, #tpu.memory_space<vmem>>, vector<16xf32>,
    %mul3A_2604 = arith.mulf %get3A_2603, %add3A_2601 : vector<16xf32>
    %swap3A_2605 = arith.constant 304 : index
    %swap3A_2606 = tpu.vector_load %arg20[%swap3A_2605] {strides = array<i32>} : memref<512xf32, #tpu.memory_space<vmem>>, vector<16xf32>,
    tpu.vector_store %arg20[%swap3A_2605], %mul3A_2604 {strides = array<i32>} : memref<512xf32, #tpu.memory_space<vmem>>, vector<16xf32>,
    %swap3A_2607 = arith.constant 304 : index
    %swap3A_2608 = tpu.vector_load %arg21[%swap3A_2607] {strides = array<i32>} : memref<512xf32, #tpu.memory_space<vmem>>, vector<16xf32>,
    tpu.vector_store %arg21[%swap3A_2607], %div3A_2527 {strides = array<i32>} : memref<512xf32, #tpu.memory_space<vmem>>, vector<16xf32>,
    %swap3A_2609 = arith.constant 304 : index
    %swap3A_2610 = tpu.vector_load %arg22[%swap3A_2609] {strides = array<i32>} : memref<512xf32, #tpu.memory_space<vmem>>, vector<16xf32>,
    tpu.vector_store %arg22[%swap3A_2609], %add3A_2601 {strides = array<i32>} : memref<512xf32, #tpu.memory_space<vmem>>, vector<16xf32>,
    %get3A_2611 = arith.constant 320 : index
    %get3A_2612 = tpu.vector_load %arg14[%get3A_2611] {strides = array<i32>} : memref<512xi32, #tpu.memory_space<vmem>>, vector<16xi32>,
    %gather3A_2613 = tpu.vector_load_idx %arg16[%get3A_2612] : memref<200xf32, #tpu.memory_space<vmem>>[vector<16xi32>], vector<16xf32>,
    %get3A_2614 = arith.constant 320 : index
    %get3A_2615 = tpu.vector_load %arg15[%get3A_2614] {strides = array<i32>} : memref<512xf32, #tpu.memory_space<vmem>>, vector<16xf32>,
    %add3A_2616 = arith.constant 9.99999997E-7 : f32
    %add3A_2617 = vector.broadcast %add3A_2616 : f32 to vector<16xf32>
    %add3A_2618 = arith.addf %gather3A_2613, %add3A_2617 : vector<16xf32>
    %div3A_2619 = arith.divf %get3A_2615, %add3A_2618 : vector<16xf32>
    %sub3A_2620 = arith.constant 1.000000e+00 : f32
    %sub3A_2621 = vector.broadcast %sub3A_2620 : f32 to vector<16xf32>
    %sub3A_2622 = arith.subf %div3A_2619, %sub3A_2621 : vector<16xf32>
    %mul3A_2623 = arith.constant -1.000000e+01 : f32
    %mul3A_2624 = vector.broadcast %mul3A_2623 : f32 to vector<16xf32>
    %mul3A_2625 = arith.mulf %mul3A_2624, %sub3A_2622 : vector<16xf32>
    %exp3A_2626 = math.exp %mul3A_2625 : vector<16xf32>
    %add3A_2627 = arith.constant 1.000000e+00 : f32
    %add3A_2628 = vector.broadcast %add3A_2627 : f32 to vector<16xf32>
    %add3A_2629 = arith.addf %add3A_2628, %exp3A_2626 : vector<16xf32>
    %div3A_2630 = arith.constant 1.000000e+00 : f32
    %div3A_2631 = vector.broadcast %div3A_2630 : f32 to vector<16xf32>
    %div3A_2632 = arith.divf %div3A_2631, %add3A_2629 : vector<16xf32>
    %mul3A_2633 = arith.constant 2.000000e+00 : f32
    %mul3A_2634 = vector.broadcast %mul3A_2633 : f32 to vector<16xf32>
    %mul3A_2635 = arith.mulf %mul3A_2634, %div3A_2619 : vector<16xf32>
    %exp3A_2636 = math.exp %mul3A_2635 : vector<16xf32>
    %add3A_2637 = arith.constant 1.000000e+00 : f32
    %add3A_2638 = vector.broadcast %add3A_2637 : f32 to vector<16xf32>
    %add3A_2639 = arith.addf %exp3A_2636, %add3A_2638 : vector<16xf32>
    %div3A_2640 = arith.constant 2.000000e+00 : f32
    %div3A_2641 = vector.broadcast %div3A_2640 : f32 to vector<16xf32>
    %div3A_2642 = arith.divf %div3A_2641, %add3A_2639 : vector<16xf32>
    %sub3A_2643 = arith.constant 1.000000e+00 : f32
    %sub3A_2644 = vector.broadcast %sub3A_2643 : f32 to vector<16xf32>
    %sub3A_2645 = arith.subf %sub3A_2644, %div3A_2642 : vector<16xf32>
    %broadcast_in_dim3A_2646 = arith.constant -1.89158643E-4 : f32
    %broadcast_in_dim3A_2647 = vector.broadcast %broadcast_in_dim3A_2646 : f32 to vector<16xf32>
    %mul3A_2648 = arith.mulf %broadcast_in_dim3A_2647, %div3A_2619 : vector<16xf32>
    %add3A_2649 = arith.constant 0.0022839664 : f32
    %add3A_2650 = vector.broadcast %add3A_2649 : f32 to vector<16xf32>
    %add3A_2651 = arith.addf %mul3A_2648, %add3A_2650 : vector<16xf32>
    %mul3A_2652 = arith.mulf %add3A_2651, %div3A_2619 : vector<16xf32>
    %add3A_2653 = arith.constant -0.0124197342 : f32
    %add3A_2654 = vector.broadcast %add3A_2653 : f32 to vector<16xf32>
    %add3A_2655 = arith.addf %mul3A_2652, %add3A_2654 : vector<16xf32>
    %mul3A_2656 = arith.mulf %add3A_2655, %div3A_2619 : vector<16xf32>
    %add3A_2657 = arith.constant 0.0407620892 : f32
    %add3A_2658 = vector.broadcast %add3A_2657 : f32 to vector<16xf32>
    %add3A_2659 = arith.addf %mul3A_2656, %add3A_2658 : vector<16xf32>
    %mul3A_2660 = arith.mulf %add3A_2659, %div3A_2619 : vector<16xf32>
    %add3A_2661 = arith.constant -0.0923750102 : f32
    %add3A_2662 = vector.broadcast %add3A_2661 : f32 to vector<16xf32>
    %add3A_2663 = arith.addf %mul3A_2660, %add3A_2662 : vector<16xf32>
    %mul3A_2664 = arith.mulf %add3A_2663, %div3A_2619 : vector<16xf32>
    %add3A_2665 = arith.constant 0.159971923 : f32
    %add3A_2666 = vector.broadcast %add3A_2665 : f32 to vector<16xf32>
    %add3A_2667 = arith.addf %mul3A_2664, %add3A_2666 : vector<16xf32>
    %mul3A_2668 = arith.mulf %add3A_2667, %div3A_2619 : vector<16xf32>
    %add3A_2669 = arith.constant -0.235194117 : f32
    %add3A_2670 = vector.broadcast %add3A_2669 : f32 to vector<16xf32>
    %add3A_2671 = arith.addf %mul3A_2668, %add3A_2670 : vector<16xf32>
    %mul3A_2672 = arith.mulf %add3A_2671, %div3A_2619 : vector<16xf32>
    %add3A_2673 = arith.constant 0.329887718 : f32
    %add3A_2674 = vector.broadcast %add3A_2673 : f32 to vector<16xf32>
    %add3A_2675 = arith.addf %mul3A_2672, %add3A_2674 : vector<16xf32>
    %mul3A_2676 = arith.mulf %add3A_2675, %div3A_2619 : vector<16xf32>
    %add3A_2677 = arith.constant -0.499555558 : f32
    %add3A_2678 = vector.broadcast %add3A_2677 : f32 to vector<16xf32>
    %add3A_2679 = arith.addf %mul3A_2676, %add3A_2678 : vector<16xf32>
    %mul3A_2680 = arith.mulf %add3A_2679, %div3A_2619 : vector<16xf32>
    %add3A_2681 = arith.constant 0.999974727 : f32
    %add3A_2682 = vector.broadcast %add3A_2681 : f32 to vector<16xf32>
    %add3A_2683 = arith.addf %mul3A_2680, %add3A_2682 : vector<16xf32>
    %mul3A_2684 = arith.mulf %add3A_2683, %div3A_2619 : vector<16xf32>
    %add3A_2685 = arith.constant 3.59602097E-7 : f32
    %add3A_2686 = vector.broadcast %add3A_2685 : f32 to vector<16xf32>
    %add3A_2687 = arith.addf %mul3A_2684, %add3A_2686 : vector<16xf32>
    %get3A_2688 = arith.constant 320 : index
    %get3A_2689 = tpu.vector_load %arg19[%get3A_2688] {strides = array<i32>} : memref<512xf32, #tpu.memory_space<vmem>>, vector<16xf32>,
    %bitcast_convert_type3A_2690 = tpu.bitcast %get3A_2689 : vector<16xf32> -> vector<16xi32>
    %and3A_2691 = arith.constant -65536 : i32
    %and3A_2692 = vector.broadcast %and3A_2691 : i32 to vector<16xi32>
    %and3A_2693 = arith.andi %bitcast_convert_type3A_2690, %and3A_2692 : vector<16xi32>
    %bitcast_convert_type3A_2694 = tpu.bitcast %and3A_2693 : vector<16xi32> -> vector<16xf32>
    %shift_left3A_2695 = arith.constant 16 : i32
    %shift_left3A_2696 = vector.broadcast %shift_left3A_2695 : i32 to vector<16xi32>
    %shift_left3A_2697 = arith.shli %bitcast_convert_type3A_2690, %shift_left3A_2696 : vector<16xi32>
    %bitcast_convert_type3A_2698 = tpu.bitcast %shift_left3A_2697 : vector<16xi32> -> vector<16xf32>
    %sub3A_2699 = arith.constant 1.000000e+00 : f32
    %sub3A_2700 = vector.broadcast %sub3A_2699 : f32 to vector<16xf32>
    %sub3A_2701 = arith.subf %sub3A_2700, %div3A_2632 : vector<16xf32>
    %mul3A_2702 = arith.mulf %sub3A_2645, %bitcast_convert_type3A_2694 : vector<16xf32>
    %mul3A_2703 = arith.mulf %sub3A_2701, %mul3A_2702 : vector<16xf32>
    %mul3A_2704 = arith.mulf %add3A_2687, %bitcast_convert_type3A_2698 : vector<16xf32>
    %mul3A_2705 = arith.mulf %div3A_2632, %mul3A_2704 : vector<16xf32>
    %add3A_2706 = arith.addf %mul3A_2703, %mul3A_2705 : vector<16xf32>
    %get3A_2707 = arith.constant 320 : index
    %get3A_2708 = tpu.vector_load %arg18[%get3A_2707] {strides = array<i32>} : memref<512xf32, #tpu.memory_space<vmem>>, vector<16xf32>,
    %mul3A_2709 = arith.mulf %get3A_2708, %add3A_2706 : vector<16xf32>
    %swap3A_2710 = arith.constant 320 : index
    %swap3A_2711 = tpu.vector_load %arg20[%swap3A_2710] {strides = array<i32>} : memref<512xf32, #tpu.memory_space<vmem>>, vector<16xf32>,
    tpu.vector_store %arg20[%swap3A_2710], %mul3A_2709 {strides = array<i32>} : memref<512xf32, #tpu.memory_space<vmem>>, vector<16xf32>,
    %swap3A_2712 = arith.constant 320 : index
    %swap3A_2713 = tpu.vector_load %arg21[%swap3A_2712] {strides = array<i32>} : memref<512xf32, #tpu.memory_space<vmem>>, vector<16xf32>,
    tpu.vector_store %arg21[%swap3A_2712], %div3A_2632 {strides = array<i32>} : memref<512xf32, #tpu.memory_space<vmem>>, vector<16xf32>,
    %swap3A_2714 = arith.constant 320 : index
    %swap3A_2715 = tpu.vector_load %arg22[%swap3A_2714] {strides = array<i32>} : memref<512xf32, #tpu.memory_space<vmem>>, vector<16xf32>,
    tpu.vector_store %arg22[%swap3A_2714], %add3A_2706 {strides = array<i32>} : memref<512xf32, #tpu.memory_space<vmem>>, vector<16xf32>,
    %get3A_2716 = arith.constant 336 : index
    %get3A_2717 = tpu.vector_load %arg14[%get3A_2716] {strides = array<i32>} : memref<512xi32, #tpu.memory_space<vmem>>, vector<16xi32>,
    %gather3A_2718 = tpu.vector_load_idx %arg16[%get3A_2717] : memref<200xf32, #tpu.memory_space<vmem>>[vector<16xi32>], vector<16xf32>,
    %get3A_2719 = arith.constant 336 : index
    %get3A_2720 = tpu.vector_load %arg15[%get3A_2719] {strides = array<i32>} : memref<512xf32, #tpu.memory_space<vmem>>, vector<16xf32>,
    %add3A_2721 = arith.constant 9.99999997E-7 : f32
    %add3A_2722 = vector.broadcast %add3A_2721 : f32 to vector<16xf32>
    %add3A_2723 = arith.addf %gather3A_2718, %add3A_2722 : vector<16xf32>
    %div3A_2724 = arith.divf %get3A_2720, %add3A_2723 : vector<16xf32>
    %sub3A_2725 = arith.constant 1.000000e+00 : f32
    %sub3A_2726 = vector.broadcast %sub3A_2725 : f32 to vector<16xf32>
    %sub3A_2727 = arith.subf %div3A_2724, %sub3A_2726 : vector<16xf32>
    %mul3A_2728 = arith.constant -1.000000e+01 : f32
    %mul3A_2729 = vector.broadcast %mul3A_2728 : f32 to vector<16xf32>
    %mul3A_2730 = arith.mulf %mul3A_2729, %sub3A_2727 : vector<16xf32>
    %exp3A_2731 = math.exp %mul3A_2730 : vector<16xf32>
    %add3A_2732 = arith.constant 1.000000e+00 : f32
    %add3A_2733 = vector.broadcast %add3A_2732 : f32 to vector<16xf32>
    %add3A_2734 = arith.addf %add3A_2733, %exp3A_2731 : vector<16xf32>
    %div3A_2735 = arith.constant 1.000000e+00 : f32
    %div3A_2736 = vector.broadcast %div3A_2735 : f32 to vector<16xf32>
    %div3A_2737 = arith.divf %div3A_2736, %add3A_2734 : vector<16xf32>
    %mul3A_2738 = arith.constant 2.000000e+00 : f32
    %mul3A_2739 = vector.broadcast %mul3A_2738 : f32 to vector<16xf32>
    %mul3A_2740 = arith.mulf %mul3A_2739, %div3A_2724 : vector<16xf32>
    %exp3A_2741 = math.exp %mul3A_2740 : vector<16xf32>
    %add3A_2742 = arith.constant 1.000000e+00 : f32
    %add3A_2743 = vector.broadcast %add3A_2742 : f32 to vector<16xf32>
    %add3A_2744 = arith.addf %exp3A_2741, %add3A_2743 : vector<16xf32>
    %div3A_2745 = arith.constant 2.000000e+00 : f32
    %div3A_2746 = vector.broadcast %div3A_2745 : f32 to vector<16xf32>
    %div3A_2747 = arith.divf %div3A_2746, %add3A_2744 : vector<16xf32>
    %sub3A_2748 = arith.constant 1.000000e+00 : f32
    %sub3A_2749 = vector.broadcast %sub3A_2748 : f32 to vector<16xf32>
    %sub3A_2750 = arith.subf %sub3A_2749, %div3A_2747 : vector<16xf32>
    %broadcast_in_dim3A_2751 = arith.constant -1.89158643E-4 : f32
    %broadcast_in_dim3A_2752 = vector.broadcast %broadcast_in_dim3A_2751 : f32 to vector<16xf32>
    %mul3A_2753 = arith.mulf %broadcast_in_dim3A_2752, %div3A_2724 : vector<16xf32>
    %add3A_2754 = arith.constant 0.0022839664 : f32
    %add3A_2755 = vector.broadcast %add3A_2754 : f32 to vector<16xf32>
    %add3A_2756 = arith.addf %mul3A_2753, %add3A_2755 : vector<16xf32>
    %mul3A_2757 = arith.mulf %add3A_2756, %div3A_2724 : vector<16xf32>
    %add3A_2758 = arith.constant -0.0124197342 : f32
    %add3A_2759 = vector.broadcast %add3A_2758 : f32 to vector<16xf32>
    %add3A_2760 = arith.addf %mul3A_2757, %add3A_2759 : vector<16xf32>
    %mul3A_2761 = arith.mulf %add3A_2760, %div3A_2724 : vector<16xf32>
    %add3A_2762 = arith.constant 0.0407620892 : f32
    %add3A_2763 = vector.broadcast %add3A_2762 : f32 to vector<16xf32>
    %add3A_2764 = arith.addf %mul3A_2761, %add3A_2763 : vector<16xf32>
    %mul3A_2765 = arith.mulf %add3A_2764, %div3A_2724 : vector<16xf32>
    %add3A_2766 = arith.constant -0.0923750102 : f32
    %add3A_2767 = vector.broadcast %add3A_2766 : f32 to vector<16xf32>
    %add3A_2768 = arith.addf %mul3A_2765, %add3A_2767 : vector<16xf32>
    %mul3A_2769 = arith.mulf %add3A_2768, %div3A_2724 : vector<16xf32>
    %add3A_2770 = arith.constant 0.159971923 : f32
    %add3A_2771 = vector.broadcast %add3A_2770 : f32 to vector<16xf32>
    %add3A_2772 = arith.addf %mul3A_2769, %add3A_2771 : vector<16xf32>
    %mul3A_2773 = arith.mulf %add3A_2772, %div3A_2724 : vector<16xf32>
    %add3A_2774 = arith.constant -0.235194117 : f32
    %add3A_2775 = vector.broadcast %add3A_2774 : f32 to vector<16xf32>
    %add3A_2776 = arith.addf %mul3A_2773, %add3A_2775 : vector<16xf32>
    %mul3A_2777 = arith.mulf %add3A_2776, %div3A_2724 : vector<16xf32>
    %add3A_2778 = arith.constant 0.329887718 : f32
    %add3A_2779 = vector.broadcast %add3A_2778 : f32 to vector<16xf32>
    %add3A_2780 = arith.addf %mul3A_2777, %add3A_2779 : vector<16xf32>
    %mul3A_2781 = arith.mulf %add3A_2780, %div3A_2724 : vector<16xf32>
    %add3A_2782 = arith.constant -0.499555558 : f32
    %add3A_2783 = vector.broadcast %add3A_2782 : f32 to vector<16xf32>
    %add3A_2784 = arith.addf %mul3A_2781, %add3A_2783 : vector<16xf32>
    %mul3A_2785 = arith.mulf %add3A_2784, %div3A_2724 : vector<16xf32>
    %add3A_2786 = arith.constant 0.999974727 : f32
    %add3A_2787 = vector.broadcast %add3A_2786 : f32 to vector<16xf32>
    %add3A_2788 = arith.addf %mul3A_2785, %add3A_2787 : vector<16xf32>
    %mul3A_2789 = arith.mulf %add3A_2788, %div3A_2724 : vector<16xf32>
    %add3A_2790 = arith.constant 3.59602097E-7 : f32
    %add3A_2791 = vector.broadcast %add3A_2790 : f32 to vector<16xf32>
    %add3A_2792 = arith.addf %mul3A_2789, %add3A_2791 : vector<16xf32>
    %get3A_2793 = arith.constant 336 : index
    %get3A_2794 = tpu.vector_load %arg19[%get3A_2793] {strides = array<i32>} : memref<512xf32, #tpu.memory_space<vmem>>, vector<16xf32>,
    %bitcast_convert_type3A_2795 = tpu.bitcast %get3A_2794 : vector<16xf32> -> vector<16xi32>
    %and3A_2796 = arith.constant -65536 : i32
    %and3A_2797 = vector.broadcast %and3A_2796 : i32 to vector<16xi32>
    %and3A_2798 = arith.andi %bitcast_convert_type3A_2795, %and3A_2797 : vector<16xi32>
    %bitcast_convert_type3A_2799 = tpu.bitcast %and3A_2798 : vector<16xi32> -> vector<16xf32>
    %shift_left3A_2800 = arith.constant 16 : i32
    %shift_left3A_2801 = vector.broadcast %shift_left3A_2800 : i32 to vector<16xi32>
    %shift_left3A_2802 = arith.shli %bitcast_convert_type3A_2795, %shift_left3A_2801 : vector<16xi32>
    %bitcast_convert_type3A_2803 = tpu.bitcast %shift_left3A_2802 : vector<16xi32> -> vector<16xf32>
    %sub3A_2804 = arith.constant 1.000000e+00 : f32
    %sub3A_2805 = vector.broadcast %sub3A_2804 : f32 to vector<16xf32>
    %sub3A_2806 = arith.subf %sub3A_2805, %div3A_2737 : vector<16xf32>
    %mul3A_2807 = arith.mulf %sub3A_2750, %bitcast_convert_type3A_2799 : vector<16xf32>
    %mul3A_2808 = arith.mulf %sub3A_2806, %mul3A_2807 : vector<16xf32>
    %mul3A_2809 = arith.mulf %add3A_2792, %bitcast_convert_type3A_2803 : vector<16xf32>
    %mul3A_2810 = arith.mulf %div3A_2737, %mul3A_2809 : vector<16xf32>
    %add3A_2811 = arith.addf %mul3A_2808, %mul3A_2810 : vector<16xf32>
    %get3A_2812 = arith.constant 336 : index
    %get3A_2813 = tpu.vector_load %arg18[%get3A_2812] {strides = array<i32>} : memref<512xf32, #tpu.memory_space<vmem>>, vector<16xf32>,
    %mul3A_2814 = arith.mulf %get3A_2813, %add3A_2811 : vector<16xf32>
    %swap3A_2815 = arith.constant 336 : index
    %swap3A_2816 = tpu.vector_load %arg20[%swap3A_2815] {strides = array<i32>} : memref<512xf32, #tpu.memory_space<vmem>>, vector<16xf32>,
    tpu.vector_store %arg20[%swap3A_2815], %mul3A_2814 {strides = array<i32>} : memref<512xf32, #tpu.memory_space<vmem>>, vector<16xf32>,
    %swap3A_2817 = arith.constant 336 : index
    %swap3A_2818 = tpu.vector_load %arg21[%swap3A_2817] {strides = array<i32>} : memref<512xf32, #tpu.memory_space<vmem>>, vector<16xf32>,
    tpu.vector_store %arg21[%swap3A_2817], %div3A_2737 {strides = array<i32>} : memref<512xf32, #tpu.memory_space<vmem>>, vector<16xf32>,
    %swap3A_2819 = arith.constant 336 : index
    %swap3A_2820 = tpu.vector_load %arg22[%swap3A_2819] {strides = array<i32>} : memref<512xf32, #tpu.memory_space<vmem>>, vector<16xf32>,
    tpu.vector_store %arg22[%swap3A_2819], %add3A_2811 {strides = array<i32>} : memref<512xf32, #tpu.memory_space<vmem>>, vector<16xf32>,
    %get3A_2821 = arith.constant 352 : index
    %get3A_2822 = tpu.vector_load %arg14[%get3A_2821] {strides = array<i32>} : memref<512xi32, #tpu.memory_space<vmem>>, vector<16xi32>,
    %gather3A_2823 = tpu.vector_load_idx %arg16[%get3A_2822] : memref<200xf32, #tpu.memory_space<vmem>>[vector<16xi32>], vector<16xf32>,
    %get3A_2824 = arith.constant 352 : index
    %get3A_2825 = tpu.vector_load %arg15[%get3A_2824] {strides = array<i32>} : memref<512xf32, #tpu.memory_space<vmem>>, vector<16xf32>,
    %add3A_2826 = arith.constant 9.99999997E-7 : f32
    %add3A_2827 = vector.broadcast %add3A_2826 : f32 to vector<16xf32>
    %add3A_2828 = arith.addf %gather3A_2823, %add3A_2827 : vector<16xf32>
    %div3A_2829 = arith.divf %get3A_2825, %add3A_2828 : vector<16xf32>
    %sub3A_2830 = arith.constant 1.000000e+00 : f32
    %sub3A_2831 = vector.broadcast %sub3A_2830 : f32 to vector<16xf32>
    %sub3A_2832 = arith.subf %div3A_2829, %sub3A_2831 : vector<16xf32>
    %mul3A_2833 = arith.constant -1.000000e+01 : f32
    %mul3A_2834 = vector.broadcast %mul3A_2833 : f32 to vector<16xf32>
    %mul3A_2835 = arith.mulf %mul3A_2834, %sub3A_2832 : vector<16xf32>
    %exp3A_2836 = math.exp %mul3A_2835 : vector<16xf32>
    %add3A_2837 = arith.constant 1.000000e+00 : f32
    %add3A_2838 = vector.broadcast %add3A_2837 : f32 to vector<16xf32>
    %add3A_2839 = arith.addf %add3A_2838, %exp3A_2836 : vector<16xf32>
    %div3A_2840 = arith.constant 1.000000e+00 : f32
    %div3A_2841 = vector.broadcast %div3A_2840 : f32 to vector<16xf32>
    %div3A_2842 = arith.divf %div3A_2841, %add3A_2839 : vector<16xf32>
    %mul3A_2843 = arith.constant 2.000000e+00 : f32
    %mul3A_2844 = vector.broadcast %mul3A_2843 : f32 to vector<16xf32>
    %mul3A_2845 = arith.mulf %mul3A_2844, %div3A_2829 : vector<16xf32>
    %exp3A_2846 = math.exp %mul3A_2845 : vector<16xf32>
    %add3A_2847 = arith.constant 1.000000e+00 : f32
    %add3A_2848 = vector.broadcast %add3A_2847 : f32 to vector<16xf32>
    %add3A_2849 = arith.addf %exp3A_2846, %add3A_2848 : vector<16xf32>
    %div3A_2850 = arith.constant 2.000000e+00 : f32
    %div3A_2851 = vector.broadcast %div3A_2850 : f32 to vector<16xf32>
    %div3A_2852 = arith.divf %div3A_2851, %add3A_2849 : vector<16xf32>
    %sub3A_2853 = arith.constant 1.000000e+00 : f32
    %sub3A_2854 = vector.broadcast %sub3A_2853 : f32 to vector<16xf32>
    %sub3A_2855 = arith.subf %sub3A_2854, %div3A_2852 : vector<16xf32>
    %broadcast_in_dim3A_2856 = arith.constant -1.89158643E-4 : f32
    %broadcast_in_dim3A_2857 = vector.broadcast %broadcast_in_dim3A_2856 : f32 to vector<16xf32>
    %mul3A_2858 = arith.mulf %broadcast_in_dim3A_2857, %div3A_2829 : vector<16xf32>
    %add3A_2859 = arith.constant 0.0022839664 : f32
    %add3A_2860 = vector.broadcast %add3A_2859 : f32 to vector<16xf32>
    %add3A_2861 = arith.addf %mul3A_2858, %add3A_2860 : vector<16xf32>
    %mul3A_2862 = arith.mulf %add3A_2861, %div3A_2829 : vector<16xf32>
    %add3A_2863 = arith.constant -0.0124197342 : f32
    %add3A_2864 = vector.broadcast %add3A_2863 : f32 to vector<16xf32>
    %add3A_2865 = arith.addf %mul3A_2862, %add3A_2864 : vector<16xf32>
    %mul3A_2866 = arith.mulf %add3A_2865, %div3A_2829 : vector<16xf32>
    %add3A_2867 = arith.constant 0.0407620892 : f32
    %add3A_2868 = vector.broadcast %add3A_2867 : f32 to vector<16xf32>
    %add3A_2869 = arith.addf %mul3A_2866, %add3A_2868 : vector<16xf32>
    %mul3A_2870 = arith.mulf %add3A_2869, %div3A_2829 : vector<16xf32>
    %add3A_2871 = arith.constant -0.0923750102 : f32
    %add3A_2872 = vector.broadcast %add3A_2871 : f32 to vector<16xf32>
    %add3A_2873 = arith.addf %mul3A_2870, %add3A_2872 : vector<16xf32>
    %mul3A_2874 = arith.mulf %add3A_2873, %div3A_2829 : vector<16xf32>
    %add3A_2875 = arith.constant 0.159971923 : f32
    %add3A_2876 = vector.broadcast %add3A_2875 : f32 to vector<16xf32>
    %add3A_2877 = arith.addf %mul3A_2874, %add3A_2876 : vector<16xf32>
    %mul3A_2878 = arith.mulf %add3A_2877, %div3A_2829 : vector<16xf32>
    %add3A_2879 = arith.constant -0.235194117 : f32
    %add3A_2880 = vector.broadcast %add3A_2879 : f32 to vector<16xf32>
    %add3A_2881 = arith.addf %mul3A_2878, %add3A_2880 : vector<16xf32>
    %mul3A_2882 = arith.mulf %add3A_2881, %div3A_2829 : vector<16xf32>
    %add3A_2883 = arith.constant 0.329887718 : f32
    %add3A_2884 = vector.broadcast %add3A_2883 : f32 to vector<16xf32>
    %add3A_2885 = arith.addf %mul3A_2882, %add3A_2884 : vector<16xf32>
    %mul3A_2886 = arith.mulf %add3A_2885, %div3A_2829 : vector<16xf32>
    %add3A_2887 = arith.constant -0.499555558 : f32
    %add3A_2888 = vector.broadcast %add3A_2887 : f32 to vector<16xf32>
    %add3A_2889 = arith.addf %mul3A_2886, %add3A_2888 : vector<16xf32>
    %mul3A_2890 = arith.mulf %add3A_2889, %div3A_2829 : vector<16xf32>
    %add3A_2891 = arith.constant 0.999974727 : f32
    %add3A_2892 = vector.broadcast %add3A_2891 : f32 to vector<16xf32>
    %add3A_2893 = arith.addf %mul3A_2890, %add3A_2892 : vector<16xf32>
    %mul3A_2894 = arith.mulf %add3A_2893, %div3A_2829 : vector<16xf32>
    %add3A_2895 = arith.constant 3.59602097E-7 : f32
    %add3A_2896 = vector.broadcast %add3A_2895 : f32 to vector<16xf32>
    %add3A_2897 = arith.addf %mul3A_2894, %add3A_2896 : vector<16xf32>
    %get3A_2898 = arith.constant 352 : index
    %get3A_2899 = tpu.vector_load %arg19[%get3A_2898] {strides = array<i32>} : memref<512xf32, #tpu.memory_space<vmem>>, vector<16xf32>,
    %bitcast_convert_type3A_2900 = tpu.bitcast %get3A_2899 : vector<16xf32> -> vector<16xi32>
    %and3A_2901 = arith.constant -65536 : i32
    %and3A_2902 = vector.broadcast %and3A_2901 : i32 to vector<16xi32>
    %and3A_2903 = arith.andi %bitcast_convert_type3A_2900, %and3A_2902 : vector<16xi32>
    %bitcast_convert_type3A_2904 = tpu.bitcast %and3A_2903 : vector<16xi32> -> vector<16xf32>
    %shift_left3A_2905 = arith.constant 16 : i32
    %shift_left3A_2906 = vector.broadcast %shift_left3A_2905 : i32 to vector<16xi32>
    %shift_left3A_2907 = arith.shli %bitcast_convert_type3A_2900, %shift_left3A_2906 : vector<16xi32>
    %bitcast_convert_type3A_2908 = tpu.bitcast %shift_left3A_2907 : vector<16xi32> -> vector<16xf32>
    %sub3A_2909 = arith.constant 1.000000e+00 : f32
    %sub3A_2910 = vector.broadcast %sub3A_2909 : f32 to vector<16xf32>
    %sub3A_2911 = arith.subf %sub3A_2910, %div3A_2842 : vector<16xf32>
    %mul3A_2912 = arith.mulf %sub3A_2855, %bitcast_convert_type3A_2904 : vector<16xf32>
    %mul3A_2913 = arith.mulf %sub3A_2911, %mul3A_2912 : vector<16xf32>
    %mul3A_2914 = arith.mulf %add3A_2897, %bitcast_convert_type3A_2908 : vector<16xf32>
    %mul3A_2915 = arith.mulf %div3A_2842, %mul3A_2914 : vector<16xf32>
    %add3A_2916 = arith.addf %mul3A_2913, %mul3A_2915 : vector<16xf32>
    %get3A_2917 = arith.constant 352 : index
    %get3A_2918 = tpu.vector_load %arg18[%get3A_2917] {strides = array<i32>} : memref<512xf32, #tpu.memory_space<vmem>>, vector<16xf32>,
    %mul3A_2919 = arith.mulf %get3A_2918, %add3A_2916 : vector<16xf32>
    %swap3A_2920 = arith.constant 352 : index
    %swap3A_2921 = tpu.vector_load %arg20[%swap3A_2920] {strides = array<i32>} : memref<512xf32, #tpu.memory_space<vmem>>, vector<16xf32>,
    tpu.vector_store %arg20[%swap3A_2920], %mul3A_2919 {strides = array<i32>} : memref<512xf32, #tpu.memory_space<vmem>>, vector<16xf32>,
    %swap3A_2922 = arith.constant 352 : index
    %swap3A_2923 = tpu.vector_load %arg21[%swap3A_2922] {strides = array<i32>} : memref<512xf32, #tpu.memory_space<vmem>>, vector<16xf32>,
    tpu.vector_store %arg21[%swap3A_2922], %div3A_2842 {strides = array<i32>} : memref<512xf32, #tpu.memory_space<vmem>>, vector<16xf32>,
    %swap3A_2924 = arith.constant 352 : index
    %swap3A_2925 = tpu.vector_load %arg22[%swap3A_2924] {strides = array<i32>} : memref<512xf32, #tpu.memory_space<vmem>>, vector<16xf32>,
    tpu.vector_store %arg22[%swap3A_2924], %add3A_2916 {strides = array<i32>} : memref<512xf32, #tpu.memory_space<vmem>>, vector<16xf32>,
    %get3A_2926 = arith.constant 368 : index
    %get3A_2927 = tpu.vector_load %arg14[%get3A_2926] {strides = array<i32>} : memref<512xi32, #tpu.memory_space<vmem>>, vector<16xi32>,
    %gather3A_2928 = tpu.vector_load_idx %arg16[%get3A_2927] : memref<200xf32, #tpu.memory_space<vmem>>[vector<16xi32>], vector<16xf32>,
    %get3A_2929 = arith.constant 368 : index
    %get3A_2930 = tpu.vector_load %arg15[%get3A_2929] {strides = array<i32>} : memref<512xf32, #tpu.memory_space<vmem>>, vector<16xf32>,
    %add3A_2931 = arith.constant 9.99999997E-7 : f32
    %add3A_2932 = vector.broadcast %add3A_2931 : f32 to vector<16xf32>
    %add3A_2933 = arith.addf %gather3A_2928, %add3A_2932 : vector<16xf32>
    %div3A_2934 = arith.divf %get3A_2930, %add3A_2933 : vector<16xf32>
    %sub3A_2935 = arith.constant 1.000000e+00 : f32
    %sub3A_2936 = vector.broadcast %sub3A_2935 : f32 to vector<16xf32>
    %sub3A_2937 = arith.subf %div3A_2934, %sub3A_2936 : vector<16xf32>
    %mul3A_2938 = arith.constant -1.000000e+01 : f32
    %mul3A_2939 = vector.broadcast %mul3A_2938 : f32 to vector<16xf32>
    %mul3A_2940 = arith.mulf %mul3A_2939, %sub3A_2937 : vector<16xf32>
    %exp3A_2941 = math.exp %mul3A_2940 : vector<16xf32>
    %add3A_2942 = arith.constant 1.000000e+00 : f32
    %add3A_2943 = vector.broadcast %add3A_2942 : f32 to vector<16xf32>
    %add3A_2944 = arith.addf %add3A_2943, %exp3A_2941 : vector<16xf32>
    %div3A_2945 = arith.constant 1.000000e+00 : f32
    %div3A_2946 = vector.broadcast %div3A_2945 : f32 to vector<16xf32>
    %div3A_2947 = arith.divf %div3A_2946, %add3A_2944 : vector<16xf32>
    %mul3A_2948 = arith.constant 2.000000e+00 : f32
    %mul3A_2949 = vector.broadcast %mul3A_2948 : f32 to vector<16xf32>
    %mul3A_2950 = arith.mulf %mul3A_2949, %div3A_2934 : vector<16xf32>
    %exp3A_2951 = math.exp %mul3A_2950 : vector<16xf32>
    %add3A_2952 = arith.constant 1.000000e+00 : f32
    %add3A_2953 = vector.broadcast %add3A_2952 : f32 to vector<16xf32>
    %add3A_2954 = arith.addf %exp3A_2951, %add3A_2953 : vector<16xf32>
    %div3A_2955 = arith.constant 2.000000e+00 : f32
    %div3A_2956 = vector.broadcast %div3A_2955 : f32 to vector<16xf32>
    %div3A_2957 = arith.divf %div3A_2956, %add3A_2954 : vector<16xf32>
    %sub3A_2958 = arith.constant 1.000000e+00 : f32
    %sub3A_2959 = vector.broadcast %sub3A_2958 : f32 to vector<16xf32>
    %sub3A_2960 = arith.subf %sub3A_2959, %div3A_2957 : vector<16xf32>
    %broadcast_in_dim3A_2961 = arith.constant -1.89158643E-4 : f32
    %broadcast_in_dim3A_2962 = vector.broadcast %broadcast_in_dim3A_2961 : f32 to vector<16xf32>
    %mul3A_2963 = arith.mulf %broadcast_in_dim3A_2962, %div3A_2934 : vector<16xf32>
    %add3A_2964 = arith.constant 0.0022839664 : f32
    %add3A_2965 = vector.broadcast %add3A_2964 : f32 to vector<16xf32>
    %add3A_2966 = arith.addf %mul3A_2963, %add3A_2965 : vector<16xf32>
    %mul3A_2967 = arith.mulf %add3A_2966, %div3A_2934 : vector<16xf32>
    %add3A_2968 = arith.constant -0.0124197342 : f32
    %add3A_2969 = vector.broadcast %add3A_2968 : f32 to vector<16xf32>
    %add3A_2970 = arith.addf %mul3A_2967, %add3A_2969 : vector<16xf32>
    %mul3A_2971 = arith.mulf %add3A_2970, %div3A_2934 : vector<16xf32>
    %add3A_2972 = arith.constant 0.0407620892 : f32
    %add3A_2973 = vector.broadcast %add3A_2972 : f32 to vector<16xf32>
    %add3A_2974 = arith.addf %mul3A_2971, %add3A_2973 : vector<16xf32>
    %mul3A_2975 = arith.mulf %add3A_2974, %div3A_2934 : vector<16xf32>
    %add3A_2976 = arith.constant -0.0923750102 : f32
    %add3A_2977 = vector.broadcast %add3A_2976 : f32 to vector<16xf32>
    %add3A_2978 = arith.addf %mul3A_2975, %add3A_2977 : vector<16xf32>
    %mul3A_2979 = arith.mulf %add3A_2978, %div3A_2934 : vector<16xf32>
    %add3A_2980 = arith.constant 0.159971923 : f32
    %add3A_2981 = vector.broadcast %add3A_2980 : f32 to vector<16xf32>
    %add3A_2982 = arith.addf %mul3A_2979, %add3A_2981 : vector<16xf32>
    %mul3A_2983 = arith.mulf %add3A_2982, %div3A_2934 : vector<16xf32>
    %add3A_2984 = arith.constant -0.235194117 : f32
    %add3A_2985 = vector.broadcast %add3A_2984 : f32 to vector<16xf32>
    %add3A_2986 = arith.addf %mul3A_2983, %add3A_2985 : vector<16xf32>
    %mul3A_2987 = arith.mulf %add3A_2986, %div3A_2934 : vector<16xf32>
    %add3A_2988 = arith.constant 0.329887718 : f32
    %add3A_2989 = vector.broadcast %add3A_2988 : f32 to vector<16xf32>
    %add3A_2990 = arith.addf %mul3A_2987, %add3A_2989 : vector<16xf32>
    %mul3A_2991 = arith.mulf %add3A_2990, %div3A_2934 : vector<16xf32>
    %add3A_2992 = arith.constant -0.499555558 : f32
    %add3A_2993 = vector.broadcast %add3A_2992 : f32 to vector<16xf32>
    %add3A_2994 = arith.addf %mul3A_2991, %add3A_2993 : vector<16xf32>
    %mul3A_2995 = arith.mulf %add3A_2994, %div3A_2934 : vector<16xf32>
    %add3A_2996 = arith.constant 0.999974727 : f32
    %add3A_2997 = vector.broadcast %add3A_2996 : f32 to vector<16xf32>
    %add3A_2998 = arith.addf %mul3A_2995, %add3A_2997 : vector<16xf32>
    %mul3A_2999 = arith.mulf %add3A_2998, %div3A_2934 : vector<16xf32>
    %add3A_3000 = arith.constant 3.59602097E-7 : f32
    %add3A_3001 = vector.broadcast %add3A_3000 : f32 to vector<16xf32>
    %add3A_3002 = arith.addf %mul3A_2999, %add3A_3001 : vector<16xf32>
    %get3A_3003 = arith.constant 368 : index
    %get3A_3004 = tpu.vector_load %arg19[%get3A_3003] {strides = array<i32>} : memref<512xf32, #tpu.memory_space<vmem>>, vector<16xf32>,
    %bitcast_convert_type3A_3005 = tpu.bitcast %get3A_3004 : vector<16xf32> -> vector<16xi32>
    %and3A_3006 = arith.constant -65536 : i32
    %and3A_3007 = vector.broadcast %and3A_3006 : i32 to vector<16xi32>
    %and3A_3008 = arith.andi %bitcast_convert_type3A_3005, %and3A_3007 : vector<16xi32>
    %bitcast_convert_type3A_3009 = tpu.bitcast %and3A_3008 : vector<16xi32> -> vector<16xf32>
    %shift_left3A_3010 = arith.constant 16 : i32
    %shift_left3A_3011 = vector.broadcast %shift_left3A_3010 : i32 to vector<16xi32>
    %shift_left3A_3012 = arith.shli %bitcast_convert_type3A_3005, %shift_left3A_3011 : vector<16xi32>
    %bitcast_convert_type3A_3013 = tpu.bitcast %shift_left3A_3012 : vector<16xi32> -> vector<16xf32>
    %sub3A_3014 = arith.constant 1.000000e+00 : f32
    %sub3A_3015 = vector.broadcast %sub3A_3014 : f32 to vector<16xf32>
    %sub3A_3016 = arith.subf %sub3A_3015, %div3A_2947 : vector<16xf32>
    %mul3A_3017 = arith.mulf %sub3A_2960, %bitcast_convert_type3A_3009 : vector<16xf32>
    %mul3A_3018 = arith.mulf %sub3A_3016, %mul3A_3017 : vector<16xf32>
    %mul3A_3019 = arith.mulf %add3A_3002, %bitcast_convert_type3A_3013 : vector<16xf32>
    %mul3A_3020 = arith.mulf %div3A_2947, %mul3A_3019 : vector<16xf32>
    %add3A_3021 = arith.addf %mul3A_3018, %mul3A_3020 : vector<16xf32>
    %get3A_3022 = arith.constant 368 : index
    %get3A_3023 = tpu.vector_load %arg18[%get3A_3022] {strides = array<i32>} : memref<512xf32, #tpu.memory_space<vmem>>, vector<16xf32>,
    %mul3A_3024 = arith.mulf %get3A_3023, %add3A_3021 : vector<16xf32>
    %swap3A_3025 = arith.constant 368 : index
    %swap3A_3026 = tpu.vector_load %arg20[%swap3A_3025] {strides = array<i32>} : memref<512xf32, #tpu.memory_space<vmem>>, vector<16xf32>,
    tpu.vector_store %arg20[%swap3A_3025], %mul3A_3024 {strides = array<i32>} : memref<512xf32, #tpu.memory_space<vmem>>, vector<16xf32>,
    %swap3A_3027 = arith.constant 368 : index
    %swap3A_3028 = tpu.vector_load %arg21[%swap3A_3027] {strides = array<i32>} : memref<512xf32, #tpu.memory_space<vmem>>, vector<16xf32>,
    tpu.vector_store %arg21[%swap3A_3027], %div3A_2947 {strides = array<i32>} : memref<512xf32, #tpu.memory_space<vmem>>, vector<16xf32>,
    %swap3A_3029 = arith.constant 368 : index
    %swap3A_3030 = tpu.vector_load %arg22[%swap3A_3029] {strides = array<i32>} : memref<512xf32, #tpu.memory_space<vmem>>, vector<16xf32>,
    tpu.vector_store %arg22[%swap3A_3029], %add3A_3021 {strides = array<i32>} : memref<512xf32, #tpu.memory_space<vmem>>, vector<16xf32>,
    %get3A_3031 = arith.constant 384 : index
    %get3A_3032 = tpu.vector_load %arg14[%get3A_3031] {strides = array<i32>} : memref<512xi32, #tpu.memory_space<vmem>>, vector<16xi32>,
    %gather3A_3033 = tpu.vector_load_idx %arg16[%get3A_3032] : memref<200xf32, #tpu.memory_space<vmem>>[vector<16xi32>], vector<16xf32>,
    %get3A_3034 = arith.constant 384 : index
    %get3A_3035 = tpu.vector_load %arg15[%get3A_3034] {strides = array<i32>} : memref<512xf32, #tpu.memory_space<vmem>>, vector<16xf32>,
    %add3A_3036 = arith.constant 9.99999997E-7 : f32
    %add3A_3037 = vector.broadcast %add3A_3036 : f32 to vector<16xf32>
    %add3A_3038 = arith.addf %gather3A_3033, %add3A_3037 : vector<16xf32>
    %div3A_3039 = arith.divf %get3A_3035, %add3A_3038 : vector<16xf32>
    %sub3A_3040 = arith.constant 1.000000e+00 : f32
    %sub3A_3041 = vector.broadcast %sub3A_3040 : f32 to vector<16xf32>
    %sub3A_3042 = arith.subf %div3A_3039, %sub3A_3041 : vector<16xf32>
    %mul3A_3043 = arith.constant -1.000000e+01 : f32
    %mul3A_3044 = vector.broadcast %mul3A_3043 : f32 to vector<16xf32>
    %mul3A_3045 = arith.mulf %mul3A_3044, %sub3A_3042 : vector<16xf32>
    %exp3A_3046 = math.exp %mul3A_3045 : vector<16xf32>
    %add3A_3047 = arith.constant 1.000000e+00 : f32
    %add3A_3048 = vector.broadcast %add3A_3047 : f32 to vector<16xf32>
    %add3A_3049 = arith.addf %add3A_3048, %exp3A_3046 : vector<16xf32>
    %div3A_3050 = arith.constant 1.000000e+00 : f32
    %div3A_3051 = vector.broadcast %div3A_3050 : f32 to vector<16xf32>
    %div3A_3052 = arith.divf %div3A_3051, %add3A_3049 : vector<16xf32>
    %mul3A_3053 = arith.constant 2.000000e+00 : f32
    %mul3A_3054 = vector.broadcast %mul3A_3053 : f32 to vector<16xf32>
    %mul3A_3055 = arith.mulf %mul3A_3054, %div3A_3039 : vector<16xf32>
    %exp3A_3056 = math.exp %mul3A_3055 : vector<16xf32>
    %add3A_3057 = arith.constant 1.000000e+00 : f32
    %add3A_3058 = vector.broadcast %add3A_3057 : f32 to vector<16xf32>
    %add3A_3059 = arith.addf %exp3A_3056, %add3A_3058 : vector<16xf32>
    %div3A_3060 = arith.constant 2.000000e+00 : f32
    %div3A_3061 = vector.broadcast %div3A_3060 : f32 to vector<16xf32>
    %div3A_3062 = arith.divf %div3A_3061, %add3A_3059 : vector<16xf32>
    %sub3A_3063 = arith.constant 1.000000e+00 : f32
    %sub3A_3064 = vector.broadcast %sub3A_3063 : f32 to vector<16xf32>
    %sub3A_3065 = arith.subf %sub3A_3064, %div3A_3062 : vector<16xf32>
    %broadcast_in_dim3A_3066 = arith.constant -1.89158643E-4 : f32
    %broadcast_in_dim3A_3067 = vector.broadcast %broadcast_in_dim3A_3066 : f32 to vector<16xf32>
    %mul3A_3068 = arith.mulf %broadcast_in_dim3A_3067, %div3A_3039 : vector<16xf32>
    %add3A_3069 = arith.constant 0.0022839664 : f32
    %add3A_3070 = vector.broadcast %add3A_3069 : f32 to vector<16xf32>
    %add3A_3071 = arith.addf %mul3A_3068, %add3A_3070 : vector<16xf32>
    %mul3A_3072 = arith.mulf %add3A_3071, %div3A_3039 : vector<16xf32>
    %add3A_3073 = arith.constant -0.0124197342 : f32
    %add3A_3074 = vector.broadcast %add3A_3073 : f32 to vector<16xf32>
    %add3A_3075 = arith.addf %mul3A_3072, %add3A_3074 : vector<16xf32>
    %mul3A_3076 = arith.mulf %add3A_3075, %div3A_3039 : vector<16xf32>
    %add3A_3077 = arith.constant 0.0407620892 : f32
    %add3A_3078 = vector.broadcast %add3A_3077 : f32 to vector<16xf32>
    %add3A_3079 = arith.addf %mul3A_3076, %add3A_3078 : vector<16xf32>
    %mul3A_3080 = arith.mulf %add3A_3079, %div3A_3039 : vector<16xf32>
    %add3A_3081 = arith.constant -0.0923750102 : f32
    %add3A_3082 = vector.broadcast %add3A_3081 : f32 to vector<16xf32>
    %add3A_3083 = arith.addf %mul3A_3080, %add3A_3082 : vector<16xf32>
    %mul3A_3084 = arith.mulf %add3A_3083, %div3A_3039 : vector<16xf32>
    %add3A_3085 = arith.constant 0.159971923 : f32
    %add3A_3086 = vector.broadcast %add3A_3085 : f32 to vector<16xf32>
    %add3A_3087 = arith.addf %mul3A_3084, %add3A_3086 : vector<16xf32>
    %mul3A_3088 = arith.mulf %add3A_3087, %div3A_3039 : vector<16xf32>
    %add3A_3089 = arith.constant -0.235194117 : f32
    %add3A_3090 = vector.broadcast %add3A_3089 : f32 to vector<16xf32>
    %add3A_3091 = arith.addf %mul3A_3088, %add3A_3090 : vector<16xf32>
    %mul3A_3092 = arith.mulf %add3A_3091, %div3A_3039 : vector<16xf32>
    %add3A_3093 = arith.constant 0.329887718 : f32
    %add3A_3094 = vector.broadcast %add3A_3093 : f32 to vector<16xf32>
    %add3A_3095 = arith.addf %mul3A_3092, %add3A_3094 : vector<16xf32>
    %mul3A_3096 = arith.mulf %add3A_3095, %div3A_3039 : vector<16xf32>
    %add3A_3097 = arith.constant -0.499555558 : f32
    %add3A_3098 = vector.broadcast %add3A_3097 : f32 to vector<16xf32>
    %add3A_3099 = arith.addf %mul3A_3096, %add3A_3098 : vector<16xf32>
    %mul3A_3100 = arith.mulf %add3A_3099, %div3A_3039 : vector<16xf32>
    %add3A_3101 = arith.constant 0.999974727 : f32
    %add3A_3102 = vector.broadcast %add3A_3101 : f32 to vector<16xf32>
    %add3A_3103 = arith.addf %mul3A_3100, %add3A_3102 : vector<16xf32>
    %mul3A_3104 = arith.mulf %add3A_3103, %div3A_3039 : vector<16xf32>
    %add3A_3105 = arith.constant 3.59602097E-7 : f32
    %add3A_3106 = vector.broadcast %add3A_3105 : f32 to vector<16xf32>
    %add3A_3107 = arith.addf %mul3A_3104, %add3A_3106 : vector<16xf32>
    %get3A_3108 = arith.constant 384 : index
    %get3A_3109 = tpu.vector_load %arg19[%get3A_3108] {strides = array<i32>} : memref<512xf32, #tpu.memory_space<vmem>>, vector<16xf32>,
    %bitcast_convert_type3A_3110 = tpu.bitcast %get3A_3109 : vector<16xf32> -> vector<16xi32>
    %and3A_3111 = arith.constant -65536 : i32
    %and3A_3112 = vector.broadcast %and3A_3111 : i32 to vector<16xi32>
    %and3A_3113 = arith.andi %bitcast_convert_type3A_3110, %and3A_3112 : vector<16xi32>
    %bitcast_convert_type3A_3114 = tpu.bitcast %and3A_3113 : vector<16xi32> -> vector<16xf32>
    %shift_left3A_3115 = arith.constant 16 : i32
    %shift_left3A_3116 = vector.broadcast %shift_left3A_3115 : i32 to vector<16xi32>
    %shift_left3A_3117 = arith.shli %bitcast_convert_type3A_3110, %shift_left3A_3116 : vector<16xi32>
    %bitcast_convert_type3A_3118 = tpu.bitcast %shift_left3A_3117 : vector<16xi32> -> vector<16xf32>
    %sub3A_3119 = arith.constant 1.000000e+00 : f32
    %sub3A_3120 = vector.broadcast %sub3A_3119 : f32 to vector<16xf32>
    %sub3A_3121 = arith.subf %sub3A_3120, %div3A_3052 : vector<16xf32>
    %mul3A_3122 = arith.mulf %sub3A_3065, %bitcast_convert_type3A_3114 : vector<16xf32>
    %mul3A_3123 = arith.mulf %sub3A_3121, %mul3A_3122 : vector<16xf32>
    %mul3A_3124 = arith.mulf %add3A_3107, %bitcast_convert_type3A_3118 : vector<16xf32>
    %mul3A_3125 = arith.mulf %div3A_3052, %mul3A_3124 : vector<16xf32>
    %add3A_3126 = arith.addf %mul3A_3123, %mul3A_3125 : vector<16xf32>
    %get3A_3127 = arith.constant 384 : index
    %get3A_3128 = tpu.vector_load %arg18[%get3A_3127] {strides = array<i32>} : memref<512xf32, #tpu.memory_space<vmem>>, vector<16xf32>,
    %mul3A_3129 = arith.mulf %get3A_3128, %add3A_3126 : vector<16xf32>
    %swap3A_3130 = arith.constant 384 : index
    %swap3A_3131 = tpu.vector_load %arg20[%swap3A_3130] {strides = array<i32>} : memref<512xf32, #tpu.memory_space<vmem>>, vector<16xf32>,
    tpu.vector_store %arg20[%swap3A_3130], %mul3A_3129 {strides = array<i32>} : memref<512xf32, #tpu.memory_space<vmem>>, vector<16xf32>,
    %swap3A_3132 = arith.constant 384 : index
    %swap3A_3133 = tpu.vector_load %arg21[%swap3A_3132] {strides = array<i32>} : memref<512xf32, #tpu.memory_space<vmem>>, vector<16xf32>,
    tpu.vector_store %arg21[%swap3A_3132], %div3A_3052 {strides = array<i32>} : memref<512xf32, #tpu.memory_space<vmem>>, vector<16xf32>,
    %swap3A_3134 = arith.constant 384 : index
    %swap3A_3135 = tpu.vector_load %arg22[%swap3A_3134] {strides = array<i32>} : memref<512xf32, #tpu.memory_space<vmem>>, vector<16xf32>,
    tpu.vector_store %arg22[%swap3A_3134], %add3A_3126 {strides = array<i32>} : memref<512xf32, #tpu.memory_space<vmem>>, vector<16xf32>,
    %get3A_3136 = arith.constant 400 : index
    %get3A_3137 = tpu.vector_load %arg14[%get3A_3136] {strides = array<i32>} : memref<512xi32, #tpu.memory_space<vmem>>, vector<16xi32>,
    %gather3A_3138 = tpu.vector_load_idx %arg16[%get3A_3137] : memref<200xf32, #tpu.memory_space<vmem>>[vector<16xi32>], vector<16xf32>,
    %get3A_3139 = arith.constant 400 : index
    %get3A_3140 = tpu.vector_load %arg15[%get3A_3139] {strides = array<i32>} : memref<512xf32, #tpu.memory_space<vmem>>, vector<16xf32>,
    %add3A_3141 = arith.constant 9.99999997E-7 : f32
    %add3A_3142 = vector.broadcast %add3A_3141 : f32 to vector<16xf32>
    %add3A_3143 = arith.addf %gather3A_3138, %add3A_3142 : vector<16xf32>
    %div3A_3144 = arith.divf %get3A_3140, %add3A_3143 : vector<16xf32>
    %sub3A_3145 = arith.constant 1.000000e+00 : f32
    %sub3A_3146 = vector.broadcast %sub3A_3145 : f32 to vector<16xf32>
    %sub3A_3147 = arith.subf %div3A_3144, %sub3A_3146 : vector<16xf32>
    %mul3A_3148 = arith.constant -1.000000e+01 : f32
    %mul3A_3149 = vector.broadcast %mul3A_3148 : f32 to vector<16xf32>
    %mul3A_3150 = arith.mulf %mul3A_3149, %sub3A_3147 : vector<16xf32>
    %exp3A_3151 = math.exp %mul3A_3150 : vector<16xf32>
    %add3A_3152 = arith.constant 1.000000e+00 : f32
    %add3A_3153 = vector.broadcast %add3A_3152 : f32 to vector<16xf32>
    %add3A_3154 = arith.addf %add3A_3153, %exp3A_3151 : vector<16xf32>
    %div3A_3155 = arith.constant 1.000000e+00 : f32
    %div3A_3156 = vector.broadcast %div3A_3155 : f32 to vector<16xf32>
    %div3A_3157 = arith.divf %div3A_3156, %add3A_3154 : vector<16xf32>
    %mul3A_3158 = arith.constant 2.000000e+00 : f32
    %mul3A_3159 = vector.broadcast %mul3A_3158 : f32 to vector<16xf32>
    %mul3A_3160 = arith.mulf %mul3A_3159, %div3A_3144 : vector<16xf32>
    %exp3A_3161 = math.exp %mul3A_3160 : vector<16xf32>
    %add3A_3162 = arith.constant 1.000000e+00 : f32
    %add3A_3163 = vector.broadcast %add3A_3162 : f32 to vector<16xf32>
    %add3A_3164 = arith.addf %exp3A_3161, %add3A_3163 : vector<16xf32>
    %div3A_3165 = arith.constant 2.000000e+00 : f32
    %div3A_3166 = vector.broadcast %div3A_3165 : f32 to vector<16xf32>
    %div3A_3167 = arith.divf %div3A_3166, %add3A_3164 : vector<16xf32>
    %sub3A_3168 = arith.constant 1.000000e+00 : f32
    %sub3A_3169 = vector.broadcast %sub3A_3168 : f32 to vector<16xf32>
    %sub3A_3170 = arith.subf %sub3A_3169, %div3A_3167 : vector<16xf32>
    %broadcast_in_dim3A_3171 = arith.constant -1.89158643E-4 : f32
    %broadcast_in_dim3A_3172 = vector.broadcast %broadcast_in_dim3A_3171 : f32 to vector<16xf32>
    %mul3A_3173 = arith.mulf %broadcast_in_dim3A_3172, %div3A_3144 : vector<16xf32>
    %add3A_3174 = arith.constant 0.0022839664 : f32
    %add3A_3175 = vector.broadcast %add3A_3174 : f32 to vector<16xf32>
    %add3A_3176 = arith.addf %mul3A_3173, %add3A_3175 : vector<16xf32>
    %mul3A_3177 = arith.mulf %add3A_3176, %div3A_3144 : vector<16xf32>
    %add3A_3178 = arith.constant -0.0124197342 : f32
    %add3A_3179 = vector.broadcast %add3A_3178 : f32 to vector<16xf32>
    %add3A_3180 = arith.addf %mul3A_3177, %add3A_3179 : vector<16xf32>
    %mul3A_3181 = arith.mulf %add3A_3180, %div3A_3144 : vector<16xf32>
    %add3A_3182 = arith.constant 0.0407620892 : f32
    %add3A_3183 = vector.broadcast %add3A_3182 : f32 to vector<16xf32>
    %add3A_3184 = arith.addf %mul3A_3181, %add3A_3183 : vector<16xf32>
    %mul3A_3185 = arith.mulf %add3A_3184, %div3A_3144 : vector<16xf32>
    %add3A_3186 = arith.constant -0.0923750102 : f32
    %add3A_3187 = vector.broadcast %add3A_3186 : f32 to vector<16xf32>
    %add3A_3188 = arith.addf %mul3A_3185, %add3A_3187 : vector<16xf32>
    %mul3A_3189 = arith.mulf %add3A_3188, %div3A_3144 : vector<16xf32>
    %add3A_3190 = arith.constant 0.159971923 : f32
    %add3A_3191 = vector.broadcast %add3A_3190 : f32 to vector<16xf32>
    %add3A_3192 = arith.addf %mul3A_3189, %add3A_3191 : vector<16xf32>
    %mul3A_3193 = arith.mulf %add3A_3192, %div3A_3144 : vector<16xf32>
    %add3A_3194 = arith.constant -0.235194117 : f32
    %add3A_3195 = vector.broadcast %add3A_3194 : f32 to vector<16xf32>
    %add3A_3196 = arith.addf %mul3A_3193, %add3A_3195 : vector<16xf32>
    %mul3A_3197 = arith.mulf %add3A_3196, %div3A_3144 : vector<16xf32>
    %add3A_3198 = arith.constant 0.329887718 : f32
    %add3A_3199 = vector.broadcast %add3A_3198 : f32 to vector<16xf32>
    %add3A_3200 = arith.addf %mul3A_3197, %add3A_3199 : vector<16xf32>
    %mul3A_3201 = arith.mulf %add3A_3200, %div3A_3144 : vector<16xf32>
    %add3A_3202 = arith.constant -0.499555558 : f32
    %add3A_3203 = vector.broadcast %add3A_3202 : f32 to vector<16xf32>
    %add3A_3204 = arith.addf %mul3A_3201, %add3A_3203 : vector<16xf32>
    %mul3A_3205 = arith.mulf %add3A_3204, %div3A_3144 : vector<16xf32>
    %add3A_3206 = arith.constant 0.999974727 : f32
    %add3A_3207 = vector.broadcast %add3A_3206 : f32 to vector<16xf32>
    %add3A_3208 = arith.addf %mul3A_3205, %add3A_3207 : vector<16xf32>
    %mul3A_3209 = arith.mulf %add3A_3208, %div3A_3144 : vector<16xf32>
    %add3A_3210 = arith.constant 3.59602097E-7 : f32
    %add3A_3211 = vector.broadcast %add3A_3210 : f32 to vector<16xf32>
    %add3A_3212 = arith.addf %mul3A_3209, %add3A_3211 : vector<16xf32>
    %get3A_3213 = arith.constant 400 : index
    %get3A_3214 = tpu.vector_load %arg19[%get3A_3213] {strides = array<i32>} : memref<512xf32, #tpu.memory_space<vmem>>, vector<16xf32>,
    %bitcast_convert_type3A_3215 = tpu.bitcast %get3A_3214 : vector<16xf32> -> vector<16xi32>
    %and3A_3216 = arith.constant -65536 : i32
    %and3A_3217 = vector.broadcast %and3A_3216 : i32 to vector<16xi32>
    %and3A_3218 = arith.andi %bitcast_convert_type3A_3215, %and3A_3217 : vector<16xi32>
    %bitcast_convert_type3A_3219 = tpu.bitcast %and3A_3218 : vector<16xi32> -> vector<16xf32>
    %shift_left3A_3220 = arith.constant 16 : i32
    %shift_left3A_3221 = vector.broadcast %shift_left3A_3220 : i32 to vector<16xi32>
    %shift_left3A_3222 = arith.shli %bitcast_convert_type3A_3215, %shift_left3A_3221 : vector<16xi32>
    %bitcast_convert_type3A_3223 = tpu.bitcast %shift_left3A_3222 : vector<16xi32> -> vector<16xf32>
    %sub3A_3224 = arith.constant 1.000000e+00 : f32
    %sub3A_3225 = vector.broadcast %sub3A_3224 : f32 to vector<16xf32>
    %sub3A_3226 = arith.subf %sub3A_3225, %div3A_3157 : vector<16xf32>
    %mul3A_3227 = arith.mulf %sub3A_3170, %bitcast_convert_type3A_3219 : vector<16xf32>
    %mul3A_3228 = arith.mulf %sub3A_3226, %mul3A_3227 : vector<16xf32>
    %mul3A_3229 = arith.mulf %add3A_3212, %bitcast_convert_type3A_3223 : vector<16xf32>
    %mul3A_3230 = arith.mulf %div3A_3157, %mul3A_3229 : vector<16xf32>
    %add3A_3231 = arith.addf %mul3A_3228, %mul3A_3230 : vector<16xf32>
    %get3A_3232 = arith.constant 400 : index
    %get3A_3233 = tpu.vector_load %arg18[%get3A_3232] {strides = array<i32>} : memref<512xf32, #tpu.memory_space<vmem>>, vector<16xf32>,
    %mul3A_3234 = arith.mulf %get3A_3233, %add3A_3231 : vector<16xf32>
    %swap3A_3235 = arith.constant 400 : index
    %swap3A_3236 = tpu.vector_load %arg20[%swap3A_3235] {strides = array<i32>} : memref<512xf32, #tpu.memory_space<vmem>>, vector<16xf32>,
    tpu.vector_store %arg20[%swap3A_3235], %mul3A_3234 {strides = array<i32>} : memref<512xf32, #tpu.memory_space<vmem>>, vector<16xf32>,
    %swap3A_3237 = arith.constant 400 : index
    %swap3A_3238 = tpu.vector_load %arg21[%swap3A_3237] {strides = array<i32>} : memref<512xf32, #tpu.memory_space<vmem>>, vector<16xf32>,
    tpu.vector_store %arg21[%swap3A_3237], %div3A_3157 {strides = array<i32>} : memref<512xf32, #tpu.memory_space<vmem>>, vector<16xf32>,
    %swap3A_3239 = arith.constant 400 : index
    %swap3A_3240 = tpu.vector_load %arg22[%swap3A_3239] {strides = array<i32>} : memref<512xf32, #tpu.memory_space<vmem>>, vector<16xf32>,
    tpu.vector_store %arg22[%swap3A_3239], %add3A_3231 {strides = array<i32>} : memref<512xf32, #tpu.memory_space<vmem>>, vector<16xf32>,
    %get3A_3241 = arith.constant 416 : index
    %get3A_3242 = tpu.vector_load %arg14[%get3A_3241] {strides = array<i32>} : memref<512xi32, #tpu.memory_space<vmem>>, vector<16xi32>,
    %gather3A_3243 = tpu.vector_load_idx %arg16[%get3A_3242] : memref<200xf32, #tpu.memory_space<vmem>>[vector<16xi32>], vector<16xf32>,
    %get3A_3244 = arith.constant 416 : index
    %get3A_3245 = tpu.vector_load %arg15[%get3A_3244] {strides = array<i32>} : memref<512xf32, #tpu.memory_space<vmem>>, vector<16xf32>,
    %add3A_3246 = arith.constant 9.99999997E-7 : f32
    %add3A_3247 = vector.broadcast %add3A_3246 : f32 to vector<16xf32>
    %add3A_3248 = arith.addf %gather3A_3243, %add3A_3247 : vector<16xf32>
    %div3A_3249 = arith.divf %get3A_3245, %add3A_3248 : vector<16xf32>
    %sub3A_3250 = arith.constant 1.000000e+00 : f32
    %sub3A_3251 = vector.broadcast %sub3A_3250 : f32 to vector<16xf32>
    %sub3A_3252 = arith.subf %div3A_3249, %sub3A_3251 : vector<16xf32>
    %mul3A_3253 = arith.constant -1.000000e+01 : f32
    %mul3A_3254 = vector.broadcast %mul3A_3253 : f32 to vector<16xf32>
    %mul3A_3255 = arith.mulf %mul3A_3254, %sub3A_3252 : vector<16xf32>
    %exp3A_3256 = math.exp %mul3A_3255 : vector<16xf32>
    %add3A_3257 = arith.constant 1.000000e+00 : f32
    %add3A_3258 = vector.broadcast %add3A_3257 : f32 to vector<16xf32>
    %add3A_3259 = arith.addf %add3A_3258, %exp3A_3256 : vector<16xf32>
    %div3A_3260 = arith.constant 1.000000e+00 : f32
    %div3A_3261 = vector.broadcast %div3A_3260 : f32 to vector<16xf32>
    %div3A_3262 = arith.divf %div3A_3261, %add3A_3259 : vector<16xf32>
    %mul3A_3263 = arith.constant 2.000000e+00 : f32
    %mul3A_3264 = vector.broadcast %mul3A_3263 : f32 to vector<16xf32>
    %mul3A_3265 = arith.mulf %mul3A_3264, %div3A_3249 : vector<16xf32>
    %exp3A_3266 = math.exp %mul3A_3265 : vector<16xf32>
    %add3A_3267 = arith.constant 1.000000e+00 : f32
    %add3A_3268 = vector.broadcast %add3A_3267 : f32 to vector<16xf32>
    %add3A_3269 = arith.addf %exp3A_3266, %add3A_3268 : vector<16xf32>
    %div3A_3270 = arith.constant 2.000000e+00 : f32
    %div3A_3271 = vector.broadcast %div3A_3270 : f32 to vector<16xf32>
    %div3A_3272 = arith.divf %div3A_3271, %add3A_3269 : vector<16xf32>
    %sub3A_3273 = arith.constant 1.000000e+00 : f32
    %sub3A_3274 = vector.broadcast %sub3A_3273 : f32 to vector<16xf32>
    %sub3A_3275 = arith.subf %sub3A_3274, %div3A_3272 : vector<16xf32>
    %broadcast_in_dim3A_3276 = arith.constant -1.89158643E-4 : f32
    %broadcast_in_dim3A_3277 = vector.broadcast %broadcast_in_dim3A_3276 : f32 to vector<16xf32>
    %mul3A_3278 = arith.mulf %broadcast_in_dim3A_3277, %div3A_3249 : vector<16xf32>
    %add3A_3279 = arith.constant 0.0022839664 : f32
    %add3A_3280 = vector.broadcast %add3A_3279 : f32 to vector<16xf32>
    %add3A_3281 = arith.addf %mul3A_3278, %add3A_3280 : vector<16xf32>
    %mul3A_3282 = arith.mulf %add3A_3281, %div3A_3249 : vector<16xf32>
    %add3A_3283 = arith.constant -0.0124197342 : f32
    %add3A_3284 = vector.broadcast %add3A_3283 : f32 to vector<16xf32>
    %add3A_3285 = arith.addf %mul3A_3282, %add3A_3284 : vector<16xf32>
    %mul3A_3286 = arith.mulf %add3A_3285, %div3A_3249 : vector<16xf32>
    %add3A_3287 = arith.constant 0.0407620892 : f32
    %add3A_3288 = vector.broadcast %add3A_3287 : f32 to vector<16xf32>
    %add3A_3289 = arith.addf %mul3A_3286, %add3A_3288 : vector<16xf32>
    %mul3A_3290 = arith.mulf %add3A_3289, %div3A_3249 : vector<16xf32>
    %add3A_3291 = arith.constant -0.0923750102 : f32
    %add3A_3292 = vector.broadcast %add3A_3291 : f32 to vector<16xf32>
    %add3A_3293 = arith.addf %mul3A_3290, %add3A_3292 : vector<16xf32>
    %mul3A_3294 = arith.mulf %add3A_3293, %div3A_3249 : vector<16xf32>
    %add3A_3295 = arith.constant 0.159971923 : f32
    %add3A_3296 = vector.broadcast %add3A_3295 : f32 to vector<16xf32>
    %add3A_3297 = arith.addf %mul3A_3294, %add3A_3296 : vector<16xf32>
    %mul3A_3298 = arith.mulf %add3A_3297, %div3A_3249 : vector<16xf32>
    %add3A_3299 = arith.constant -0.235194117 : f32
    %add3A_3300 = vector.broadcast %add3A_3299 : f32 to vector<16xf32>
    %add3A_3301 = arith.addf %mul3A_3298, %add3A_3300 : vector<16xf32>
    %mul3A_3302 = arith.mulf %add3A_3301, %div3A_3249 : vector<16xf32>
    %add3A_3303 = arith.constant 0.329887718 : f32
    %add3A_3304 = vector.broadcast %add3A_3303 : f32 to vector<16xf32>
    %add3A_3305 = arith.addf %mul3A_3302, %add3A_3304 : vector<16xf32>
    %mul3A_3306 = arith.mulf %add3A_3305, %div3A_3249 : vector<16xf32>
    %add3A_3307 = arith.constant -0.499555558 : f32
    %add3A_3308 = vector.broadcast %add3A_3307 : f32 to vector<16xf32>
    %add3A_3309 = arith.addf %mul3A_3306, %add3A_3308 : vector<16xf32>
    %mul3A_3310 = arith.mulf %add3A_3309, %div3A_3249 : vector<16xf32>
    %add3A_3311 = arith.constant 0.999974727 : f32
    %add3A_3312 = vector.broadcast %add3A_3311 : f32 to vector<16xf32>
    %add3A_3313 = arith.addf %mul3A_3310, %add3A_3312 : vector<16xf32>
    %mul3A_3314 = arith.mulf %add3A_3313, %div3A_3249 : vector<16xf32>
    %add3A_3315 = arith.constant 3.59602097E-7 : f32
    %add3A_3316 = vector.broadcast %add3A_3315 : f32 to vector<16xf32>
    %add3A_3317 = arith.addf %mul3A_3314, %add3A_3316 : vector<16xf32>
    %get3A_3318 = arith.constant 416 : index
    %get3A_3319 = tpu.vector_load %arg19[%get3A_3318] {strides = array<i32>} : memref<512xf32, #tpu.memory_space<vmem>>, vector<16xf32>,
    %bitcast_convert_type3A_3320 = tpu.bitcast %get3A_3319 : vector<16xf32> -> vector<16xi32>
    %and3A_3321 = arith.constant -65536 : i32
    %and3A_3322 = vector.broadcast %and3A_3321 : i32 to vector<16xi32>
    %and3A_3323 = arith.andi %bitcast_convert_type3A_3320, %and3A_3322 : vector<16xi32>
    %bitcast_convert_type3A_3324 = tpu.bitcast %and3A_3323 : vector<16xi32> -> vector<16xf32>
    %shift_left3A_3325 = arith.constant 16 : i32
    %shift_left3A_3326 = vector.broadcast %shift_left3A_3325 : i32 to vector<16xi32>
    %shift_left3A_3327 = arith.shli %bitcast_convert_type3A_3320, %shift_left3A_3326 : vector<16xi32>
    %bitcast_convert_type3A_3328 = tpu.bitcast %shift_left3A_3327 : vector<16xi32> -> vector<16xf32>
    %sub3A_3329 = arith.constant 1.000000e+00 : f32
    %sub3A_3330 = vector.broadcast %sub3A_3329 : f32 to vector<16xf32>
    %sub3A_3331 = arith.subf %sub3A_3330, %div3A_3262 : vector<16xf32>
    %mul3A_3332 = arith.mulf %sub3A_3275, %bitcast_convert_type3A_3324 : vector<16xf32>
    %mul3A_3333 = arith.mulf %sub3A_3331, %mul3A_3332 : vector<16xf32>
    %mul3A_3334 = arith.mulf %add3A_3317, %bitcast_convert_type3A_3328 : vector<16xf32>
    %mul3A_3335 = arith.mulf %div3A_3262, %mul3A_3334 : vector<16xf32>
    %add3A_3336 = arith.addf %mul3A_3333, %mul3A_3335 : vector<16xf32>
    %get3A_3337 = arith.constant 416 : index
    %get3A_3338 = tpu.vector_load %arg18[%get3A_3337] {strides = array<i32>} : memref<512xf32, #tpu.memory_space<vmem>>, vector<16xf32>,
    %mul3A_3339 = arith.mulf %get3A_3338, %add3A_3336 : vector<16xf32>
    %swap3A_3340 = arith.constant 416 : index
    %swap3A_3341 = tpu.vector_load %arg20[%swap3A_3340] {strides = array<i32>} : memref<512xf32, #tpu.memory_space<vmem>>, vector<16xf32>,
    tpu.vector_store %arg20[%swap3A_3340], %mul3A_3339 {strides = array<i32>} : memref<512xf32, #tpu.memory_space<vmem>>, vector<16xf32>,
    %swap3A_3342 = arith.constant 416 : index
    %swap3A_3343 = tpu.vector_load %arg21[%swap3A_3342] {strides = array<i32>} : memref<512xf32, #tpu.memory_space<vmem>>, vector<16xf32>,
    tpu.vector_store %arg21[%swap3A_3342], %div3A_3262 {strides = array<i32>} : memref<512xf32, #tpu.memory_space<vmem>>, vector<16xf32>,
    %swap3A_3344 = arith.constant 416 : index
    %swap3A_3345 = tpu.vector_load %arg22[%swap3A_3344] {strides = array<i32>} : memref<512xf32, #tpu.memory_space<vmem>>, vector<16xf32>,
    tpu.vector_store %arg22[%swap3A_3344], %add3A_3336 {strides = array<i32>} : memref<512xf32, #tpu.memory_space<vmem>>, vector<16xf32>,
    %get3A_3346 = arith.constant 432 : index
    %get3A_3347 = tpu.vector_load %arg14[%get3A_3346] {strides = array<i32>} : memref<512xi32, #tpu.memory_space<vmem>>, vector<16xi32>,
    %gather3A_3348 = tpu.vector_load_idx %arg16[%get3A_3347] : memref<200xf32, #tpu.memory_space<vmem>>[vector<16xi32>], vector<16xf32>,
    %get3A_3349 = arith.constant 432 : index
    %get3A_3350 = tpu.vector_load %arg15[%get3A_3349] {strides = array<i32>} : memref<512xf32, #tpu.memory_space<vmem>>, vector<16xf32>,
    %add3A_3351 = arith.constant 9.99999997E-7 : f32
    %add3A_3352 = vector.broadcast %add3A_3351 : f32 to vector<16xf32>
    %add3A_3353 = arith.addf %gather3A_3348, %add3A_3352 : vector<16xf32>
    %div3A_3354 = arith.divf %get3A_3350, %add3A_3353 : vector<16xf32>
    %sub3A_3355 = arith.constant 1.000000e+00 : f32
    %sub3A_3356 = vector.broadcast %sub3A_3355 : f32 to vector<16xf32>
    %sub3A_3357 = arith.subf %div3A_3354, %sub3A_3356 : vector<16xf32>
    %mul3A_3358 = arith.constant -1.000000e+01 : f32
    %mul3A_3359 = vector.broadcast %mul3A_3358 : f32 to vector<16xf32>
    %mul3A_3360 = arith.mulf %mul3A_3359, %sub3A_3357 : vector<16xf32>
    %exp3A_3361 = math.exp %mul3A_3360 : vector<16xf32>
    %add3A_3362 = arith.constant 1.000000e+00 : f32
    %add3A_3363 = vector.broadcast %add3A_3362 : f32 to vector<16xf32>
    %add3A_3364 = arith.addf %add3A_3363, %exp3A_3361 : vector<16xf32>
    %div3A_3365 = arith.constant 1.000000e+00 : f32
    %div3A_3366 = vector.broadcast %div3A_3365 : f32 to vector<16xf32>
    %div3A_3367 = arith.divf %div3A_3366, %add3A_3364 : vector<16xf32>
    %mul3A_3368 = arith.constant 2.000000e+00 : f32
    %mul3A_3369 = vector.broadcast %mul3A_3368 : f32 to vector<16xf32>
    %mul3A_3370 = arith.mulf %mul3A_3369, %div3A_3354 : vector<16xf32>
    %exp3A_3371 = math.exp %mul3A_3370 : vector<16xf32>
    %add3A_3372 = arith.constant 1.000000e+00 : f32
    %add3A_3373 = vector.broadcast %add3A_3372 : f32 to vector<16xf32>
    %add3A_3374 = arith.addf %exp3A_3371, %add3A_3373 : vector<16xf32>
    %div3A_3375 = arith.constant 2.000000e+00 : f32
    %div3A_3376 = vector.broadcast %div3A_3375 : f32 to vector<16xf32>
    %div3A_3377 = arith.divf %div3A_3376, %add3A_3374 : vector<16xf32>
    %sub3A_3378 = arith.constant 1.000000e+00 : f32
    %sub3A_3379 = vector.broadcast %sub3A_3378 : f32 to vector<16xf32>
    %sub3A_3380 = arith.subf %sub3A_3379, %div3A_3377 : vector<16xf32>
    %broadcast_in_dim3A_3381 = arith.constant -1.89158643E-4 : f32
    %broadcast_in_dim3A_3382 = vector.broadcast %broadcast_in_dim3A_3381 : f32 to vector<16xf32>
    %mul3A_3383 = arith.mulf %broadcast_in_dim3A_3382, %div3A_3354 : vector<16xf32>
    %add3A_3384 = arith.constant 0.0022839664 : f32
    %add3A_3385 = vector.broadcast %add3A_3384 : f32 to vector<16xf32>
    %add3A_3386 = arith.addf %mul3A_3383, %add3A_3385 : vector<16xf32>
    %mul3A_3387 = arith.mulf %add3A_3386, %div3A_3354 : vector<16xf32>
    %add3A_3388 = arith.constant -0.0124197342 : f32
    %add3A_3389 = vector.broadcast %add3A_3388 : f32 to vector<16xf32>
    %add3A_3390 = arith.addf %mul3A_3387, %add3A_3389 : vector<16xf32>
    %mul3A_3391 = arith.mulf %add3A_3390, %div3A_3354 : vector<16xf32>
    %add3A_3392 = arith.constant 0.0407620892 : f32
    %add3A_3393 = vector.broadcast %add3A_3392 : f32 to vector<16xf32>
    %add3A_3394 = arith.addf %mul3A_3391, %add3A_3393 : vector<16xf32>
    %mul3A_3395 = arith.mulf %add3A_3394, %div3A_3354 : vector<16xf32>
    %add3A_3396 = arith.constant -0.0923750102 : f32
    %add3A_3397 = vector.broadcast %add3A_3396 : f32 to vector<16xf32>
    %add3A_3398 = arith.addf %mul3A_3395, %add3A_3397 : vector<16xf32>
    %mul3A_3399 = arith.mulf %add3A_3398, %div3A_3354 : vector<16xf32>
    %add3A_3400 = arith.constant 0.159971923 : f32
    %add3A_3401 = vector.broadcast %add3A_3400 : f32 to vector<16xf32>
    %add3A_3402 = arith.addf %mul3A_3399, %add3A_3401 : vector<16xf32>
    %mul3A_3403 = arith.mulf %add3A_3402, %div3A_3354 : vector<16xf32>
    %add3A_3404 = arith.constant -0.235194117 : f32
    %add3A_3405 = vector.broadcast %add3A_3404 : f32 to vector<16xf32>
    %add3A_3406 = arith.addf %mul3A_3403, %add3A_3405 : vector<16xf32>
    %mul3A_3407 = arith.mulf %add3A_3406, %div3A_3354 : vector<16xf32>
    %add3A_3408 = arith.constant 0.329887718 : f32
    %add3A_3409 = vector.broadcast %add3A_3408 : f32 to vector<16xf32>
    %add3A_3410 = arith.addf %mul3A_3407, %add3A_3409 : vector<16xf32>
    %mul3A_3411 = arith.mulf %add3A_3410, %div3A_3354 : vector<16xf32>
    %add3A_3412 = arith.constant -0.499555558 : f32
    %add3A_3413 = vector.broadcast %add3A_3412 : f32 to vector<16xf32>
    %add3A_3414 = arith.addf %mul3A_3411, %add3A_3413 : vector<16xf32>
    %mul3A_3415 = arith.mulf %add3A_3414, %div3A_3354 : vector<16xf32>
    %add3A_3416 = arith.constant 0.999974727 : f32
    %add3A_3417 = vector.broadcast %add3A_3416 : f32 to vector<16xf32>
    %add3A_3418 = arith.addf %mul3A_3415, %add3A_3417 : vector<16xf32>
    %mul3A_3419 = arith.mulf %add3A_3418, %div3A_3354 : vector<16xf32>
    %add3A_3420 = arith.constant 3.59602097E-7 : f32
    %add3A_3421 = vector.broadcast %add3A_3420 : f32 to vector<16xf32>
    %add3A_3422 = arith.addf %mul3A_3419, %add3A_3421 : vector<16xf32>
    %get3A_3423 = arith.constant 432 : index
    %get3A_3424 = tpu.vector_load %arg19[%get3A_3423] {strides = array<i32>} : memref<512xf32, #tpu.memory_space<vmem>>, vector<16xf32>,
    %bitcast_convert_type3A_3425 = tpu.bitcast %get3A_3424 : vector<16xf32> -> vector<16xi32>
    %and3A_3426 = arith.constant -65536 : i32
    %and3A_3427 = vector.broadcast %and3A_3426 : i32 to vector<16xi32>
    %and3A_3428 = arith.andi %bitcast_convert_type3A_3425, %and3A_3427 : vector<16xi32>
    %bitcast_convert_type3A_3429 = tpu.bitcast %and3A_3428 : vector<16xi32> -> vector<16xf32>
    %shift_left3A_3430 = arith.constant 16 : i32
    %shift_left3A_3431 = vector.broadcast %shift_left3A_3430 : i32 to vector<16xi32>
    %shift_left3A_3432 = arith.shli %bitcast_convert_type3A_3425, %shift_left3A_3431 : vector<16xi32>
    %bitcast_convert_type3A_3433 = tpu.bitcast %shift_left3A_3432 : vector<16xi32> -> vector<16xf32>
    %sub3A_3434 = arith.constant 1.000000e+00 : f32
    %sub3A_3435 = vector.broadcast %sub3A_3434 : f32 to vector<16xf32>
    %sub3A_3436 = arith.subf %sub3A_3435, %div3A_3367 : vector<16xf32>
    %mul3A_3437 = arith.mulf %sub3A_3380, %bitcast_convert_type3A_3429 : vector<16xf32>
    %mul3A_3438 = arith.mulf %sub3A_3436, %mul3A_3437 : vector<16xf32>
    %mul3A_3439 = arith.mulf %add3A_3422, %bitcast_convert_type3A_3433 : vector<16xf32>
    %mul3A_3440 = arith.mulf %div3A_3367, %mul3A_3439 : vector<16xf32>
    %add3A_3441 = arith.addf %mul3A_3438, %mul3A_3440 : vector<16xf32>
    %get3A_3442 = arith.constant 432 : index
    %get3A_3443 = tpu.vector_load %arg18[%get3A_3442] {strides = array<i32>} : memref<512xf32, #tpu.memory_space<vmem>>, vector<16xf32>,
    %mul3A_3444 = arith.mulf %get3A_3443, %add3A_3441 : vector<16xf32>
    %swap3A_3445 = arith.constant 432 : index
    %swap3A_3446 = tpu.vector_load %arg20[%swap3A_3445] {strides = array<i32>} : memref<512xf32, #tpu.memory_space<vmem>>, vector<16xf32>,
    tpu.vector_store %arg20[%swap3A_3445], %mul3A_3444 {strides = array<i32>} : memref<512xf32, #tpu.memory_space<vmem>>, vector<16xf32>,
    %swap3A_3447 = arith.constant 432 : index
    %swap3A_3448 = tpu.vector_load %arg21[%swap3A_3447] {strides = array<i32>} : memref<512xf32, #tpu.memory_space<vmem>>, vector<16xf32>,
    tpu.vector_store %arg21[%swap3A_3447], %div3A_3367 {strides = array<i32>} : memref<512xf32, #tpu.memory_space<vmem>>, vector<16xf32>,
    %swap3A_3449 = arith.constant 432 : index
    %swap3A_3450 = tpu.vector_load %arg22[%swap3A_3449] {strides = array<i32>} : memref<512xf32, #tpu.memory_space<vmem>>, vector<16xf32>,
    tpu.vector_store %arg22[%swap3A_3449], %add3A_3441 {strides = array<i32>} : memref<512xf32, #tpu.memory_space<vmem>>, vector<16xf32>,
    %get3A_3451 = arith.constant 448 : index
    %get3A_3452 = tpu.vector_load %arg14[%get3A_3451] {strides = array<i32>} : memref<512xi32, #tpu.memory_space<vmem>>, vector<16xi32>,
    %gather3A_3453 = tpu.vector_load_idx %arg16[%get3A_3452] : memref<200xf32, #tpu.memory_space<vmem>>[vector<16xi32>], vector<16xf32>,
    %get3A_3454 = arith.constant 448 : index
    %get3A_3455 = tpu.vector_load %arg15[%get3A_3454] {strides = array<i32>} : memref<512xf32, #tpu.memory_space<vmem>>, vector<16xf32>,
    %add3A_3456 = arith.constant 9.99999997E-7 : f32
    %add3A_3457 = vector.broadcast %add3A_3456 : f32 to vector<16xf32>
    %add3A_3458 = arith.addf %gather3A_3453, %add3A_3457 : vector<16xf32>
    %div3A_3459 = arith.divf %get3A_3455, %add3A_3458 : vector<16xf32>
    %sub3A_3460 = arith.constant 1.000000e+00 : f32
    %sub3A_3461 = vector.broadcast %sub3A_3460 : f32 to vector<16xf32>
    %sub3A_3462 = arith.subf %div3A_3459, %sub3A_3461 : vector<16xf32>
    %mul3A_3463 = arith.constant -1.000000e+01 : f32
    %mul3A_3464 = vector.broadcast %mul3A_3463 : f32 to vector<16xf32>
    %mul3A_3465 = arith.mulf %mul3A_3464, %sub3A_3462 : vector<16xf32>
    %exp3A_3466 = math.exp %mul3A_3465 : vector<16xf32>
    %add3A_3467 = arith.constant 1.000000e+00 : f32
    %add3A_3468 = vector.broadcast %add3A_3467 : f32 to vector<16xf32>
    %add3A_3469 = arith.addf %add3A_3468, %exp3A_3466 : vector<16xf32>
    %div3A_3470 = arith.constant 1.000000e+00 : f32
    %div3A_3471 = vector.broadcast %div3A_3470 : f32 to vector<16xf32>
    %div3A_3472 = arith.divf %div3A_3471, %add3A_3469 : vector<16xf32>
    %mul3A_3473 = arith.constant 2.000000e+00 : f32
    %mul3A_3474 = vector.broadcast %mul3A_3473 : f32 to vector<16xf32>
    %mul3A_3475 = arith.mulf %mul3A_3474, %div3A_3459 : vector<16xf32>
    %exp3A_3476 = math.exp %mul3A_3475 : vector<16xf32>
    %add3A_3477 = arith.constant 1.000000e+00 : f32
    %add3A_3478 = vector.broadcast %add3A_3477 : f32 to vector<16xf32>
    %add3A_3479 = arith.addf %exp3A_3476, %add3A_3478 : vector<16xf32>
    %div3A_3480 = arith.constant 2.000000e+00 : f32
    %div3A_3481 = vector.broadcast %div3A_3480 : f32 to vector<16xf32>
    %div3A_3482 = arith.divf %div3A_3481, %add3A_3479 : vector<16xf32>
    %sub3A_3483 = arith.constant 1.000000e+00 : f32
    %sub3A_3484 = vector.broadcast %sub3A_3483 : f32 to vector<16xf32>
    %sub3A_3485 = arith.subf %sub3A_3484, %div3A_3482 : vector<16xf32>
    %broadcast_in_dim3A_3486 = arith.constant -1.89158643E-4 : f32
    %broadcast_in_dim3A_3487 = vector.broadcast %broadcast_in_dim3A_3486 : f32 to vector<16xf32>
    %mul3A_3488 = arith.mulf %broadcast_in_dim3A_3487, %div3A_3459 : vector<16xf32>
    %add3A_3489 = arith.constant 0.0022839664 : f32
    %add3A_3490 = vector.broadcast %add3A_3489 : f32 to vector<16xf32>
    %add3A_3491 = arith.addf %mul3A_3488, %add3A_3490 : vector<16xf32>
    %mul3A_3492 = arith.mulf %add3A_3491, %div3A_3459 : vector<16xf32>
    %add3A_3493 = arith.constant -0.0124197342 : f32
    %add3A_3494 = vector.broadcast %add3A_3493 : f32 to vector<16xf32>
    %add3A_3495 = arith.addf %mul3A_3492, %add3A_3494 : vector<16xf32>
    %mul3A_3496 = arith.mulf %add3A_3495, %div3A_3459 : vector<16xf32>
    %add3A_3497 = arith.constant 0.0407620892 : f32
    %add3A_3498 = vector.broadcast %add3A_3497 : f32 to vector<16xf32>
    %add3A_3499 = arith.addf %mul3A_3496, %add3A_3498 : vector<16xf32>
    %mul3A_3500 = arith.mulf %add3A_3499, %div3A_3459 : vector<16xf32>
    %add3A_3501 = arith.constant -0.0923750102 : f32
    %add3A_3502 = vector.broadcast %add3A_3501 : f32 to vector<16xf32>
    %add3A_3503 = arith.addf %mul3A_3500, %add3A_3502 : vector<16xf32>
    %mul3A_3504 = arith.mulf %add3A_3503, %div3A_3459 : vector<16xf32>
    %add3A_3505 = arith.constant 0.159971923 : f32
    %add3A_3506 = vector.broadcast %add3A_3505 : f32 to vector<16xf32>
    %add3A_3507 = arith.addf %mul3A_3504, %add3A_3506 : vector<16xf32>
    %mul3A_3508 = arith.mulf %add3A_3507, %div3A_3459 : vector<16xf32>
    %add3A_3509 = arith.constant -0.235194117 : f32
    %add3A_3510 = vector.broadcast %add3A_3509 : f32 to vector<16xf32>
    %add3A_3511 = arith.addf %mul3A_3508, %add3A_3510 : vector<16xf32>
    %mul3A_3512 = arith.mulf %add3A_3511, %div3A_3459 : vector<16xf32>
    %add3A_3513 = arith.constant 0.329887718 : f32
    %add3A_3514 = vector.broadcast %add3A_3513 : f32 to vector<16xf32>
    %add3A_3515 = arith.addf %mul3A_3512, %add3A_3514 : vector<16xf32>
    %mul3A_3516 = arith.mulf %add3A_3515, %div3A_3459 : vector<16xf32>
    %add3A_3517 = arith.constant -0.499555558 : f32
    %add3A_3518 = vector.broadcast %add3A_3517 : f32 to vector<16xf32>
    %add3A_3519 = arith.addf %mul3A_3516, %add3A_3518 : vector<16xf32>
    %mul3A_3520 = arith.mulf %add3A_3519, %div3A_3459 : vector<16xf32>
    %add3A_3521 = arith.constant 0.999974727 : f32
    %add3A_3522 = vector.broadcast %add3A_3521 : f32 to vector<16xf32>
    %add3A_3523 = arith.addf %mul3A_3520, %add3A_3522 : vector<16xf32>
    %mul3A_3524 = arith.mulf %add3A_3523, %div3A_3459 : vector<16xf32>
    %add3A_3525 = arith.constant 3.59602097E-7 : f32
    %add3A_3526 = vector.broadcast %add3A_3525 : f32 to vector<16xf32>
    %add3A_3527 = arith.addf %mul3A_3524, %add3A_3526 : vector<16xf32>
    %get3A_3528 = arith.constant 448 : index
    %get3A_3529 = tpu.vector_load %arg19[%get3A_3528] {strides = array<i32>} : memref<512xf32, #tpu.memory_space<vmem>>, vector<16xf32>,
    %bitcast_convert_type3A_3530 = tpu.bitcast %get3A_3529 : vector<16xf32> -> vector<16xi32>
    %and3A_3531 = arith.constant -65536 : i32
    %and3A_3532 = vector.broadcast %and3A_3531 : i32 to vector<16xi32>
    %and3A_3533 = arith.andi %bitcast_convert_type3A_3530, %and3A_3532 : vector<16xi32>
    %bitcast_convert_type3A_3534 = tpu.bitcast %and3A_3533 : vector<16xi32> -> vector<16xf32>
    %shift_left3A_3535 = arith.constant 16 : i32
    %shift_left3A_3536 = vector.broadcast %shift_left3A_3535 : i32 to vector<16xi32>
    %shift_left3A_3537 = arith.shli %bitcast_convert_type3A_3530, %shift_left3A_3536 : vector<16xi32>
    %bitcast_convert_type3A_3538 = tpu.bitcast %shift_left3A_3537 : vector<16xi32> -> vector<16xf32>
    %sub3A_3539 = arith.constant 1.000000e+00 : f32
    %sub3A_3540 = vector.broadcast %sub3A_3539 : f32 to vector<16xf32>
    %sub3A_3541 = arith.subf %sub3A_3540, %div3A_3472 : vector<16xf32>
    %mul3A_3542 = arith.mulf %sub3A_3485, %bitcast_convert_type3A_3534 : vector<16xf32>
    %mul3A_3543 = arith.mulf %sub3A_3541, %mul3A_3542 : vector<16xf32>
    %mul3A_3544 = arith.mulf %add3A_3527, %bitcast_convert_type3A_3538 : vector<16xf32>
    %mul3A_3545 = arith.mulf %div3A_3472, %mul3A_3544 : vector<16xf32>
    %add3A_3546 = arith.addf %mul3A_3543, %mul3A_3545 : vector<16xf32>
    %get3A_3547 = arith.constant 448 : index
    %get3A_3548 = tpu.vector_load %arg18[%get3A_3547] {strides = array<i32>} : memref<512xf32, #tpu.memory_space<vmem>>, vector<16xf32>,
    %mul3A_3549 = arith.mulf %get3A_3548, %add3A_3546 : vector<16xf32>
    %swap3A_3550 = arith.constant 448 : index
    %swap3A_3551 = tpu.vector_load %arg20[%swap3A_3550] {strides = array<i32>} : memref<512xf32, #tpu.memory_space<vmem>>, vector<16xf32>,
    tpu.vector_store %arg20[%swap3A_3550], %mul3A_3549 {strides = array<i32>} : memref<512xf32, #tpu.memory_space<vmem>>, vector<16xf32>,
    %swap3A_3552 = arith.constant 448 : index
    %swap3A_3553 = tpu.vector_load %arg21[%swap3A_3552] {strides = array<i32>} : memref<512xf32, #tpu.memory_space<vmem>>, vector<16xf32>,
    tpu.vector_store %arg21[%swap3A_3552], %div3A_3472 {strides = array<i32>} : memref<512xf32, #tpu.memory_space<vmem>>, vector<16xf32>,
    %swap3A_3554 = arith.constant 448 : index
    %swap3A_3555 = tpu.vector_load %arg22[%swap3A_3554] {strides = array<i32>} : memref<512xf32, #tpu.memory_space<vmem>>, vector<16xf32>,
    tpu.vector_store %arg22[%swap3A_3554], %add3A_3546 {strides = array<i32>} : memref<512xf32, #tpu.memory_space<vmem>>, vector<16xf32>,
    %get3A_3556 = arith.constant 464 : index
    %get3A_3557 = tpu.vector_load %arg14[%get3A_3556] {strides = array<i32>} : memref<512xi32, #tpu.memory_space<vmem>>, vector<16xi32>,
    %gather3A_3558 = tpu.vector_load_idx %arg16[%get3A_3557] : memref<200xf32, #tpu.memory_space<vmem>>[vector<16xi32>], vector<16xf32>,
    %get3A_3559 = arith.constant 464 : index
    %get3A_3560 = tpu.vector_load %arg15[%get3A_3559] {strides = array<i32>} : memref<512xf32, #tpu.memory_space<vmem>>, vector<16xf32>,
    %add3A_3561 = arith.constant 9.99999997E-7 : f32
    %add3A_3562 = vector.broadcast %add3A_3561 : f32 to vector<16xf32>
    %add3A_3563 = arith.addf %gather3A_3558, %add3A_3562 : vector<16xf32>
    %div3A_3564 = arith.divf %get3A_3560, %add3A_3563 : vector<16xf32>
    %sub3A_3565 = arith.constant 1.000000e+00 : f32
    %sub3A_3566 = vector.broadcast %sub3A_3565 : f32 to vector<16xf32>
    %sub3A_3567 = arith.subf %div3A_3564, %sub3A_3566 : vector<16xf32>
    %mul3A_3568 = arith.constant -1.000000e+01 : f32
    %mul3A_3569 = vector.broadcast %mul3A_3568 : f32 to vector<16xf32>
    %mul3A_3570 = arith.mulf %mul3A_3569, %sub3A_3567 : vector<16xf32>
    %exp3A_3571 = math.exp %mul3A_3570 : vector<16xf32>
    %add3A_3572 = arith.constant 1.000000e+00 : f32
    %add3A_3573 = vector.broadcast %add3A_3572 : f32 to vector<16xf32>
    %add3A_3574 = arith.addf %add3A_3573, %exp3A_3571 : vector<16xf32>
    %div3A_3575 = arith.constant 1.000000e+00 : f32
    %div3A_3576 = vector.broadcast %div3A_3575 : f32 to vector<16xf32>
    %div3A_3577 = arith.divf %div3A_3576, %add3A_3574 : vector<16xf32>
    %mul3A_3578 = arith.constant 2.000000e+00 : f32
    %mul3A_3579 = vector.broadcast %mul3A_3578 : f32 to vector<16xf32>
    %mul3A_3580 = arith.mulf %mul3A_3579, %div3A_3564 : vector<16xf32>
    %exp3A_3581 = math.exp %mul3A_3580 : vector<16xf32>
    %add3A_3582 = arith.constant 1.000000e+00 : f32
    %add3A_3583 = vector.broadcast %add3A_3582 : f32 to vector<16xf32>
    %add3A_3584 = arith.addf %exp3A_3581, %add3A_3583 : vector<16xf32>
    %div3A_3585 = arith.constant 2.000000e+00 : f32
    %div3A_3586 = vector.broadcast %div3A_3585 : f32 to vector<16xf32>
    %div3A_3587 = arith.divf %div3A_3586, %add3A_3584 : vector<16xf32>
    %sub3A_3588 = arith.constant 1.000000e+00 : f32
    %sub3A_3589 = vector.broadcast %sub3A_3588 : f32 to vector<16xf32>
    %sub3A_3590 = arith.subf %sub3A_3589, %div3A_3587 : vector<16xf32>
    %broadcast_in_dim3A_3591 = arith.constant -1.89158643E-4 : f32
    %broadcast_in_dim3A_3592 = vector.broadcast %broadcast_in_dim3A_3591 : f32 to vector<16xf32>
    %mul3A_3593 = arith.mulf %broadcast_in_dim3A_3592, %div3A_3564 : vector<16xf32>
    %add3A_3594 = arith.constant 0.0022839664 : f32
    %add3A_3595 = vector.broadcast %add3A_3594 : f32 to vector<16xf32>
    %add3A_3596 = arith.addf %mul3A_3593, %add3A_3595 : vector<16xf32>
    %mul3A_3597 = arith.mulf %add3A_3596, %div3A_3564 : vector<16xf32>
    %add3A_3598 = arith.constant -0.0124197342 : f32
    %add3A_3599 = vector.broadcast %add3A_3598 : f32 to vector<16xf32>
    %add3A_3600 = arith.addf %mul3A_3597, %add3A_3599 : vector<16xf32>
    %mul3A_3601 = arith.mulf %add3A_3600, %div3A_3564 : vector<16xf32>
    %add3A_3602 = arith.constant 0.0407620892 : f32
    %add3A_3603 = vector.broadcast %add3A_3602 : f32 to vector<16xf32>
    %add3A_3604 = arith.addf %mul3A_3601, %add3A_3603 : vector<16xf32>
    %mul3A_3605 = arith.mulf %add3A_3604, %div3A_3564 : vector<16xf32>
    %add3A_3606 = arith.constant -0.0923750102 : f32
    %add3A_3607 = vector.broadcast %add3A_3606 : f32 to vector<16xf32>
    %add3A_3608 = arith.addf %mul3A_3605, %add3A_3607 : vector<16xf32>
    %mul3A_3609 = arith.mulf %add3A_3608, %div3A_3564 : vector<16xf32>
    %add3A_3610 = arith.constant 0.159971923 : f32
    %add3A_3611 = vector.broadcast %add3A_3610 : f32 to vector<16xf32>
    %add3A_3612 = arith.addf %mul3A_3609, %add3A_3611 : vector<16xf32>
    %mul3A_3613 = arith.mulf %add3A_3612, %div3A_3564 : vector<16xf32>
    %add3A_3614 = arith.constant -0.235194117 : f32
    %add3A_3615 = vector.broadcast %add3A_3614 : f32 to vector<16xf32>
    %add3A_3616 = arith.addf %mul3A_3613, %add3A_3615 : vector<16xf32>
    %mul3A_3617 = arith.mulf %add3A_3616, %div3A_3564 : vector<16xf32>
    %add3A_3618 = arith.constant 0.329887718 : f32
    %add3A_3619 = vector.broadcast %add3A_3618 : f32 to vector<16xf32>
    %add3A_3620 = arith.addf %mul3A_3617, %add3A_3619 : vector<16xf32>
    %mul3A_3621 = arith.mulf %add3A_3620, %div3A_3564 : vector<16xf32>
    %add3A_3622 = arith.constant -0.499555558 : f32
    %add3A_3623 = vector.broadcast %add3A_3622 : f32 to vector<16xf32>
    %add3A_3624 = arith.addf %mul3A_3621, %add3A_3623 : vector<16xf32>
    %mul3A_3625 = arith.mulf %add3A_3624, %div3A_3564 : vector<16xf32>
    %add3A_3626 = arith.constant 0.999974727 : f32
    %add3A_3627 = vector.broadcast %add3A_3626 : f32 to vector<16xf32>
    %add3A_3628 = arith.addf %mul3A_3625, %add3A_3627 : vector<16xf32>
    %mul3A_3629 = arith.mulf %add3A_3628, %div3A_3564 : vector<16xf32>
    %add3A_3630 = arith.constant 3.59602097E-7 : f32
    %add3A_3631 = vector.broadcast %add3A_3630 : f32 to vector<16xf32>
    %add3A_3632 = arith.addf %mul3A_3629, %add3A_3631 : vector<16xf32>
    %get3A_3633 = arith.constant 464 : index
    %get3A_3634 = tpu.vector_load %arg19[%get3A_3633] {strides = array<i32>} : memref<512xf32, #tpu.memory_space<vmem>>, vector<16xf32>,
    %bitcast_convert_type3A_3635 = tpu.bitcast %get3A_3634 : vector<16xf32> -> vector<16xi32>
    %and3A_3636 = arith.constant -65536 : i32
    %and3A_3637 = vector.broadcast %and3A_3636 : i32 to vector<16xi32>
    %and3A_3638 = arith.andi %bitcast_convert_type3A_3635, %and3A_3637 : vector<16xi32>
    %bitcast_convert_type3A_3639 = tpu.bitcast %and3A_3638 : vector<16xi32> -> vector<16xf32>
    %shift_left3A_3640 = arith.constant 16 : i32
    %shift_left3A_3641 = vector.broadcast %shift_left3A_3640 : i32 to vector<16xi32>
    %shift_left3A_3642 = arith.shli %bitcast_convert_type3A_3635, %shift_left3A_3641 : vector<16xi32>
    %bitcast_convert_type3A_3643 = tpu.bitcast %shift_left3A_3642 : vector<16xi32> -> vector<16xf32>
    %sub3A_3644 = arith.constant 1.000000e+00 : f32
    %sub3A_3645 = vector.broadcast %sub3A_3644 : f32 to vector<16xf32>
    %sub3A_3646 = arith.subf %sub3A_3645, %div3A_3577 : vector<16xf32>
    %mul3A_3647 = arith.mulf %sub3A_3590, %bitcast_convert_type3A_3639 : vector<16xf32>
    %mul3A_3648 = arith.mulf %sub3A_3646, %mul3A_3647 : vector<16xf32>
    %mul3A_3649 = arith.mulf %add3A_3632, %bitcast_convert_type3A_3643 : vector<16xf32>
    %mul3A_3650 = arith.mulf %div3A_3577, %mul3A_3649 : vector<16xf32>
    %add3A_3651 = arith.addf %mul3A_3648, %mul3A_3650 : vector<16xf32>
    %get3A_3652 = arith.constant 464 : index
    %get3A_3653 = tpu.vector_load %arg18[%get3A_3652] {strides = array<i32>} : memref<512xf32, #tpu.memory_space<vmem>>, vector<16xf32>,
    %mul3A_3654 = arith.mulf %get3A_3653, %add3A_3651 : vector<16xf32>
    %swap3A_3655 = arith.constant 464 : index
    %swap3A_3656 = tpu.vector_load %arg20[%swap3A_3655] {strides = array<i32>} : memref<512xf32, #tpu.memory_space<vmem>>, vector<16xf32>,
    tpu.vector_store %arg20[%swap3A_3655], %mul3A_3654 {strides = array<i32>} : memref<512xf32, #tpu.memory_space<vmem>>, vector<16xf32>,
    %swap3A_3657 = arith.constant 464 : index
    %swap3A_3658 = tpu.vector_load %arg21[%swap3A_3657] {strides = array<i32>} : memref<512xf32, #tpu.memory_space<vmem>>, vector<16xf32>,
    tpu.vector_store %arg21[%swap3A_3657], %div3A_3577 {strides = array<i32>} : memref<512xf32, #tpu.memory_space<vmem>>, vector<16xf32>,
    %swap3A_3659 = arith.constant 464 : index
    %swap3A_3660 = tpu.vector_load %arg22[%swap3A_3659] {strides = array<i32>} : memref<512xf32, #tpu.memory_space<vmem>>, vector<16xf32>,
    tpu.vector_store %arg22[%swap3A_3659], %add3A_3651 {strides = array<i32>} : memref<512xf32, #tpu.memory_space<vmem>>, vector<16xf32>,
    %get3A_3661 = arith.constant 480 : index
    %get3A_3662 = tpu.vector_load %arg14[%get3A_3661] {strides = array<i32>} : memref<512xi32, #tpu.memory_space<vmem>>, vector<16xi32>,
    %gather3A_3663 = tpu.vector_load_idx %arg16[%get3A_3662] : memref<200xf32, #tpu.memory_space<vmem>>[vector<16xi32>], vector<16xf32>,
    %get3A_3664 = arith.constant 480 : index
    %get3A_3665 = tpu.vector_load %arg15[%get3A_3664] {strides = array<i32>} : memref<512xf32, #tpu.memory_space<vmem>>, vector<16xf32>,
    %add3A_3666 = arith.constant 9.99999997E-7 : f32
    %add3A_3667 = vector.broadcast %add3A_3666 : f32 to vector<16xf32>
    %add3A_3668 = arith.addf %gather3A_3663, %add3A_3667 : vector<16xf32>
    %div3A_3669 = arith.divf %get3A_3665, %add3A_3668 : vector<16xf32>
    %sub3A_3670 = arith.constant 1.000000e+00 : f32
    %sub3A_3671 = vector.broadcast %sub3A_3670 : f32 to vector<16xf32>
    %sub3A_3672 = arith.subf %div3A_3669, %sub3A_3671 : vector<16xf32>
    %mul3A_3673 = arith.constant -1.000000e+01 : f32
    %mul3A_3674 = vector.broadcast %mul3A_3673 : f32 to vector<16xf32>
    %mul3A_3675 = arith.mulf %mul3A_3674, %sub3A_3672 : vector<16xf32>
    %exp3A_3676 = math.exp %mul3A_3675 : vector<16xf32>
    %add3A_3677 = arith.constant 1.000000e+00 : f32
    %add3A_3678 = vector.broadcast %add3A_3677 : f32 to vector<16xf32>
    %add3A_3679 = arith.addf %add3A_3678, %exp3A_3676 : vector<16xf32>
    %div3A_3680 = arith.constant 1.000000e+00 : f32
    %div3A_3681 = vector.broadcast %div3A_3680 : f32 to vector<16xf32>
    %div3A_3682 = arith.divf %div3A_3681, %add3A_3679 : vector<16xf32>
    %mul3A_3683 = arith.constant 2.000000e+00 : f32
    %mul3A_3684 = vector.broadcast %mul3A_3683 : f32 to vector<16xf32>
    %mul3A_3685 = arith.mulf %mul3A_3684, %div3A_3669 : vector<16xf32>
    %exp3A_3686 = math.exp %mul3A_3685 : vector<16xf32>
    %add3A_3687 = arith.constant 1.000000e+00 : f32
    %add3A_3688 = vector.broadcast %add3A_3687 : f32 to vector<16xf32>
    %add3A_3689 = arith.addf %exp3A_3686, %add3A_3688 : vector<16xf32>
    %div3A_3690 = arith.constant 2.000000e+00 : f32
    %div3A_3691 = vector.broadcast %div3A_3690 : f32 to vector<16xf32>
    %div3A_3692 = arith.divf %div3A_3691, %add3A_3689 : vector<16xf32>
    %sub3A_3693 = arith.constant 1.000000e+00 : f32
    %sub3A_3694 = vector.broadcast %sub3A_3693 : f32 to vector<16xf32>
    %sub3A_3695 = arith.subf %sub3A_3694, %div3A_3692 : vector<16xf32>
    %broadcast_in_dim3A_3696 = arith.constant -1.89158643E-4 : f32
    %broadcast_in_dim3A_3697 = vector.broadcast %broadcast_in_dim3A_3696 : f32 to vector<16xf32>
    %mul3A_3698 = arith.mulf %broadcast_in_dim3A_3697, %div3A_3669 : vector<16xf32>
    %add3A_3699 = arith.constant 0.0022839664 : f32
    %add3A_3700 = vector.broadcast %add3A_3699 : f32 to vector<16xf32>
    %add3A_3701 = arith.addf %mul3A_3698, %add3A_3700 : vector<16xf32>
    %mul3A_3702 = arith.mulf %add3A_3701, %div3A_3669 : vector<16xf32>
    %add3A_3703 = arith.constant -0.0124197342 : f32
    %add3A_3704 = vector.broadcast %add3A_3703 : f32 to vector<16xf32>
    %add3A_3705 = arith.addf %mul3A_3702, %add3A_3704 : vector<16xf32>
    %mul3A_3706 = arith.mulf %add3A_3705, %div3A_3669 : vector<16xf32>
    %add3A_3707 = arith.constant 0.0407620892 : f32
    %add3A_3708 = vector.broadcast %add3A_3707 : f32 to vector<16xf32>
    %add3A_3709 = arith.addf %mul3A_3706, %add3A_3708 : vector<16xf32>
    %mul3A_3710 = arith.mulf %add3A_3709, %div3A_3669 : vector<16xf32>
    %add3A_3711 = arith.constant -0.0923750102 : f32
    %add3A_3712 = vector.broadcast %add3A_3711 : f32 to vector<16xf32>
    %add3A_3713 = arith.addf %mul3A_3710, %add3A_3712 : vector<16xf32>
    %mul3A_3714 = arith.mulf %add3A_3713, %div3A_3669 : vector<16xf32>
    %add3A_3715 = arith.constant 0.159971923 : f32
    %add3A_3716 = vector.broadcast %add3A_3715 : f32 to vector<16xf32>
    %add3A_3717 = arith.addf %mul3A_3714, %add3A_3716 : vector<16xf32>
    %mul3A_3718 = arith.mulf %add3A_3717, %div3A_3669 : vector<16xf32>
    %add3A_3719 = arith.constant -0.235194117 : f32
    %add3A_3720 = vector.broadcast %add3A_3719 : f32 to vector<16xf32>
    %add3A_3721 = arith.addf %mul3A_3718, %add3A_3720 : vector<16xf32>
    %mul3A_3722 = arith.mulf %add3A_3721, %div3A_3669 : vector<16xf32>
    %add3A_3723 = arith.constant 0.329887718 : f32
    %add3A_3724 = vector.broadcast %add3A_3723 : f32 to vector<16xf32>
    %add3A_3725 = arith.addf %mul3A_3722, %add3A_3724 : vector<16xf32>
    %mul3A_3726 = arith.mulf %add3A_3725, %div3A_3669 : vector<16xf32>
    %add3A_3727 = arith.constant -0.499555558 : f32
    %add3A_3728 = vector.broadcast %add3A_3727 : f32 to vector<16xf32>
    %add3A_3729 = arith.addf %mul3A_3726, %add3A_3728 : vector<16xf32>
    %mul3A_3730 = arith.mulf %add3A_3729, %div3A_3669 : vector<16xf32>
    %add3A_3731 = arith.constant 0.999974727 : f32
    %add3A_3732 = vector.broadcast %add3A_3731 : f32 to vector<16xf32>
    %add3A_3733 = arith.addf %mul3A_3730, %add3A_3732 : vector<16xf32>
    %mul3A_3734 = arith.mulf %add3A_3733, %div3A_3669 : vector<16xf32>
    %add3A_3735 = arith.constant 3.59602097E-7 : f32
    %add3A_3736 = vector.broadcast %add3A_3735 : f32 to vector<16xf32>
    %add3A_3737 = arith.addf %mul3A_3734, %add3A_3736 : vector<16xf32>
    %get3A_3738 = arith.constant 480 : index
    %get3A_3739 = tpu.vector_load %arg19[%get3A_3738] {strides = array<i32>} : memref<512xf32, #tpu.memory_space<vmem>>, vector<16xf32>,
    %bitcast_convert_type3A_3740 = tpu.bitcast %get3A_3739 : vector<16xf32> -> vector<16xi32>
    %and3A_3741 = arith.constant -65536 : i32
    %and3A_3742 = vector.broadcast %and3A_3741 : i32 to vector<16xi32>
    %and3A_3743 = arith.andi %bitcast_convert_type3A_3740, %and3A_3742 : vector<16xi32>
    %bitcast_convert_type3A_3744 = tpu.bitcast %and3A_3743 : vector<16xi32> -> vector<16xf32>
    %shift_left3A_3745 = arith.constant 16 : i32
    %shift_left3A_3746 = vector.broadcast %shift_left3A_3745 : i32 to vector<16xi32>
    %shift_left3A_3747 = arith.shli %bitcast_convert_type3A_3740, %shift_left3A_3746 : vector<16xi32>
    %bitcast_convert_type3A_3748 = tpu.bitcast %shift_left3A_3747 : vector<16xi32> -> vector<16xf32>
    %sub3A_3749 = arith.constant 1.000000e+00 : f32
    %sub3A_3750 = vector.broadcast %sub3A_3749 : f32 to vector<16xf32>
    %sub3A_3751 = arith.subf %sub3A_3750, %div3A_3682 : vector<16xf32>
    %mul3A_3752 = arith.mulf %sub3A_3695, %bitcast_convert_type3A_3744 : vector<16xf32>
    %mul3A_3753 = arith.mulf %sub3A_3751, %mul3A_3752 : vector<16xf32>
    %mul3A_3754 = arith.mulf %add3A_3737, %bitcast_convert_type3A_3748 : vector<16xf32>
    %mul3A_3755 = arith.mulf %div3A_3682, %mul3A_3754 : vector<16xf32>
    %add3A_3756 = arith.addf %mul3A_3753, %mul3A_3755 : vector<16xf32>
    %get3A_3757 = arith.constant 480 : index
    %get3A_3758 = tpu.vector_load %arg18[%get3A_3757] {strides = array<i32>} : memref<512xf32, #tpu.memory_space<vmem>>, vector<16xf32>,
    %mul3A_3759 = arith.mulf %get3A_3758, %add3A_3756 : vector<16xf32>
    %swap3A_3760 = arith.constant 480 : index
    %swap3A_3761 = tpu.vector_load %arg20[%swap3A_3760] {strides = array<i32>} : memref<512xf32, #tpu.memory_space<vmem>>, vector<16xf32>,
    tpu.vector_store %arg20[%swap3A_3760], %mul3A_3759 {strides = array<i32>} : memref<512xf32, #tpu.memory_space<vmem>>, vector<16xf32>,
    %swap3A_3762 = arith.constant 480 : index
    %swap3A_3763 = tpu.vector_load %arg21[%swap3A_3762] {strides = array<i32>} : memref<512xf32, #tpu.memory_space<vmem>>, vector<16xf32>,
    tpu.vector_store %arg21[%swap3A_3762], %div3A_3682 {strides = array<i32>} : memref<512xf32, #tpu.memory_space<vmem>>, vector<16xf32>,
    %swap3A_3764 = arith.constant 480 : index
    %swap3A_3765 = tpu.vector_load %arg22[%swap3A_3764] {strides = array<i32>} : memref<512xf32, #tpu.memory_space<vmem>>, vector<16xf32>,
    tpu.vector_store %arg22[%swap3A_3764], %add3A_3756 {strides = array<i32>} : memref<512xf32, #tpu.memory_space<vmem>>, vector<16xf32>,
    %get3A_3766 = arith.constant 496 : index
    %get3A_3767 = tpu.vector_load %arg14[%get3A_3766] {strides = array<i32>} : memref<512xi32, #tpu.memory_space<vmem>>, vector<16xi32>,
    %gather3A_3768 = tpu.vector_load_idx %arg16[%get3A_3767] : memref<200xf32, #tpu.memory_space<vmem>>[vector<16xi32>], vector<16xf32>,
    %get3A_3769 = arith.constant 496 : index
    %get3A_3770 = tpu.vector_load %arg15[%get3A_3769] {strides = array<i32>} : memref<512xf32, #tpu.memory_space<vmem>>, vector<16xf32>,
    %add3A_3771 = arith.constant 9.99999997E-7 : f32
    %add3A_3772 = vector.broadcast %add3A_3771 : f32 to vector<16xf32>
    %add3A_3773 = arith.addf %gather3A_3768, %add3A_3772 : vector<16xf32>
    %div3A_3774 = arith.divf %get3A_3770, %add3A_3773 : vector<16xf32>
    %sub3A_3775 = arith.constant 1.000000e+00 : f32
    %sub3A_3776 = vector.broadcast %sub3A_3775 : f32 to vector<16xf32>
    %sub3A_3777 = arith.subf %div3A_3774, %sub3A_3776 : vector<16xf32>
    %mul3A_3778 = arith.constant -1.000000e+01 : f32
    %mul3A_3779 = vector.broadcast %mul3A_3778 : f32 to vector<16xf32>
    %mul3A_3780 = arith.mulf %mul3A_3779, %sub3A_3777 : vector<16xf32>
    %exp3A_3781 = math.exp %mul3A_3780 : vector<16xf32>
    %add3A_3782 = arith.constant 1.000000e+00 : f32
    %add3A_3783 = vector.broadcast %add3A_3782 : f32 to vector<16xf32>
    %add3A_3784 = arith.addf %add3A_3783, %exp3A_3781 : vector<16xf32>
    %div3A_3785 = arith.constant 1.000000e+00 : f32
    %div3A_3786 = vector.broadcast %div3A_3785 : f32 to vector<16xf32>
    %div3A_3787 = arith.divf %div3A_3786, %add3A_3784 : vector<16xf32>
    %mul3A_3788 = arith.constant 2.000000e+00 : f32
    %mul3A_3789 = vector.broadcast %mul3A_3788 : f32 to vector<16xf32>
    %mul3A_3790 = arith.mulf %mul3A_3789, %div3A_3774 : vector<16xf32>
    %exp3A_3791 = math.exp %mul3A_3790 : vector<16xf32>
    %add3A_3792 = arith.constant 1.000000e+00 : f32
    %add3A_3793 = vector.broadcast %add3A_3792 : f32 to vector<16xf32>
    %add3A_3794 = arith.addf %exp3A_3791, %add3A_3793 : vector<16xf32>
    %div3A_3795 = arith.constant 2.000000e+00 : f32
    %div3A_3796 = vector.broadcast %div3A_3795 : f32 to vector<16xf32>
    %div3A_3797 = arith.divf %div3A_3796, %add3A_3794 : vector<16xf32>
    %sub3A_3798 = arith.constant 1.000000e+00 : f32
    %sub3A_3799 = vector.broadcast %sub3A_3798 : f32 to vector<16xf32>
    %sub3A_3800 = arith.subf %sub3A_3799, %div3A_3797 : vector<16xf32>
    %broadcast_in_dim3A_3801 = arith.constant -1.89158643E-4 : f32
    %broadcast_in_dim3A_3802 = vector.broadcast %broadcast_in_dim3A_3801 : f32 to vector<16xf32>
    %mul3A_3803 = arith.mulf %broadcast_in_dim3A_3802, %div3A_3774 : vector<16xf32>
    %add3A_3804 = arith.constant 0.0022839664 : f32
    %add3A_3805 = vector.broadcast %add3A_3804 : f32 to vector<16xf32>
    %add3A_3806 = arith.addf %mul3A_3803, %add3A_3805 : vector<16xf32>
    %mul3A_3807 = arith.mulf %add3A_3806, %div3A_3774 : vector<16xf32>
    %add3A_3808 = arith.constant -0.0124197342 : f32
    %add3A_3809 = vector.broadcast %add3A_3808 : f32 to vector<16xf32>
    %add3A_3810 = arith.addf %mul3A_3807, %add3A_3809 : vector<16xf32>
    %mul3A_3811 = arith.mulf %add3A_3810, %div3A_3774 : vector<16xf32>
    %add3A_3812 = arith.constant 0.0407620892 : f32
    %add3A_3813 = vector.broadcast %add3A_3812 : f32 to vector<16xf32>
    %add3A_3814 = arith.addf %mul3A_3811, %add3A_3813 : vector<16xf32>
    %mul3A_3815 = arith.mulf %add3A_3814, %div3A_3774 : vector<16xf32>
    %add3A_3816 = arith.constant -0.0923750102 : f32
    %add3A_3817 = vector.broadcast %add3A_3816 : f32 to vector<16xf32>
    %add3A_3818 = arith.addf %mul3A_3815, %add3A_3817 : vector<16xf32>
    %mul3A_3819 = arith.mulf %add3A_3818, %div3A_3774 : vector<16xf32>
    %add3A_3820 = arith.constant 0.159971923 : f32
    %add3A_3821 = vector.broadcast %add3A_3820 : f32 to vector<16xf32>
    %add3A_3822 = arith.addf %mul3A_3819, %add3A_3821 : vector<16xf32>
    %mul3A_3823 = arith.mulf %add3A_3822, %div3A_3774 : vector<16xf32>
    %add3A_3824 = arith.constant -0.235194117 : f32
    %add3A_3825 = vector.broadcast %add3A_3824 : f32 to vector<16xf32>
    %add3A_3826 = arith.addf %mul3A_3823, %add3A_3825 : vector<16xf32>
    %mul3A_3827 = arith.mulf %add3A_3826, %div3A_3774 : vector<16xf32>
    %add3A_3828 = arith.constant 0.329887718 : f32
    %add3A_3829 = vector.broadcast %add3A_3828 : f32 to vector<16xf32>
    %add3A_3830 = arith.addf %mul3A_3827, %add3A_3829 : vector<16xf32>
    %mul3A_3831 = arith.mulf %add3A_3830, %div3A_3774 : vector<16xf32>
    %add3A_3832 = arith.constant -0.499555558 : f32
    %add3A_3833 = vector.broadcast %add3A_3832 : f32 to vector<16xf32>
    %add3A_3834 = arith.addf %mul3A_3831, %add3A_3833 : vector<16xf32>
    %mul3A_3835 = arith.mulf %add3A_3834, %div3A_3774 : vector<16xf32>
    %add3A_3836 = arith.constant 0.999974727 : f32
    %add3A_3837 = vector.broadcast %add3A_3836 : f32 to vector<16xf32>
    %add3A_3838 = arith.addf %mul3A_3835, %add3A_3837 : vector<16xf32>
    %mul3A_3839 = arith.mulf %add3A_3838, %div3A_3774 : vector<16xf32>
    %add3A_3840 = arith.constant 3.59602097E-7 : f32
    %add3A_3841 = vector.broadcast %add3A_3840 : f32 to vector<16xf32>
    %add3A_3842 = arith.addf %mul3A_3839, %add3A_3841 : vector<16xf32>
    %get3A_3843 = arith.constant 496 : index
    %get3A_3844 = tpu.vector_load %arg19[%get3A_3843] {strides = array<i32>} : memref<512xf32, #tpu.memory_space<vmem>>, vector<16xf32>,
    %bitcast_convert_type3A_3845 = tpu.bitcast %get3A_3844 : vector<16xf32> -> vector<16xi32>
    %and3A_3846 = arith.constant -65536 : i32
    %and3A_3847 = vector.broadcast %and3A_3846 : i32 to vector<16xi32>
    %and3A_3848 = arith.andi %bitcast_convert_type3A_3845, %and3A_3847 : vector<16xi32>
    %bitcast_convert_type3A_3849 = tpu.bitcast %and3A_3848 : vector<16xi32> -> vector<16xf32>
    %shift_left3A_3850 = arith.constant 16 : i32
    %shift_left3A_3851 = vector.broadcast %shift_left3A_3850 : i32 to vector<16xi32>
    %shift_left3A_3852 = arith.shli %bitcast_convert_type3A_3845, %shift_left3A_3851 : vector<16xi32>
    %bitcast_convert_type3A_3853 = tpu.bitcast %shift_left3A_3852 : vector<16xi32> -> vector<16xf32>
    %sub3A_3854 = arith.constant 1.000000e+00 : f32
    %sub3A_3855 = vector.broadcast %sub3A_3854 : f32 to vector<16xf32>
    %sub3A_3856 = arith.subf %sub3A_3855, %div3A_3787 : vector<16xf32>
    %mul3A_3857 = arith.mulf %sub3A_3800, %bitcast_convert_type3A_3849 : vector<16xf32>
    %mul3A_3858 = arith.mulf %sub3A_3856, %mul3A_3857 : vector<16xf32>
    %mul3A_3859 = arith.mulf %add3A_3842, %bitcast_convert_type3A_3853 : vector<16xf32>
    %mul3A_3860 = arith.mulf %div3A_3787, %mul3A_3859 : vector<16xf32>
    %add3A_3861 = arith.addf %mul3A_3858, %mul3A_3860 : vector<16xf32>
    %get3A_3862 = arith.constant 496 : index
    %get3A_3863 = tpu.vector_load %arg18[%get3A_3862] {strides = array<i32>} : memref<512xf32, #tpu.memory_space<vmem>>, vector<16xf32>,
    %mul3A_3864 = arith.mulf %get3A_3863, %add3A_3861 : vector<16xf32>
    %swap3A_3865 = arith.constant 496 : index
    %swap3A_3866 = tpu.vector_load %arg20[%swap3A_3865] {strides = array<i32>} : memref<512xf32, #tpu.memory_space<vmem>>, vector<16xf32>,
    tpu.vector_store %arg20[%swap3A_3865], %mul3A_3864 {strides = array<i32>} : memref<512xf32, #tpu.memory_space<vmem>>, vector<16xf32>,
    %swap3A_3867 = arith.constant 496 : index
    %swap3A_3868 = tpu.vector_load %arg21[%swap3A_3867] {strides = array<i32>} : memref<512xf32, #tpu.memory_space<vmem>>, vector<16xf32>,
    tpu.vector_store %arg21[%swap3A_3867], %div3A_3787 {strides = array<i32>} : memref<512xf32, #tpu.memory_space<vmem>>, vector<16xf32>,
    %swap3A_3869 = arith.constant 496 : index
    %swap3A_3870 = tpu.vector_load %arg22[%swap3A_3869] {strides = array<i32>} : memref<512xf32, #tpu.memory_space<vmem>>, vector<16xf32>,
    tpu.vector_store %arg22[%swap3A_3869], %add3A_3861 {strides = array<i32>} : memref<512xf32, #tpu.memory_space<vmem>>, vector<16xf32>,
    "tpu.region"() ({
      %run_scoped3A = tpu.sem_alloc : memref<!tpu.dma_semaphore, #tpu.memory_space<semaphore_mem>>
      %dma_start3A_3871 = tpu.memref_slice %arg9[%mul3A_2] : memref<16384xf32, #tpu.memory_space<hbm>> -> memref<512xf32, #tpu.memory_space<hbm>>
      %dma_start3A_3872 = tpu.memref_slice %arg9[%mul3A_2] : memref<16384xf32, #tpu.memory_space<hbm>> -> memref<512xf32, #tpu.memory_space<hbm>>
      tpu.enqueue_dma source(%arg20 : memref<512xf32, #tpu.memory_space<vmem>>) target(%dma_start3A_3872 : memref<512xf32, #tpu.memory_space<hbm>>) target_semaphore(%run_scoped3A : memref<!tpu.dma_semaphore, #tpu.memory_space<semaphore_mem>>)
      %dma_wait3A_3873 = tpu.memref_slice %arg9[%mul3A_2] : memref<16384xf32, #tpu.memory_space<hbm>> -> memref<512xf32, #tpu.memory_space<hbm>>
      %dma_wait3A_3874 = tpu.memref_slice %arg9[%mul3A_2] : memref<16384xf32, #tpu.memory_space<hbm>> -> memref<512xf32, #tpu.memory_space<hbm>>
      tpu.wait_dma2 semaphore(%run_scoped3A : memref<!tpu.dma_semaphore, #tpu.memory_space<semaphore_mem>>) src(%arg20 : memref<512xf32, #tpu.memory_space<vmem>>) dst(%dma_wait3A_3874 : memref<512xf32, #tpu.memory_space<hbm>>)
      tpu.yield
    }) : () -> ()
    "tpu.region"() ({
      %run_scoped3A = tpu.sem_alloc : memref<!tpu.dma_semaphore, #tpu.memory_space<semaphore_mem>>
      %dma_start3A_3871 = tpu.memref_slice %arg10[%mul3A_2] : memref<16384xf32, #tpu.memory_space<hbm>> -> memref<512xf32, #tpu.memory_space<hbm>>
      %dma_start3A_3872 = tpu.memref_slice %arg10[%mul3A_2] : memref<16384xf32, #tpu.memory_space<hbm>> -> memref<512xf32, #tpu.memory_space<hbm>>
      tpu.enqueue_dma source(%arg21 : memref<512xf32, #tpu.memory_space<vmem>>) target(%dma_start3A_3872 : memref<512xf32, #tpu.memory_space<hbm>>) target_semaphore(%run_scoped3A : memref<!tpu.dma_semaphore, #tpu.memory_space<semaphore_mem>>)
      %dma_wait3A_3873 = tpu.memref_slice %arg10[%mul3A_2] : memref<16384xf32, #tpu.memory_space<hbm>> -> memref<512xf32, #tpu.memory_space<hbm>>
      %dma_wait3A_3874 = tpu.memref_slice %arg10[%mul3A_2] : memref<16384xf32, #tpu.memory_space<hbm>> -> memref<512xf32, #tpu.memory_space<hbm>>
      tpu.wait_dma2 semaphore(%run_scoped3A : memref<!tpu.dma_semaphore, #tpu.memory_space<semaphore_mem>>) src(%arg21 : memref<512xf32, #tpu.memory_space<vmem>>) dst(%dma_wait3A_3874 : memref<512xf32, #tpu.memory_space<hbm>>)
      tpu.yield
    }) : () -> ()
    "tpu.region"() ({
      %run_scoped3A = tpu.sem_alloc : memref<!tpu.dma_semaphore, #tpu.memory_space<semaphore_mem>>
      %dma_start3A_3871 = tpu.memref_slice %arg11[%mul3A_2] : memref<16384xf32, #tpu.memory_space<hbm>> -> memref<512xf32, #tpu.memory_space<hbm>>
      %dma_start3A_3872 = tpu.memref_slice %arg11[%mul3A_2] : memref<16384xf32, #tpu.memory_space<hbm>> -> memref<512xf32, #tpu.memory_space<hbm>>
      tpu.enqueue_dma source(%arg22 : memref<512xf32, #tpu.memory_space<vmem>>) target(%dma_start3A_3872 : memref<512xf32, #tpu.memory_space<hbm>>) target_semaphore(%run_scoped3A : memref<!tpu.dma_semaphore, #tpu.memory_space<semaphore_mem>>)
      %dma_wait3A_3873 = tpu.memref_slice %arg11[%mul3A_2] : memref<16384xf32, #tpu.memory_space<hbm>> -> memref<512xf32, #tpu.memory_space<hbm>>
      %dma_wait3A_3874 = tpu.memref_slice %arg11[%mul3A_2] : memref<16384xf32, #tpu.memory_space<hbm>> -> memref<512xf32, #tpu.memory_space<hbm>>
      tpu.wait_dma2 semaphore(%run_scoped3A : memref<!tpu.dma_semaphore, #tpu.memory_space<semaphore_mem>>) src(%arg22 : memref<512xf32, #tpu.memory_space<vmem>>) dst(%dma_wait3A_3874 : memref<512xf32, #tpu.memory_space<hbm>>)
      tpu.yield
    }) : () -> ()
    return
  }
}

</mosaic_0001>

<sc_bundles>
// kernel: _run.3.cloned.1.call-start
scs
__scs_entry_jumppad:
0x0: {  	(pc) =	sbr.rel $0x88, $3  }
0x1: {  	(tag) =	ssettag $0x0;
	lr =	simm.s32 $0x1  }
0x2: {  	[smem:$0x3F9A] =	sst lr;
	_ =	strace $0xD0000000  }
0x3: {  	_ = 	snop  }
0x4: {  	_ = 	snop  }
0x5: {  	_ = 	snop  }
0x6: {  	_ = 	snop  }
0x7: {  	_ = 	snop  }
__scs_overlays_trampoline_lowered:
0x8: {  	[smem:$0x3FA9] =	sst s0  }
0x9: {  	[smem:$0x3FAA] =	sst s1  }
0xa: {  	[smem:$0x3FAB] =	sst s2  }
0xb: {  	[smem:$0x3FAC] =	sst s3  }
0xc: {  	[smem:$0x3FAD] =	sst s4  }
0xd: {  	[smem:$0x3FAE] =	sst s5  }
0xe: {  	[smem:$0x3FAF] =	sst s6  }
0xf: {  	[smem:$0x3FB0] =	sst s7  }
0x10: {  	[smem:$0x3FB1] =	sst s8  }
0x11: {  	[smem:$0x3FB2] =	sst s9;
	s0 =	simm.s32 @!p0 $0x0  }
0x12: {  	s1 =	sld [smem:$0x3F98];
	s0 =	simm.s32 @p0 $0x1  }
0x13: {  	[smem:$0x3FB3] =	sst s0;
	s0 =	simm.s32 @!p1 $0x0  }
0x14: {  	s2 =	sld [smem:$0x3F97];
	s0 =	simm.s32 @p1 $0x1  }
0x15: {  	[smem:$0x3FB4] =	sst s0;
	s0 =	simm.s32 @!p2 $0x0  }
0x16: {  	s3 =	sld [smem:$0x3FDB];
	s0 =	simm.s32 @p2 $0x1  }
0x17: {  	s4 =	simm.s32 $0x1BF5;
	[smem:$0x3FB6] =	sst s0  }
0x18: {  	s0 =	sld [smem:$0x3F99];
	_ =	swait.ge [sflag:s4], $0x0  }
0x19: {  	s7 =	sld [smem:$0x3F9A]  }
0x1a: {  	s8 =	sadd.s32 $0xFFFFE003, lr  }
0x1b: {  	s9 =	sadd.s32 $0xFFFFFEF7, lr;
	s5 =	simm.s32 $0xFFFFFFFF;
	p2 =	slt.u32 s8, $0xFFFFF086  }
0x1c: {  	p1 =	slt.u32 s9, $0xF7A;
	s5 =	simm.s32 @!p2 $0x0  }
0x1d: {  	s5 =	simm.s32 @p1 $0x1;
	p0 =	seq.s32 s7, s2  }
0x1e: {  	s7 =	smul.u32 @!p0 $0xF7A, s2;
	p2 =	seq.s32 @!p0 s5, $0x0  }
0x1f: {  	s9 =	smul.u32 $0xF7A, s1;
	s8 =	simm.s32 @!p0 $0x1BF5;
	p2 =	por !p2, p0  }
0x20: {  	[sflag:s8] =	ssyncset.s32 @!p0 $0xFFFFF086;
	s6 =	sadd.s32 @!p0 s3, s7;
	s7 =	simm.s32 @!p0 $0x108  }
0x21: {  	s3 =	sadd.s32 s3, s9;
	s6 =	sadd.s32 @!p0 $0x88, s6;
	s7 =	simm.s32 @p2 $0x1082  }
0x22: {  	[simem:s7], [sflag:s8] =	dma.local @!p0 [hbm:s6], $0xF7A  }
0x23: {  	s9 =	sor.u32 $0xD0000000, s2;
	s6 =	simm.s32 $0x108;
	_ =	swait.ge @!p0 [sflag:s8], $0x0  }
0x24: {  	s3 =	sadd.s32 $0x88, s3;
	s6 =	simm.s32 @!p1 $0x1082;
	[sflag:s4] =	ssyncset.s32 $0xFFFFF086  }
0x25: {  	[simem:s6], [sflag:s4] =	dma.local [hbm:s3], $0xF7A  }
0x26: {  	[smem:$0x3F9A] =	sst s1;
	(tag) =	ssettag s2;
	_ =	strace s9  }
0x27: {  	s1 =	sld [smem:$0x3FAA]  }
0x28: {  	s2 =	sld [smem:$0x3FAB]  }
0x29: {  	s4 =	sld [smem:$0x3FAD]  }
0x2a: {  	p0 =	seq.s32 s5, $0x0;
	s5 =	sld [smem:$0x3FAE]  }
0x2b: {  	s6 =	sld [smem:$0x3FAF]  }
0x2c: {  	s7 =	sld [smem:$0x3FB0]  }
0x2d: {  	s3 =	simm.s32 $0x108;
	s8 =	sld [smem:$0x3FB1]  }
0x2e: {  	s3 =	simm.s32 @!p0 $0x1082;
	s9 =	sld [smem:$0x3FB2]  }
0x2f: {  	lr =	sadd.s32 s0, s3;
	s0 =	sld [smem:$0x3FA9]  }
0x30: {  	s3 =	sld [smem:$0x3FAC]  }
0x31: {  	[smem:$0x3FB5] =	sst s10  }
0x32: {  	s10 =	sld [smem:$0x3FB3];
	_ =	sdelay $0x3  }
0x33: {  	p0 =	seq.s32 s10, $0x1;
	s10 =	sld [smem:$0x3FB5];
	_ =	sdelay $0x3  }
0x34: {  	[smem:$0x3FB5] =	sst s10  }
0x35: {  	s10 =	sld [smem:$0x3FB4];
	_ =	sdelay $0x3  }
0x36: {  	p1 =	seq.s32 s10, $0x1;
	s10 =	sld [smem:$0x3FB5];
	_ =	sdelay $0x3  }
0x37: {  	[smem:$0x3FB5] =	sst s10  }
0x38: {  	s10 =	sld [smem:$0x3FB6]  }
0x39: {  	_ = 	snop;
	(pc) =	sbr.ind lr, $3  }
0x3a: {  	_ = 	snop  }
0x3b: {  	_ = 	snop  }
0x3c: {  	p2 =	seq.s32 s10, $0x1;
	s10 =	sld [smem:$0x3FB5]  }
0x3d: {  	_ =	shalt  }
0x3e: {  	_ =	shalt  }
0x3f: {  	_ =	shalt  }
0x40: {  	_ =	shalt  }
0x41: {  	_ =	shalt  }
0x42: {  	_ =	shalt  }
0x43: {  	_ =	shalt  }
0x44: {  	_ =	shalt  }
0x45: {  	_ =	shalt  }
0x46: {  	_ =	shalt  }
0x47: {  	_ =	shalt  }
0x48: {  	_ =	shalt  }
0x49: {  	_ =	shalt  }
0x4a: {  	_ =	shalt  }
0x4b: {  	_ =	shalt  }
0x4c: {  	_ =	shalt  }
0x4d: {  	_ =	shalt  }
0x4e: {  	_ =	shalt  }
0x4f: {  	_ =	shalt  }
0x50: {  	_ =	shalt  }
0x51: {  	_ =	shalt  }
0x52: {  	_ =	shalt  }
0x53: {  	_ =	shalt  }
0x54: {  	_ =	shalt  }
0x55: {  	_ =	shalt  }
0x56: {  	_ =	shalt  }
0x57: {  	_ =	shalt  }
0x58: {  	_ =	shalt  }
0x59: {  	_ =	shalt  }
0x5a: {  	_ =	shalt  }
0x5b: {  	_ =	shalt  }
0x5c: {  	_ =	shalt  }
0x5d: {  	_ =	shalt  }
0x5e: {  	_ =	shalt  }
0x5f: {  	_ =	shalt  }
0x60: {  	_ =	shalt  }
0x61: {  	_ =	shalt  }
0x62: {  	_ =	shalt  }
0x63: {  	_ =	shalt  }
0x64: {  	_ =	shalt  }
0x65: {  	_ =	shalt  }
0x66: {  	_ =	shalt  }
0x67: {  	_ =	shalt  }
0x68: {  	_ =	shalt  }
0x69: {  	_ =	shalt  }
0x6a: {  	_ =	shalt  }
0x6b: {  	_ =	shalt  }
0x6c: {  	_ =	shalt  }
0x6d: {  	_ =	shalt  }
0x6e: {  	_ =	shalt  }
0x6f: {  	_ =	shalt  }
0x70: {  	_ =	shalt  }
0x71: {  	_ =	shalt  }
0x72: {  	_ =	shalt  }
0x73: {  	_ =	shalt  }
0x74: {  	_ =	shalt  }
0x75: {  	_ =	shalt  }
0x76: {  	_ =	shalt  }
0x77: {  	_ =	shalt  }
0x78: {  	_ =	shalt  }
0x79: {  	_ =	shalt  }
0x7a: {  	_ =	shalt  }
0x7b: {  	_ =	shalt  }
0x7c: {  	_ =	shalt  }
0x7d: {  	_ =	shalt  }
0x7e: {  	_ =	shalt  }
0x7f: {  	_ =	shalt  }
0x80: {  	_ =	shalt  }
0x81: {  	_ =	shalt  }
0x82: {  	_ =	shalt  }
0x83: {  	_ =	shalt  }
0x84: {  	_ =	shalt  }
0x85: {  	_ =	shalt  }
0x86: {  	_ =	shalt  }
0x87: {  	_ =	shalt  }
.Lfunc_end0:
.L_simem_size_0:
called_computation_lowered:
.L_overlay_start_0:
0x88: {  	s2 =	sld [smem:$0x3FD9]  }
0x89: {  	s3 =	sld [smem:$0x3FFE];
	_ =	sdelay $0x1  }
0x8a: {  	s1 =	srdreg.scid  }
0x8b: {  	s0 =	sand.u32 $0x1, s1  }
0x8c: {  	s30 =	sshll.u32 s0, $0xA;
	s2 =	sadd.s32 s3, s2  }
0x8d: {  	s2 =	sadd.s32 s2, s30  }
0x8e: {  	[smem:$0x3FC1] =	sst s2  }
0x8f: {  	_ = 	snop  }
0x90: {  	s2 =	sld [smem:$0x3FC9]  }
0x91: {  	s31 =	sld [smem:$0x3FC8]  }
0x92: {  	s4 =	sld [smem:$0x3FC7]  }
0x93: {  	s5 =	sld [smem:$0x3FC6]  }
0x94: {  	s6 =	sld [smem:$0x3FD0]  }
0x95: {  	s7 =	sld [smem:$0x3FC5]  }
0x96: {  	s8 =	sld [smem:$0x3FC4]  }
0x97: {  	s10 =	simm.s32 $0xA;
	s11 =	simm.s32 $0x10;
	s9 =	sld [smem:$0x3FC3]  }
0x98: {  	[smem:s11], [sflag:s10] =	dma.local [hbm:s6], $0x1  }
0x99: {  	_ =	swait.eq [sflag:s10], $0x1  }
0x9a: {  	s17 =	sld [smem:$0x10];
	[sflag:s10] =	ssyncset.done $0x0  }
0x9b: {  	s18 =	sld [smem:$0x11];
	[sflag:s10] =	ssyncadd.s32 $0xFFFFFFFF  }
0x9c: {  	s19 =	sld [smem:$0x12];
	(tm) =	ssettm $0x1  }
0x9d: {  	s12 =	sld [smem:$0x3FFB];
	_ =	sdelay $0x3  }
0x9e: {  	_ =	strace s12  }
0x9f: {  	s12 =	sld [smem:$0x3FFC];
	_ =	sdelay $0x3  }
0xa0: {  	_ =	strace s12  }
0xa1: {  	s12 =	sld [smem:$0x3FFD];
	_ =	sdelay $0x3  }
0xa2: {  	_ =	strace s12  }
0xa3: {  	_ =	strace $0x8FFFFFFF  }
0xa4: {  	s20 =	sld [smem:$0x3FDB];
	_ =	sdelay $0x1  }
0xa5: {  	s13 =	simm.s32 $_scs_section_size  }
0xa6: {  	s14 =	simm.s32 $_size__tile_overlayer_lowered;
	s15 =	simm.s32 $_tile_overlayer_lowered  }
0xa7: {  	s23 =	simm.s32 $0x1BFF;
	s22 =	sshll.u32 s15, $0x1;
	s12 =	sadd.s32 s13, s20  }
0xa8: {  	s16 =	simm.s32 $0x0;
	s21 =	sshll.u32 s14, $0x1;
	s14 =	sadd.s32 s22, s12  }
0xa9: {  	[timem:s16], [sflag:s23] =	dma.local [hbm:s14], s21  }
0xaa: {  	_ =	swait.ge [sflag:s23], s21  }
0xab: {  	s13 =	ssub.s32 $0x0, s21;
	[sflag:s23] =	ssyncset.done $0x0  }
0xac: {  	[sflag:s23] =	ssyncadd.s32 s13;
	_ =	sdelay $0x1  }
0xad: {  	s24 =	simm.s32 $0x1B8B  }
0xae: {  	_ =	swait.ge [sflag:s24], $0x1  }
0xaf: {  	[sflag:s24] =	ssyncset.done $0x0  }
0xb0: {  	s25 =	simm.s32 $0x1B8E;
	[sflag:s24] =	ssyncadd.s32 $0xFFFFFFFF  }
0xb1: {  	s26 =	simm.s32 $execute0_lowered;
	[smem:$0x3FD2] =	sst s25  }
0xb2: {  	s13 =	sshll.u32 s26, $0x1;
	_ =	strace $0x80000046;
	[dreg:$0x1] =	wrdreg $0xFFFFFFFF  }
0xb3: {  	s28 =	simm.s32 $_size_execute0_lowered;
	s12 =	sadd.s32 s12, s13;
	[dreg:$0x0] =	wrdreg $0x0  }
0xb4: {  	s13 =	sshll.u32 s28, $0x1;
	[dreg:$0x2] =	wrdreg s12  }
0xb5: {  	[dreg:$0x3] =	wrdreg s13  }
0xb6: {  	[dreg:$0x4] =	wrdreg $0xC0  }
0xb7: {  	_ =	task [dreg:s16], $0x5FFFF  }
0xb8: {  	[dreg:$0x1] =	wrdreg $0xFFFFFFFF  }
0xb9: {  	[dreg:$0x0] =	wrdreg $0x60  }
0xba: {  	[dreg:$0x2] =	wrdreg s2  }
0xbb: {  	[dreg:$0x3] =	wrdreg s31  }
0xbc: {  	[dreg:$0x4] =	wrdreg s4  }
0xbd: {  	[dreg:$0x5] =	wrdreg s5  }
0xbe: {  	[dreg:$0x6] =	wrdreg s7  }
0xbf: {  	[dreg:$0x7] =	wrdreg s8  }
0xc0: {  	[dreg:$0x8] =	wrdreg s9  }
0xc1: {  	[dreg:$0x9] =	wrdreg s17  }
0xc2: {  	[dreg:$0xa] =	wrdreg s18  }
0xc3: {  	[dreg:$0xb] =	wrdreg s19  }
0xc4: {  	[dreg:$0xc] =	wrdreg $0x9  }
0xc5: {  	_ =	task.clear_ibuf [dreg:s16], $0xDFFFF;
	_ =	strace $0x90000046  }
0xc6: {  	s29 =	simm.s32 $0x9;
	_ =	strace $0x80000048  }
0xc7: {  	_ =	swait.ge [sflag:s29], $0x1  }
0xc8: {  	[sflag:s29] =	ssyncadd.s32 $0xFFFFFFFF  }
0xc9: {  	_ =	strace $0x90000048  }
0xca: {  	_ =	sfence  }
0xcb: {  	s30 =	sld [smem:$0x0];
	_ =	sdelay $0x2  }
0xcc: {  	s31 =	sshll.u32 s1, $0xD;
	s1 =	sshrl.u32 s1, $0x2  }
0xcd: {  	s3 =	sand.u32 $0x4000, s31;
	s1 =	sadd.s32 s1, s30  }
0xce: {  	s0 =	sor.u32 s3, s0;
	s1 =	sshll.u32 s1, $0x11  }
0xcf: {  	s0 =	sor.u32 s1, s0  }
0xd0: {  	s0 =	sadd.s32 $0x8F2B, s0  }
0xd1: {  	[sflag:s0] =	ssyncadd.remote.s32 $0x1  }
0xd2: {  	_ =	sfence.sel $0xFFFF  }
0xd3: {  	[dreg:$0x0] =	wrdreg $0xFFFFFFFF;
	(pc) =	sbr.abs _section_cstart, $3  }
0xd4: {  	[dreg:$0x1] =	wrdreg $0xFFFFFFFF  }
0xd5: {  	_ =	task.clear_ibuf [dreg:s16], $0x2FFFF;
	_ =	strace $0x9FFFFFFF  }
0xd6: {  	(tm) =	ssettm $0x7FFFFFFF  }
0xd7: {  	_ =	shalt  }
tec
execute0_lowered:
.L_overlay_start_1:
0x0: {  	(tag) =	ssettag $0x1  }
0x1: {  	s6 =	rddreg [dreg:$0x0]  }
0x2: {  	s7 =	rddreg [dreg:$0x1]  }
0x3: {  	s8 =	rddreg [dreg:$0x2]  }
0x4: {  	s9 =	rddreg [dreg:$0x3]  }
0x5: {  	s1 =	rddreg [dreg:$0x4]  }
0x6: {  	s2 =	rddreg [dreg:$0x5]  }
0x7: {  	s3 =	rddreg [dreg:$0x6]  }
0x8: {  	s10 =	rddreg [dreg:$0x7]  }
0x9: {  	s11 =	rddreg [dreg:$0x8]  }
0xa: {  	s12 =	rddreg [dreg:$0x9]  }
0xb: {  	s0 =	rddreg [dreg:$0xa];
	s5 =	simm.s32 $0x0;
	s13 =	srdreg.scid  }
0xc: {  	s4 =	stileid.u32;
	s17 =	simm.s32 $0x600;
	s18 =	simm.s32 $0x800  }
0xd: {  	s19 =	simm.s32 $0x900;
	s20 =	simm.s32 $0xB00;
	s21 =	simm.s32 $0xD00  }
0xe: {  	s22 =	simm.s32 $0x1;
	s23 =	simm.s32 $0xF00;
	s24 =	simm.s32 $0x1100  }
0xf: {  	s25 =	simm.s32 $0x1300;
	[smem:$0x7FF] =	sst s5;
	s13 =	sand.u32 $0x1, s13  }
0x10: {  	s15 =	sshll.u32 s4, $0x7;
	s14 =	ssub.s32 $0x2, s13;
	s13 =	sshll.u32 s13, $0x6  }
0x11: {  	_ =	strace $0x80000047;
	s16 =	sshrl.u32 s14, $0x1;
	s13 =	sor.u32 s13, s15  }
0x12: {  	s15 =	simm.s32 $0x200;
	s14 =	ssub.s32 s14, s16;
	s6 =	sadd.s32 s6, s13  }
0x13: {  	s7 =	sadd.s32 s7, s13;
	s8 =	sadd.s32 s8, s13;
	s9 =	sadd.s32 s9, s13  }
0x14: {  	s10 =	sadd.s32 s10, s13;
	s11 =	sadd.s32 s11, s13;
	s12 =	sadd.s32 s12, s13  }
0x15: {  	s16 =	simm.s32 $0x400;
	s13 =	smax.u32 s14, $0x1;
	s14 =	simm.s32 $0x2  }
.LBB2_1:
0x16: {  	[tilespmem:s5], [sflag:$0x2] =	stream.linear.gather [hbm4b:s6+s5], $0x200, $0x38;
	[tilespmem:$0x1500] =	vst v63  }
0x17: {  	_ =	swait.ge [sflag:s14], $0x200  }
0x18: {  	[sflag:s14] =	ssyncset.done $0x0  }
0x19: {  	[sflag:s14] =	ssyncadd.s32 $0xFFFFFE00  }
0x1a: {  	[tilespmem:s15], [sflag:$0x2] =	stream.linear.gather [hbm4b:s7+s5], $0x200, $0x38;
	[tilespmem:$0x1500] =	vst v63  }
0x1b: {  	_ =	swait.ge [sflag:s14], $0x200  }
0x1c: {  	[sflag:s14] =	ssyncset.done $0x0  }
0x1d: {  	[sflag:s14] =	ssyncadd.s32 $0xFFFFFE00  }
0x1e: {  	[tilespmem:s16], [sflag:$0x2] =	stream.linear.gather [hbm4b:s8+s5], $0x200, $0x38;
	[tilespmem:$0x1500] =	vst v63  }
0x1f: {  	_ =	swait.ge [sflag:s14], $0x200  }
0x20: {  	[sflag:s14] =	ssyncset.done $0x0  }
0x21: {  	[sflag:s14] =	ssyncadd.s32 $0xFFFFFE00  }
0x22: {  	[tilespmem:s17], [sflag:$0x2] =	stream.linear.gather [hbm4b:s9+s5], $0x200, $0x38;
	[tilespmem:$0x1500] =	vst v63  }
0x23: {  	_ =	swait.ge [sflag:s14], $0x200  }
0x24: {  	[sflag:s14] =	ssyncset.done $0x0  }
0x25: {  	[sflag:s14] =	ssyncadd.s32 $0xFFFFFE00  }
0x26: {  	[tilespmem:s18], [sflag:$0x2] =	stream.linear.gather [hbm4b:s2+s5], $0x100, $0x38;
	[tilespmem:$0x1500] =	vst v63  }
0x27: {  	_ =	swait.ge [sflag:s14], $0x100  }
0x28: {  	[sflag:s14] =	ssyncset.done $0x0  }
0x29: {  	[sflag:s14] =	ssyncadd.s32 $0xFFFFFF00  }
0x2a: {  	v0 =	vld [tilespmem:$0x0]  }
0x2b: {  	v1 =	vld [tilespmem:$0x200]  }
0x2c: {  	v2 =	vld [tilespmem:$0x400]  }
0x2d: {  	v3 =	vld [tilespmem:$0x10]  }
0x2e: {  	v4 =	vld [tilespmem:$0x210]  }
0x2f: {  	v5 =	vld [tilespmem:$0x410]  }
0x30: {  	v6 =	vld [tilespmem:$0x20]  }
0x31: {  	v7 =	vld [tilespmem:$0x220]  }
0x32: {  	v8 =	vld [tilespmem:$0x420]  }
0x33: {  	v9 =	vld [tilespmem:$0x30]  }
0x34: {  	v10 =	vld [tilespmem:$0x230]  }
0x35: {  	v11 =	vld [tilespmem:$0x430]  }
0x36: {  	v12 =	vld [tilespmem:$0x40]  }
0x37: {  	v13 =	vld [tilespmem:$0x240]  }
0x38: {  	v14 =	vld [tilespmem:$0x440]  }
0x39: {  	v15 =	vld [tilespmem:$0x50]  }
0x3a: {  	v16 =	vld [tilespmem:$0x250]  }
0x3b: {  	v17 =	vld [tilespmem:$0x450]  }
0x3c: {  	v18 =	vld [tilespmem:$0x60]  }
0x3d: {  	v19 =	vld [tilespmem:$0x260]  }
0x3e: {  	v20 =	vld [tilespmem:$0x460]  }
0x3f: {  	v21 =	vld [tilespmem:$0x70]  }
0x40: {  	v22 =	vld [tilespmem:$0x270]  }
0x41: {  	v23 =	vld [tilespmem:$0x470]  }
0x42: {  	v24 =	vld [tilespmem:$0x80]  }
0x43: {  	v25 =	vld [tilespmem:$0x280]  }
0x44: {  	v26 =	vld [tilespmem:$0x480]  }
0x45: {  	v27 =	vld [tilespmem:$0x90]  }
0x46: {  	v28 =	vld [tilespmem:$0x290]  }
0x47: {  	v29 =	vld [tilespmem:$0x490]  }
0x48: {  	v30 =	vld [tilespmem:$0xA0]  }
0x49: {  	v31 =	vld [tilespmem:$0x2A0]  }
0x4a: {  	v32 =	vld [tilespmem:$0x4A0]  }
0x4b: {  	v33 =	vld [tilespmem:$0xB0]  }
0x4c: {  	v34 =	vld [tilespmem:$0x2B0]  }
0x4d: {  	v35 =	vld [tilespmem:$0x4B0]  }
0x4e: {  	v36 =	vld [tilespmem:$0xC0]  }
0x4f: {  	v37 =	vld [tilespmem:$0x2C0]  }
0x50: {  	v38 =	vld [tilespmem:$0x4C0]  }
0x51: {  	v39 =	vld [tilespmem:$0xD0]  }
0x52: {  	v40 =	vld [tilespmem:$0x2D0]  }
0x53: {  	v41 =	vld [tilespmem:$0x4D0]  }
0x54: {  	v42 =	vld [tilespmem:$0xE0]  }
0x55: {  	v43 =	vld [tilespmem:$0x2E0]  }
0x56: {  	v44 =	vld [tilespmem:$0x4E0]  }
0x57: {  	v45 =	vld [tilespmem:$0xF0]  }
0x58: {  	v46 =	vld [tilespmem:$0x2F0]  }
0x59: {  	v47 =	vld [tilespmem:$0x4F0]  }
0x5a: {  	v48 =	vld [tilespmem:$0x100]  }
0x5b: {  	v49 =	vld [tilespmem:$0x300]  }
0x5c: {  	v50 =	vld [tilespmem:$0x500]  }
0x5d: {  	v51 =	vld [tilespmem:$0x110]  }
0x5e: {  	v52 =	vld [tilespmem:$0x310]  }
0x5f: {  	v53 =	vld [tilespmem:$0x510]  }
0x60: {  	v54 =	vld [tilespmem:$0x120]  }
0x61: {  	v55 =	vld [tilespmem:$0x320]  }
0x62: {  	v57 =	vld [tilespmem:$0x130]  }
0x63: {  	v58 =	vld [tilespmem:$0x330];
	v56 =	vmul.u32 $0x2710, v0;
	v1 =	vmul.u32 $0xC8, v1;
	v3 =	vmul.u32 $0x2710, v3  }
0x64: {  	v0 =	vld [tilespmem:$0x520];
	v4 =	vmul.u32 $0xC8, v4;
	v6 =	vmul.u32 $0x2710, v6;
	v7 =	vmul.u32 $0xC8, v7  }
0x65: {  	v62 =	vmul.u32 $0x2710, v9;
	v63 =	vmul.u32 $0xC8, v10;
	v60 =	vmul.u32 $0x2710, v12;
	v12 =	vld [tilespmem:$0x140]  }
0x66: {  	v13 =	vmul.u32 $0xC8, v13;
	v15 =	vmul.u32 $0x2710, v15;
	v16 =	vmul.u32 $0xC8, v16;
	v9 =	vld [tilespmem:$0x150]  }
0x67: {  	v10 =	vmul.u32 $0x2710, v18;
	v59 =	vmul.u32 $0x2710, v24;
	v33 =	vmul.u32 $0x2710, v33;
	v24 =	vld [tilespmem:$0x180]  }
0x68: {  	v18 =	vld [tilespmem:$0x580];
	v45 =	vmul.u32 $0x2710, v45;
	v46 =	vmul.u32 $0xC8, v46;
	v1 =	vadd.s32 v56, v1  }
0x69: {  	v3 =	vadd.s32 v3, v4;
	v61 =	vadd.s32 v6, v7;
	v6 =	vld [tilespmem:$0x530];
	v7 =	vadd.s32 v60, v13  }
0x6a: {  	v56 =	vld [tilespmem:$0x340];
	v60 =	vmul.u32 $0xC8, v25;
	v1 =	vadd.s32 v2, v1;
	v2 =	vadd.s32 v5, v3  }
0x6b: {  	v4 =	vld [tilespmem:$0x540];
	v3 =	vadd.s32 v8, v61;
	v5 =	vadd.s32 v62, v63;
	v8 =	vadd.s32 v15, v16  }
0x6c: {  	v61 =	vmul.u32 $0xC8, v19;
	v62 =	vmul.u32 $0x2710, v21;
	v16 =	vld [tilespmem:$0x350];
	v63 =	vmul.u32 $0xC8, v22  }
0x6d: {  	v22 =	vld [tilespmem:$0x550];
	v7 =	vadd.s32 v14, v7;
	v19 =	vmul.u32 $0x2710, v30;
	v5 =	vadd.s32 v11, v5  }
0x6e: {  	v15 =	vld [tilespmem:$0x360];
	v8 =	vadd.s32 v17, v8;
	v14 =	vadd.s32 v59, v60;
	v17 =	vmul.u32 $0x2710, v27  }
0x6f: {  	v21 =	vld [tilespmem:$0x560];
	v59 =	vmul.u32 $0xC8, v34;
	v34 =	vmul.u32 $0x2710, v39;
	v39 =	vmul.u32 $0xC8, v43  }
0x70: {  	v11 =	vld [tilespmem:$0x160];
	[tilespmem:$0x900] =	vst v1;
	v1 =	vadd.s32 v45, v46;
	v10 =	vadd.s32 v10, v61;
	v61 =	vadd.s32 v62, v63  }
0x71: {  	[tilespmem:$0x910] =	vst v2;
	v27 =	vld [tilespmem:$0x380];
	v62 =	vmul.u32 $0xC8, v28;
	v63 =	vmul.u32 $0xC8, v31;
	v13 =	vadd.s32 v26, v14  }
0x72: {  	[tilespmem:$0x920] =	vst v3;
	v45 =	vld [tilespmem:$0x3B0];
	v31 =	vmul.u32 $0x2710, v36;
	v36 =	vmul.u32 $0xC8, v40;
	v12 =	vmul.u32 $0x2710, v12  }
0x73: {  	[tilespmem:$0x940] =	vst v7;
	v28 =	vld [tilespmem:$0x170];
	v1 =	vadd.s32 v47, v1;
	v60 =	vadd.s32 v20, v10;
	v61 =	vadd.s32 v23, v61  }
0x74: {  	v14 =	vld [tilespmem:$0x370];
	[tilespmem:$0x930] =	vst v5;
	v30 =	vadd.s32 v33, v59;
	v33 =	vmul.u32 $0xC8, v37;
	v37 =	vmul.u32 $0x2710, v42  }
0x75: {  	v26 =	vld [tilespmem:$0x390];
	v59 =	vmul.u32 $0x2710, v48;
	[tilespmem:$0x980] =	vst v13;
	v62 =	vadd.s32 v17, v62;
	v63 =	vadd.s32 v19, v63  }
0x76: {  	v20 =	vld [tilespmem:$0x190];
	v42 =	vadd.s32 v35, v30;
	v5 =	vadd.s32 v34, v36;
	[tilespmem:$0x960] =	vst v60;
	v60 =	vmul.u32 $0xC8, v49  }
0x77: {  	v13 =	vld [tilespmem:$0x1A0];
	[tilespmem:$0x970] =	vst v61;
	v61 =	vmul.u32 $0x2710, v51;
	v49 =	vmul.u32 $0x2710, v9;
	v2 =	vadd.s32 v29, v62  }
0x78: {  	[tilespmem:$0x950] =	vst v8;
	v48 =	vld [tilespmem:$0x5B0];
	v40 =	vadd.s32 v32, v63;
	v3 =	vadd.s32 v31, v33;
	v43 =	vadd.s32 v37, v39  }
0x79: {  	[tilespmem:$0x9F0] =	vst v1;
	v19 =	vld [tilespmem:$0x570];
	v62 =	vmul.u32 $0xC8, v52;
	v5 =	vadd.s32 v41, v5;
	v39 =	vmul.u32 $0xC8, v55  }
0x7a: {  	v30 =	vld [tilespmem:$0x5A0];
	[tilespmem:$0x9B0] =	vst v42;
	v41 =	vmul.u32 $0xC8, v58;
	v42 =	vmul.u32 $0xC8, v56;
	v52 =	vmul.u32 $0xC8, v15  }
0x7b: {  	v51 =	vld [tilespmem:$0x1C0];
	v3 =	vadd.s32 v38, v3;
	v8 =	vadd.s32 v44, v43;
	[tilespmem:$0x990] =	vst v2;
	v63 =	vadd.s32 v59, v60  }
0x7c: {  	v31 =	vld [tilespmem:$0x590];
	[tilespmem:$0x9A0] =	vst v40;
	v38 =	vmul.u32 $0x2710, v54;
	v40 =	vmul.u32 $0x2710, v57;
	v11 =	vmul.u32 $0x2710, v11  }
0x7d: {  	v37 =	vld [tilespmem:$0x3A0];
	[tilespmem:$0x9D0] =	vst v5;
	v32 =	vmul.u32 $0xC8, v45;
	v36 =	vadd.s32 v61, v62;
	v2 =	vadd.s32 v50, v63  }
0x7e: {  	v56 =	vld [tilespmem:$0x5C0];
	[tilespmem:$0x9C0] =	vst v3;
	v12 =	vadd.s32 v12, v42;
	v50 =	vmul.u32 $0xC8, v16;
	v14 =	vmul.u32 $0xC8, v14  }
0x7f: {  	v33 =	vld [tilespmem:$0x1F0];
	[tilespmem:$0x9E0] =	vst v8;
	v63 =	vmul.u32 $0x2710, v24;
	v44 =	vadd.s32 v53, v36;
	v46 =	vadd.s32 v38, v39  }
0x80: {  	v43 =	vld [tilespmem:$0x1B0];
	v47 =	vadd.s32 v40, v41;
	v53 =	vmul.u32 $0x2710, v28;
	[tilespmem:$0xA00] =	vst v2;
	v4 =	vadd.s32 v4, v12  }
0x81: {  	v54 =	vld [tilespmem:$0x3C0];
	v1 =	vadd.s32 v11, v52;
	v20 =	vmul.u32 $0x2710, v20;
	v24 =	vmul.u32 $0x2710, v13;
	[tilespmem:$0xA10] =	vst v44  }
0x82: {  	v59 =	vld [tilespmem:$0x1D0];
	v0 =	vadd.s32 v0, v46;
	v55 =	vadd.s32 v6, v47;
	v57 =	vadd.s32 v49, v50;
	[tilespmem:$0xA40] =	vst v4  }
0x83: {  	v62 =	vld [tilespmem:$0x3D0];
	v1 =	vadd.s32 v21, v1;
	v58 =	vadd.s32 v53, v14;
	[tilespmem:$0xA20] =	vst v0;
	v60 =	vadd.s32 v22, v57  }
0x84: {  	v36 =	vld [tilespmem:$0x3F0];
	[tilespmem:$0xA30] =	vst v55;
	v22 =	vmul.u32 $0xC8, v26;
	v26 =	vmul.u32 $0xC8, v37;
	v37 =	vmul.u32 $0x2710, v51  }
0x85: {  	v21 =	vld [tilespmem:$0x1E0];
	[tilespmem:$0xA60] =	vst v1;
	v49 =	vmul.u32 $0x2710, v33;
	v61 =	vadd.s32 v19, v58;
	v19 =	vmul.u32 $0xC8, v27  }
0x86: {  	v27 =	vld [tilespmem:$0x3E0];
	[tilespmem:$0xA50] =	vst v60;
	v29 =	vmul.u32 $0x2710, v43;
	v38 =	vmul.u32 $0xC8, v54;
	v34 =	vadd.s32 v20, v22  }
0x87: {  	v39 =	vld [tilespmem:$0x5D0];
	v44 =	vmul.u32 $0x2710, v59;
	v35 =	vadd.s32 v24, v26;
	[tilespmem:$0xA70] =	vst v61;
	v40 =	vadd.s32 v31, v34  }
0x88: {  	v45 =	vld [tilespmem:$0x5F0];
	v6 =	vmul.u32 $0xC8, v62;
	v28 =	vadd.s32 v63, v19;
	v41 =	vadd.s32 v30, v35;
	[tilespmem:$0xA90] =	vst v40  }
0x89: {  	v42 =	vld [tilespmem:$0x5E0];
	v2 =	vadd.s32 v29, v32;
	v43 =	vadd.s32 v37, v38;
	v0 =	vadd.s32 v18, v28;
	[tilespmem:$0xAA0] =	vst v41  }
0x8a: {  	v50 =	vmul.u32 $0xC8, v36;
	v2 =	vadd.s32 v48, v2;
	v46 =	vmul.u32 $0x2710, v21;
	[tilespmem:$0xA80] =	vst v0  }
0x8b: {  	v48 =	vadd.s32 v44, v6;
	v0 =	vadd.s32 v56, v43;
	[tilespmem:$0xAB0] =	vst v2;
	v47 =	vmul.u32 $0xC8, v27  }
0x8c: {  	v51 =	vadd.s32 v39, v48;
	v53 =	vadd.s32 v49, v50;
	[tilespmem:$0xAC0] =	vst v0  }
0x8d: {  	[tilespmem:$0xAD0] =	vst v51;
	v54 =	vadd.s32 v45, v53;
	v1 =	vadd.s32 v46, v47  }
0x8e: {  	[tilespmem:$0xAF0] =	vst v54;
	v52 =	vadd.s32 v42, v1  }
0x8f: {  	[tilespmem:$0xAE0] =	vst v52  }
0x90: {  	[tilespmem:s20], [sflag:$0x1] =	stream.indirect.gather [hbm4b:s1+s15], $0x1, s19, s15, $0xb8;
	[tilespmem:$0x1500] =	vst v63  }
0x91: {  	_ = 	snop  }
0x92: {  	[tilespmem:s21], [sflag:$0x1] =	stream.indirect.gather [hbm4b:s3+s15], $0x1, s19, s15, $0xb8;
	[tilespmem:$0x1500] =	vst v63  }
0x93: {  	_ =	swait.ge [sflag:s22], $0x200  }
0x94: {  	[sflag:s22] =	ssyncset.done $0x0  }
0x95: {  	[sflag:s22] =	ssyncadd.s32 $0xFFFFFE00  }
0x96: {  	_ =	swait.ge [sflag:s22], $0x200  }
0x97: {  	[sflag:s22] =	ssyncset.done $0x0  }
0x98: {  	[sflag:s22] =	ssyncadd.s32 $0xFFFFFE00  }
0x99: {  	v55 =	vld [tilespmem:$0x400];
	_ =	sdelay $0x7  }
0x9a: {  	v0 =	vld.idx.msk [tilespmem:v55+s18+$0x0], $0xffff;
	_ =	sdelay $0x4  }
0x9b: {  	v0 =	vadd.f32 $9.999999970e-07, v0;
	_ =	sdelay $0x1  }
0x9c: {  	(erf) = vrcp.f32 v0;
	_ =	sdelay $0x4  }
0x9d: {  	v56 =	vld [tilespmem:$0x600];
	_ =	sdelay $0x3  }
0x9e: {  	v57 =	vpop (erf)  }
0x9f: {  	v0 =	vmul.f32 v57, v56;
	_ =	sdelay $0x1  }
0xa0: {  	v1 =	vadd.f32 $-1.000000000e+00, v0;
	_ =	sdelay $0x1  }
0xa1: {  	v1 =	vmul.f32 $-1.000000000e+01, v1;
	_ =	sdelay $0x1  }
0xa2: {  	v1 =	vmul.f32 $1.442695020e+00, v1  }
0xa3: {  	v58 =	vmul.f32 $1.891586430e-04, v0  }
0xa4: {  	(erf) = vpow2.f32 v1  }
0xa5: {  	v59 =	vsub.f32 $2.283966400e-03, v58;
	_ =	sdelay $0x1  }
0xa6: {  	v1 =	vmul.f32 v59, v0;
	_ =	sdelay $0x1  }
0xa7: {  	v1 =	vadd.f32 $-1.241973420e-02, v1;
	_ =	sdelay $0x1  }
0xa8: {  	v1 =	vmul.f32 v1, v0;
	_ =	sdelay $0x1  }
0xa9: {  	v61 =	vadd.f32 v0, v0;
	v1 =	vadd.f32 $4.076208920e-02, v1;
	v60 =	vpop (erf)  }
0xaa: {  	v2 =	vadd.f32 $1.000000000e+00, v60  }
0xab: {  	v3 =	vmul.f32 $1.442695020e+00, v61;
	v1 =	vmul.f32 v1, v0  }
0xac: {  	(erf) = vrcp.f32 v2  }
0xad: {  	v1 =	vadd.f32 $-9.237501020e-02, v1;
	(erf) = vpow2.f32 v3;
	_ =	sdelay $0x1  }
0xae: {  	v1 =	vmul.f32 v1, v0;
	_ =	sdelay $0x1  }
0xaf: {  	v1 =	vadd.f32 $1.599719230e-01, v1;
	_ =	sdelay $0x1  }
0xb0: {  	v1 =	vmul.f32 v1, v0;
	_ =	sdelay $0x1  }
0xb1: {  	v1 =	vadd.f32 $-2.351941170e-01, v1;
	v2 =	vpop (erf)  }
0xb2: {  	v3 =	vpop (erf)  }
0xb3: {  	v1 =	vmul.f32 v1, v0;
	v3 =	vadd.f32 $1.000000000e+00, v3;
	_ =	sdelay $0x1  }
0xb4: {  	v1 =	vadd.f32 $3.298877180e-01, v1;
	(erf) = vrcp.f32 v3;
	_ =	sdelay $0x1  }
0xb5: {  	v1 =	vmul.f32 v1, v0;
	_ =	sdelay $0x1  }
0xb6: {  	v1 =	vadd.f32 $-4.995555580e-01, v1;
	_ =	sdelay $0x1  }
0xb7: {  	v1 =	vmul.f32 v1, v0;
	_ =	sdelay $0x1  }
0xb8: {  	v62 =	vld [tilespmem:$0xD00];
	v1 =	vadd.f32 $9.999747270e-01, v1  }
0xb9: {  	v63 =	vpop (erf)  }
0xba: {  	v0 =	vmul.f32 v1, v0;
	v4 =	vadd.f32 v63, v63;
	_ =	sdelay $0x1  }
0xbb: {  	v0 =	vadd.f32 $3.596020970e-07, v0;
	v8 =	vsub.f32 $1.000000000e+00, v4  }
0xbc: {  	v9 =	vand.u32 $0xFFFF0000, v62;
	v3 =	vshll.u32 v62, $0x10  }
0xbd: {  	v11 =	vld [tilespmem:$0xB00];
	v10 =	vsub.f32 $1.000000000e+00, v2;
	v0 =	vmul.f32 v3, v0;
	v1 =	vmul.f32 v9, v8  }
0xbe: {  	v12 =	vld [tilespmem:$0x410]  }
0xbf: {  	v0 =	vmul.f32 v0, v2;
	v1 =	vmul.f32 v1, v10;
	_ =	sdelay $0x1  }
0xc0: {  	v0 =	vadd.f32 v0, v1;
	_ =	sdelay $0x1  }
0xc1: {  	[tilespmem:$0x1100] =	vst v2;
	v1 =	vmul.f32 v0, v11  }
0xc2: {  	[tilespmem:$0x1300] =	vst v0  }
0xc3: {  	[tilespmem:$0xF00] =	vst v1  }
0xc4: {  	v0 =	vld.idx.msk [tilespmem:v12+s18+$0x0], $0xffff;
	_ =	sdelay $0x4  }
0xc5: {  	v0 =	vadd.f32 $9.999999970e-07, v0;
	_ =	sdelay $0x1  }
0xc6: {  	(erf) = vrcp.f32 v0;
	_ =	sdelay $0x4  }
0xc7: {  	v13 =	vld [tilespmem:$0x610];
	_ =	sdelay $0x3  }
0xc8: {  	v14 =	vpop (erf)  }
0xc9: {  	v0 =	vmul.f32 v14, v13;
	_ =	sdelay $0x1  }
0xca: {  	v1 =	vadd.f32 $-1.000000000e+00, v0;
	_ =	sdelay $0x1  }
0xcb: {  	v1 =	vmul.f32 $-1.000000000e+01, v1;
	_ =	sdelay $0x1  }
0xcc: {  	v1 =	vmul.f32 $1.442695020e+00, v1  }
0xcd: {  	v15 =	vmul.f32 $1.891586430e-04, v0  }
0xce: {  	(erf) = vpow2.f32 v1  }
0xcf: {  	v16 =	vsub.f32 $2.283966400e-03, v15;
	_ =	sdelay $0x1  }
0xd0: {  	v1 =	vmul.f32 v16, v0;
	_ =	sdelay $0x1  }
0xd1: {  	v1 =	vadd.f32 $-1.241973420e-02, v1;
	_ =	sdelay $0x1  }
0xd2: {  	v1 =	vmul.f32 v1, v0;
	_ =	sdelay $0x1  }
0xd3: {  	v18 =	vadd.f32 v0, v0;
	v1 =	vadd.f32 $4.076208920e-02, v1;
	v17 =	vpop (erf)  }
0xd4: {  	v2 =	vadd.f32 $1.000000000e+00, v17  }
0xd5: {  	v3 =	vmul.f32 $1.442695020e+00, v18;
	v1 =	vmul.f32 v1, v0  }
0xd6: {  	(erf) = vrcp.f32 v2  }
0xd7: {  	v1 =	vadd.f32 $-9.237501020e-02, v1;
	(erf) = vpow2.f32 v3;
	_ =	sdelay $0x1  }
0xd8: {  	v1 =	vmul.f32 v1, v0;
	_ =	sdelay $0x1  }
0xd9: {  	v1 =	vadd.f32 $1.599719230e-01, v1;
	_ =	sdelay $0x1  }
0xda: {  	v1 =	vmul.f32 v1, v0;
	_ =	sdelay $0x1  }
0xdb: {  	v1 =	vadd.f32 $-2.351941170e-01, v1;
	v2 =	vpop (erf)  }
0xdc: {  	v3 =	vpop (erf)  }
0xdd: {  	v1 =	vmul.f32 v1, v0;
	v3 =	vadd.f32 $1.000000000e+00, v3;
	_ =	sdelay $0x1  }
0xde: {  	v1 =	vadd.f32 $3.298877180e-01, v1;
	(erf) = vrcp.f32 v3;
	_ =	sdelay $0x1  }
0xdf: {  	v1 =	vmul.f32 v1, v0;
	_ =	sdelay $0x1  }
0xe0: {  	v1 =	vadd.f32 $-4.995555580e-01, v1;
	_ =	sdelay $0x1  }
0xe1: {  	v1 =	vmul.f32 v1, v0;
	_ =	sdelay $0x1  }
0xe2: {  	v19 =	vld [tilespmem:$0xD10];
	v1 =	vadd.f32 $9.999747270e-01, v1  }
0xe3: {  	v20 =	vpop (erf)  }
0xe4: {  	v0 =	vmul.f32 v1, v0;
	v4 =	vadd.f32 v20, v20;
	_ =	sdelay $0x1  }
0xe5: {  	v0 =	vadd.f32 $3.596020970e-07, v0;
	v21 =	vsub.f32 $1.000000000e+00, v4  }
0xe6: {  	v22 =	vand.u32 $0xFFFF0000, v19;
	v3 =	vshll.u32 v19, $0x10  }
0xe7: {  	v24 =	vld [tilespmem:$0xB10];
	v23 =	vsub.f32 $1.000000000e+00, v2;
	v0 =	vmul.f32 v3, v0;
	v1 =	vmul.f32 v22, v21  }
0xe8: {  	v25 =	vld [tilespmem:$0x420]  }
0xe9: {  	v0 =	vmul.f32 v0, v2;
	v1 =	vmul.f32 v1, v23;
	_ =	sdelay $0x1  }
0xea: {  	v0 =	vadd.f32 v0, v1;
	_ =	sdelay $0x1  }
0xeb: {  	[tilespmem:$0x1110] =	vst v2;
	v1 =	vmul.f32 v0, v24  }
0xec: {  	[tilespmem:$0x1310] =	vst v0  }
0xed: {  	[tilespmem:$0xF10] =	vst v1  }
0xee: {  	v0 =	vld.idx.msk [tilespmem:v25+s18+$0x0], $0xffff;
	_ =	sdelay $0x4  }
0xef: {  	v0 =	vadd.f32 $9.999999970e-07, v0;
	_ =	sdelay $0x1  }
0xf0: {  	(erf) = vrcp.f32 v0;
	_ =	sdelay $0x4  }
0xf1: {  	v26 =	vld [tilespmem:$0x620];
	_ =	sdelay $0x3  }
0xf2: {  	v27 =	vpop (erf)  }
0xf3: {  	v0 =	vmul.f32 v27, v26;
	_ =	sdelay $0x1  }
0xf4: {  	v1 =	vadd.f32 $-1.000000000e+00, v0;
	_ =	sdelay $0x1  }
0xf5: {  	v1 =	vmul.f32 $-1.000000000e+01, v1;
	_ =	sdelay $0x1  }
0xf6: {  	v1 =	vmul.f32 $1.442695020e+00, v1  }
0xf7: {  	v28 =	vmul.f32 $1.891586430e-04, v0  }
0xf8: {  	(erf) = vpow2.f32 v1  }
0xf9: {  	v29 =	vsub.f32 $2.283966400e-03, v28;
	_ =	sdelay $0x1  }
0xfa: {  	v1 =	vmul.f32 v29, v0;
	_ =	sdelay $0x1  }
0xfb: {  	v1 =	vadd.f32 $-1.241973420e-02, v1;
	_ =	sdelay $0x1  }
0xfc: {  	v1 =	vmul.f32 v1, v0;
	_ =	sdelay $0x1  }
0xfd: {  	v31 =	vadd.f32 v0, v0;
	v1 =	vadd.f32 $4.076208920e-02, v1;
	v30 =	vpop (erf)  }
0xfe: {  	v2 =	vadd.f32 $1.000000000e+00, v30  }
0xff: {  	v3 =	vmul.f32 $1.442695020e+00, v31;
	v1 =	vmul.f32 v1, v0  }
0x100: {  	(erf) = vrcp.f32 v2  }
0x101: {  	v1 =	vadd.f32 $-9.237501020e-02, v1;
	(erf) = vpow2.f32 v3;
	_ =	sdelay $0x1  }
0x102: {  	v1 =	vmul.f32 v1, v0;
	_ =	sdelay $0x1  }
0x103: {  	v1 =	vadd.f32 $1.599719230e-01, v1;
	_ =	sdelay $0x1  }
0x104: {  	v1 =	vmul.f32 v1, v0;
	_ =	sdelay $0x1  }
0x105: {  	v1 =	vadd.f32 $-2.351941170e-01, v1;
	v2 =	vpop (erf)  }
0x106: {  	v3 =	vpop (erf)  }
0x107: {  	v1 =	vmul.f32 v1, v0;
	v3 =	vadd.f32 $1.000000000e+00, v3;
	_ =	sdelay $0x1  }
0x108: {  	v1 =	vadd.f32 $3.298877180e-01, v1;
	(erf) = vrcp.f32 v3;
	_ =	sdelay $0x1  }
0x109: {  	v1 =	vmul.f32 v1, v0;
	_ =	sdelay $0x1  }
0x10a: {  	v1 =	vadd.f32 $-4.995555580e-01, v1;
	_ =	sdelay $0x1  }
0x10b: {  	v1 =	vmul.f32 v1, v0;
	_ =	sdelay $0x1  }
0x10c: {  	v32 =	vld [tilespmem:$0xD20];
	v1 =	vadd.f32 $9.999747270e-01, v1  }
0x10d: {  	v33 =	vpop (erf)  }
0x10e: {  	v0 =	vmul.f32 v1, v0;
	v4 =	vadd.f32 v33, v33;
	_ =	sdelay $0x1  }
0x10f: {  	v0 =	vadd.f32 $3.596020970e-07, v0;
	v34 =	vsub.f32 $1.000000000e+00, v4  }
0x110: {  	v35 =	vand.u32 $0xFFFF0000, v32;
	v3 =	vshll.u32 v32, $0x10  }
0x111: {  	v37 =	vld [tilespmem:$0xB20];
	v36 =	vsub.f32 $1.000000000e+00, v2;
	v0 =	vmul.f32 v3, v0;
	v1 =	vmul.f32 v35, v34  }
0x112: {  	v38 =	vld [tilespmem:$0x430]  }
0x113: {  	v0 =	vmul.f32 v0, v2;
	v1 =	vmul.f32 v1, v36;
	_ =	sdelay $0x1  }
0x114: {  	v0 =	vadd.f32 v0, v1;
	_ =	sdelay $0x1  }
0x115: {  	[tilespmem:$0x1120] =	vst v2;
	v1 =	vmul.f32 v0, v37  }
0x116: {  	[tilespmem:$0x1320] =	vst v0  }
0x117: {  	[tilespmem:$0xF20] =	vst v1  }
0x118: {  	v0 =	vld.idx.msk [tilespmem:v38+s18+$0x0], $0xffff;
	_ =	sdelay $0x4  }
0x119: {  	v0 =	vadd.f32 $9.999999970e-07, v0;
	_ =	sdelay $0x1  }
0x11a: {  	(erf) = vrcp.f32 v0;
	_ =	sdelay $0x4  }
0x11b: {  	v39 =	vld [tilespmem:$0x630];
	_ =	sdelay $0x3  }
0x11c: {  	v40 =	vpop (erf)  }
0x11d: {  	v0 =	vmul.f32 v40, v39;
	_ =	sdelay $0x1  }
0x11e: {  	v1 =	vadd.f32 $-1.000000000e+00, v0;
	_ =	sdelay $0x1  }
0x11f: {  	v1 =	vmul.f32 $-1.000000000e+01, v1;
	_ =	sdelay $0x1  }
0x120: {  	v1 =	vmul.f32 $1.442695020e+00, v1  }
0x121: {  	v41 =	vmul.f32 $1.891586430e-04, v0  }
0x122: {  	(erf) = vpow2.f32 v1  }
0x123: {  	v42 =	vsub.f32 $2.283966400e-03, v41;
	_ =	sdelay $0x1  }
0x124: {  	v1 =	vmul.f32 v42, v0;
	_ =	sdelay $0x1  }
0x125: {  	v1 =	vadd.f32 $-1.241973420e-02, v1;
	_ =	sdelay $0x1  }
0x126: {  	v1 =	vmul.f32 v1, v0;
	_ =	sdelay $0x1  }
0x127: {  	v44 =	vadd.f32 v0, v0;
	v1 =	vadd.f32 $4.076208920e-02, v1;
	v43 =	vpop (erf)  }
0x128: {  	v2 =	vadd.f32 $1.000000000e+00, v43  }
0x129: {  	v3 =	vmul.f32 $1.442695020e+00, v44;
	v1 =	vmul.f32 v1, v0  }
0x12a: {  	(erf) = vrcp.f32 v2  }
0x12b: {  	v1 =	vadd.f32 $-9.237501020e-02, v1;
	(erf) = vpow2.f32 v3;
	_ =	sdelay $0x1  }
0x12c: {  	v1 =	vmul.f32 v1, v0;
	_ =	sdelay $0x1  }
0x12d: {  	v1 =	vadd.f32 $1.599719230e-01, v1;
	_ =	sdelay $0x1  }
0x12e: {  	v1 =	vmul.f32 v1, v0;
	_ =	sdelay $0x1  }
0x12f: {  	v1 =	vadd.f32 $-2.351941170e-01, v1;
	v2 =	vpop (erf)  }
0x130: {  	v3 =	vpop (erf)  }
0x131: {  	v1 =	vmul.f32 v1, v0;
	v3 =	vadd.f32 $1.000000000e+00, v3;
	_ =	sdelay $0x1  }
0x132: {  	v1 =	vadd.f32 $3.298877180e-01, v1;
	(erf) = vrcp.f32 v3;
	_ =	sdelay $0x1  }
0x133: {  	v1 =	vmul.f32 v1, v0;
	_ =	sdelay $0x1  }
0x134: {  	v1 =	vadd.f32 $-4.995555580e-01, v1;
	_ =	sdelay $0x1  }
0x135: {  	v1 =	vmul.f32 v1, v0;
	_ =	sdelay $0x1  }
0x136: {  	v45 =	vld [tilespmem:$0xD30];
	v1 =	vadd.f32 $9.999747270e-01, v1  }
0x137: {  	v46 =	vpop (erf)  }
0x138: {  	v0 =	vmul.f32 v1, v0;
	v4 =	vadd.f32 v46, v46;
	_ =	sdelay $0x1  }
0x139: {  	v0 =	vadd.f32 $3.596020970e-07, v0;
	v47 =	vsub.f32 $1.000000000e+00, v4  }
0x13a: {  	v48 =	vand.u32 $0xFFFF0000, v45;
	v3 =	vshll.u32 v45, $0x10  }
0x13b: {  	v50 =	vld [tilespmem:$0xB30];
	v49 =	vsub.f32 $1.000000000e+00, v2;
	v0 =	vmul.f32 v3, v0;
	v1 =	vmul.f32 v48, v47  }
0x13c: {  	v51 =	vld [tilespmem:$0x440]  }
0x13d: {  	v0 =	vmul.f32 v0, v2;
	v1 =	vmul.f32 v1, v49;
	_ =	sdelay $0x1  }
0x13e: {  	v0 =	vadd.f32 v0, v1;
	_ =	sdelay $0x1  }
0x13f: {  	[tilespmem:$0x1130] =	vst v2;
	v1 =	vmul.f32 v0, v50  }
0x140: {  	[tilespmem:$0x1330] =	vst v0  }
0x141: {  	[tilespmem:$0xF30] =	vst v1  }
0x142: {  	v0 =	vld.idx.msk [tilespmem:v51+s18+$0x0], $0xffff;
	_ =	sdelay $0x4  }
0x143: {  	v0 =	vadd.f32 $9.999999970e-07, v0;
	_ =	sdelay $0x1  }
0x144: {  	(erf) = vrcp.f32 v0;
	_ =	sdelay $0x4  }
0x145: {  	v52 =	vld [tilespmem:$0x640];
	_ =	sdelay $0x3  }
0x146: {  	v53 =	vpop (erf)  }
0x147: {  	v0 =	vmul.f32 v53, v52;
	_ =	sdelay $0x1  }
0x148: {  	v1 =	vadd.f32 $-1.000000000e+00, v0;
	_ =	sdelay $0x1  }
0x149: {  	v1 =	vmul.f32 $-1.000000000e+01, v1;
	_ =	sdelay $0x1  }
0x14a: {  	v1 =	vmul.f32 $1.442695020e+00, v1;
	_ =	sdelay $0x1  }
0x14b: {  	(erf) = vpow2.f32 v1  }
0x14c: {  	v54 =	vmul.f32 $1.891586430e-04, v0;
	_ =	sdelay $0x1  }
0x14d: {  	v1 =	vsub.f32 $2.283966400e-03, v54;
	_ =	sdelay $0x1  }
0x14e: {  	v1 =	vmul.f32 v1, v0;
	_ =	sdelay $0x1  }
0x14f: {  	v1 =	vadd.f32 $-1.241973420e-02, v1;
	_ =	sdelay $0x1  }
0x150: {  	v56 =	vadd.f32 v0, v0;
	v1 =	vmul.f32 v1, v0;
	v55 =	vpop (erf)  }
0x151: {  	v2 =	vadd.f32 $1.000000000e+00, v55  }
0x152: {  	v3 =	vmul.f32 $1.442695020e+00, v56;
	v1 =	vadd.f32 $4.076208920e-02, v1  }
0x153: {  	(erf) = vrcp.f32 v2  }
0x154: {  	v1 =	vmul.f32 v1, v0;
	(erf) = vpow2.f32 v3;
	_ =	sdelay $0x1  }
0x155: {  	v1 =	vadd.f32 $-9.237501020e-02, v1;
	_ =	sdelay $0x1  }
0x156: {  	v1 =	vmul.f32 v1, v0;
	_ =	sdelay $0x1  }
0x157: {  	v1 =	vadd.f32 $1.599719230e-01, v1;
	_ =	sdelay $0x1  }
0x158: {  	v1 =	vmul.f32 v1, v0;
	v2 =	vpop (erf)  }
0x159: {  	v3 =	vpop (erf)  }
0x15a: {  	v1 =	vadd.f32 $-2.351941170e-01, v1;
	v3 =	vadd.f32 $1.000000000e+00, v3;
	_ =	sdelay $0x1  }
0x15b: {  	v1 =	vmul.f32 v1, v0;
	(erf) = vrcp.f32 v3;
	_ =	sdelay $0x1  }
0x15c: {  	v1 =	vadd.f32 $3.298877180e-01, v1;
	_ =	sdelay $0x1  }
0x15d: {  	v1 =	vmul.f32 v1, v0;
	_ =	sdelay $0x1  }
0x15e: {  	v1 =	vadd.f32 $-4.995555580e-01, v1;
	_ =	sdelay $0x1  }
0x15f: {  	v1 =	vmul.f32 v1, v0  }
0x160: {  	v3 =	vpop (erf)  }
0x161: {  	v1 =	vadd.f32 $9.999747270e-01, v1;
	v4 =	vld [tilespmem:$0xD40];
	_ =	sdelay $0x1  }
0x162: {  	v0 =	vmul.f32 v1, v0;
	v3 =	vadd.f32 v3, v3;
	_ =	sdelay $0x1  }
0x163: {  	v0 =	vadd.f32 $3.596020970e-07, v0;
	v57 =	vsub.f32 $1.000000000e+00, v3  }
0x164: {  	v58 =	vand.u32 $0xFFFF0000, v4;
	v4 =	vshll.u32 v4, $0x10  }
0x165: {  	v59 =	vsub.f32 $1.000000000e+00, v2;
	v60 =	vld [tilespmem:$0xB40];
	v1 =	vmul.f32 v58, v57;
	v0 =	vmul.f32 v4, v0  }
0x166: {  	v61 =	vld [tilespmem:$0x450]  }
0x167: {  	v1 =	vmul.f32 v1, v59;
	v0 =	vmul.f32 v0, v2;
	_ =	sdelay $0x1  }
0x168: {  	v0 =	vadd.f32 v0, v1;
	_ =	sdelay $0x1  }
0x169: {  	[tilespmem:$0x1140] =	vst v2;
	v1 =	vmul.f32 v0, v60  }
0x16a: {  	[tilespmem:$0x1340] =	vst v0  }
0x16b: {  	[tilespmem:$0xF40] =	vst v1  }
0x16c: {  	v0 =	vld.idx.msk [tilespmem:v61+s18+$0x0], $0xffff;
	_ =	sdelay $0x4  }
0x16d: {  	v0 =	vadd.f32 $9.999999970e-07, v0;
	_ =	sdelay $0x1  }
0x16e: {  	(erf) = vrcp.f32 v0;
	_ =	sdelay $0x4  }
0x16f: {  	v62 =	vld [tilespmem:$0x650];
	_ =	sdelay $0x3  }
0x170: {  	v63 =	vpop (erf)  }
0x171: {  	v0 =	vmul.f32 v63, v62;
	_ =	sdelay $0x1  }
0x172: {  	v1 =	vadd.f32 $-1.000000000e+00, v0;
	_ =	sdelay $0x1  }
0x173: {  	v1 =	vmul.f32 $-1.000000000e+01, v1;
	_ =	sdelay $0x1  }
0x174: {  	v1 =	vmul.f32 $1.442695020e+00, v1  }
0x175: {  	v4 =	vmul.f32 $1.891586430e-04, v0  }
0x176: {  	(erf) = vpow2.f32 v1  }
0x177: {  	v5 =	vsub.f32 $2.283966400e-03, v4;
	_ =	sdelay $0x1  }
0x178: {  	v1 =	vmul.f32 v5, v0;
	_ =	sdelay $0x1  }
0x179: {  	v1 =	vadd.f32 $-1.241973420e-02, v1;
	_ =	sdelay $0x1  }
0x17a: {  	v1 =	vmul.f32 v1, v0;
	_ =	sdelay $0x1  }
0x17b: {  	v7 =	vadd.f32 v0, v0;
	v1 =	vadd.f32 $4.076208920e-02, v1;
	v6 =	vpop (erf)  }
0x17c: {  	v2 =	vadd.f32 $1.000000000e+00, v6  }
0x17d: {  	v3 =	vmul.f32 $1.442695020e+00, v7;
	v1 =	vmul.f32 v1, v0  }
0x17e: {  	(erf) = vrcp.f32 v2  }
0x17f: {  	v1 =	vadd.f32 $-9.237501020e-02, v1;
	(erf) = vpow2.f32 v3;
	_ =	sdelay $0x1  }
0x180: {  	v1 =	vmul.f32 v1, v0;
	_ =	sdelay $0x1  }
0x181: {  	v1 =	vadd.f32 $1.599719230e-01, v1;
	_ =	sdelay $0x1  }
0x182: {  	v1 =	vmul.f32 v1, v0;
	_ =	sdelay $0x1  }
0x183: {  	v1 =	vadd.f32 $-2.351941170e-01, v1;
	v2 =	vpop (erf)  }
0x184: {  	v3 =	vpop (erf)  }
0x185: {  	v1 =	vmul.f32 v1, v0;
	v3 =	vadd.f32 $1.000000000e+00, v3;
	_ =	sdelay $0x1  }
0x186: {  	v1 =	vadd.f32 $3.298877180e-01, v1;
	(erf) = vrcp.f32 v3;
	_ =	sdelay $0x1  }
0x187: {  	v1 =	vmul.f32 v1, v0;
	_ =	sdelay $0x1  }
0x188: {  	v1 =	vadd.f32 $-4.995555580e-01, v1;
	_ =	sdelay $0x1  }
0x189: {  	v1 =	vmul.f32 v1, v0;
	_ =	sdelay $0x1  }
0x18a: {  	v8 =	vld [tilespmem:$0xD50];
	v1 =	vadd.f32 $9.999747270e-01, v1  }
0x18b: {  	v9 =	vpop (erf)  }
0x18c: {  	v0 =	vmul.f32 v1, v0;
	v4 =	vadd.f32 v9, v9;
	_ =	sdelay $0x1  }
0x18d: {  	v0 =	vadd.f32 $3.596020970e-07, v0;
	v10 =	vsub.f32 $1.000000000e+00, v4  }
0x18e: {  	v11 =	vand.u32 $0xFFFF0000, v8;
	v3 =	vshll.u32 v8, $0x10  }
0x18f: {  	v13 =	vld [tilespmem:$0xB50];
	v12 =	vsub.f32 $1.000000000e+00, v2;
	v0 =	vmul.f32 v3, v0;
	v1 =	vmul.f32 v11, v10  }
0x190: {  	v14 =	vld [tilespmem:$0x460]  }
0x191: {  	v0 =	vmul.f32 v0, v2;
	v1 =	vmul.f32 v1, v12;
	_ =	sdelay $0x1  }
0x192: {  	v0 =	vadd.f32 v0, v1;
	_ =	sdelay $0x1  }
0x193: {  	[tilespmem:$0x1150] =	vst v2;
	v1 =	vmul.f32 v0, v13  }
0x194: {  	[tilespmem:$0x1350] =	vst v0  }
0x195: {  	[tilespmem:$0xF50] =	vst v1  }
0x196: {  	v0 =	vld.idx.msk [tilespmem:v14+s18+$0x0], $0xffff;
	_ =	sdelay $0x4  }
0x197: {  	v0 =	vadd.f32 $9.999999970e-07, v0;
	_ =	sdelay $0x1  }
0x198: {  	(erf) = vrcp.f32 v0;
	_ =	sdelay $0x4  }
0x199: {  	v15 =	vld [tilespmem:$0x660];
	_ =	sdelay $0x3  }
0x19a: {  	v16 =	vpop (erf)  }
0x19b: {  	v0 =	vmul.f32 v16, v15;
	_ =	sdelay $0x1  }
0x19c: {  	v1 =	vadd.f32 $-1.000000000e+00, v0;
	_ =	sdelay $0x1  }
0x19d: {  	v1 =	vmul.f32 $-1.000000000e+01, v1;
	_ =	sdelay $0x1  }
0x19e: {  	v1 =	vmul.f32 $1.442695020e+00, v1  }
0x19f: {  	v17 =	vmul.f32 $1.891586430e-04, v0  }
0x1a0: {  	(erf) = vpow2.f32 v1  }
0x1a1: {  	v18 =	vsub.f32 $2.283966400e-03, v17;
	_ =	sdelay $0x1  }
0x1a2: {  	v1 =	vmul.f32 v18, v0;
	_ =	sdelay $0x1  }
0x1a3: {  	v1 =	vadd.f32 $-1.241973420e-02, v1;
	_ =	sdelay $0x1  }
0x1a4: {  	v1 =	vmul.f32 v1, v0;
	_ =	sdelay $0x1  }
0x1a5: {  	v20 =	vadd.f32 v0, v0;
	v1 =	vadd.f32 $4.076208920e-02, v1;
	v19 =	vpop (erf)  }
0x1a6: {  	v2 =	vadd.f32 $1.000000000e+00, v19  }
0x1a7: {  	v3 =	vmul.f32 $1.442695020e+00, v20;
	v1 =	vmul.f32 v1, v0  }
0x1a8: {  	(erf) = vrcp.f32 v2  }
0x1a9: {  	v1 =	vadd.f32 $-9.237501020e-02, v1;
	(erf) = vpow2.f32 v3;
	_ =	sdelay $0x1  }
0x1aa: {  	v1 =	vmul.f32 v1, v0;
	_ =	sdelay $0x1  }
0x1ab: {  	v1 =	vadd.f32 $1.599719230e-01, v1;
	_ =	sdelay $0x1  }
0x1ac: {  	v1 =	vmul.f32 v1, v0;
	_ =	sdelay $0x1  }
0x1ad: {  	v1 =	vadd.f32 $-2.351941170e-01, v1;
	v2 =	vpop (erf)  }
0x1ae: {  	v3 =	vpop (erf)  }
0x1af: {  	v1 =	vmul.f32 v1, v0;
	v3 =	vadd.f32 $1.000000000e+00, v3;
	_ =	sdelay $0x1  }
0x1b0: {  	v1 =	vadd.f32 $3.298877180e-01, v1;
	(erf) = vrcp.f32 v3;
	_ =	sdelay $0x1  }
0x1b1: {  	v1 =	vmul.f32 v1, v0;
	_ =	sdelay $0x1  }
0x1b2: {  	v1 =	vadd.f32 $-4.995555580e-01, v1;
	_ =	sdelay $0x1  }
0x1b3: {  	v1 =	vmul.f32 v1, v0;
	_ =	sdelay $0x1  }
0x1b4: {  	v21 =	vld [tilespmem:$0xD60];
	v1 =	vadd.f32 $9.999747270e-01, v1  }
0x1b5: {  	v22 =	vpop (erf)  }
0x1b6: {  	v0 =	vmul.f32 v1, v0;
	v4 =	vadd.f32 v22, v22;
	_ =	sdelay $0x1  }
0x1b7: {  	v0 =	vadd.f32 $3.596020970e-07, v0;
	v23 =	vsub.f32 $1.000000000e+00, v4  }
0x1b8: {  	v24 =	vand.u32 $0xFFFF0000, v21;
	v3 =	vshll.u32 v21, $0x10  }
0x1b9: {  	v26 =	vld [tilespmem:$0xB60];
	v25 =	vsub.f32 $1.000000000e+00, v2;
	v0 =	vmul.f32 v3, v0;
	v1 =	vmul.f32 v24, v23  }
0x1ba: {  	v27 =	vld [tilespmem:$0x470]  }
0x1bb: {  	v0 =	vmul.f32 v0, v2;
	v1 =	vmul.f32 v1, v25;
	_ =	sdelay $0x1  }
0x1bc: {  	v0 =	vadd.f32 v0, v1;
	_ =	sdelay $0x1  }
0x1bd: {  	[tilespmem:$0x1160] =	vst v2;
	v1 =	vmul.f32 v0, v26  }
0x1be: {  	[tilespmem:$0x1360] =	vst v0  }
0x1bf: {  	[tilespmem:$0xF60] =	vst v1  }
0x1c0: {  	v0 =	vld.idx.msk [tilespmem:v27+s18+$0x0], $0xffff;
	_ =	sdelay $0x4  }
0x1c1: {  	v0 =	vadd.f32 $9.999999970e-07, v0;
	_ =	sdelay $0x1  }
0x1c2: {  	(erf) = vrcp.f32 v0;
	_ =	sdelay $0x4  }
0x1c3: {  	v28 =	vld [tilespmem:$0x670];
	_ =	sdelay $0x3  }
0x1c4: {  	v29 =	vpop (erf)  }
0x1c5: {  	v0 =	vmul.f32 v29, v28;
	_ =	sdelay $0x1  }
0x1c6: {  	v1 =	vadd.f32 $-1.000000000e+00, v0;
	_ =	sdelay $0x1  }
0x1c7: {  	v1 =	vmul.f32 $-1.000000000e+01, v1;
	_ =	sdelay $0x1  }
0x1c8: {  	v1 =	vmul.f32 $1.442695020e+00, v1  }
0x1c9: {  	v30 =	vmul.f32 $1.891586430e-04, v0  }
0x1ca: {  	(erf) = vpow2.f32 v1  }
0x1cb: {  	v31 =	vsub.f32 $2.283966400e-03, v30;
	_ =	sdelay $0x1  }
0x1cc: {  	v1 =	vmul.f32 v31, v0;
	_ =	sdelay $0x1  }
0x1cd: {  	v1 =	vadd.f32 $-1.241973420e-02, v1;
	_ =	sdelay $0x1  }
0x1ce: {  	v1 =	vmul.f32 v1, v0;
	_ =	sdelay $0x1  }
0x1cf: {  	v33 =	vadd.f32 v0, v0;
	v1 =	vadd.f32 $4.076208920e-02, v1;
	v32 =	vpop (erf)  }
0x1d0: {  	v2 =	vadd.f32 $1.000000000e+00, v32  }
0x1d1: {  	v3 =	vmul.f32 $1.442695020e+00, v33;
	v1 =	vmul.f32 v1, v0  }
0x1d2: {  	(erf) = vrcp.f32 v2  }
0x1d3: {  	v1 =	vadd.f32 $-9.237501020e-02, v1;
	(erf) = vpow2.f32 v3;
	_ =	sdelay $0x1  }
0x1d4: {  	v1 =	vmul.f32 v1, v0;
	_ =	sdelay $0x1  }
0x1d5: {  	v1 =	vadd.f32 $1.599719230e-01, v1;
	_ =	sdelay $0x1  }
0x1d6: {  	v1 =	vmul.f32 v1, v0;
	_ =	sdelay $0x1  }
0x1d7: {  	v1 =	vadd.f32 $-2.351941170e-01, v1;
	v2 =	vpop (erf)  }
0x1d8: {  	v3 =	vpop (erf)  }
0x1d9: {  	v1 =	vmul.f32 v1, v0;
	v3 =	vadd.f32 $1.000000000e+00, v3;
	_ =	sdelay $0x1  }
0x1da: {  	v1 =	vadd.f32 $3.298877180e-01, v1;
	(erf) = vrcp.f32 v3;
	_ =	sdelay $0x1  }
0x1db: {  	v1 =	vmul.f32 v1, v0;
	_ =	sdelay $0x1  }
0x1dc: {  	v1 =	vadd.f32 $-4.995555580e-01, v1;
	_ =	sdelay $0x1  }
0x1dd: {  	v1 =	vmul.f32 v1, v0;
	_ =	sdelay $0x1  }
0x1de: {  	v34 =	vld [tilespmem:$0xD70];
	v1 =	vadd.f32 $9.999747270e-01, v1  }
0x1df: {  	v35 =	vpop (erf)  }
0x1e0: {  	v0 =	vmul.f32 v1, v0;
	v4 =	vadd.f32 v35, v35;
	_ =	sdelay $0x1  }
0x1e1: {  	v0 =	vadd.f32 $3.596020970e-07, v0;
	v36 =	vsub.f32 $1.000000000e+00, v4  }
0x1e2: {  	v37 =	vand.u32 $0xFFFF0000, v34;
	v3 =	vshll.u32 v34, $0x10  }
0x1e3: {  	v39 =	vld [tilespmem:$0xB70];
	v38 =	vsub.f32 $1.000000000e+00, v2;
	v0 =	vmul.f32 v3, v0;
	v1 =	vmul.f32 v37, v36  }
0x1e4: {  	v40 =	vld [tilespmem:$0x480]  }
0x1e5: {  	v0 =	vmul.f32 v0, v2;
	v1 =	vmul.f32 v1, v38;
	_ =	sdelay $0x1  }
0x1e6: {  	v0 =	vadd.f32 v0, v1;
	_ =	sdelay $0x1  }
0x1e7: {  	[tilespmem:$0x1170] =	vst v2;
	v1 =	vmul.f32 v0, v39  }
0x1e8: {  	[tilespmem:$0x1370] =	vst v0  }
0x1e9: {  	[tilespmem:$0xF70] =	vst v1  }
0x1ea: {  	v0 =	vld.idx.msk [tilespmem:v40+s18+$0x0], $0xffff;
	_ =	sdelay $0x4  }
0x1eb: {  	v0 =	vadd.f32 $9.999999970e-07, v0;
	_ =	sdelay $0x1  }
0x1ec: {  	(erf) = vrcp.f32 v0;
	_ =	sdelay $0x4  }
0x1ed: {  	v41 =	vld [tilespmem:$0x680];
	_ =	sdelay $0x3  }
0x1ee: {  	v42 =	vpop (erf)  }
0x1ef: {  	v0 =	vmul.f32 v42, v41;
	_ =	sdelay $0x1  }
0x1f0: {  	v1 =	vadd.f32 $-1.000000000e+00, v0;
	_ =	sdelay $0x1  }
0x1f1: {  	v1 =	vmul.f32 $-1.000000000e+01, v1;
	_ =	sdelay $0x1  }
0x1f2: {  	v1 =	vmul.f32 $1.442695020e+00, v1  }
0x1f3: {  	v43 =	vmul.f32 $1.891586430e-04, v0  }
0x1f4: {  	(erf) = vpow2.f32 v1  }
0x1f5: {  	v44 =	vsub.f32 $2.283966400e-03, v43;
	_ =	sdelay $0x1  }
0x1f6: {  	v1 =	vmul.f32 v44, v0;
	_ =	sdelay $0x1  }
0x1f7: {  	v1 =	vadd.f32 $-1.241973420e-02, v1;
	_ =	sdelay $0x1  }
0x1f8: {  	v1 =	vmul.f32 v1, v0;
	_ =	sdelay $0x1  }
0x1f9: {  	v46 =	vadd.f32 v0, v0;
	v1 =	vadd.f32 $4.076208920e-02, v1;
	v45 =	vpop (erf)  }
0x1fa: {  	v2 =	vadd.f32 $1.000000000e+00, v45  }
0x1fb: {  	v3 =	vmul.f32 $1.442695020e+00, v46;
	v1 =	vmul.f32 v1, v0  }
0x1fc: {  	(erf) = vrcp.f32 v2  }
0x1fd: {  	v1 =	vadd.f32 $-9.237501020e-02, v1;
	(erf) = vpow2.f32 v3;
	_ =	sdelay $0x1  }
0x1fe: {  	v1 =	vmul.f32 v1, v0;
	_ =	sdelay $0x1  }
0x1ff: {  	v1 =	vadd.f32 $1.599719230e-01, v1;
	_ =	sdelay $0x1  }
0x200: {  	v1 =	vmul.f32 v1, v0;
	_ =	sdelay $0x1  }
0x201: {  	v1 =	vadd.f32 $-2.351941170e-01, v1;
	v2 =	vpop (erf)  }
0x202: {  	v3 =	vpop (erf)  }
0x203: {  	v1 =	vmul.f32 v1, v0;
	v3 =	vadd.f32 $1.000000000e+00, v3;
	_ =	sdelay $0x1  }
0x204: {  	v1 =	vadd.f32 $3.298877180e-01, v1;
	(erf) = vrcp.f32 v3;
	_ =	sdelay $0x1  }
0x205: {  	v1 =	vmul.f32 v1, v0;
	_ =	sdelay $0x1  }
0x206: {  	v1 =	vadd.f32 $-4.995555580e-01, v1;
	_ =	sdelay $0x1  }
0x207: {  	v1 =	vmul.f32 v1, v0;
	_ =	sdelay $0x1  }
0x208: {  	v47 =	vld [tilespmem:$0xD80];
	v1 =	vadd.f32 $9.999747270e-01, v1  }
0x209: {  	v48 =	vpop (erf)  }
0x20a: {  	v0 =	vmul.f32 v1, v0;
	v4 =	vadd.f32 v48, v48;
	_ =	sdelay $0x1  }
0x20b: {  	v0 =	vadd.f32 $3.596020970e-07, v0;
	v49 =	vsub.f32 $1.000000000e+00, v4  }
0x20c: {  	v50 =	vand.u32 $0xFFFF0000, v47;
	v3 =	vshll.u32 v47, $0x10  }
0x20d: {  	v52 =	vld [tilespmem:$0xB80];
	v51 =	vsub.f32 $1.000000000e+00, v2;
	v0 =	vmul.f32 v3, v0;
	v1 =	vmul.f32 v50, v49  }
0x20e: {  	v53 =	vld [tilespmem:$0x490]  }
0x20f: {  	v0 =	vmul.f32 v0, v2;
	v1 =	vmul.f32 v1, v51;
	_ =	sdelay $0x1  }
0x210: {  	v0 =	vadd.f32 v0, v1;
	_ =	sdelay $0x1  }
0x211: {  	[tilespmem:$0x1180] =	vst v2;
	v1 =	vmul.f32 v0, v52  }
0x212: {  	[tilespmem:$0x1380] =	vst v0  }
0x213: {  	[tilespmem:$0xF80] =	vst v1  }
0x214: {  	v0 =	vld.idx.msk [tilespmem:v53+s18+$0x0], $0xffff;
	_ =	sdelay $0x4  }
0x215: {  	v0 =	vadd.f32 $9.999999970e-07, v0;
	_ =	sdelay $0x1  }
0x216: {  	(erf) = vrcp.f32 v0;
	_ =	sdelay $0x4  }
0x217: {  	v54 =	vld [tilespmem:$0x690];
	_ =	sdelay $0x3  }
0x218: {  	v55 =	vpop (erf)  }
0x219: {  	v0 =	vmul.f32 v55, v54;
	_ =	sdelay $0x1  }
0x21a: {  	v1 =	vadd.f32 $-1.000000000e+00, v0;
	_ =	sdelay $0x1  }
0x21b: {  	v1 =	vmul.f32 $-1.000000000e+01, v1;
	_ =	sdelay $0x1  }
0x21c: {  	v1 =	vmul.f32 $1.442695020e+00, v1  }
0x21d: {  	v56 =	vmul.f32 $1.891586430e-04, v0  }
0x21e: {  	(erf) = vpow2.f32 v1  }
0x21f: {  	v57 =	vsub.f32 $2.283966400e-03, v56;
	_ =	sdelay $0x1  }
0x220: {  	v1 =	vmul.f32 v57, v0;
	_ =	sdelay $0x1  }
0x221: {  	v1 =	vadd.f32 $-1.241973420e-02, v1;
	_ =	sdelay $0x1  }
0x222: {  	v1 =	vmul.f32 v1, v0;
	_ =	sdelay $0x1  }
0x223: {  	v59 =	vadd.f32 v0, v0;
	v1 =	vadd.f32 $4.076208920e-02, v1;
	v58 =	vpop (erf)  }
0x224: {  	v2 =	vadd.f32 $1.000000000e+00, v58  }
0x225: {  	v3 =	vmul.f32 $1.442695020e+00, v59;
	v1 =	vmul.f32 v1, v0  }
0x226: {  	(erf) = vrcp.f32 v2  }
0x227: {  	v1 =	vadd.f32 $-9.237501020e-02, v1;
	(erf) = vpow2.f32 v3;
	_ =	sdelay $0x1  }
0x228: {  	v1 =	vmul.f32 v1, v0;
	_ =	sdelay $0x1  }
0x229: {  	v1 =	vadd.f32 $1.599719230e-01, v1;
	_ =	sdelay $0x1  }
0x22a: {  	v1 =	vmul.f32 v1, v0;
	_ =	sdelay $0x1  }
0x22b: {  	v1 =	vadd.f32 $-2.351941170e-01, v1;
	v2 =	vpop (erf)  }
0x22c: {  	v3 =	vpop (erf)  }
0x22d: {  	v1 =	vmul.f32 v1, v0;
	v3 =	vadd.f32 $1.000000000e+00, v3;
	_ =	sdelay $0x1  }
0x22e: {  	v1 =	vadd.f32 $3.298877180e-01, v1;
	(erf) = vrcp.f32 v3;
	_ =	sdelay $0x1  }
0x22f: {  	v1 =	vmul.f32 v1, v0;
	_ =	sdelay $0x1  }
0x230: {  	v1 =	vadd.f32 $-4.995555580e-01, v1;
	_ =	sdelay $0x1  }
0x231: {  	v1 =	vmul.f32 v1, v0;
	_ =	sdelay $0x1  }
0x232: {  	v60 =	vld [tilespmem:$0xD90];
	v1 =	vadd.f32 $9.999747270e-01, v1  }
0x233: {  	v61 =	vpop (erf)  }
0x234: {  	v0 =	vmul.f32 v1, v0;
	v4 =	vadd.f32 v61, v61;
	_ =	sdelay $0x1  }
0x235: {  	v0 =	vadd.f32 $3.596020970e-07, v0;
	v62 =	vsub.f32 $1.000000000e+00, v4  }
0x236: {  	v63 =	vand.u32 $0xFFFF0000, v60;
	v3 =	vshll.u32 v60, $0x10  }
0x237: {  	v9 =	vld [tilespmem:$0xB90];
	v8 =	vsub.f32 $1.000000000e+00, v2;
	v0 =	vmul.f32 v3, v0;
	v1 =	vmul.f32 v63, v62  }
0x238: {  	v10 =	vld [tilespmem:$0x4A0]  }
0x239: {  	v0 =	vmul.f32 v0, v2;
	v1 =	vmul.f32 v1, v8;
	_ =	sdelay $0x1  }
0x23a: {  	v0 =	vadd.f32 v0, v1;
	_ =	sdelay $0x1  }
0x23b: {  	[tilespmem:$0x1190] =	vst v2;
	v1 =	vmul.f32 v0, v9  }
0x23c: {  	[tilespmem:$0x1390] =	vst v0  }
0x23d: {  	[tilespmem:$0xF90] =	vst v1  }
0x23e: {  	v0 =	vld.idx.msk [tilespmem:v10+s18+$0x0], $0xffff;
	_ =	sdelay $0x4  }
0x23f: {  	v0 =	vadd.f32 $9.999999970e-07, v0;
	_ =	sdelay $0x1  }
0x240: {  	(erf) = vrcp.f32 v0;
	_ =	sdelay $0x4  }
0x241: {  	v11 =	vld [tilespmem:$0x6A0];
	_ =	sdelay $0x3  }
0x242: {  	v12 =	vpop (erf)  }
0x243: {  	v0 =	vmul.f32 v12, v11;
	_ =	sdelay $0x1  }
0x244: {  	v1 =	vadd.f32 $-1.000000000e+00, v0;
	_ =	sdelay $0x1  }
0x245: {  	v1 =	vmul.f32 $-1.000000000e+01, v1;
	_ =	sdelay $0x1  }
0x246: {  	v1 =	vmul.f32 $1.442695020e+00, v1  }
0x247: {  	v13 =	vmul.f32 $1.891586430e-04, v0  }
0x248: {  	(erf) = vpow2.f32 v1  }
0x249: {  	v14 =	vsub.f32 $2.283966400e-03, v13;
	_ =	sdelay $0x1  }
0x24a: {  	v1 =	vmul.f32 v14, v0;
	_ =	sdelay $0x1  }
0x24b: {  	v1 =	vadd.f32 $-1.241973420e-02, v1;
	_ =	sdelay $0x1  }
0x24c: {  	v1 =	vmul.f32 v1, v0;
	_ =	sdelay $0x1  }
0x24d: {  	v16 =	vadd.f32 v0, v0;
	v1 =	vadd.f32 $4.076208920e-02, v1;
	v15 =	vpop (erf)  }
0x24e: {  	v2 =	vadd.f32 $1.000000000e+00, v15  }
0x24f: {  	v3 =	vmul.f32 $1.442695020e+00, v16;
	v1 =	vmul.f32 v1, v0  }
0x250: {  	(erf) = vrcp.f32 v2  }
0x251: {  	v1 =	vadd.f32 $-9.237501020e-02, v1;
	(erf) = vpow2.f32 v3;
	_ =	sdelay $0x1  }
0x252: {  	v1 =	vmul.f32 v1, v0;
	_ =	sdelay $0x1  }
0x253: {  	v1 =	vadd.f32 $1.599719230e-01, v1;
	_ =	sdelay $0x1  }
0x254: {  	v1 =	vmul.f32 v1, v0;
	_ =	sdelay $0x1  }
0x255: {  	v1 =	vadd.f32 $-2.351941170e-01, v1;
	v2 =	vpop (erf)  }
0x256: {  	v3 =	vpop (erf)  }
0x257: {  	v1 =	vmul.f32 v1, v0;
	v3 =	vadd.f32 $1.000000000e+00, v3;
	_ =	sdelay $0x1  }
0x258: {  	v1 =	vadd.f32 $3.298877180e-01, v1;
	(erf) = vrcp.f32 v3;
	_ =	sdelay $0x1  }
0x259: {  	v1 =	vmul.f32 v1, v0;
	_ =	sdelay $0x1  }
0x25a: {  	v1 =	vadd.f32 $-4.995555580e-01, v1;
	_ =	sdelay $0x1  }
0x25b: {  	v1 =	vmul.f32 v1, v0;
	_ =	sdelay $0x1  }
0x25c: {  	v17 =	vld [tilespmem:$0xDA0];
	v1 =	vadd.f32 $9.999747270e-01, v1  }
0x25d: {  	v18 =	vpop (erf)  }
0x25e: {  	v0 =	vmul.f32 v1, v0;
	v4 =	vadd.f32 v18, v18;
	_ =	sdelay $0x1  }
0x25f: {  	v0 =	vadd.f32 $3.596020970e-07, v0;
	v19 =	vsub.f32 $1.000000000e+00, v4  }
0x260: {  	v20 =	vand.u32 $0xFFFF0000, v17;
	v3 =	vshll.u32 v17, $0x10  }
0x261: {  	v22 =	vld [tilespmem:$0xBA0];
	v21 =	vsub.f32 $1.000000000e+00, v2;
	v0 =	vmul.f32 v3, v0;
	v1 =	vmul.f32 v20, v19  }
0x262: {  	v23 =	vld [tilespmem:$0x4B0]  }
0x263: {  	v0 =	vmul.f32 v0, v2;
	v1 =	vmul.f32 v1, v21;
	_ =	sdelay $0x1  }
0x264: {  	v0 =	vadd.f32 v0, v1;
	_ =	sdelay $0x1  }
0x265: {  	[tilespmem:$0x11A0] =	vst v2;
	v1 =	vmul.f32 v0, v22  }
0x266: {  	[tilespmem:$0x13A0] =	vst v0  }
0x267: {  	[tilespmem:$0xFA0] =	vst v1  }
0x268: {  	v0 =	vld.idx.msk [tilespmem:v23+s18+$0x0], $0xffff;
	_ =	sdelay $0x4  }
0x269: {  	v0 =	vadd.f32 $9.999999970e-07, v0;
	_ =	sdelay $0x1  }
0x26a: {  	(erf) = vrcp.f32 v0;
	_ =	sdelay $0x4  }
0x26b: {  	v24 =	vld [tilespmem:$0x6B0];
	_ =	sdelay $0x3  }
0x26c: {  	v25 =	vpop (erf)  }
0x26d: {  	v0 =	vmul.f32 v25, v24;
	_ =	sdelay $0x1  }
0x26e: {  	v1 =	vadd.f32 $-1.000000000e+00, v0;
	_ =	sdelay $0x1  }
0x26f: {  	v1 =	vmul.f32 $-1.000000000e+01, v1;
	_ =	sdelay $0x1  }
0x270: {  	v1 =	vmul.f32 $1.442695020e+00, v1  }
0x271: {  	v26 =	vmul.f32 $1.891586430e-04, v0  }
0x272: {  	(erf) = vpow2.f32 v1  }
0x273: {  	v27 =	vsub.f32 $2.283966400e-03, v26;
	_ =	sdelay $0x1  }
0x274: {  	v1 =	vmul.f32 v27, v0;
	_ =	sdelay $0x1  }
0x275: {  	v1 =	vadd.f32 $-1.241973420e-02, v1;
	_ =	sdelay $0x1  }
0x276: {  	v1 =	vmul.f32 v1, v0;
	_ =	sdelay $0x1  }
0x277: {  	v29 =	vadd.f32 v0, v0;
	v1 =	vadd.f32 $4.076208920e-02, v1;
	v28 =	vpop (erf)  }
0x278: {  	v2 =	vadd.f32 $1.000000000e+00, v28  }
0x279: {  	v3 =	vmul.f32 $1.442695020e+00, v29;
	v1 =	vmul.f32 v1, v0  }
0x27a: {  	(erf) = vrcp.f32 v2  }
0x27b: {  	v1 =	vadd.f32 $-9.237501020e-02, v1;
	(erf) = vpow2.f32 v3;
	_ =	sdelay $0x1  }
0x27c: {  	v1 =	vmul.f32 v1, v0;
	_ =	sdelay $0x1  }
0x27d: {  	v1 =	vadd.f32 $1.599719230e-01, v1;
	_ =	sdelay $0x1  }
0x27e: {  	v1 =	vmul.f32 v1, v0;
	_ =	sdelay $0x1  }
0x27f: {  	v1 =	vadd.f32 $-2.351941170e-01, v1;
	v2 =	vpop (erf)  }
0x280: {  	v3 =	vpop (erf)  }
0x281: {  	v1 =	vmul.f32 v1, v0;
	v3 =	vadd.f32 $1.000000000e+00, v3;
	_ =	sdelay $0x1  }
0x282: {  	v1 =	vadd.f32 $3.298877180e-01, v1;
	(erf) = vrcp.f32 v3;
	_ =	sdelay $0x1  }
0x283: {  	v1 =	vmul.f32 v1, v0;
	_ =	sdelay $0x1  }
0x284: {  	v1 =	vadd.f32 $-4.995555580e-01, v1;
	_ =	sdelay $0x1  }
0x285: {  	v1 =	vmul.f32 v1, v0;
	_ =	sdelay $0x1  }
0x286: {  	v30 =	vld [tilespmem:$0xDB0];
	v1 =	vadd.f32 $9.999747270e-01, v1  }
0x287: {  	v31 =	vpop (erf)  }
0x288: {  	v0 =	vmul.f32 v1, v0;
	v4 =	vadd.f32 v31, v31;
	_ =	sdelay $0x1  }
0x289: {  	v0 =	vadd.f32 $3.596020970e-07, v0;
	v32 =	vsub.f32 $1.000000000e+00, v4  }
0x28a: {  	v33 =	vand.u32 $0xFFFF0000, v30;
	v3 =	vshll.u32 v30, $0x10  }
0x28b: {  	v35 =	vld [tilespmem:$0xBB0];
	v34 =	vsub.f32 $1.000000000e+00, v2;
	v0 =	vmul.f32 v3, v0;
	v1 =	vmul.f32 v33, v32  }
0x28c: {  	v36 =	vld [tilespmem:$0x4C0]  }
0x28d: {  	v0 =	vmul.f32 v0, v2;
	v1 =	vmul.f32 v1, v34;
	_ =	sdelay $0x1  }
0x28e: {  	v0 =	vadd.f32 v0, v1;
	_ =	sdelay $0x1  }
0x28f: {  	[tilespmem:$0x11B0] =	vst v2;
	v1 =	vmul.f32 v0, v35  }
0x290: {  	[tilespmem:$0x13B0] =	vst v0  }
0x291: {  	[tilespmem:$0xFB0] =	vst v1  }
0x292: {  	v0 =	vld.idx.msk [tilespmem:v36+s18+$0x0], $0xffff;
	_ =	sdelay $0x4  }
0x293: {  	v0 =	vadd.f32 $9.999999970e-07, v0;
	_ =	sdelay $0x1  }
0x294: {  	(erf) = vrcp.f32 v0;
	_ =	sdelay $0x4  }
0x295: {  	v37 =	vld [tilespmem:$0x6C0];
	_ =	sdelay $0x3  }
0x296: {  	v38 =	vpop (erf)  }
0x297: {  	v0 =	vmul.f32 v38, v37;
	_ =	sdelay $0x1  }
0x298: {  	v1 =	vadd.f32 $-1.000000000e+00, v0;
	_ =	sdelay $0x1  }
0x299: {  	v1 =	vmul.f32 $-1.000000000e+01, v1;
	_ =	sdelay $0x1  }
0x29a: {  	v1 =	vmul.f32 $1.442695020e+00, v1  }
0x29b: {  	v39 =	vmul.f32 $1.891586430e-04, v0  }
0x29c: {  	(erf) = vpow2.f32 v1  }
0x29d: {  	v40 =	vsub.f32 $2.283966400e-03, v39;
	_ =	sdelay $0x1  }
0x29e: {  	v1 =	vmul.f32 v40, v0;
	_ =	sdelay $0x1  }
0x29f: {  	v1 =	vadd.f32 $-1.241973420e-02, v1;
	_ =	sdelay $0x1  }
0x2a0: {  	v1 =	vmul.f32 v1, v0;
	_ =	sdelay $0x1  }
0x2a1: {  	v42 =	vadd.f32 v0, v0;
	v1 =	vadd.f32 $4.076208920e-02, v1;
	v41 =	vpop (erf)  }
0x2a2: {  	v2 =	vadd.f32 $1.000000000e+00, v41  }
0x2a3: {  	v3 =	vmul.f32 $1.442695020e+00, v42;
	v1 =	vmul.f32 v1, v0  }
0x2a4: {  	(erf) = vrcp.f32 v2  }
0x2a5: {  	v1 =	vadd.f32 $-9.237501020e-02, v1;
	(erf) = vpow2.f32 v3;
	_ =	sdelay $0x1  }
0x2a6: {  	v1 =	vmul.f32 v1, v0;
	_ =	sdelay $0x1  }
0x2a7: {  	v1 =	vadd.f32 $1.599719230e-01, v1;
	_ =	sdelay $0x1  }
0x2a8: {  	v1 =	vmul.f32 v1, v0;
	_ =	sdelay $0x1  }
0x2a9: {  	v1 =	vadd.f32 $-2.351941170e-01, v1;
	v2 =	vpop (erf)  }
0x2aa: {  	v3 =	vpop (erf)  }
0x2ab: {  	v1 =	vmul.f32 v1, v0;
	v3 =	vadd.f32 $1.000000000e+00, v3;
	_ =	sdelay $0x1  }
0x2ac: {  	v1 =	vadd.f32 $3.298877180e-01, v1;
	(erf) = vrcp.f32 v3;
	_ =	sdelay $0x1  }
0x2ad: {  	v1 =	vmul.f32 v1, v0;
	_ =	sdelay $0x1  }
0x2ae: {  	v1 =	vadd.f32 $-4.995555580e-01, v1;
	_ =	sdelay $0x1  }
0x2af: {  	v1 =	vmul.f32 v1, v0;
	_ =	sdelay $0x1  }
0x2b0: {  	v43 =	vld [tilespmem:$0xDC0];
	v1 =	vadd.f32 $9.999747270e-01, v1  }
0x2b1: {  	v44 =	vpop (erf)  }
0x2b2: {  	v0 =	vmul.f32 v1, v0;
	v4 =	vadd.f32 v44, v44;
	_ =	sdelay $0x1  }
0x2b3: {  	v0 =	vadd.f32 $3.596020970e-07, v0;
	v45 =	vsub.f32 $1.000000000e+00, v4  }
0x2b4: {  	v46 =	vand.u32 $0xFFFF0000, v43;
	v3 =	vshll.u32 v43, $0x10  }
0x2b5: {  	v48 =	vld [tilespmem:$0xBC0];
	v47 =	vsub.f32 $1.000000000e+00, v2;
	v0 =	vmul.f32 v3, v0;
	v1 =	vmul.f32 v46, v45  }
0x2b6: {  	v49 =	vld [tilespmem:$0x4D0]  }
0x2b7: {  	v0 =	vmul.f32 v0, v2;
	v1 =	vmul.f32 v1, v47;
	_ =	sdelay $0x1  }
0x2b8: {  	v0 =	vadd.f32 v0, v1;
	_ =	sdelay $0x1  }
0x2b9: {  	[tilespmem:$0x11C0] =	vst v2;
	v1 =	vmul.f32 v0, v48  }
0x2ba: {  	[tilespmem:$0x13C0] =	vst v0  }
0x2bb: {  	[tilespmem:$0xFC0] =	vst v1  }
0x2bc: {  	v0 =	vld.idx.msk [tilespmem:v49+s18+$0x0], $0xffff;
	_ =	sdelay $0x4  }
0x2bd: {  	v0 =	vadd.f32 $9.999999970e-07, v0;
	_ =	sdelay $0x1  }
0x2be: {  	(erf) = vrcp.f32 v0;
	_ =	sdelay $0x4  }
0x2bf: {  	v50 =	vld [tilespmem:$0x6D0];
	_ =	sdelay $0x3  }
0x2c0: {  	v51 =	vpop (erf)  }
0x2c1: {  	v0 =	vmul.f32 v51, v50;
	_ =	sdelay $0x1  }
0x2c2: {  	v1 =	vadd.f32 $-1.000000000e+00, v0;
	_ =	sdelay $0x1  }
0x2c3: {  	v1 =	vmul.f32 $-1.000000000e+01, v1;
	_ =	sdelay $0x1  }
0x2c4: {  	v1 =	vmul.f32 $1.442695020e+00, v1  }
0x2c5: {  	v52 =	vmul.f32 $1.891586430e-04, v0  }
0x2c6: {  	(erf) = vpow2.f32 v1  }
0x2c7: {  	v53 =	vsub.f32 $2.283966400e-03, v52;
	_ =	sdelay $0x1  }
0x2c8: {  	v1 =	vmul.f32 v53, v0;
	_ =	sdelay $0x1  }
0x2c9: {  	v1 =	vadd.f32 $-1.241973420e-02, v1;
	_ =	sdelay $0x1  }
0x2ca: {  	v1 =	vmul.f32 v1, v0;
	_ =	sdelay $0x1  }
0x2cb: {  	v55 =	vadd.f32 v0, v0;
	v1 =	vadd.f32 $4.076208920e-02, v1;
	v54 =	vpop (erf)  }
0x2cc: {  	v2 =	vadd.f32 $1.000000000e+00, v54  }
0x2cd: {  	v3 =	vmul.f32 $1.442695020e+00, v55;
	v1 =	vmul.f32 v1, v0  }
0x2ce: {  	(erf) = vrcp.f32 v2  }
0x2cf: {  	v1 =	vadd.f32 $-9.237501020e-02, v1;
	(erf) = vpow2.f32 v3;
	_ =	sdelay $0x1  }
0x2d0: {  	v1 =	vmul.f32 v1, v0;
	_ =	sdelay $0x1  }
0x2d1: {  	v1 =	vadd.f32 $1.599719230e-01, v1;
	_ =	sdelay $0x1  }
0x2d2: {  	v1 =	vmul.f32 v1, v0;
	_ =	sdelay $0x1  }
0x2d3: {  	v1 =	vadd.f32 $-2.351941170e-01, v1;
	v2 =	vpop (erf)  }
0x2d4: {  	v3 =	vpop (erf)  }
0x2d5: {  	v1 =	vmul.f32 v1, v0;
	v3 =	vadd.f32 $1.000000000e+00, v3;
	_ =	sdelay $0x1  }
0x2d6: {  	v1 =	vadd.f32 $3.298877180e-01, v1;
	(erf) = vrcp.f32 v3;
	_ =	sdelay $0x1  }
0x2d7: {  	v1 =	vmul.f32 v1, v0;
	_ =	sdelay $0x1  }
0x2d8: {  	v1 =	vadd.f32 $-4.995555580e-01, v1;
	_ =	sdelay $0x1  }
0x2d9: {  	v1 =	vmul.f32 v1, v0;
	_ =	sdelay $0x1  }
0x2da: {  	v56 =	vld [tilespmem:$0xDD0];
	v1 =	vadd.f32 $9.999747270e-01, v1  }
0x2db: {  	v57 =	vpop (erf)  }
0x2dc: {  	v0 =	vmul.f32 v1, v0;
	v4 =	vadd.f32 v57, v57;
	_ =	sdelay $0x1  }
0x2dd: {  	v0 =	vadd.f32 $3.596020970e-07, v0;
	v58 =	vsub.f32 $1.000000000e+00, v4  }
0x2de: {  	v59 =	vand.u32 $0xFFFF0000, v56;
	v3 =	vshll.u32 v56, $0x10  }
0x2df: {  	v61 =	vld [tilespmem:$0xBD0];
	v60 =	vsub.f32 $1.000000000e+00, v2;
	v0 =	vmul.f32 v3, v0;
	v1 =	vmul.f32 v59, v58  }
0x2e0: {  	v62 =	vld [tilespmem:$0x4E0]  }
0x2e1: {  	v0 =	vmul.f32 v0, v2;
	v1 =	vmul.f32 v1, v60;
	_ =	sdelay $0x1  }
0x2e2: {  	v0 =	vadd.f32 v0, v1;
	_ =	sdelay $0x1  }
0x2e3: {  	[tilespmem:$0x11D0] =	vst v2;
	v1 =	vmul.f32 v0, v61  }
0x2e4: {  	[tilespmem:$0x13D0] =	vst v0  }
0x2e5: {  	[tilespmem:$0xFD0] =	vst v1  }
0x2e6: {  	v0 =	vld.idx.msk [tilespmem:v62+s18+$0x0], $0xffff;
	_ =	sdelay $0x4  }
0x2e7: {  	v0 =	vadd.f32 $9.999999970e-07, v0;
	_ =	sdelay $0x1  }
0x2e8: {  	(erf) = vrcp.f32 v0;
	_ =	sdelay $0x4  }
0x2e9: {  	v63 =	vld [tilespmem:$0x6E0];
	_ =	sdelay $0x3  }
0x2ea: {  	v4 =	vpop (erf)  }
0x2eb: {  	v0 =	vmul.f32 v4, v63;
	_ =	sdelay $0x1  }
0x2ec: {  	v1 =	vadd.f32 $-1.000000000e+00, v0;
	_ =	sdelay $0x1  }
0x2ed: {  	v1 =	vmul.f32 $-1.000000000e+01, v1;
	_ =	sdelay $0x1  }
0x2ee: {  	v1 =	vmul.f32 $1.442695020e+00, v1  }
0x2ef: {  	v5 =	vmul.f32 $1.891586430e-04, v0  }
0x2f0: {  	(erf) = vpow2.f32 v1  }
0x2f1: {  	v6 =	vsub.f32 $2.283966400e-03, v5;
	_ =	sdelay $0x1  }
0x2f2: {  	v1 =	vmul.f32 v6, v0;
	_ =	sdelay $0x1  }
0x2f3: {  	v1 =	vadd.f32 $-1.241973420e-02, v1;
	_ =	sdelay $0x1  }
0x2f4: {  	v1 =	vmul.f32 v1, v0;
	_ =	sdelay $0x1  }
0x2f5: {  	v8 =	vadd.f32 v0, v0;
	v1 =	vadd.f32 $4.076208920e-02, v1;
	v7 =	vpop (erf)  }
0x2f6: {  	v2 =	vadd.f32 $1.000000000e+00, v7  }
0x2f7: {  	v3 =	vmul.f32 $1.442695020e+00, v8;
	v1 =	vmul.f32 v1, v0  }
0x2f8: {  	(erf) = vrcp.f32 v2  }
0x2f9: {  	v1 =	vadd.f32 $-9.237501020e-02, v1;
	(erf) = vpow2.f32 v3;
	_ =	sdelay $0x1  }
0x2fa: {  	v1 =	vmul.f32 v1, v0;
	_ =	sdelay $0x1  }
0x2fb: {  	v1 =	vadd.f32 $1.599719230e-01, v1;
	_ =	sdelay $0x1  }
0x2fc: {  	v1 =	vmul.f32 v1, v0;
	_ =	sdelay $0x1  }
0x2fd: {  	v1 =	vadd.f32 $-2.351941170e-01, v1;
	v2 =	vpop (erf)  }
0x2fe: {  	v3 =	vpop (erf)  }
0x2ff: {  	v1 =	vmul.f32 v1, v0;
	v3 =	vadd.f32 $1.000000000e+00, v3;
	_ =	sdelay $0x1  }
0x300: {  	v1 =	vadd.f32 $3.298877180e-01, v1;
	(erf) = vrcp.f32 v3;
	_ =	sdelay $0x1  }
0x301: {  	v1 =	vmul.f32 v1, v0;
	_ =	sdelay $0x1  }
0x302: {  	v1 =	vadd.f32 $-4.995555580e-01, v1;
	_ =	sdelay $0x1  }
0x303: {  	v1 =	vmul.f32 v1, v0;
	_ =	sdelay $0x1  }
0x304: {  	v9 =	vld [tilespmem:$0xDE0];
	v1 =	vadd.f32 $9.999747270e-01, v1  }
0x305: {  	v10 =	vpop (erf)  }
0x306: {  	v0 =	vmul.f32 v1, v0;
	v4 =	vadd.f32 v10, v10;
	_ =	sdelay $0x1  }
0x307: {  	v0 =	vadd.f32 $3.596020970e-07, v0;
	v11 =	vsub.f32 $1.000000000e+00, v4  }
0x308: {  	v12 =	vand.u32 $0xFFFF0000, v9;
	v3 =	vshll.u32 v9, $0x10  }
0x309: {  	v14 =	vld [tilespmem:$0xBE0];
	v13 =	vsub.f32 $1.000000000e+00, v2;
	v0 =	vmul.f32 v3, v0;
	v1 =	vmul.f32 v12, v11  }
0x30a: {  	v15 =	vld [tilespmem:$0x4F0]  }
0x30b: {  	v0 =	vmul.f32 v0, v2;
	v1 =	vmul.f32 v1, v13;
	_ =	sdelay $0x1  }
0x30c: {  	v0 =	vadd.f32 v0, v1;
	_ =	sdelay $0x1  }
0x30d: {  	[tilespmem:$0x11E0] =	vst v2;
	v1 =	vmul.f32 v0, v14  }
0x30e: {  	[tilespmem:$0x13E0] =	vst v0  }
0x30f: {  	[tilespmem:$0xFE0] =	vst v1  }
0x310: {  	v0 =	vld.idx.msk [tilespmem:v15+s18+$0x0], $0xffff;
	_ =	sdelay $0x4  }
0x311: {  	v0 =	vadd.f32 $9.999999970e-07, v0;
	_ =	sdelay $0x1  }
0x312: {  	(erf) = vrcp.f32 v0;
	_ =	sdelay $0x4  }
0x313: {  	v16 =	vld [tilespmem:$0x6F0];
	_ =	sdelay $0x3  }
0x314: {  	v17 =	vpop (erf)  }
0x315: {  	v0 =	vmul.f32 v17, v16;
	_ =	sdelay $0x1  }
0x316: {  	v1 =	vadd.f32 $-1.000000000e+00, v0;
	_ =	sdelay $0x1  }
0x317: {  	v1 =	vmul.f32 $-1.000000000e+01, v1;
	_ =	sdelay $0x1  }
0x318: {  	v1 =	vmul.f32 $1.442695020e+00, v1  }
0x319: {  	v18 =	vmul.f32 $1.891586430e-04, v0  }
0x31a: {  	(erf) = vpow2.f32 v1  }
0x31b: {  	v19 =	vsub.f32 $2.283966400e-03, v18;
	_ =	sdelay $0x1  }
0x31c: {  	v1 =	vmul.f32 v19, v0;
	_ =	sdelay $0x1  }
0x31d: {  	v1 =	vadd.f32 $-1.241973420e-02, v1;
	_ =	sdelay $0x1  }
0x31e: {  	v1 =	vmul.f32 v1, v0;
	_ =	sdelay $0x1  }
0x31f: {  	v21 =	vadd.f32 v0, v0;
	v1 =	vadd.f32 $4.076208920e-02, v1;
	v20 =	vpop (erf)  }
0x320: {  	v2 =	vadd.f32 $1.000000000e+00, v20  }
0x321: {  	v3 =	vmul.f32 $1.442695020e+00, v21;
	v1 =	vmul.f32 v1, v0  }
0x322: {  	(erf) = vrcp.f32 v2  }
0x323: {  	v1 =	vadd.f32 $-9.237501020e-02, v1;
	(erf) = vpow2.f32 v3;
	_ =	sdelay $0x1  }
0x324: {  	v1 =	vmul.f32 v1, v0;
	_ =	sdelay $0x1  }
0x325: {  	v1 =	vadd.f32 $1.599719230e-01, v1;
	_ =	sdelay $0x1  }
0x326: {  	v1 =	vmul.f32 v1, v0;
	_ =	sdelay $0x1  }
0x327: {  	v1 =	vadd.f32 $-2.351941170e-01, v1;
	v2 =	vpop (erf)  }
0x328: {  	v3 =	vpop (erf)  }
0x329: {  	v1 =	vmul.f32 v1, v0;
	v3 =	vadd.f32 $1.000000000e+00, v3;
	_ =	sdelay $0x1  }
0x32a: {  	v1 =	vadd.f32 $3.298877180e-01, v1;
	(erf) = vrcp.f32 v3;
	_ =	sdelay $0x1  }
0x32b: {  	v1 =	vmul.f32 v1, v0;
	_ =	sdelay $0x1  }
0x32c: {  	v1 =	vadd.f32 $-4.995555580e-01, v1;
	_ =	sdelay $0x1  }
0x32d: {  	v1 =	vmul.f32 v1, v0;
	_ =	sdelay $0x1  }
0x32e: {  	v22 =	vld [tilespmem:$0xDF0];
	v1 =	vadd.f32 $9.999747270e-01, v1  }
0x32f: {  	v23 =	vpop (erf)  }
0x330: {  	v0 =	vmul.f32 v1, v0;
	v4 =	vadd.f32 v23, v23;
	_ =	sdelay $0x1  }
0x331: {  	v0 =	vadd.f32 $3.596020970e-07, v0;
	v24 =	vsub.f32 $1.000000000e+00, v4  }
0x332: {  	v25 =	vand.u32 $0xFFFF0000, v22;
	v3 =	vshll.u32 v22, $0x10  }
0x333: {  	v27 =	vld [tilespmem:$0xBF0];
	v26 =	vsub.f32 $1.000000000e+00, v2;
	v0 =	vmul.f32 v3, v0;
	v1 =	vmul.f32 v25, v24  }
0x334: {  	v28 =	vld [tilespmem:$0x500]  }
0x335: {  	v0 =	vmul.f32 v0, v2;
	v1 =	vmul.f32 v1, v26;
	_ =	sdelay $0x1  }
0x336: {  	v0 =	vadd.f32 v0, v1;
	_ =	sdelay $0x1  }
0x337: {  	[tilespmem:$0x11F0] =	vst v2;
	v1 =	vmul.f32 v0, v27  }
0x338: {  	[tilespmem:$0x13F0] =	vst v0  }
0x339: {  	[tilespmem:$0xFF0] =	vst v1  }
0x33a: {  	v0 =	vld.idx.msk [tilespmem:v28+s18+$0x0], $0xffff;
	_ =	sdelay $0x4  }
0x33b: {  	v0 =	vadd.f32 $9.999999970e-07, v0;
	_ =	sdelay $0x1  }
0x33c: {  	(erf) = vrcp.f32 v0;
	_ =	sdelay $0x4  }
0x33d: {  	v29 =	vld [tilespmem:$0x700];
	_ =	sdelay $0x3  }
0x33e: {  	v30 =	vpop (erf)  }
0x33f: {  	v0 =	vmul.f32 v30, v29;
	_ =	sdelay $0x1  }
0x340: {  	v1 =	vadd.f32 $-1.000000000e+00, v0;
	_ =	sdelay $0x1  }
0x341: {  	v1 =	vmul.f32 $-1.000000000e+01, v1;
	_ =	sdelay $0x1  }
0x342: {  	v1 =	vmul.f32 $1.442695020e+00, v1  }
0x343: {  	v31 =	vmul.f32 $1.891586430e-04, v0  }
0x344: {  	(erf) = vpow2.f32 v1  }
0x345: {  	v32 =	vsub.f32 $2.283966400e-03, v31;
	_ =	sdelay $0x1  }
0x346: {  	v1 =	vmul.f32 v32, v0;
	_ =	sdelay $0x1  }
0x347: {  	v1 =	vadd.f32 $-1.241973420e-02, v1;
	_ =	sdelay $0x1  }
0x348: {  	v1 =	vmul.f32 v1, v0;
	_ =	sdelay $0x1  }
0x349: {  	v34 =	vadd.f32 v0, v0;
	v1 =	vadd.f32 $4.076208920e-02, v1;
	v33 =	vpop (erf)  }
0x34a: {  	v2 =	vadd.f32 $1.000000000e+00, v33  }
0x34b: {  	v3 =	vmul.f32 $1.442695020e+00, v34;
	v1 =	vmul.f32 v1, v0  }
0x34c: {  	(erf) = vrcp.f32 v2  }
0x34d: {  	v1 =	vadd.f32 $-9.237501020e-02, v1;
	(erf) = vpow2.f32 v3;
	_ =	sdelay $0x1  }
0x34e: {  	v1 =	vmul.f32 v1, v0;
	_ =	sdelay $0x1  }
0x34f: {  	v1 =	vadd.f32 $1.599719230e-01, v1;
	_ =	sdelay $0x1  }
0x350: {  	v1 =	vmul.f32 v1, v0;
	_ =	sdelay $0x1  }
0x351: {  	v1 =	vadd.f32 $-2.351941170e-01, v1;
	v2 =	vpop (erf)  }
0x352: {  	v3 =	vpop (erf)  }
0x353: {  	v1 =	vmul.f32 v1, v0;
	v3 =	vadd.f32 $1.000000000e+00, v3;
	_ =	sdelay $0x1  }
0x354: {  	v1 =	vadd.f32 $3.298877180e-01, v1;
	(erf) = vrcp.f32 v3;
	_ =	sdelay $0x1  }
0x355: {  	v1 =	vmul.f32 v1, v0;
	_ =	sdelay $0x1  }
0x356: {  	v1 =	vadd.f32 $-4.995555580e-01, v1;
	_ =	sdelay $0x1  }
0x357: {  	v1 =	vmul.f32 v1, v0;
	_ =	sdelay $0x1  }
0x358: {  	v35 =	vld [tilespmem:$0xE00];
	v1 =	vadd.f32 $9.999747270e-01, v1  }
0x359: {  	v36 =	vpop (erf)  }
0x35a: {  	v0 =	vmul.f32 v1, v0;
	v4 =	vadd.f32 v36, v36;
	_ =	sdelay $0x1  }
0x35b: {  	v0 =	vadd.f32 $3.596020970e-07, v0;
	v37 =	vsub.f32 $1.000000000e+00, v4  }
0x35c: {  	v38 =	vand.u32 $0xFFFF0000, v35;
	v3 =	vshll.u32 v35, $0x10  }
0x35d: {  	v40 =	vld [tilespmem:$0xC00];
	v39 =	vsub.f32 $1.000000000e+00, v2;
	v0 =	vmul.f32 v3, v0;
	v1 =	vmul.f32 v38, v37  }
0x35e: {  	v41 =	vld [tilespmem:$0x510]  }
0x35f: {  	v0 =	vmul.f32 v0, v2;
	v1 =	vmul.f32 v1, v39;
	_ =	sdelay $0x1  }
0x360: {  	v0 =	vadd.f32 v0, v1;
	_ =	sdelay $0x1  }
0x361: {  	[tilespmem:$0x1200] =	vst v2;
	v1 =	vmul.f32 v0, v40  }
0x362: {  	[tilespmem:$0x1400] =	vst v0  }
0x363: {  	[tilespmem:$0x1000] =	vst v1  }
0x364: {  	v0 =	vld.idx.msk [tilespmem:v41+s18+$0x0], $0xffff;
	_ =	sdelay $0x4  }
0x365: {  	v0 =	vadd.f32 $9.999999970e-07, v0;
	_ =	sdelay $0x1  }
0x366: {  	(erf) = vrcp.f32 v0;
	_ =	sdelay $0x4  }
0x367: {  	v42 =	vld [tilespmem:$0x710];
	_ =	sdelay $0x3  }
0x368: {  	v43 =	vpop (erf)  }
0x369: {  	v0 =	vmul.f32 v43, v42;
	_ =	sdelay $0x1  }
0x36a: {  	v1 =	vadd.f32 $-1.000000000e+00, v0;
	_ =	sdelay $0x1  }
0x36b: {  	v1 =	vmul.f32 $-1.000000000e+01, v1;
	_ =	sdelay $0x1  }
0x36c: {  	v1 =	vmul.f32 $1.442695020e+00, v1  }
0x36d: {  	v44 =	vmul.f32 $1.891586430e-04, v0  }
0x36e: {  	(erf) = vpow2.f32 v1  }
0x36f: {  	v45 =	vsub.f32 $2.283966400e-03, v44;
	_ =	sdelay $0x1  }
0x370: {  	v1 =	vmul.f32 v45, v0;
	_ =	sdelay $0x1  }
0x371: {  	v1 =	vadd.f32 $-1.241973420e-02, v1;
	_ =	sdelay $0x1  }
0x372: {  	v1 =	vmul.f32 v1, v0;
	_ =	sdelay $0x1  }
0x373: {  	v47 =	vadd.f32 v0, v0;
	v1 =	vadd.f32 $4.076208920e-02, v1;
	v46 =	vpop (erf)  }
0x374: {  	v2 =	vadd.f32 $1.000000000e+00, v46  }
0x375: {  	v3 =	vmul.f32 $1.442695020e+00, v47;
	v1 =	vmul.f32 v1, v0  }
0x376: {  	(erf) = vrcp.f32 v2  }
0x377: {  	v1 =	vadd.f32 $-9.237501020e-02, v1;
	(erf) = vpow2.f32 v3;
	_ =	sdelay $0x1  }
0x378: {  	v1 =	vmul.f32 v1, v0;
	_ =	sdelay $0x1  }
0x379: {  	v1 =	vadd.f32 $1.599719230e-01, v1;
	_ =	sdelay $0x1  }
0x37a: {  	v1 =	vmul.f32 v1, v0;
	_ =	sdelay $0x1  }
0x37b: {  	v1 =	vadd.f32 $-2.351941170e-01, v1;
	v2 =	vpop (erf)  }
0x37c: {  	v3 =	vpop (erf)  }
0x37d: {  	v1 =	vmul.f32 v1, v0;
	v3 =	vadd.f32 $1.000000000e+00, v3;
	_ =	sdelay $0x1  }
0x37e: {  	v1 =	vadd.f32 $3.298877180e-01, v1;
	(erf) = vrcp.f32 v3;
	_ =	sdelay $0x1  }
0x37f: {  	v1 =	vmul.f32 v1, v0;
	_ =	sdelay $0x1  }
0x380: {  	v1 =	vadd.f32 $-4.995555580e-01, v1;
	_ =	sdelay $0x1  }
0x381: {  	v1 =	vmul.f32 v1, v0;
	_ =	sdelay $0x1  }
0x382: {  	v48 =	vld [tilespmem:$0xE10];
	v1 =	vadd.f32 $9.999747270e-01, v1  }
0x383: {  	v49 =	vpop (erf)  }
0x384: {  	v0 =	vmul.f32 v1, v0;
	v4 =	vadd.f32 v49, v49;
	_ =	sdelay $0x1  }
0x385: {  	v0 =	vadd.f32 $3.596020970e-07, v0;
	v50 =	vsub.f32 $1.000000000e+00, v4  }
0x386: {  	v51 =	vand.u32 $0xFFFF0000, v48;
	v3 =	vshll.u32 v48, $0x10  }
0x387: {  	v53 =	vld [tilespmem:$0xC10];
	v52 =	vsub.f32 $1.000000000e+00, v2;
	v0 =	vmul.f32 v3, v0;
	v1 =	vmul.f32 v51, v50  }
0x388: {  	v54 =	vld [tilespmem:$0x520]  }
0x389: {  	v0 =	vmul.f32 v0, v2;
	v1 =	vmul.f32 v1, v52;
	_ =	sdelay $0x1  }
0x38a: {  	v0 =	vadd.f32 v0, v1;
	_ =	sdelay $0x1  }
0x38b: {  	[tilespmem:$0x1210] =	vst v2;
	v1 =	vmul.f32 v0, v53  }
0x38c: {  	[tilespmem:$0x1410] =	vst v0  }
0x38d: {  	[tilespmem:$0x1010] =	vst v1  }
0x38e: {  	v0 =	vld.idx.msk [tilespmem:v54+s18+$0x0], $0xffff;
	_ =	sdelay $0x4  }
0x38f: {  	v0 =	vadd.f32 $9.999999970e-07, v0;
	_ =	sdelay $0x1  }
0x390: {  	(erf) = vrcp.f32 v0;
	_ =	sdelay $0x4  }
0x391: {  	v55 =	vld [tilespmem:$0x720];
	_ =	sdelay $0x3  }
0x392: {  	v56 =	vpop (erf)  }
0x393: {  	v0 =	vmul.f32 v56, v55;
	_ =	sdelay $0x1  }
0x394: {  	v1 =	vadd.f32 $-1.000000000e+00, v0;
	_ =	sdelay $0x1  }
0x395: {  	v1 =	vmul.f32 $-1.000000000e+01, v1;
	_ =	sdelay $0x1  }
0x396: {  	v1 =	vmul.f32 $1.442695020e+00, v1  }
0x397: {  	v57 =	vmul.f32 $1.891586430e-04, v0  }
0x398: {  	(erf) = vpow2.f32 v1  }
0x399: {  	v58 =	vsub.f32 $2.283966400e-03, v57;
	_ =	sdelay $0x1  }
0x39a: {  	v1 =	vmul.f32 v58, v0;
	_ =	sdelay $0x1  }
0x39b: {  	v1 =	vadd.f32 $-1.241973420e-02, v1;
	_ =	sdelay $0x1  }
0x39c: {  	v1 =	vmul.f32 v1, v0;
	_ =	sdelay $0x1  }
0x39d: {  	v60 =	vadd.f32 v0, v0;
	v1 =	vadd.f32 $4.076208920e-02, v1;
	v59 =	vpop (erf)  }
0x39e: {  	v2 =	vadd.f32 $1.000000000e+00, v59  }
0x39f: {  	v3 =	vmul.f32 $1.442695020e+00, v60;
	v1 =	vmul.f32 v1, v0  }
0x3a0: {  	(erf) = vrcp.f32 v2  }
0x3a1: {  	v1 =	vadd.f32 $-9.237501020e-02, v1;
	(erf) = vpow2.f32 v3;
	_ =	sdelay $0x1  }
0x3a2: {  	v1 =	vmul.f32 v1, v0;
	_ =	sdelay $0x1  }
0x3a3: {  	v1 =	vadd.f32 $1.599719230e-01, v1;
	_ =	sdelay $0x1  }
0x3a4: {  	v1 =	vmul.f32 v1, v0;
	_ =	sdelay $0x1  }
0x3a5: {  	v1 =	vadd.f32 $-2.351941170e-01, v1;
	v2 =	vpop (erf)  }
0x3a6: {  	v3 =	vpop (erf)  }
0x3a7: {  	v1 =	vmul.f32 v1, v0;
	v3 =	vadd.f32 $1.000000000e+00, v3;
	_ =	sdelay $0x1  }
0x3a8: {  	v1 =	vadd.f32 $3.298877180e-01, v1;
	(erf) = vrcp.f32 v3;
	_ =	sdelay $0x1  }
0x3a9: {  	v1 =	vmul.f32 v1, v0;
	_ =	sdelay $0x1  }
0x3aa: {  	v1 =	vadd.f32 $-4.995555580e-01, v1;
	_ =	sdelay $0x1  }
0x3ab: {  	v1 =	vmul.f32 v1, v0;
	_ =	sdelay $0x1  }
0x3ac: {  	v61 =	vld [tilespmem:$0xE20];
	v1 =	vadd.f32 $9.999747270e-01, v1  }
0x3ad: {  	v62 =	vpop (erf)  }
0x3ae: {  	v0 =	vmul.f32 v1, v0;
	v4 =	vadd.f32 v62, v62;
	_ =	sdelay $0x1  }
0x3af: {  	v0 =	vadd.f32 $3.596020970e-07, v0;
	v63 =	vsub.f32 $1.000000000e+00, v4  }
0x3b0: {  	v8 =	vand.u32 $0xFFFF0000, v61;
	v3 =	vshll.u32 v61, $0x10  }
0x3b1: {  	v10 =	vld [tilespmem:$0xC20];
	v9 =	vsub.f32 $1.000000000e+00, v2;
	v0 =	vmul.f32 v3, v0;
	v1 =	vmul.f32 v8, v63  }
0x3b2: {  	v11 =	vld [tilespmem:$0x530]  }
0x3b3: {  	v0 =	vmul.f32 v0, v2;
	v1 =	vmul.f32 v1, v9;
	_ =	sdelay $0x1  }
0x3b4: {  	v0 =	vadd.f32 v0, v1;
	_ =	sdelay $0x1  }
0x3b5: {  	[tilespmem:$0x1220] =	vst v2;
	v1 =	vmul.f32 v0, v10  }
0x3b6: {  	[tilespmem:$0x1420] =	vst v0  }
0x3b7: {  	[tilespmem:$0x1020] =	vst v1  }
0x3b8: {  	v0 =	vld.idx.msk [tilespmem:v11+s18+$0x0], $0xffff;
	_ =	sdelay $0x4  }
0x3b9: {  	v0 =	vadd.f32 $9.999999970e-07, v0;
	_ =	sdelay $0x1  }
0x3ba: {  	(erf) = vrcp.f32 v0;
	_ =	sdelay $0x4  }
0x3bb: {  	v12 =	vld [tilespmem:$0x730];
	_ =	sdelay $0x3  }
0x3bc: {  	v13 =	vpop (erf)  }
0x3bd: {  	v0 =	vmul.f32 v13, v12;
	_ =	sdelay $0x1  }
0x3be: {  	v1 =	vadd.f32 $-1.000000000e+00, v0;
	_ =	sdelay $0x1  }
0x3bf: {  	v1 =	vmul.f32 $-1.000000000e+01, v1;
	_ =	sdelay $0x1  }
0x3c0: {  	v1 =	vmul.f32 $1.442695020e+00, v1  }
0x3c1: {  	v14 =	vmul.f32 $1.891586430e-04, v0  }
0x3c2: {  	(erf) = vpow2.f32 v1  }
0x3c3: {  	v15 =	vsub.f32 $2.283966400e-03, v14;
	_ =	sdelay $0x1  }
0x3c4: {  	v1 =	vmul.f32 v15, v0;
	_ =	sdelay $0x1  }
0x3c5: {  	v1 =	vadd.f32 $-1.241973420e-02, v1;
	_ =	sdelay $0x1  }
0x3c6: {  	v1 =	vmul.f32 v1, v0;
	_ =	sdelay $0x1  }
0x3c7: {  	v17 =	vadd.f32 v0, v0;
	v1 =	vadd.f32 $4.076208920e-02, v1;
	v16 =	vpop (erf)  }
0x3c8: {  	v2 =	vadd.f32 $1.000000000e+00, v16  }
0x3c9: {  	v3 =	vmul.f32 $1.442695020e+00, v17;
	v1 =	vmul.f32 v1, v0  }
0x3ca: {  	(erf) = vrcp.f32 v2  }
0x3cb: {  	v1 =	vadd.f32 $-9.237501020e-02, v1;
	(erf) = vpow2.f32 v3;
	_ =	sdelay $0x1  }
0x3cc: {  	v1 =	vmul.f32 v1, v0;
	_ =	sdelay $0x1  }
0x3cd: {  	v1 =	vadd.f32 $1.599719230e-01, v1;
	_ =	sdelay $0x1  }
0x3ce: {  	v1 =	vmul.f32 v1, v0;
	_ =	sdelay $0x1  }
0x3cf: {  	v1 =	vadd.f32 $-2.351941170e-01, v1;
	v2 =	vpop (erf)  }
0x3d0: {  	v3 =	vpop (erf)  }
0x3d1: {  	v1 =	vmul.f32 v1, v0;
	v3 =	vadd.f32 $1.000000000e+00, v3;
	_ =	sdelay $0x1  }
0x3d2: {  	v1 =	vadd.f32 $3.298877180e-01, v1;
	(erf) = vrcp.f32 v3;
	_ =	sdelay $0x1  }
0x3d3: {  	v1 =	vmul.f32 v1, v0;
	_ =	sdelay $0x1  }
0x3d4: {  	v1 =	vadd.f32 $-4.995555580e-01, v1;
	_ =	sdelay $0x1  }
0x3d5: {  	v1 =	vmul.f32 v1, v0;
	_ =	sdelay $0x1  }
0x3d6: {  	v18 =	vld [tilespmem:$0xE30];
	v1 =	vadd.f32 $9.999747270e-01, v1  }
0x3d7: {  	v19 =	vpop (erf)  }
0x3d8: {  	v0 =	vmul.f32 v1, v0;
	v4 =	vadd.f32 v19, v19;
	_ =	sdelay $0x1  }
0x3d9: {  	v0 =	vadd.f32 $3.596020970e-07, v0;
	v20 =	vsub.f32 $1.000000000e+00, v4  }
0x3da: {  	v21 =	vand.u32 $0xFFFF0000, v18;
	v3 =	vshll.u32 v18, $0x10  }
0x3db: {  	v23 =	vld [tilespmem:$0xC30];
	v22 =	vsub.f32 $1.000000000e+00, v2;
	v0 =	vmul.f32 v3, v0;
	v1 =	vmul.f32 v21, v20  }
0x3dc: {  	v24 =	vld [tilespmem:$0x540]  }
0x3dd: {  	v0 =	vmul.f32 v0, v2;
	v1 =	vmul.f32 v1, v22;
	_ =	sdelay $0x1  }
0x3de: {  	v0 =	vadd.f32 v0, v1;
	_ =	sdelay $0x1  }
0x3df: {  	[tilespmem:$0x1230] =	vst v2;
	v1 =	vmul.f32 v0, v23  }
0x3e0: {  	[tilespmem:$0x1430] =	vst v0  }
0x3e1: {  	[tilespmem:$0x1030] =	vst v1  }
0x3e2: {  	v0 =	vld.idx.msk [tilespmem:v24+s18+$0x0], $0xffff;
	_ =	sdelay $0x4  }
0x3e3: {  	v0 =	vadd.f32 $9.999999970e-07, v0;
	_ =	sdelay $0x1  }
0x3e4: {  	(erf) = vrcp.f32 v0;
	_ =	sdelay $0x4  }
0x3e5: {  	v25 =	vld [tilespmem:$0x740];
	_ =	sdelay $0x3  }
0x3e6: {  	v26 =	vpop (erf)  }
0x3e7: {  	v0 =	vmul.f32 v26, v25;
	_ =	sdelay $0x1  }
0x3e8: {  	v1 =	vadd.f32 $-1.000000000e+00, v0;
	_ =	sdelay $0x1  }
0x3e9: {  	v1 =	vmul.f32 $-1.000000000e+01, v1;
	_ =	sdelay $0x1  }
0x3ea: {  	v1 =	vmul.f32 $1.442695020e+00, v1  }
0x3eb: {  	v27 =	vmul.f32 $1.891586430e-04, v0  }
0x3ec: {  	(erf) = vpow2.f32 v1  }
0x3ed: {  	v28 =	vsub.f32 $2.283966400e-03, v27;
	_ =	sdelay $0x1  }
0x3ee: {  	v1 =	vmul.f32 v28, v0;
	_ =	sdelay $0x1  }
0x3ef: {  	v1 =	vadd.f32 $-1.241973420e-02, v1;
	_ =	sdelay $0x1  }
0x3f0: {  	v1 =	vmul.f32 v1, v0;
	_ =	sdelay $0x1  }
0x3f1: {  	v30 =	vadd.f32 v0, v0;
	v1 =	vadd.f32 $4.076208920e-02, v1;
	v29 =	vpop (erf)  }
0x3f2: {  	v2 =	vadd.f32 $1.000000000e+00, v29  }
0x3f3: {  	v3 =	vmul.f32 $1.442695020e+00, v30;
	v1 =	vmul.f32 v1, v0  }
0x3f4: {  	(erf) = vrcp.f32 v2  }
0x3f5: {  	v1 =	vadd.f32 $-9.237501020e-02, v1;
	(erf) = vpow2.f32 v3;
	_ =	sdelay $0x1  }
0x3f6: {  	v1 =	vmul.f32 v1, v0;
	_ =	sdelay $0x1  }
0x3f7: {  	v1 =	vadd.f32 $1.599719230e-01, v1;
	_ =	sdelay $0x1  }
0x3f8: {  	v1 =	vmul.f32 v1, v0;
	_ =	sdelay $0x1  }
0x3f9: {  	v1 =	vadd.f32 $-2.351941170e-01, v1;
	v2 =	vpop (erf)  }
0x3fa: {  	v3 =	vpop (erf)  }
0x3fb: {  	v1 =	vmul.f32 v1, v0;
	v3 =	vadd.f32 $1.000000000e+00, v3;
	_ =	sdelay $0x1  }
0x3fc: {  	v1 =	vadd.f32 $3.298877180e-01, v1;
	(erf) = vrcp.f32 v3;
	_ =	sdelay $0x1  }
0x3fd: {  	v1 =	vmul.f32 v1, v0;
	_ =	sdelay $0x1  }
0x3fe: {  	v1 =	vadd.f32 $-4.995555580e-01, v1;
	_ =	sdelay $0x1  }
0x3ff: {  	v1 =	vmul.f32 v1, v0;
	_ =	sdelay $0x1  }
0x400: {  	v31 =	vld [tilespmem:$0xE40];
	v1 =	vadd.f32 $9.999747270e-01, v1  }
0x401: {  	v32 =	vpop (erf)  }
0x402: {  	v0 =	vmul.f32 v1, v0;
	v4 =	vadd.f32 v32, v32;
	_ =	sdelay $0x1  }
0x403: {  	v0 =	vadd.f32 $3.596020970e-07, v0;
	v33 =	vsub.f32 $1.000000000e+00, v4  }
0x404: {  	v34 =	vand.u32 $0xFFFF0000, v31;
	v3 =	vshll.u32 v31, $0x10  }
0x405: {  	v36 =	vld [tilespmem:$0xC40];
	v35 =	vsub.f32 $1.000000000e+00, v2;
	v0 =	vmul.f32 v3, v0;
	v1 =	vmul.f32 v34, v33  }
0x406: {  	v37 =	vld [tilespmem:$0x550]  }
0x407: {  	v0 =	vmul.f32 v0, v2;
	v1 =	vmul.f32 v1, v35;
	_ =	sdelay $0x1  }
0x408: {  	v0 =	vadd.f32 v0, v1;
	_ =	sdelay $0x1  }
0x409: {  	[tilespmem:$0x1240] =	vst v2;
	v1 =	vmul.f32 v0, v36  }
0x40a: {  	[tilespmem:$0x1440] =	vst v0  }
0x40b: {  	[tilespmem:$0x1040] =	vst v1  }
0x40c: {  	v0 =	vld.idx.msk [tilespmem:v37+s18+$0x0], $0xffff;
	_ =	sdelay $0x4  }
0x40d: {  	v0 =	vadd.f32 $9.999999970e-07, v0;
	_ =	sdelay $0x1  }
0x40e: {  	(erf) = vrcp.f32 v0;
	_ =	sdelay $0x4  }
0x40f: {  	v38 =	vld [tilespmem:$0x750];
	_ =	sdelay $0x3  }
0x410: {  	v39 =	vpop (erf)  }
0x411: {  	v0 =	vmul.f32 v39, v38;
	_ =	sdelay $0x1  }
0x412: {  	v1 =	vadd.f32 $-1.000000000e+00, v0;
	_ =	sdelay $0x1  }
0x413: {  	v1 =	vmul.f32 $-1.000000000e+01, v1;
	_ =	sdelay $0x1  }
0x414: {  	v1 =	vmul.f32 $1.442695020e+00, v1  }
0x415: {  	v40 =	vmul.f32 $1.891586430e-04, v0  }
0x416: {  	(erf) = vpow2.f32 v1  }
0x417: {  	v41 =	vsub.f32 $2.283966400e-03, v40;
	_ =	sdelay $0x1  }
0x418: {  	v1 =	vmul.f32 v41, v0;
	_ =	sdelay $0x1  }
0x419: {  	v1 =	vadd.f32 $-1.241973420e-02, v1;
	_ =	sdelay $0x1  }
0x41a: {  	v1 =	vmul.f32 v1, v0;
	_ =	sdelay $0x1  }
0x41b: {  	v43 =	vadd.f32 v0, v0;
	v1 =	vadd.f32 $4.076208920e-02, v1;
	v42 =	vpop (erf)  }
0x41c: {  	v2 =	vadd.f32 $1.000000000e+00, v42  }
0x41d: {  	v3 =	vmul.f32 $1.442695020e+00, v43;
	v1 =	vmul.f32 v1, v0  }
0x41e: {  	(erf) = vrcp.f32 v2  }
0x41f: {  	v1 =	vadd.f32 $-9.237501020e-02, v1;
	(erf) = vpow2.f32 v3;
	_ =	sdelay $0x1  }
0x420: {  	v1 =	vmul.f32 v1, v0;
	_ =	sdelay $0x1  }
0x421: {  	v1 =	vadd.f32 $1.599719230e-01, v1;
	_ =	sdelay $0x1  }
0x422: {  	v1 =	vmul.f32 v1, v0;
	_ =	sdelay $0x1  }
0x423: {  	v1 =	vadd.f32 $-2.351941170e-01, v1;
	v2 =	vpop (erf)  }
0x424: {  	v3 =	vpop (erf)  }
0x425: {  	v1 =	vmul.f32 v1, v0;
	v3 =	vadd.f32 $1.000000000e+00, v3;
	_ =	sdelay $0x1  }
0x426: {  	v1 =	vadd.f32 $3.298877180e-01, v1;
	(erf) = vrcp.f32 v3;
	_ =	sdelay $0x1  }
0x427: {  	v1 =	vmul.f32 v1, v0;
	_ =	sdelay $0x1  }
0x428: {  	v1 =	vadd.f32 $-4.995555580e-01, v1;
	_ =	sdelay $0x1  }
0x429: {  	v1 =	vmul.f32 v1, v0;
	_ =	sdelay $0x1  }
0x42a: {  	v44 =	vld [tilespmem:$0xE50];
	v1 =	vadd.f32 $9.999747270e-01, v1  }
0x42b: {  	v45 =	vpop (erf)  }
0x42c: {  	v0 =	vmul.f32 v1, v0;
	v4 =	vadd.f32 v45, v45;
	_ =	sdelay $0x1  }
0x42d: {  	v0 =	vadd.f32 $3.596020970e-07, v0;
	v46 =	vsub.f32 $1.000000000e+00, v4  }
0x42e: {  	v47 =	vand.u32 $0xFFFF0000, v44;
	v3 =	vshll.u32 v44, $0x10  }
0x42f: {  	v49 =	vld [tilespmem:$0xC50];
	v48 =	vsub.f32 $1.000000000e+00, v2;
	v0 =	vmul.f32 v3, v0;
	v1 =	vmul.f32 v47, v46  }
0x430: {  	v50 =	vld [tilespmem:$0x560]  }
0x431: {  	v0 =	vmul.f32 v0, v2;
	v1 =	vmul.f32 v1, v48;
	_ =	sdelay $0x1  }
0x432: {  	v0 =	vadd.f32 v0, v1;
	_ =	sdelay $0x1  }
0x433: {  	[tilespmem:$0x1250] =	vst v2;
	v1 =	vmul.f32 v0, v49  }
0x434: {  	[tilespmem:$0x1450] =	vst v0  }
0x435: {  	[tilespmem:$0x1050] =	vst v1  }
0x436: {  	v0 =	vld.idx.msk [tilespmem:v50+s18+$0x0], $0xffff;
	_ =	sdelay $0x4  }
0x437: {  	v0 =	vadd.f32 $9.999999970e-07, v0;
	_ =	sdelay $0x1  }
0x438: {  	(erf) = vrcp.f32 v0;
	_ =	sdelay $0x4  }
0x439: {  	v51 =	vld [tilespmem:$0x760];
	_ =	sdelay $0x3  }
0x43a: {  	v52 =	vpop (erf)  }
0x43b: {  	v0 =	vmul.f32 v52, v51;
	_ =	sdelay $0x1  }
0x43c: {  	v1 =	vadd.f32 $-1.000000000e+00, v0;
	_ =	sdelay $0x1  }
0x43d: {  	v1 =	vmul.f32 $-1.000000000e+01, v1;
	_ =	sdelay $0x1  }
0x43e: {  	v1 =	vmul.f32 $1.442695020e+00, v1  }
0x43f: {  	v53 =	vmul.f32 $1.891586430e-04, v0  }
0x440: {  	(erf) = vpow2.f32 v1  }
0x441: {  	v54 =	vsub.f32 $2.283966400e-03, v53;
	_ =	sdelay $0x1  }
0x442: {  	v1 =	vmul.f32 v54, v0;
	_ =	sdelay $0x1  }
0x443: {  	v1 =	vadd.f32 $-1.241973420e-02, v1;
	_ =	sdelay $0x1  }
0x444: {  	v1 =	vmul.f32 v1, v0;
	_ =	sdelay $0x1  }
0x445: {  	v56 =	vadd.f32 v0, v0;
	v1 =	vadd.f32 $4.076208920e-02, v1;
	v55 =	vpop (erf)  }
0x446: {  	v2 =	vadd.f32 $1.000000000e+00, v55  }
0x447: {  	v3 =	vmul.f32 $1.442695020e+00, v56;
	v1 =	vmul.f32 v1, v0  }
0x448: {  	(erf) = vrcp.f32 v2  }
0x449: {  	v1 =	vadd.f32 $-9.237501020e-02, v1;
	(erf) = vpow2.f32 v3;
	_ =	sdelay $0x1  }
0x44a: {  	v1 =	vmul.f32 v1, v0;
	_ =	sdelay $0x1  }
0x44b: {  	v1 =	vadd.f32 $1.599719230e-01, v1;
	_ =	sdelay $0x1  }
0x44c: {  	v1 =	vmul.f32 v1, v0;
	_ =	sdelay $0x1  }
0x44d: {  	v1 =	vadd.f32 $-2.351941170e-01, v1;
	v2 =	vpop (erf)  }
0x44e: {  	v3 =	vpop (erf)  }
0x44f: {  	v1 =	vmul.f32 v1, v0;
	v3 =	vadd.f32 $1.000000000e+00, v3;
	_ =	sdelay $0x1  }
0x450: {  	v1 =	vadd.f32 $3.298877180e-01, v1;
	(erf) = vrcp.f32 v3;
	_ =	sdelay $0x1  }
0x451: {  	v1 =	vmul.f32 v1, v0;
	_ =	sdelay $0x1  }
0x452: {  	v1 =	vadd.f32 $-4.995555580e-01, v1;
	_ =	sdelay $0x1  }
0x453: {  	v1 =	vmul.f32 v1, v0;
	_ =	sdelay $0x1  }
0x454: {  	v57 =	vld [tilespmem:$0xE60];
	v1 =	vadd.f32 $9.999747270e-01, v1  }
0x455: {  	v58 =	vpop (erf)  }
0x456: {  	v0 =	vmul.f32 v1, v0;
	v4 =	vadd.f32 v58, v58;
	_ =	sdelay $0x1  }
0x457: {  	v0 =	vadd.f32 $3.596020970e-07, v0;
	v59 =	vsub.f32 $1.000000000e+00, v4  }
0x458: {  	v60 =	vand.u32 $0xFFFF0000, v57;
	v3 =	vshll.u32 v57, $0x10  }
0x459: {  	v62 =	vld [tilespmem:$0xC60];
	v61 =	vsub.f32 $1.000000000e+00, v2;
	v0 =	vmul.f32 v3, v0;
	v1 =	vmul.f32 v60, v59  }
0x45a: {  	v63 =	vld [tilespmem:$0x570]  }
0x45b: {  	v0 =	vmul.f32 v0, v2;
	v1 =	vmul.f32 v1, v61;
	_ =	sdelay $0x1  }
0x45c: {  	v0 =	vadd.f32 v0, v1;
	_ =	sdelay $0x1  }
0x45d: {  	[tilespmem:$0x1260] =	vst v2;
	v1 =	vmul.f32 v0, v62  }
0x45e: {  	[tilespmem:$0x1460] =	vst v0  }
0x45f: {  	[tilespmem:$0x1060] =	vst v1  }
0x460: {  	v0 =	vld.idx.msk [tilespmem:v63+s18+$0x0], $0xffff;
	_ =	sdelay $0x4  }
0x461: {  	v0 =	vadd.f32 $9.999999970e-07, v0;
	_ =	sdelay $0x1  }
0x462: {  	(erf) = vrcp.f32 v0;
	_ =	sdelay $0x4  }
0x463: {  	v4 =	vld [tilespmem:$0x770];
	_ =	sdelay $0x3  }
0x464: {  	v5 =	vpop (erf)  }
0x465: {  	v0 =	vmul.f32 v5, v4;
	_ =	sdelay $0x1  }
0x466: {  	v1 =	vadd.f32 $-1.000000000e+00, v0;
	_ =	sdelay $0x1  }
0x467: {  	v1 =	vmul.f32 $-1.000000000e+01, v1;
	_ =	sdelay $0x1  }
0x468: {  	v1 =	vmul.f32 $1.442695020e+00, v1  }
0x469: {  	v6 =	vmul.f32 $1.891586430e-04, v0  }
0x46a: {  	(erf) = vpow2.f32 v1  }
0x46b: {  	v7 =	vsub.f32 $2.283966400e-03, v6;
	_ =	sdelay $0x1  }
0x46c: {  	v1 =	vmul.f32 v7, v0;
	_ =	sdelay $0x1  }
0x46d: {  	v1 =	vadd.f32 $-1.241973420e-02, v1;
	_ =	sdelay $0x1  }
0x46e: {  	v1 =	vmul.f32 v1, v0;
	_ =	sdelay $0x1  }
0x46f: {  	v9 =	vadd.f32 v0, v0;
	v1 =	vadd.f32 $4.076208920e-02, v1;
	v8 =	vpop (erf)  }
0x470: {  	v2 =	vadd.f32 $1.000000000e+00, v8  }
0x471: {  	v3 =	vmul.f32 $1.442695020e+00, v9;
	v1 =	vmul.f32 v1, v0  }
0x472: {  	(erf) = vrcp.f32 v2  }
0x473: {  	v1 =	vadd.f32 $-9.237501020e-02, v1;
	(erf) = vpow2.f32 v3;
	_ =	sdelay $0x1  }
0x474: {  	v1 =	vmul.f32 v1, v0;
	_ =	sdelay $0x1  }
0x475: {  	v1 =	vadd.f32 $1.599719230e-01, v1;
	_ =	sdelay $0x1  }
0x476: {  	v1 =	vmul.f32 v1, v0;
	_ =	sdelay $0x1  }
0x477: {  	v1 =	vadd.f32 $-2.351941170e-01, v1;
	v2 =	vpop (erf)  }
0x478: {  	v3 =	vpop (erf)  }
0x479: {  	v1 =	vmul.f32 v1, v0;
	v3 =	vadd.f32 $1.000000000e+00, v3;
	_ =	sdelay $0x1  }
0x47a: {  	v1 =	vadd.f32 $3.298877180e-01, v1;
	(erf) = vrcp.f32 v3;
	_ =	sdelay $0x1  }
0x47b: {  	v1 =	vmul.f32 v1, v0;
	_ =	sdelay $0x1  }
0x47c: {  	v1 =	vadd.f32 $-4.995555580e-01, v1;
	_ =	sdelay $0x1  }
0x47d: {  	v1 =	vmul.f32 v1, v0;
	_ =	sdelay $0x1  }
0x47e: {  	v10 =	vld [tilespmem:$0xE70];
	v1 =	vadd.f32 $9.999747270e-01, v1  }
0x47f: {  	v11 =	vpop (erf)  }
0x480: {  	v0 =	vmul.f32 v1, v0;
	v4 =	vadd.f32 v11, v11;
	_ =	sdelay $0x1  }
0x481: {  	v0 =	vadd.f32 $3.596020970e-07, v0;
	v12 =	vsub.f32 $1.000000000e+00, v4  }
0x482: {  	v13 =	vand.u32 $0xFFFF0000, v10;
	v3 =	vshll.u32 v10, $0x10  }
0x483: {  	v15 =	vld [tilespmem:$0xC70];
	v14 =	vsub.f32 $1.000000000e+00, v2;
	v0 =	vmul.f32 v3, v0;
	v1 =	vmul.f32 v13, v12  }
0x484: {  	v16 =	vld [tilespmem:$0x580]  }
0x485: {  	v0 =	vmul.f32 v0, v2;
	v1 =	vmul.f32 v1, v14;
	_ =	sdelay $0x1  }
0x486: {  	v0 =	vadd.f32 v0, v1;
	_ =	sdelay $0x1  }
0x487: {  	[tilespmem:$0x1270] =	vst v2;
	v1 =	vmul.f32 v0, v15  }
0x488: {  	[tilespmem:$0x1470] =	vst v0  }
0x489: {  	[tilespmem:$0x1070] =	vst v1  }
0x48a: {  	v0 =	vld.idx.msk [tilespmem:v16+s18+$0x0], $0xffff;
	_ =	sdelay $0x4  }
0x48b: {  	v0 =	vadd.f32 $9.999999970e-07, v0;
	_ =	sdelay $0x1  }
0x48c: {  	(erf) = vrcp.f32 v0;
	_ =	sdelay $0x4  }
0x48d: {  	v17 =	vld [tilespmem:$0x780];
	_ =	sdelay $0x3  }
0x48e: {  	v18 =	vpop (erf)  }
0x48f: {  	v0 =	vmul.f32 v18, v17;
	_ =	sdelay $0x1  }
0x490: {  	v1 =	vadd.f32 $-1.000000000e+00, v0;
	_ =	sdelay $0x1  }
0x491: {  	v1 =	vmul.f32 $-1.000000000e+01, v1;
	_ =	sdelay $0x1  }
0x492: {  	v1 =	vmul.f32 $1.442695020e+00, v1  }
0x493: {  	v19 =	vmul.f32 $1.891586430e-04, v0  }
0x494: {  	(erf) = vpow2.f32 v1  }
0x495: {  	v20 =	vsub.f32 $2.283966400e-03, v19;
	_ =	sdelay $0x1  }
0x496: {  	v1 =	vmul.f32 v20, v0;
	_ =	sdelay $0x1  }
0x497: {  	v1 =	vadd.f32 $-1.241973420e-02, v1;
	_ =	sdelay $0x1  }
0x498: {  	v1 =	vmul.f32 v1, v0;
	_ =	sdelay $0x1  }
0x499: {  	v22 =	vadd.f32 v0, v0;
	v1 =	vadd.f32 $4.076208920e-02, v1;
	v21 =	vpop (erf)  }
0x49a: {  	v2 =	vadd.f32 $1.000000000e+00, v21  }
0x49b: {  	v3 =	vmul.f32 $1.442695020e+00, v22;
	v1 =	vmul.f32 v1, v0  }
0x49c: {  	(erf) = vrcp.f32 v2  }
0x49d: {  	v1 =	vadd.f32 $-9.237501020e-02, v1;
	(erf) = vpow2.f32 v3;
	_ =	sdelay $0x1  }
0x49e: {  	v1 =	vmul.f32 v1, v0;
	_ =	sdelay $0x1  }
0x49f: {  	v1 =	vadd.f32 $1.599719230e-01, v1;
	_ =	sdelay $0x1  }
0x4a0: {  	v1 =	vmul.f32 v1, v0;
	_ =	sdelay $0x1  }
0x4a1: {  	v1 =	vadd.f32 $-2.351941170e-01, v1;
	v2 =	vpop (erf)  }
0x4a2: {  	v3 =	vpop (erf)  }
0x4a3: {  	v1 =	vmul.f32 v1, v0;
	v3 =	vadd.f32 $1.000000000e+00, v3;
	_ =	sdelay $0x1  }
0x4a4: {  	v1 =	vadd.f32 $3.298877180e-01, v1;
	(erf) = vrcp.f32 v3;
	_ =	sdelay $0x1  }
0x4a5: {  	v1 =	vmul.f32 v1, v0;
	_ =	sdelay $0x1  }
0x4a6: {  	v1 =	vadd.f32 $-4.995555580e-01, v1;
	_ =	sdelay $0x1  }
0x4a7: {  	v1 =	vmul.f32 v1, v0;
	_ =	sdelay $0x1  }
0x4a8: {  	v23 =	vld [tilespmem:$0xE80];
	v1 =	vadd.f32 $9.999747270e-01, v1  }
0x4a9: {  	v24 =	vpop (erf)  }
0x4aa: {  	v0 =	vmul.f32 v1, v0;
	v4 =	vadd.f32 v24, v24;
	_ =	sdelay $0x1  }
0x4ab: {  	v0 =	vadd.f32 $3.596020970e-07, v0;
	v25 =	vsub.f32 $1.000000000e+00, v4  }
0x4ac: {  	v26 =	vand.u32 $0xFFFF0000, v23;
	v3 =	vshll.u32 v23, $0x10  }
0x4ad: {  	v28 =	vld [tilespmem:$0xC80];
	v27 =	vsub.f32 $1.000000000e+00, v2;
	v0 =	vmul.f32 v3, v0;
	v1 =	vmul.f32 v26, v25  }
0x4ae: {  	v29 =	vld [tilespmem:$0x590]  }
0x4af: {  	v0 =	vmul.f32 v0, v2;
	v1 =	vmul.f32 v1, v27;
	_ =	sdelay $0x1  }
0x4b0: {  	v0 =	vadd.f32 v0, v1;
	_ =	sdelay $0x1  }
0x4b1: {  	[tilespmem:$0x1280] =	vst v2;
	v1 =	vmul.f32 v0, v28  }
0x4b2: {  	[tilespmem:$0x1480] =	vst v0  }
0x4b3: {  	[tilespmem:$0x1080] =	vst v1  }
0x4b4: {  	v0 =	vld.idx.msk [tilespmem:v29+s18+$0x0], $0xffff;
	_ =	sdelay $0x4  }
0x4b5: {  	v0 =	vadd.f32 $9.999999970e-07, v0;
	_ =	sdelay $0x1  }
0x4b6: {  	(erf) = vrcp.f32 v0;
	_ =	sdelay $0x4  }
0x4b7: {  	v30 =	vld [tilespmem:$0x790];
	_ =	sdelay $0x3  }
0x4b8: {  	v31 =	vpop (erf)  }
0x4b9: {  	v0 =	vmul.f32 v31, v30;
	_ =	sdelay $0x1  }
0x4ba: {  	v1 =	vadd.f32 $-1.000000000e+00, v0;
	_ =	sdelay $0x1  }
0x4bb: {  	v1 =	vmul.f32 $-1.000000000e+01, v1;
	_ =	sdelay $0x1  }
0x4bc: {  	v1 =	vmul.f32 $1.442695020e+00, v1  }
0x4bd: {  	v32 =	vmul.f32 $1.891586430e-04, v0  }
0x4be: {  	(erf) = vpow2.f32 v1  }
0x4bf: {  	v33 =	vsub.f32 $2.283966400e-03, v32;
	_ =	sdelay $0x1  }
0x4c0: {  	v1 =	vmul.f32 v33, v0;
	_ =	sdelay $0x1  }
0x4c1: {  	v1 =	vadd.f32 $-1.241973420e-02, v1;
	_ =	sdelay $0x1  }
0x4c2: {  	v1 =	vmul.f32 v1, v0;
	_ =	sdelay $0x1  }
0x4c3: {  	v35 =	vadd.f32 v0, v0;
	v1 =	vadd.f32 $4.076208920e-02, v1;
	v34 =	vpop (erf)  }
0x4c4: {  	v2 =	vadd.f32 $1.000000000e+00, v34  }
0x4c5: {  	v3 =	vmul.f32 $1.442695020e+00, v35;
	v1 =	vmul.f32 v1, v0  }
0x4c6: {  	(erf) = vrcp.f32 v2  }
0x4c7: {  	v1 =	vadd.f32 $-9.237501020e-02, v1;
	(erf) = vpow2.f32 v3;
	_ =	sdelay $0x1  }
0x4c8: {  	v1 =	vmul.f32 v1, v0;
	_ =	sdelay $0x1  }
0x4c9: {  	v1 =	vadd.f32 $1.599719230e-01, v1;
	_ =	sdelay $0x1  }
0x4ca: {  	v1 =	vmul.f32 v1, v0;
	_ =	sdelay $0x1  }
0x4cb: {  	v1 =	vadd.f32 $-2.351941170e-01, v1;
	v2 =	vpop (erf)  }
0x4cc: {  	v3 =	vpop (erf)  }
0x4cd: {  	v1 =	vmul.f32 v1, v0;
	v3 =	vadd.f32 $1.000000000e+00, v3;
	_ =	sdelay $0x1  }
0x4ce: {  	v1 =	vadd.f32 $3.298877180e-01, v1;
	(erf) = vrcp.f32 v3;
	_ =	sdelay $0x1  }
0x4cf: {  	v1 =	vmul.f32 v1, v0;
	_ =	sdelay $0x1  }
0x4d0: {  	v1 =	vadd.f32 $-4.995555580e-01, v1;
	_ =	sdelay $0x1  }
0x4d1: {  	v1 =	vmul.f32 v1, v0;
	_ =	sdelay $0x1  }
0x4d2: {  	v36 =	vld [tilespmem:$0xE90];
	v1 =	vadd.f32 $9.999747270e-01, v1  }
0x4d3: {  	v37 =	vpop (erf)  }
0x4d4: {  	v0 =	vmul.f32 v1, v0;
	v4 =	vadd.f32 v37, v37;
	_ =	sdelay $0x1  }
0x4d5: {  	v0 =	vadd.f32 $3.596020970e-07, v0;
	v38 =	vsub.f32 $1.000000000e+00, v4  }
0x4d6: {  	v39 =	vand.u32 $0xFFFF0000, v36;
	v3 =	vshll.u32 v36, $0x10  }
0x4d7: {  	v41 =	vld [tilespmem:$0xC90];
	v40 =	vsub.f32 $1.000000000e+00, v2;
	v0 =	vmul.f32 v3, v0;
	v1 =	vmul.f32 v39, v38  }
0x4d8: {  	v42 =	vld [tilespmem:$0x5A0]  }
0x4d9: {  	v0 =	vmul.f32 v0, v2;
	v1 =	vmul.f32 v1, v40;
	_ =	sdelay $0x1  }
0x4da: {  	v0 =	vadd.f32 v0, v1;
	_ =	sdelay $0x1  }
0x4db: {  	[tilespmem:$0x1290] =	vst v2;
	v1 =	vmul.f32 v0, v41  }
0x4dc: {  	[tilespmem:$0x1490] =	vst v0  }
0x4dd: {  	[tilespmem:$0x1090] =	vst v1  }
0x4de: {  	v0 =	vld.idx.msk [tilespmem:v42+s18+$0x0], $0xffff;
	_ =	sdelay $0x4  }
0x4df: {  	v0 =	vadd.f32 $9.999999970e-07, v0;
	_ =	sdelay $0x1  }
0x4e0: {  	(erf) = vrcp.f32 v0;
	_ =	sdelay $0x4  }
0x4e1: {  	v43 =	vld [tilespmem:$0x7A0];
	_ =	sdelay $0x3  }
0x4e2: {  	v44 =	vpop (erf)  }
0x4e3: {  	v0 =	vmul.f32 v44, v43;
	_ =	sdelay $0x1  }
0x4e4: {  	v1 =	vadd.f32 $-1.000000000e+00, v0;
	_ =	sdelay $0x1  }
0x4e5: {  	v1 =	vmul.f32 $-1.000000000e+01, v1;
	_ =	sdelay $0x1  }
0x4e6: {  	v1 =	vmul.f32 $1.442695020e+00, v1  }
0x4e7: {  	v45 =	vmul.f32 $1.891586430e-04, v0  }
0x4e8: {  	(erf) = vpow2.f32 v1  }
0x4e9: {  	v46 =	vsub.f32 $2.283966400e-03, v45;
	_ =	sdelay $0x1  }
0x4ea: {  	v1 =	vmul.f32 v46, v0;
	_ =	sdelay $0x1  }
0x4eb: {  	v1 =	vadd.f32 $-1.241973420e-02, v1;
	_ =	sdelay $0x1  }
0x4ec: {  	v1 =	vmul.f32 v1, v0;
	_ =	sdelay $0x1  }
0x4ed: {  	v48 =	vadd.f32 v0, v0;
	v1 =	vadd.f32 $4.076208920e-02, v1;
	v47 =	vpop (erf)  }
0x4ee: {  	v2 =	vadd.f32 $1.000000000e+00, v47  }
0x4ef: {  	v3 =	vmul.f32 $1.442695020e+00, v48;
	v1 =	vmul.f32 v1, v0  }
0x4f0: {  	(erf) = vrcp.f32 v2  }
0x4f1: {  	v1 =	vadd.f32 $-9.237501020e-02, v1;
	(erf) = vpow2.f32 v3;
	_ =	sdelay $0x1  }
0x4f2: {  	v1 =	vmul.f32 v1, v0;
	_ =	sdelay $0x1  }
0x4f3: {  	v1 =	vadd.f32 $1.599719230e-01, v1;
	_ =	sdelay $0x1  }
0x4f4: {  	v1 =	vmul.f32 v1, v0;
	_ =	sdelay $0x1  }
0x4f5: {  	v1 =	vadd.f32 $-2.351941170e-01, v1;
	v2 =	vpop (erf)  }
0x4f6: {  	v3 =	vpop (erf)  }
0x4f7: {  	v1 =	vmul.f32 v1, v0;
	v3 =	vadd.f32 $1.000000000e+00, v3;
	_ =	sdelay $0x1  }
0x4f8: {  	v1 =	vadd.f32 $3.298877180e-01, v1;
	(erf) = vrcp.f32 v3;
	_ =	sdelay $0x1  }
0x4f9: {  	v1 =	vmul.f32 v1, v0;
	_ =	sdelay $0x1  }
0x4fa: {  	v1 =	vadd.f32 $-4.995555580e-01, v1;
	_ =	sdelay $0x1  }
0x4fb: {  	v1 =	vmul.f32 v1, v0;
	_ =	sdelay $0x1  }
0x4fc: {  	v49 =	vld [tilespmem:$0xEA0];
	v1 =	vadd.f32 $9.999747270e-01, v1  }
0x4fd: {  	v50 =	vpop (erf)  }
0x4fe: {  	v0 =	vmul.f32 v1, v0;
	v4 =	vadd.f32 v50, v50;
	_ =	sdelay $0x1  }
0x4ff: {  	v0 =	vadd.f32 $3.596020970e-07, v0;
	v51 =	vsub.f32 $1.000000000e+00, v4  }
0x500: {  	v52 =	vand.u32 $0xFFFF0000, v49;
	v3 =	vshll.u32 v49, $0x10  }
0x501: {  	v54 =	vld [tilespmem:$0xCA0];
	v53 =	vsub.f32 $1.000000000e+00, v2;
	v0 =	vmul.f32 v3, v0;
	v1 =	vmul.f32 v52, v51  }
0x502: {  	v55 =	vld [tilespmem:$0x5B0]  }
0x503: {  	v0 =	vmul.f32 v0, v2;
	v1 =	vmul.f32 v1, v53;
	_ =	sdelay $0x1  }
0x504: {  	v0 =	vadd.f32 v0, v1;
	_ =	sdelay $0x1  }
0x505: {  	[tilespmem:$0x12A0] =	vst v2;
	v1 =	vmul.f32 v0, v54  }
0x506: {  	[tilespmem:$0x14A0] =	vst v0  }
0x507: {  	[tilespmem:$0x10A0] =	vst v1  }
0x508: {  	v0 =	vld.idx.msk [tilespmem:v55+s18+$0x0], $0xffff;
	_ =	sdelay $0x4  }
0x509: {  	v0 =	vadd.f32 $9.999999970e-07, v0;
	_ =	sdelay $0x1  }
0x50a: {  	(erf) = vrcp.f32 v0;
	_ =	sdelay $0x4  }
0x50b: {  	v56 =	vld [tilespmem:$0x7B0];
	_ =	sdelay $0x3  }
0x50c: {  	v57 =	vpop (erf)  }
0x50d: {  	v0 =	vmul.f32 v57, v56;
	_ =	sdelay $0x1  }
0x50e: {  	v1 =	vadd.f32 $-1.000000000e+00, v0;
	_ =	sdelay $0x1  }
0x50f: {  	v1 =	vmul.f32 $-1.000000000e+01, v1;
	_ =	sdelay $0x1  }
0x510: {  	v1 =	vmul.f32 $1.442695020e+00, v1  }
0x511: {  	v58 =	vmul.f32 $1.891586430e-04, v0  }
0x512: {  	(erf) = vpow2.f32 v1  }
0x513: {  	v59 =	vsub.f32 $2.283966400e-03, v58;
	_ =	sdelay $0x1  }
0x514: {  	v1 =	vmul.f32 v59, v0;
	_ =	sdelay $0x1  }
0x515: {  	v1 =	vadd.f32 $-1.241973420e-02, v1;
	_ =	sdelay $0x1  }
0x516: {  	v1 =	vmul.f32 v1, v0;
	_ =	sdelay $0x1  }
0x517: {  	v61 =	vadd.f32 v0, v0;
	v1 =	vadd.f32 $4.076208920e-02, v1;
	v60 =	vpop (erf)  }
0x518: {  	v2 =	vadd.f32 $1.000000000e+00, v60  }
0x519: {  	v3 =	vmul.f32 $1.442695020e+00, v61;
	v1 =	vmul.f32 v1, v0  }
0x51a: {  	(erf) = vrcp.f32 v2  }
0x51b: {  	v1 =	vadd.f32 $-9.237501020e-02, v1;
	(erf) = vpow2.f32 v3;
	_ =	sdelay $0x1  }
0x51c: {  	v1 =	vmul.f32 v1, v0;
	_ =	sdelay $0x1  }
0x51d: {  	v1 =	vadd.f32 $1.599719230e-01, v1;
	_ =	sdelay $0x1  }
0x51e: {  	v1 =	vmul.f32 v1, v0;
	_ =	sdelay $0x1  }
0x51f: {  	v1 =	vadd.f32 $-2.351941170e-01, v1;
	v2 =	vpop (erf)  }
0x520: {  	v3 =	vpop (erf)  }
0x521: {  	v1 =	vmul.f32 v1, v0;
	v3 =	vadd.f32 $1.000000000e+00, v3;
	_ =	sdelay $0x1  }
0x522: {  	v1 =	vadd.f32 $3.298877180e-01, v1;
	(erf) = vrcp.f32 v3;
	_ =	sdelay $0x1  }
0x523: {  	v1 =	vmul.f32 v1, v0;
	_ =	sdelay $0x1  }
0x524: {  	v1 =	vadd.f32 $-4.995555580e-01, v1;
	_ =	sdelay $0x1  }
0x525: {  	v1 =	vmul.f32 v1, v0;
	_ =	sdelay $0x1  }
0x526: {  	v62 =	vld [tilespmem:$0xEB0];
	v1 =	vadd.f32 $9.999747270e-01, v1  }
0x527: {  	v63 =	vpop (erf)  }
0x528: {  	v0 =	vmul.f32 v1, v0;
	v4 =	vadd.f32 v63, v63;
	_ =	sdelay $0x1  }
0x529: {  	v0 =	vadd.f32 $3.596020970e-07, v0;
	v8 =	vsub.f32 $1.000000000e+00, v4  }
0x52a: {  	v9 =	vand.u32 $0xFFFF0000, v62;
	v3 =	vshll.u32 v62, $0x10  }
0x52b: {  	v11 =	vld [tilespmem:$0xCB0];
	v10 =	vsub.f32 $1.000000000e+00, v2;
	v0 =	vmul.f32 v3, v0;
	v1 =	vmul.f32 v9, v8  }
0x52c: {  	v12 =	vld [tilespmem:$0x5C0]  }
0x52d: {  	v0 =	vmul.f32 v0, v2;
	v1 =	vmul.f32 v1, v10;
	_ =	sdelay $0x1  }
0x52e: {  	v0 =	vadd.f32 v0, v1;
	_ =	sdelay $0x1  }
0x52f: {  	[tilespmem:$0x12B0] =	vst v2;
	v1 =	vmul.f32 v0, v11  }
0x530: {  	[tilespmem:$0x14B0] =	vst v0  }
0x531: {  	[tilespmem:$0x10B0] =	vst v1  }
0x532: {  	v0 =	vld.idx.msk [tilespmem:v12+s18+$0x0], $0xffff;
	_ =	sdelay $0x4  }
0x533: {  	v0 =	vadd.f32 $9.999999970e-07, v0;
	_ =	sdelay $0x1  }
0x534: {  	(erf) = vrcp.f32 v0;
	_ =	sdelay $0x4  }
0x535: {  	v13 =	vld [tilespmem:$0x7C0];
	_ =	sdelay $0x3  }
0x536: {  	v14 =	vpop (erf)  }
0x537: {  	v0 =	vmul.f32 v14, v13;
	_ =	sdelay $0x1  }
0x538: {  	v1 =	vadd.f32 $-1.000000000e+00, v0;
	_ =	sdelay $0x1  }
0x539: {  	v1 =	vmul.f32 $-1.000000000e+01, v1;
	_ =	sdelay $0x1  }
0x53a: {  	v1 =	vmul.f32 $1.442695020e+00, v1  }
0x53b: {  	v15 =	vmul.f32 $1.891586430e-04, v0  }
0x53c: {  	(erf) = vpow2.f32 v1  }
0x53d: {  	v16 =	vsub.f32 $2.283966400e-03, v15;
	_ =	sdelay $0x1  }
0x53e: {  	v1 =	vmul.f32 v16, v0;
	_ =	sdelay $0x1  }
0x53f: {  	v1 =	vadd.f32 $-1.241973420e-02, v1;
	_ =	sdelay $0x1  }
0x540: {  	v1 =	vmul.f32 v1, v0;
	_ =	sdelay $0x1  }
0x541: {  	v18 =	vadd.f32 v0, v0;
	v1 =	vadd.f32 $4.076208920e-02, v1;
	v17 =	vpop (erf)  }
0x542: {  	v2 =	vadd.f32 $1.000000000e+00, v17  }
0x543: {  	v3 =	vmul.f32 $1.442695020e+00, v18;
	v1 =	vmul.f32 v1, v0  }
0x544: {  	(erf) = vrcp.f32 v2  }
0x545: {  	v1 =	vadd.f32 $-9.237501020e-02, v1;
	(erf) = vpow2.f32 v3;
	_ =	sdelay $0x1  }
0x546: {  	v1 =	vmul.f32 v1, v0;
	_ =	sdelay $0x1  }
0x547: {  	v1 =	vadd.f32 $1.599719230e-01, v1;
	_ =	sdelay $0x1  }
0x548: {  	v1 =	vmul.f32 v1, v0;
	_ =	sdelay $0x1  }
0x549: {  	v1 =	vadd.f32 $-2.351941170e-01, v1;
	v2 =	vpop (erf)  }
0x54a: {  	v3 =	vpop (erf)  }
0x54b: {  	v1 =	vmul.f32 v1, v0;
	v3 =	vadd.f32 $1.000000000e+00, v3;
	_ =	sdelay $0x1  }
0x54c: {  	v1 =	vadd.f32 $3.298877180e-01, v1;
	(erf) = vrcp.f32 v3;
	_ =	sdelay $0x1  }
0x54d: {  	v1 =	vmul.f32 v1, v0;
	_ =	sdelay $0x1  }
0x54e: {  	v1 =	vadd.f32 $-4.995555580e-01, v1;
	_ =	sdelay $0x1  }
0x54f: {  	v1 =	vmul.f32 v1, v0;
	_ =	sdelay $0x1  }
0x550: {  	v19 =	vld [tilespmem:$0xEC0];
	v1 =	vadd.f32 $9.999747270e-01, v1  }
0x551: {  	v20 =	vpop (erf)  }
0x552: {  	v0 =	vmul.f32 v1, v0;
	v4 =	vadd.f32 v20, v20;
	_ =	sdelay $0x1  }
0x553: {  	v0 =	vadd.f32 $3.596020970e-07, v0;
	v21 =	vsub.f32 $1.000000000e+00, v4  }
0x554: {  	v22 =	vand.u32 $0xFFFF0000, v19;
	v3 =	vshll.u32 v19, $0x10  }
0x555: {  	v24 =	vld [tilespmem:$0xCC0];
	v23 =	vsub.f32 $1.000000000e+00, v2;
	v0 =	vmul.f32 v3, v0;
	v1 =	vmul.f32 v22, v21  }
0x556: {  	v25 =	vld [tilespmem:$0x5D0]  }
0x557: {  	v0 =	vmul.f32 v0, v2;
	v1 =	vmul.f32 v1, v23;
	_ =	sdelay $0x1  }
0x558: {  	v0 =	vadd.f32 v0, v1;
	_ =	sdelay $0x1  }
0x559: {  	[tilespmem:$0x12C0] =	vst v2;
	v1 =	vmul.f32 v0, v24  }
0x55a: {  	[tilespmem:$0x14C0] =	vst v0  }
0x55b: {  	[tilespmem:$0x10C0] =	vst v1  }
0x55c: {  	v0 =	vld.idx.msk [tilespmem:v25+s18+$0x0], $0xffff;
	_ =	sdelay $0x4  }
0x55d: {  	v0 =	vadd.f32 $9.999999970e-07, v0;
	_ =	sdelay $0x1  }
0x55e: {  	(erf) = vrcp.f32 v0;
	_ =	sdelay $0x4  }
0x55f: {  	v26 =	vld [tilespmem:$0x7D0];
	_ =	sdelay $0x3  }
0x560: {  	v27 =	vpop (erf)  }
0x561: {  	v0 =	vmul.f32 v27, v26;
	_ =	sdelay $0x1  }
0x562: {  	v1 =	vadd.f32 $-1.000000000e+00, v0;
	_ =	sdelay $0x1  }
0x563: {  	v1 =	vmul.f32 $-1.000000000e+01, v1;
	_ =	sdelay $0x1  }
0x564: {  	v1 =	vmul.f32 $1.442695020e+00, v1  }
0x565: {  	v28 =	vmul.f32 $1.891586430e-04, v0  }
0x566: {  	(erf) = vpow2.f32 v1  }
0x567: {  	v29 =	vsub.f32 $2.283966400e-03, v28;
	_ =	sdelay $0x1  }
0x568: {  	v1 =	vmul.f32 v29, v0;
	_ =	sdelay $0x1  }
0x569: {  	v1 =	vadd.f32 $-1.241973420e-02, v1;
	_ =	sdelay $0x1  }
0x56a: {  	v1 =	vmul.f32 v1, v0;
	_ =	sdelay $0x1  }
0x56b: {  	v31 =	vadd.f32 v0, v0;
	v1 =	vadd.f32 $4.076208920e-02, v1;
	v30 =	vpop (erf)  }
0x56c: {  	v2 =	vadd.f32 $1.000000000e+00, v30  }
0x56d: {  	v3 =	vmul.f32 $1.442695020e+00, v31;
	v1 =	vmul.f32 v1, v0  }
0x56e: {  	(erf) = vrcp.f32 v2  }
0x56f: {  	v1 =	vadd.f32 $-9.237501020e-02, v1;
	(erf) = vpow2.f32 v3;
	_ =	sdelay $0x1  }
0x570: {  	v1 =	vmul.f32 v1, v0;
	_ =	sdelay $0x1  }
0x571: {  	v1 =	vadd.f32 $1.599719230e-01, v1;
	_ =	sdelay $0x1  }
0x572: {  	v1 =	vmul.f32 v1, v0;
	_ =	sdelay $0x1  }
0x573: {  	v1 =	vadd.f32 $-2.351941170e-01, v1;
	v2 =	vpop (erf)  }
0x574: {  	v3 =	vpop (erf)  }
0x575: {  	v1 =	vmul.f32 v1, v0;
	v3 =	vadd.f32 $1.000000000e+00, v3;
	_ =	sdelay $0x1  }
0x576: {  	v1 =	vadd.f32 $3.298877180e-01, v1;
	(erf) = vrcp.f32 v3;
	_ =	sdelay $0x1  }
0x577: {  	v1 =	vmul.f32 v1, v0;
	_ =	sdelay $0x1  }
0x578: {  	v1 =	vadd.f32 $-4.995555580e-01, v1;
	_ =	sdelay $0x1  }
0x579: {  	v1 =	vmul.f32 v1, v0;
	_ =	sdelay $0x1  }
0x57a: {  	v32 =	vld [tilespmem:$0xED0];
	v1 =	vadd.f32 $9.999747270e-01, v1  }
0x57b: {  	v33 =	vpop (erf)  }
0x57c: {  	v0 =	vmul.f32 v1, v0;
	v4 =	vadd.f32 v33, v33;
	_ =	sdelay $0x1  }
0x57d: {  	v0 =	vadd.f32 $3.596020970e-07, v0;
	v34 =	vsub.f32 $1.000000000e+00, v4  }
0x57e: {  	v35 =	vand.u32 $0xFFFF0000, v32;
	v3 =	vshll.u32 v32, $0x10  }
0x57f: {  	v37 =	vld [tilespmem:$0xCD0];
	v36 =	vsub.f32 $1.000000000e+00, v2;
	v0 =	vmul.f32 v3, v0;
	v1 =	vmul.f32 v35, v34  }
0x580: {  	v38 =	vld [tilespmem:$0x5E0]  }
0x581: {  	v0 =	vmul.f32 v0, v2;
	v1 =	vmul.f32 v1, v36;
	_ =	sdelay $0x1  }
0x582: {  	v0 =	vadd.f32 v0, v1;
	_ =	sdelay $0x1  }
0x583: {  	[tilespmem:$0x12D0] =	vst v2;
	v1 =	vmul.f32 v0, v37  }
0x584: {  	[tilespmem:$0x14D0] =	vst v0  }
0x585: {  	[tilespmem:$0x10D0] =	vst v1  }
0x586: {  	v0 =	vld.idx.msk [tilespmem:v38+s18+$0x0], $0xffff;
	_ =	sdelay $0x4  }
0x587: {  	v0 =	vadd.f32 $9.999999970e-07, v0;
	_ =	sdelay $0x1  }
0x588: {  	(erf) = vrcp.f32 v0;
	_ =	sdelay $0x4  }
0x589: {  	v39 =	vld [tilespmem:$0x7E0];
	_ =	sdelay $0x3  }
0x58a: {  	v40 =	vpop (erf)  }
0x58b: {  	v0 =	vmul.f32 v40, v39;
	_ =	sdelay $0x1  }
0x58c: {  	v1 =	vadd.f32 $-1.000000000e+00, v0;
	_ =	sdelay $0x1  }
0x58d: {  	v1 =	vmul.f32 $-1.000000000e+01, v1;
	_ =	sdelay $0x1  }
0x58e: {  	v1 =	vmul.f32 $1.442695020e+00, v1  }
0x58f: {  	v41 =	vmul.f32 $1.891586430e-04, v0  }
0x590: {  	(erf) = vpow2.f32 v1  }
0x591: {  	v42 =	vsub.f32 $2.283966400e-03, v41;
	_ =	sdelay $0x1  }
0x592: {  	v1 =	vmul.f32 v42, v0;
	_ =	sdelay $0x1  }
0x593: {  	v1 =	vadd.f32 $-1.241973420e-02, v1;
	_ =	sdelay $0x1  }
0x594: {  	v1 =	vmul.f32 v1, v0;
	_ =	sdelay $0x1  }
0x595: {  	v44 =	vadd.f32 v0, v0;
	v1 =	vadd.f32 $4.076208920e-02, v1;
	v43 =	vpop (erf)  }
0x596: {  	v2 =	vadd.f32 $1.000000000e+00, v43  }
0x597: {  	v3 =	vmul.f32 $1.442695020e+00, v44;
	v1 =	vmul.f32 v1, v0  }
0x598: {  	(erf) = vrcp.f32 v2  }
0x599: {  	v1 =	vadd.f32 $-9.237501020e-02, v1;
	(erf) = vpow2.f32 v3;
	_ =	sdelay $0x1  }
0x59a: {  	v1 =	vmul.f32 v1, v0;
	_ =	sdelay $0x1  }
0x59b: {  	v1 =	vadd.f32 $1.599719230e-01, v1;
	_ =	sdelay $0x1  }
0x59c: {  	v1 =	vmul.f32 v1, v0;
	_ =	sdelay $0x1  }
0x59d: {  	v1 =	vadd.f32 $-2.351941170e-01, v1;
	v2 =	vpop (erf)  }
0x59e: {  	v3 =	vpop (erf)  }
0x59f: {  	v1 =	vmul.f32 v1, v0;
	v3 =	vadd.f32 $1.000000000e+00, v3;
	_ =	sdelay $0x1  }
0x5a0: {  	v1 =	vadd.f32 $3.298877180e-01, v1;
	(erf) = vrcp.f32 v3;
	_ =	sdelay $0x1  }
0x5a1: {  	v1 =	vmul.f32 v1, v0;
	_ =	sdelay $0x1  }
0x5a2: {  	v1 =	vadd.f32 $-4.995555580e-01, v1;
	_ =	sdelay $0x1  }
0x5a3: {  	v1 =	vmul.f32 v1, v0;
	_ =	sdelay $0x1  }
0x5a4: {  	v45 =	vld [tilespmem:$0xEE0];
	v1 =	vadd.f32 $9.999747270e-01, v1  }
0x5a5: {  	v46 =	vpop (erf)  }
0x5a6: {  	v0 =	vmul.f32 v1, v0;
	v4 =	vadd.f32 v46, v46;
	_ =	sdelay $0x1  }
0x5a7: {  	v0 =	vadd.f32 $3.596020970e-07, v0;
	v47 =	vsub.f32 $1.000000000e+00, v4  }
0x5a8: {  	v48 =	vand.u32 $0xFFFF0000, v45;
	v3 =	vshll.u32 v45, $0x10  }
0x5a9: {  	v50 =	vld [tilespmem:$0xCE0];
	v49 =	vsub.f32 $1.000000000e+00, v2;
	v0 =	vmul.f32 v3, v0;
	v1 =	vmul.f32 v48, v47  }
0x5aa: {  	v51 =	vld [tilespmem:$0x5F0]  }
0x5ab: {  	v0 =	vmul.f32 v0, v2;
	v1 =	vmul.f32 v1, v49;
	_ =	sdelay $0x1  }
0x5ac: {  	v0 =	vadd.f32 v0, v1;
	_ =	sdelay $0x1  }
0x5ad: {  	[tilespmem:$0x12E0] =	vst v2;
	v1 =	vmul.f32 v0, v50  }
0x5ae: {  	[tilespmem:$0x14E0] =	vst v0  }
0x5af: {  	[tilespmem:$0x10E0] =	vst v1  }
0x5b0: {  	v0 =	vld.idx.msk [tilespmem:v51+s18+$0x0], $0xffff;
	_ =	sdelay $0x4  }
0x5b1: {  	v0 =	vadd.f32 $9.999999970e-07, v0;
	_ =	sdelay $0x1  }
0x5b2: {  	(erf) = vrcp.f32 v0;
	_ =	sdelay $0x4  }
0x5b3: {  	v52 =	vld [tilespmem:$0x7F0];
	_ =	sdelay $0x3  }
0x5b4: {  	v53 =	vpop (erf)  }
0x5b5: {  	v0 =	vmul.f32 v53, v52;
	_ =	sdelay $0x1  }
0x5b6: {  	v1 =	vadd.f32 $-1.000000000e+00, v0;
	_ =	sdelay $0x1  }
0x5b7: {  	v1 =	vmul.f32 $-1.000000000e+01, v1;
	_ =	sdelay $0x1  }
0x5b8: {  	v1 =	vmul.f32 $1.442695020e+00, v1  }
0x5b9: {  	v54 =	vmul.f32 $1.891586430e-04, v0  }
0x5ba: {  	(erf) = vpow2.f32 v1  }
0x5bb: {  	v55 =	vsub.f32 $2.283966400e-03, v54;
	_ =	sdelay $0x1  }
0x5bc: {  	v1 =	vmul.f32 v55, v0;
	_ =	sdelay $0x1  }
0x5bd: {  	v1 =	vadd.f32 $-1.241973420e-02, v1;
	_ =	sdelay $0x1  }
0x5be: {  	v1 =	vmul.f32 v1, v0;
	_ =	sdelay $0x1  }
0x5bf: {  	v57 =	vadd.f32 v0, v0;
	v1 =	vadd.f32 $4.076208920e-02, v1;
	v56 =	vpop (erf)  }
0x5c0: {  	v2 =	vadd.f32 $1.000000000e+00, v56  }
0x5c1: {  	v3 =	vmul.f32 $1.442695020e+00, v57;
	v1 =	vmul.f32 v1, v0  }
0x5c2: {  	(erf) = vrcp.f32 v2  }
0x5c3: {  	v1 =	vadd.f32 $-9.237501020e-02, v1;
	(erf) = vpow2.f32 v3;
	_ =	sdelay $0x1  }
0x5c4: {  	v1 =	vmul.f32 v1, v0;
	_ =	sdelay $0x1  }
0x5c5: {  	v1 =	vadd.f32 $1.599719230e-01, v1;
	_ =	sdelay $0x1  }
0x5c6: {  	v1 =	vmul.f32 v1, v0;
	_ =	sdelay $0x1  }
0x5c7: {  	v1 =	vadd.f32 $-2.351941170e-01, v1;
	v2 =	vpop (erf)  }
0x5c8: {  	v3 =	vpop (erf)  }
0x5c9: {  	v1 =	vmul.f32 v1, v0;
	v3 =	vadd.f32 $1.000000000e+00, v3;
	_ =	sdelay $0x1  }
0x5ca: {  	v1 =	vadd.f32 $3.298877180e-01, v1;
	(erf) = vrcp.f32 v3;
	_ =	sdelay $0x1  }
0x5cb: {  	v1 =	vmul.f32 v1, v0;
	_ =	sdelay $0x1  }
0x5cc: {  	v1 =	vadd.f32 $-4.995555580e-01, v1;
	_ =	sdelay $0x1  }
0x5cd: {  	v1 =	vmul.f32 v1, v0;
	_ =	sdelay $0x1  }
0x5ce: {  	v58 =	vld [tilespmem:$0xEF0];
	v1 =	vadd.f32 $9.999747270e-01, v1  }
0x5cf: {  	v59 =	vpop (erf)  }
0x5d0: {  	v0 =	vmul.f32 v1, v0;
	v4 =	vadd.f32 v59, v59;
	_ =	sdelay $0x1  }
0x5d1: {  	v0 =	vadd.f32 $3.596020970e-07, v0;
	v60 =	vsub.f32 $1.000000000e+00, v4  }
0x5d2: {  	v61 =	vand.u32 $0xFFFF0000, v58;
	v3 =	vshll.u32 v58, $0x10  }
0x5d3: {  	v62 =	vsub.f32 $1.000000000e+00, v2;
	v0 =	vmul.f32 v3, v0;
	v1 =	vmul.f32 v61, v60  }
0x5d4: {  	v63 =	vld [tilespmem:$0xCF0]  }
0x5d5: {  	v0 =	vmul.f32 v0, v2;
	v1 =	vmul.f32 v1, v62;
	_ =	sdelay $0x1  }
0x5d6: {  	v0 =	vadd.f32 v0, v1;
	_ =	sdelay $0x1  }
0x5d7: {  	[tilespmem:$0x12F0] =	vst v2;
	v1 =	vmul.f32 v0, v63  }
0x5d8: {  	[tilespmem:$0x14F0] =	vst v0  }
0x5d9: {  	[tilespmem:$0x10F0] =	vst v1  }
0x5da: {  	[hbm4b:s10+s5] =	stream.linear.scatter [tilespmem:s23], [sflag:$0x2], $0x200, $0x38;
	[tilespmem:$0x1500] =	vst v63  }
0x5db: {  	_ =	swait.ge [sflag:s14], $0x200  }
0x5dc: {  	[sflag:s14] =	ssyncset.done $0x0  }
0x5dd: {  	[sflag:s14] =	ssyncadd.s32 $0xFFFFFE00  }
0x5de: {  	[hbm4b:s11+s5] =	stream.linear.scatter [tilespmem:s24], [sflag:$0x2], $0x200, $0x38;
	[tilespmem:$0x1500] =	vst v63  }
0x5df: {  	_ =	swait.ge [sflag:s14], $0x200  }
0x5e0: {  	p0 =	sne.s32 s13, $0x1;
	[sflag:s14] =	ssyncset.done $0x0  }
.Ltmp0:
0x5e1: {  	[sflag:s14] =	ssyncadd.s32 $0xFFFFFE00;
	(pc) =	sbr.rel @p0 .LBB2_1-.Ltmp0, $4  }
0x5e2: {  	[hbm4b:s12+s5] =	stream.linear.scatter [tilespmem:s25], [sflag:$0x2], $0x200, $0x38;
	[tilespmem:$0x1500] =	vst v63  }
0x5e3: {  	_ =	swait.ge [sflag:s14], $0x200  }
0x5e4: {  	[sflag:s14] =	ssyncset.done $0x0  }
0x5e5: {  	s13 =	sadd.s32 $0xFFFFFFFF, s13;
	[sflag:s14] =	ssyncadd.s32 $0xFFFFFE00  }
0x5e6: {  	_ =	sfence.sel $0x180000  }
0x5e7: {  	[bflag:$0x0] =	sbarrier.arrive $0xFFFF  }
0x5e8: {  	p0 =	sne.s32 s4, $0x0;
	_ =	strace $0x90000047  }
0x5e9: {  	s0 =	sadd.s32 @!p0 $0x100000, s0;
	[bflag:$0x2] =	sbarrier.arrive $0xFFFF  }
0x5ea: {  	[sflag:s0] =	ssyncadd.tile.s32 @!p0 $0x1;
	_ =	shalt  }
.Lfunc_end2:
_tile_overlayer_lowered:
.L_overlay_start_2:
0x5eb: {  	(tag) =	ssettag $0x2  }
0x5ec: {  	s0 =	rddreg [dreg:$0x0];
	s2 =	stileid.u32  }
0x5ed: {  	s1 =	rddreg [dreg:$0x1];
	p0 =	sne.s32 s2, $0x0  }
0x5ee: {  	s3 =	rddreg [dreg:$0x2];
	[bflag:$0x3] =	sbarrier.arrive $0xFFFF;
	s2 =	simm.s32 @!p0 $0x1C02  }
0x5ef: {  	[timem:s3], [sflag:s2] =	dma.local @!p0 [hbm:s0], s1  }
0x5f0: {  	s0 =	simm.s32 @!p0 $0x2  }
0x5f1: {  	_ =	swait.ge @!p0 [sflag:s0], s1  }
0x5f2: {  	s1 =	ssub.s32 @!p0 $0x0, s1;
	[sflag:s0] =	ssyncset.done @!p0 $0x0  }
0x5f3: {  	[sflag:s0] =	ssyncadd.s32 @!p0 s1  }
0x5f4: {  	[bflag:$0x3] =	sbarrier.arrive $0xFFFF  }
0x5f5: {  	_ =	shalt  }

</sc_bundles>
